<compile_context>
chip_gen: v7x
topology: tpu7x:2x2x1
jax: 0.10.2.dev20260603
libtpu: 0.0.44.dev20260713+nightly
codegen_flags: <defaults>
</compile_context>

<pallas_src>
import functools
import jax
import jax.numpy as jnp
from jax import lax
from jax.experimental import pallas as pl
from jax.experimental.pallas import tpu as pltpu
from jax.experimental.pallas import tpu_sc as plsc

_NC = 2
_NS = 16
_NW = _NC * _NS

_H = 32
_C = 128
_K = 15
_CPG = 16
_GROUPS = 8
_SIGMA = 2.0

_R = 8
_E = _R * _H

_CHUNKS0 = 78
_CHUNKS1 = 2


def _mods_tc(sf_pad, W1, b1r, W2p):
    NP = sf_pad.shape[0]
    BR = 256

    def body(x_ref, w1_ref, b1_ref, w2_ref, o_ref):
        h = jnp.dot(x_ref[...], w1_ref[...], preferred_element_type=jnp.float32)
        h = h + b1_ref[...]
        h = jnp.where(h >= 0.0, h, 0.1 * h)
        m = jnp.dot(h, w2_ref[...], preferred_element_type=jnp.float32)
        o_ref[...] = jax.nn.sigmoid(m)

    return pl.pallas_call(
        body,
        grid=(NP // BR,),
        in_specs=[
            pl.BlockSpec((BR, _C), lambda i: (i, 0)),
            pl.BlockSpec((_C, _C), lambda i: (0, 0)),
            pl.BlockSpec((1, _C), lambda i: (0, 0)),
            pl.BlockSpec((_C, 256), lambda i: (0, 0)),
        ],
        out_specs=pl.BlockSpec((BR, 256), lambda i: (i, 0)),
        out_shape=jax.ShapeDtypeStruct((NP, 256), jnp.float32),
    )(sf_pad, W1, b1r, W2p)


def _make_sc(N, NP, chunks0, chunks1):
    assert 16 * (chunks0 + chunks1) * _R == NP
    assert chunks0 % 2 == 0 and chunks1 % 2 == 0
    mesh = plsc.VectorSubcoreMesh(core_axis_name="c", subcore_axis_name="s",
                                  num_cores=_NC, num_subcores=_NS)

    slot_types = [
        pltpu.VMEM((2, 128), jnp.int32),
        pltpu.VMEM((_E, _C), jnp.float32),
        pltpu.VMEM((_R, 256), jnp.float32),
        pltpu.VMEM((_R, 16), jnp.float32),
        pltpu.VMEM((_E + 16,), jnp.int32),
        pltpu.VMEM((_R, _C), jnp.float32),
        pltpu.SemaphoreType.DMA,
        pltpu.SemaphoreType.DMA,
        pltpu.SemaphoreType.DMA,
    ]

    @functools.partial(
        pl.kernel,
        out_type=jax.ShapeDtypeStruct((NP, _C), jnp.float32),
        mesh=mesh,
        scratch_types=[
            pltpu.VMEM((N,), jnp.float32),
            pltpu.VMEM((N,), jnp.float32),
            pltpu.VMEM((N,), jnp.float32),
            pltpu.VMEM((_K, _C), jnp.float32),
            pltpu.VMEM((48,), jnp.float32),
        ] + slot_types + slot_types,
        compiler_params=pltpu.CompilerParams(needs_layout_passes=False),
    )
    def sc(inds_hbm, q_hbm, sx_hbm, sy_hbm, sz_hbm, feats_hbm, mods_hbm,
           w_hbm, kp_hbm, out_hbm,
           sxv, syv, szv, wv, kpv, *slots):
        cc = lax.axis_index("c")
        ss = lax.axis_index("s")
        pltpu.sync_copy(sx_hbm, sxv)
        pltpu.sync_copy(sy_hbm, syv)
        pltpu.sync_copy(sz_hbm, szv)
        pltpu.sync_copy(w_hbm, wv)
        pltpu.sync_copy(kp_hbm, kpv)
        kxv = kpv[pl.ds(0, 16)]
        kyv = kpv[pl.ds(16, 16)]
        kzv = kpv[pl.ds(32, 16)]
        kxs = [kxv[k] for k in range(_K)]
        kys = [kyv[k] for k in range(_K)]
        kzs = [kzv[k] for k in range(_K)]
        chunks = jnp.where(cc == 0, chunks0, chunks1)
        pairs = chunks // 2
        base = jnp.where(
            cc == 0,
            ss * (chunks0 * _R),
            _NS * chunks0 * _R + ss * (chunks1 * _R))
        slot0 = slots[:9]
        slot1 = slots[9:]

        def idx_copies(r0, indv, modsv, qv, isem):
            e0 = r0 * _H
            return (
                pltpu.make_async_copy(inds_hbm.at[pl.ds(e0, 128)],
                                      indv.at[0], isem),
                pltpu.make_async_copy(inds_hbm.at[pl.ds(e0 + 128, 128)],
                                      indv.at[1], isem),
                pltpu.make_async_copy(mods_hbm.at[pl.ds(r0, _R)], modsv, isem),
                pltpu.make_async_copy(q_hbm.at[pl.ds(r0, _R)], qv, isem),
            )

        def gather_copies(indv, featv, gsem):
            return (
                pltpu.make_async_copy(feats_hbm.at[indv.at[0]],
                                      featv.at[pl.ds(0, 128)], gsem),
                pltpu.make_async_copy(feats_hbm.at[indv.at[1]],
                                      featv.at[pl.ds(128, 128)], gsem),
            )

        def compute(ci, slot, nslot):
            (indv, featv, modsv, qv, cbv, outv, isem, gsem, osem) = slot
            (nindv, nfeatv, nmodsv, nqv, _ncbv, _noutv,
             nisem, ngsem, _nosem) = nslot
            r0 = base + ci * _R
            for cp in gather_copies(indv, featv, gsem):
                cp.wait()

            @pl.when(ci + 1 < chunks)
            def _():
                for cp in idx_copies(r0 + _R, nindv, nmodsv, nqv, nisem):
                    cp.wait()
                for cp in gather_copies(nindv, nfeatv, ngsem):
                    cp.start()

            @pl.when(ci >= 2)
            def _():
                pltpu.make_async_copy(outv, out_hbm.at[pl.ds(r0, _R)],
                                      osem).wait()

            def geo(b, c2):
                idx = indv[b >> 3, pl.ds((b & 7) * 16, 16)]
                xs = plsc.load_gather(sxv, [idx])
                ys = plsc.load_gather(syv, [idx])
                zs = plsc.load_gather(szv, [idx])
                rb = b >> 1
                qrow = qv[rb, pl.ds(0, 16)]
                dx = xs - qrow[0]
                dy = ys - qrow[1]
                dz = zs - qrow[2]
                best = jnp.full((16,), 1.0e30, jnp.float32)
                bi = jnp.zeros((16,), jnp.int32)
                for k in range(_K):
                    ddx = dx - kxs[k]
                    ddy = dy - kys[k]
                    ddz = dz - kzs[k]
                    sq = ddx * ddx + ddy * ddy + ddz * ddz
                    u = sq < best
                    best = jnp.where(u, sq, best)
                    bi = jnp.where(u, k, bi)
                a = jnp.maximum(best, 1.0e-20)
                ii = plsc.bitcast(a, jnp.int32)
                y = plsc.bitcast(0x5F3759DF - (ii >> 1), jnp.float32)
                y = y * (1.5 - 0.5 * a * y * y)
                y = y * (1.5 - 0.5 * a * y * y)
                y = y * (1.5 - 0.5 * a * y * y)
                d = a * y
                infl = jnp.maximum(1.0 - d * (1.0 / _SIGMA), 0.0)
                combo = (plsc.bitcast(infl, jnp.int32) & jnp.int32(-16)) | bi
                cbv[pl.ds(b * 16, 16)] = combo
                return c2

            lax.fori_loop(0, _E // 16, geo, 0)

            def row(r, c2):
                def edge(h, accs):
                    e = r * _H + h
                    s = cbv[pl.ds(e, 16)][0]
                    nn = s & 0xF
                    fvec = plsc.bitcast(
                        jnp.full((16,), s, jnp.int32) & jnp.int32(-16),
                        jnp.float32)
                    cvec = modsv[r, pl.ds(nn * _CPG, _CPG)] * fvec
                    return tuple(
                        accs[g]
                        + featv[e, pl.ds(g * _CPG, _CPG)]
                        * (wv[nn, pl.ds(g * _CPG, _CPG)] * cvec)
                        for g in range(_GROUPS))

                accs = lax.fori_loop(
                    0, _H, edge,
                    tuple(jnp.zeros((_CPG,), jnp.float32)
                          for _ in range(_GROUPS)))
                for g in range(_GROUPS):
                    outv[r, pl.ds(g * _CPG, _CPG)] = accs[g]
                return c2

            lax.fori_loop(0, _R, row, 0)
            pltpu.async_copy(outv, out_hbm.at[pl.ds(r0, _R)], osem)

            @pl.when(ci + 2 < chunks)
            def _():
                for cp in idx_copies(base + (ci + 2) * _R,
                                     indv, modsv, qv, isem):
                    cp.start()

        for cp in idx_copies(base, slot0[0], slot0[2], slot0[3], slot0[6]):
            cp.start()
        for cp in idx_copies(base + _R, slot1[0], slot1[2], slot1[3],
                             slot1[6]):
            cp.start()
        for cp in idx_copies(base, slot0[0], slot0[2], slot0[3], slot0[6]):
            cp.wait()
        for cp in gather_copies(slot0[0], slot0[1], slot0[7]):
            cp.start()

        def pair(p, carry):
            compute(2 * p, slot0, slot1)
            compute(2 * p + 1, slot1, slot0)
            return carry

        lax.fori_loop(0, pairs, pair, 0)
        pltpu.make_async_copy(
            slot0[5], out_hbm.at[pl.ds(base + (chunks - 2) * _R, _R)],
            slot0[8]).wait()
        pltpu.make_async_copy(
            slot1[5], out_hbm.at[pl.ds(base + (chunks - 1) * _R, _R)],
            slot1[8]).wait()

    return sc


def kernel(q_pts, s_pts, s_feats, neighb_inds, weights, W1, b1, W2, kernel_points):
    N = s_feats.shape[0]
    NP = 16 * (_CHUNKS0 + _CHUNKS1) * _R
    pad = NP - N

    sf_pad = jnp.pad(s_feats, ((0, pad), (0, 0)))
    W2p = jnp.pad(W2, ((0, 0), (0, 256 - W2.shape[1])))
    mods = _mods_tc(sf_pad, W1, b1.reshape(1, _C), W2p)

    inds = jnp.pad(neighb_inds, ((0, pad), (0, 0))).reshape(NP * _H)
    qp = jnp.pad(q_pts, ((0, pad), (0, 13)))
    sx = s_pts[:, 0]
    sy = s_pts[:, 1]
    sz = s_pts[:, 2]
    kp = jnp.pad(kernel_points.T, ((0, 0), (0, 1))).reshape(48)

    out = _make_sc(N, NP, _CHUNKS0, _CHUNKS1)(
        inds, qp, sx, sy, sz, s_feats, mods, weights, kp)
    return out[:N]

# --- scband reference (transcript-rebuilt; emitter-appended) ---
"""Pipeline reference for scband-kptransformer-residual-block-47957604827529 (READ-ONLY COPY).

The authoritative reference and input builder live on the scoring server;
editing this copy changes nothing except your own understanding.
"""

import jax, jax.numpy as jnp
import numpy as np

N = 10000
H = 32
C = 128
K = 15
GROUPS = 8
CPG = C // GROUPS
RADIUS = 2.0
SIGMA = 2.0
INF = 1.0e6


def _kernel_points():
    # Center point + one shell of K-1 points on a sphere of radius RADIUS
    # (deterministic Fibonacci-sphere stand-in for load_kernels dispersion).
    pts = [np.zeros((1, 3), dtype=np.float64)]
    n = K - 1
    i = np.arange(n, dtype=np.float64)
    golden = np.pi * (3.0 - np.sqrt(5.0))
    y = 1.0 - 2.0 * (i + 0.5) / n
    r = np.sqrt(np.maximum(0.0, 1.0 - y * y))
    theta = golden * i
    shell = np.stack([r * np.cos(theta), y, r * np.sin(theta)], axis=1) * RADIUS
    pts.append(shell)
    return jnp.asarray(np.concatenate(pts, axis=0), dtype=jnp.float32)


def setup_inputs(seed: int = 0) -> dict:
    key = jax.random.key(seed)
    ks = jax.random.split(key, 8)
    q_pts = jax.random.normal(ks[0], (N, 3), dtype=jnp.float32)
    s_pts = jax.random.normal(ks[1], (N, 3), dtype=jnp.float32)
    s_feats = jax.random.normal(ks[2], (N, C), dtype=jnp.float32)
    neighb_inds = jax.random.randint(ks[3], (N, H), 0, N, dtype=jnp.int32)
    bw = 1.0 / np.sqrt(C)
    weights = jax.random.uniform(ks[4], (K, C), dtype=jnp.float32, minval=-bw, maxval=bw)
    W1 = jax.random.uniform(ks[5], (C, C), dtype=jnp.float32, minval=-bw, maxval=bw)
    b1 = jax.random.uniform(ks[6], (C,), dtype=jnp.float32, minval=-bw, maxval=bw)
    W2 = jax.random.uniform(ks[7], (C, K * CPG), dtype=jnp.float32, minval=-bw, maxval=bw)
    kernel_points = _kernel_points()
    return {"q_pts": q_pts, "s_pts": s_pts, "s_feats": s_feats,
            "neighb_inds": neighb_inds, "weights": weights,
            "W1": W1, "b1": b1, "W2": W2, "kernel_points": kernel_points}


def reference(q_pts, s_pts, s_feats, neighb_inds, weights, W1, b1, W2, kernel_points):
    # --- gather neighbor features (shadow row appended) ---
    padded_feats = jnp.concatenate([s_feats, jnp.zeros_like(s_feats[:1, :])], axis=0)
    neighbor_feats = jnp.take(padded_feats, neighb_inds, axis=0)  # (M, H, C)

    # --- modulations from pooled features ---
    pooled = s_feats if q_pts.shape[0] == s_pts.shape[0] else neighbor_feats[:, 0, :]
    h = jnp.dot(pooled, W1) + b1
    h = jnp.where(h >= 0.0, h, 0.1 * h)  # LeakyReLU(0.1)
    mods = jax.nn.sigmoid(jnp.dot(h, W2)).reshape(-1, K, CPG)  # (M, K, CPG)

    # --- kernel point influences (torch.no_grad region) ---
    s_pad = jnp.concatenate([s_pts, jnp.zeros_like(s_pts[:1, :]) + INF], axis=0)
    neighbors = jnp.take(s_pad, neighb_inds, axis=0) - q_pts[:, None, :]  # (M, H, 3)
    diffs = neighbors[:, :, None, :] - kernel_points[None, None, :, :]  # (M, H, K, 3)
    sq = jnp.sum(diffs * diffs, axis=3)
    nn_sq = jnp.min(sq, axis=2)
    nn_idx = jnp.argmin(sq, axis=2)  # (M, H)
    infl = jax.lax.stop_gradient(jnp.clip(1.0 - jnp.sqrt(nn_sq) / SIGMA, 0.0, None))

    # --- gather nearest kernel-point weights and modulations ---
    nw = jnp.take(weights, nn_idx, axis=0) * infl[:, :, None]  # (M, H, C)
    idx_e = jnp.broadcast_to(nn_idx[:, :, None], (nn_idx.shape[0], H, CPG))
    nmods = jnp.take_along_axis(mods, idx_e, axis=1)  # (M, H, CPG)

    # --- modulate, merge (mul) and aggregate (sum over neighbors) ---
    nf = neighbor_feats.reshape(-1, H, GROUPS, CPG) * nmods[:, :, None, :]
    nw = nw.reshape(-1, H, GROUPS, CPG)
    out = jnp.sum(nf * nw, axis=1)  # (M, GROUPS, CPG)
    return out.reshape(-1, C)

if __name__ == "__main__":
    import jax
    _d = setup_inputs()
    print(jax.jit(kernel)(*tuple(_d.values())))

</pallas_src>

<mosaic_0001>
#map = affine_map<(d0, d1) -> (0)>
#map1 = affine_map<(d0, d1) -> (0, 0)>
module attributes {stable_mosaic.version = 14 : i64} {
  func.func @sc(%arg0: i32, %arg1: i32, %arg2: memref<327680xi32, #tpu.memory_space<hbm>>, %arg3: memref<10240x16xf32, #tpu.memory_space<hbm>>, %arg4: memref<10000xf32, #tpu.memory_space<hbm>>, %arg5: memref<10000xf32, #tpu.memory_space<hbm>>, %arg6: memref<10000xf32, #tpu.memory_space<hbm>>, %arg7: memref<10000x128xf32, #tpu.memory_space<hbm>>, %arg8: memref<10240x256xf32, #tpu.memory_space<hbm>>, %arg9: memref<15x128xf32, #tpu.memory_space<hbm>>, %arg10: memref<48xf32, #tpu.memory_space<hbm>>, %arg11: memref<10240x128xf32, #tpu.memory_space<hbm>>, %arg12: memref<10000xf32, #tpu.memory_space<vmem>>, %arg13: memref<10000xf32, #tpu.memory_space<vmem>>, %arg14: memref<10000xf32, #tpu.memory_space<vmem>>, %arg15: memref<15x128xf32, #tpu.memory_space<vmem>>, %arg16: memref<48xf32, #tpu.memory_space<vmem>>, %arg17: memref<2x128xi32, #tpu.memory_space<vmem>>, %arg18: memref<256x128xf32, #tpu.memory_space<vmem>>, %arg19: memref<8x256xf32, #tpu.memory_space<vmem>>, %arg20: memref<8x16xf32, #tpu.memory_space<vmem>>, %arg21: memref<272xi32, #tpu.memory_space<vmem>>, %arg22: memref<8x128xf32, #tpu.memory_space<vmem>>, %arg23: memref<!tpu.dma_semaphore, #tpu.memory_space<semaphore_mem>>, %arg24: memref<!tpu.dma_semaphore, #tpu.memory_space<semaphore_mem>>, %arg25: memref<!tpu.dma_semaphore, #tpu.memory_space<semaphore_mem>>, %arg26: memref<2x128xi32, #tpu.memory_space<vmem>>, %arg27: memref<256x128xf32, #tpu.memory_space<vmem>>, %arg28: memref<8x256xf32, #tpu.memory_space<vmem>>, %arg29: memref<8x16xf32, #tpu.memory_space<vmem>>, %arg30: memref<272xi32, #tpu.memory_space<vmem>>, %arg31: memref<8x128xf32, #tpu.memory_space<vmem>>, %arg32: memref<!tpu.dma_semaphore, #tpu.memory_space<semaphore_mem>>, %arg33: memref<!tpu.dma_semaphore, #tpu.memory_space<semaphore_mem>>, %arg34: memref<!tpu.dma_semaphore, #tpu.memory_space<semaphore_mem>>) attributes {dimension_semantics = [#tpu.dimension_semantics<core_parallel>, #tpu.dimension_semantics<subcore_parallel>], iteration_bounds = array<i64: 2, 16>, scalar_prefetch = 0 : i64, scratch_operands = 23 : i64, tpu.core_type = #tpu.core_type<sc_vector_subcore>, window_params = [{transform_indices = #map}, {transform_indices = #map1}, {transform_indices = #map}, {transform_indices = #map}, {transform_indices = #map}, {transform_indices = #map1}, {transform_indices = #map1}, {transform_indices = #map1}, {transform_indices = #map}, {transform_indices = #map1}]} {
    "tpu.region"() ({
      %run_scoped3A = tpu.sem_alloc : memref<!tpu.dma_semaphore, #tpu.memory_space<semaphore_mem>>
      tpu.enqueue_dma source(%arg4 : memref<10000xf32, #tpu.memory_space<hbm>>) target(%arg12 : memref<10000xf32, #tpu.memory_space<vmem>>) target_semaphore(%run_scoped3A : memref<!tpu.dma_semaphore, #tpu.memory_space<semaphore_mem>>)
      tpu.wait_dma2 semaphore(%run_scoped3A : memref<!tpu.dma_semaphore, #tpu.memory_space<semaphore_mem>>) src(%arg4 : memref<10000xf32, #tpu.memory_space<hbm>>) dst(%arg12 : memref<10000xf32, #tpu.memory_space<vmem>>)
      tpu.yield
    }) : () -> ()
    "tpu.region"() ({
      %run_scoped3A = tpu.sem_alloc : memref<!tpu.dma_semaphore, #tpu.memory_space<semaphore_mem>>
      tpu.enqueue_dma source(%arg5 : memref<10000xf32, #tpu.memory_space<hbm>>) target(%arg13 : memref<10000xf32, #tpu.memory_space<vmem>>) target_semaphore(%run_scoped3A : memref<!tpu.dma_semaphore, #tpu.memory_space<semaphore_mem>>)
      tpu.wait_dma2 semaphore(%run_scoped3A : memref<!tpu.dma_semaphore, #tpu.memory_space<semaphore_mem>>) src(%arg5 : memref<10000xf32, #tpu.memory_space<hbm>>) dst(%arg13 : memref<10000xf32, #tpu.memory_space<vmem>>)
      tpu.yield
    }) : () -> ()
    "tpu.region"() ({
      %run_scoped3A = tpu.sem_alloc : memref<!tpu.dma_semaphore, #tpu.memory_space<semaphore_mem>>
      tpu.enqueue_dma source(%arg6 : memref<10000xf32, #tpu.memory_space<hbm>>) target(%arg14 : memref<10000xf32, #tpu.memory_space<vmem>>) target_semaphore(%run_scoped3A : memref<!tpu.dma_semaphore, #tpu.memory_space<semaphore_mem>>)
      tpu.wait_dma2 semaphore(%run_scoped3A : memref<!tpu.dma_semaphore, #tpu.memory_space<semaphore_mem>>) src(%arg6 : memref<10000xf32, #tpu.memory_space<hbm>>) dst(%arg14 : memref<10000xf32, #tpu.memory_space<vmem>>)
      tpu.yield
    }) : () -> ()
    "tpu.region"() ({
      %run_scoped3A = tpu.sem_alloc : memref<!tpu.dma_semaphore, #tpu.memory_space<semaphore_mem>>
      tpu.enqueue_dma source(%arg9 : memref<15x128xf32, #tpu.memory_space<hbm>>) target(%arg15 : memref<15x128xf32, #tpu.memory_space<vmem>>) target_semaphore(%run_scoped3A : memref<!tpu.dma_semaphore, #tpu.memory_space<semaphore_mem>>)
      tpu.wait_dma2 semaphore(%run_scoped3A : memref<!tpu.dma_semaphore, #tpu.memory_space<semaphore_mem>>) src(%arg9 : memref<15x128xf32, #tpu.memory_space<hbm>>) dst(%arg15 : memref<15x128xf32, #tpu.memory_space<vmem>>)
      tpu.yield
    }) : () -> ()
    "tpu.region"() ({
      %run_scoped3A = tpu.sem_alloc : memref<!tpu.dma_semaphore, #tpu.memory_space<semaphore_mem>>
      tpu.enqueue_dma source(%arg10 : memref<48xf32, #tpu.memory_space<hbm>>) target(%arg16 : memref<48xf32, #tpu.memory_space<vmem>>) target_semaphore(%run_scoped3A : memref<!tpu.dma_semaphore, #tpu.memory_space<semaphore_mem>>)
      tpu.wait_dma2 semaphore(%run_scoped3A : memref<!tpu.dma_semaphore, #tpu.memory_space<semaphore_mem>>) src(%arg10 : memref<48xf32, #tpu.memory_space<hbm>>) dst(%arg16 : memref<48xf32, #tpu.memory_space<vmem>>)
      tpu.yield
    }) : () -> ()
    %get3A = arith.constant 0 : index
    %get3A_0 = tpu.vector_load %arg16[%get3A] {strides = array<i32>} : memref<48xf32, #tpu.memory_space<vmem>>, vector<16xf32>,
    %get3A_1 = arith.constant 16 : index
    %get3A_2 = tpu.vector_load %arg16[%get3A_1] {strides = array<i32>} : memref<48xf32, #tpu.memory_space<vmem>>, vector<16xf32>,
    %get3A_3 = arith.constant 32 : index
    %get3A_4 = tpu.vector_load %arg16[%get3A_3] {strides = array<i32>} : memref<48xf32, #tpu.memory_space<vmem>>, vector<16xf32>,
    %slice3A = vector.extract_strided_slice %get3A_0 {offsets = [0], sizes = [1], strides = [1]} : vector<16xf32> to vector<1xf32>
    %squeeze3A = vector.extract %slice3A[0] : f32 from vector<1xf32>
    %slice3A_5 = vector.extract_strided_slice %get3A_0 {offsets = [1], sizes = [1], strides = [1]} : vector<16xf32> to vector<1xf32>
    %squeeze3A_6 = vector.extract %slice3A_5[0] : f32 from vector<1xf32>
    %slice3A_7 = vector.extract_strided_slice %get3A_0 {offsets = [2], sizes = [1], strides = [1]} : vector<16xf32> to vector<1xf32>
    %squeeze3A_8 = vector.extract %slice3A_7[0] : f32 from vector<1xf32>
    %slice3A_9 = vector.extract_strided_slice %get3A_0 {offsets = [3], sizes = [1], strides = [1]} : vector<16xf32> to vector<1xf32>
    %squeeze3A_10 = vector.extract %slice3A_9[0] : f32 from vector<1xf32>
    %slice3A_11 = vector.extract_strided_slice %get3A_0 {offsets = [4], sizes = [1], strides = [1]} : vector<16xf32> to vector<1xf32>
    %squeeze3A_12 = vector.extract %slice3A_11[0] : f32 from vector<1xf32>
    %slice3A_13 = vector.extract_strided_slice %get3A_0 {offsets = [5], sizes = [1], strides = [1]} : vector<16xf32> to vector<1xf32>
    %squeeze3A_14 = vector.extract %slice3A_13[0] : f32 from vector<1xf32>
    %slice3A_15 = vector.extract_strided_slice %get3A_0 {offsets = [6], sizes = [1], strides = [1]} : vector<16xf32> to vector<1xf32>
    %squeeze3A_16 = vector.extract %slice3A_15[0] : f32 from vector<1xf32>
    %slice3A_17 = vector.extract_strided_slice %get3A_0 {offsets = [7], sizes = [1], strides = [1]} : vector<16xf32> to vector<1xf32>
    %squeeze3A_18 = vector.extract %slice3A_17[0] : f32 from vector<1xf32>
    %slice3A_19 = vector.extract_strided_slice %get3A_0 {offsets = [8], sizes = [1], strides = [1]} : vector<16xf32> to vector<1xf32>
    %squeeze3A_20 = vector.extract %slice3A_19[0] : f32 from vector<1xf32>
    %slice3A_21 = vector.extract_strided_slice %get3A_0 {offsets = [9], sizes = [1], strides = [1]} : vector<16xf32> to vector<1xf32>
    %squeeze3A_22 = vector.extract %slice3A_21[0] : f32 from vector<1xf32>
    %slice3A_23 = vector.extract_strided_slice %get3A_0 {offsets = [10], sizes = [1], strides = [1]} : vector<16xf32> to vector<1xf32>
    %squeeze3A_24 = vector.extract %slice3A_23[0] : f32 from vector<1xf32>
    %slice3A_25 = vector.extract_strided_slice %get3A_0 {offsets = [11], sizes = [1], strides = [1]} : vector<16xf32> to vector<1xf32>
    %squeeze3A_26 = vector.extract %slice3A_25[0] : f32 from vector<1xf32>
    %slice3A_27 = vector.extract_strided_slice %get3A_0 {offsets = [12], sizes = [1], strides = [1]} : vector<16xf32> to vector<1xf32>
    %squeeze3A_28 = vector.extract %slice3A_27[0] : f32 from vector<1xf32>
    %slice3A_29 = vector.extract_strided_slice %get3A_0 {offsets = [13], sizes = [1], strides = [1]} : vector<16xf32> to vector<1xf32>
    %squeeze3A_30 = vector.extract %slice3A_29[0] : f32 from vector<1xf32>
    %slice3A_31 = vector.extract_strided_slice %get3A_0 {offsets = [14], sizes = [1], strides = [1]} : vector<16xf32> to vector<1xf32>
    %squeeze3A_32 = vector.extract %slice3A_31[0] : f32 from vector<1xf32>
    %slice3A_33 = vector.extract_strided_slice %get3A_2 {offsets = [0], sizes = [1], strides = [1]} : vector<16xf32> to vector<1xf32>
    %squeeze3A_34 = vector.extract %slice3A_33[0] : f32 from vector<1xf32>
    %slice3A_35 = vector.extract_strided_slice %get3A_2 {offsets = [1], sizes = [1], strides = [1]} : vector<16xf32> to vector<1xf32>
    %squeeze3A_36 = vector.extract %slice3A_35[0] : f32 from vector<1xf32>
    %slice3A_37 = vector.extract_strided_slice %get3A_2 {offsets = [2], sizes = [1], strides = [1]} : vector<16xf32> to vector<1xf32>
    %squeeze3A_38 = vector.extract %slice3A_37[0] : f32 from vector<1xf32>
    %slice3A_39 = vector.extract_strided_slice %get3A_2 {offsets = [3], sizes = [1], strides = [1]} : vector<16xf32> to vector<1xf32>
    %squeeze3A_40 = vector.extract %slice3A_39[0] : f32 from vector<1xf32>
    %slice3A_41 = vector.extract_strided_slice %get3A_2 {offsets = [4], sizes = [1], strides = [1]} : vector<16xf32> to vector<1xf32>
    %squeeze3A_42 = vector.extract %slice3A_41[0] : f32 from vector<1xf32>
    %slice3A_43 = vector.extract_strided_slice %get3A_2 {offsets = [5], sizes = [1], strides = [1]} : vector<16xf32> to vector<1xf32>
    %squeeze3A_44 = vector.extract %slice3A_43[0] : f32 from vector<1xf32>
    %slice3A_45 = vector.extract_strided_slice %get3A_2 {offsets = [6], sizes = [1], strides = [1]} : vector<16xf32> to vector<1xf32>
    %squeeze3A_46 = vector.extract %slice3A_45[0] : f32 from vector<1xf32>
    %slice3A_47 = vector.extract_strided_slice %get3A_2 {offsets = [7], sizes = [1], strides = [1]} : vector<16xf32> to vector<1xf32>
    %squeeze3A_48 = vector.extract %slice3A_47[0] : f32 from vector<1xf32>
    %slice3A_49 = vector.extract_strided_slice %get3A_2 {offsets = [8], sizes = [1], strides = [1]} : vector<16xf32> to vector<1xf32>
    %squeeze3A_50 = vector.extract %slice3A_49[0] : f32 from vector<1xf32>
    %slice3A_51 = vector.extract_strided_slice %get3A_2 {offsets = [9], sizes = [1], strides = [1]} : vector<16xf32> to vector<1xf32>
    %squeeze3A_52 = vector.extract %slice3A_51[0] : f32 from vector<1xf32>
    %slice3A_53 = vector.extract_strided_slice %get3A_2 {offsets = [10], sizes = [1], strides = [1]} : vector<16xf32> to vector<1xf32>
    %squeeze3A_54 = vector.extract %slice3A_53[0] : f32 from vector<1xf32>
    %slice3A_55 = vector.extract_strided_slice %get3A_2 {offsets = [11], sizes = [1], strides = [1]} : vector<16xf32> to vector<1xf32>
    %squeeze3A_56 = vector.extract %slice3A_55[0] : f32 from vector<1xf32>
    %slice3A_57 = vector.extract_strided_slice %get3A_2 {offsets = [12], sizes = [1], strides = [1]} : vector<16xf32> to vector<1xf32>
    %squeeze3A_58 = vector.extract %slice3A_57[0] : f32 from vector<1xf32>
    %slice3A_59 = vector.extract_strided_slice %get3A_2 {offsets = [13], sizes = [1], strides = [1]} : vector<16xf32> to vector<1xf32>
    %squeeze3A_60 = vector.extract %slice3A_59[0] : f32 from vector<1xf32>
    %slice3A_61 = vector.extract_strided_slice %get3A_2 {offsets = [14], sizes = [1], strides = [1]} : vector<16xf32> to vector<1xf32>
    %squeeze3A_62 = vector.extract %slice3A_61[0] : f32 from vector<1xf32>
    %slice3A_63 = vector.extract_strided_slice %get3A_4 {offsets = [0], sizes = [1], strides = [1]} : vector<16xf32> to vector<1xf32>
    %squeeze3A_64 = vector.extract %slice3A_63[0] : f32 from vector<1xf32>
    %slice3A_65 = vector.extract_strided_slice %get3A_4 {offsets = [1], sizes = [1], strides = [1]} : vector<16xf32> to vector<1xf32>
    %squeeze3A_66 = vector.extract %slice3A_65[0] : f32 from vector<1xf32>
    %slice3A_67 = vector.extract_strided_slice %get3A_4 {offsets = [2], sizes = [1], strides = [1]} : vector<16xf32> to vector<1xf32>
    %squeeze3A_68 = vector.extract %slice3A_67[0] : f32 from vector<1xf32>
    %slice3A_69 = vector.extract_strided_slice %get3A_4 {offsets = [3], sizes = [1], strides = [1]} : vector<16xf32> to vector<1xf32>
    %squeeze3A_70 = vector.extract %slice3A_69[0] : f32 from vector<1xf32>
    %slice3A_71 = vector.extract_strided_slice %get3A_4 {offsets = [4], sizes = [1], strides = [1]} : vector<16xf32> to vector<1xf32>
    %squeeze3A_72 = vector.extract %slice3A_71[0] : f32 from vector<1xf32>
    %slice3A_73 = vector.extract_strided_slice %get3A_4 {offsets = [5], sizes = [1], strides = [1]} : vector<16xf32> to vector<1xf32>
    %squeeze3A_74 = vector.extract %slice3A_73[0] : f32 from vector<1xf32>
    %slice3A_75 = vector.extract_strided_slice %get3A_4 {offsets = [6], sizes = [1], strides = [1]} : vector<16xf32> to vector<1xf32>
    %squeeze3A_76 = vector.extract %slice3A_75[0] : f32 from vector<1xf32>
    %slice3A_77 = vector.extract_strided_slice %get3A_4 {offsets = [7], sizes = [1], strides = [1]} : vector<16xf32> to vector<1xf32>
    %squeeze3A_78 = vector.extract %slice3A_77[0] : f32 from vector<1xf32>
    %slice3A_79 = vector.extract_strided_slice %get3A_4 {offsets = [8], sizes = [1], strides = [1]} : vector<16xf32> to vector<1xf32>
    %squeeze3A_80 = vector.extract %slice3A_79[0] : f32 from vector<1xf32>
    %slice3A_81 = vector.extract_strided_slice %get3A_4 {offsets = [9], sizes = [1], strides = [1]} : vector<16xf32> to vector<1xf32>
    %squeeze3A_82 = vector.extract %slice3A_81[0] : f32 from vector<1xf32>
    %slice3A_83 = vector.extract_strided_slice %get3A_4 {offsets = [10], sizes = [1], strides = [1]} : vector<16xf32> to vector<1xf32>
    %squeeze3A_84 = vector.extract %slice3A_83[0] : f32 from vector<1xf32>
    %slice3A_85 = vector.extract_strided_slice %get3A_4 {offsets = [11], sizes = [1], strides = [1]} : vector<16xf32> to vector<1xf32>
    %squeeze3A_86 = vector.extract %slice3A_85[0] : f32 from vector<1xf32>
    %slice3A_87 = vector.extract_strided_slice %get3A_4 {offsets = [12], sizes = [1], strides = [1]} : vector<16xf32> to vector<1xf32>
    %squeeze3A_88 = vector.extract %slice3A_87[0] : f32 from vector<1xf32>
    %slice3A_89 = vector.extract_strided_slice %get3A_4 {offsets = [13], sizes = [1], strides = [1]} : vector<16xf32> to vector<1xf32>
    %squeeze3A_90 = vector.extract %slice3A_89[0] : f32 from vector<1xf32>
    %slice3A_91 = vector.extract_strided_slice %get3A_4 {offsets = [14], sizes = [1], strides = [1]} : vector<16xf32> to vector<1xf32>
    %squeeze3A_92 = vector.extract %slice3A_91[0] : f32 from vector<1xf32>
    %eq3A = arith.constant 0 : i32
    %eq3A_93 = arith.cmpi eq, %arg0, %eq3A : i32
    %jit3A = arith.constant 78 : i32
    %jit3A_94 = arith.constant 2 : i32
    %select_n3A = arith.select %eq3A_93, %jit3A, %jit3A_94 : i32
    %jit3A_95 = arith.constant 2 : i32
    %div3A = arith.divsi %select_n3A, %jit3A_95 : i32
    %sign3A = arith.constant 0 : i32
    %sign3A_96 = arith.cmpi sgt, %select_n3A, %sign3A : i32
    %sign3A_97 = arith.extui %sign3A_96 : i1 to i32
    %sign3A_98 = arith.constant 0 : i32
    %sign3A_99 = arith.cmpi slt, %select_n3A, %sign3A_98 : i32
    %sign3A_100 = arith.extui %sign3A_99 : i1 to i32
    %sign3A_101 = arith.subi %sign3A_97, %sign3A_100 : i32
    %sign3A_102 = arith.constant 0 : i32
    %sign3A_103 = arith.cmpi sgt, %jit3A_95, %sign3A_102 : i32
    %sign3A_104 = arith.extui %sign3A_103 : i1 to i32
    %sign3A_105 = arith.constant 0 : i32
    %sign3A_106 = arith.cmpi slt, %jit3A_95, %sign3A_105 : i32
    %sign3A_107 = arith.extui %sign3A_106 : i1 to i32
    %sign3A_108 = arith.subi %sign3A_104, %sign3A_107 : i32
    %ne3A = arith.cmpi ne, %sign3A_101, %sign3A_108 : i32
    %rem3A = arith.remsi %select_n3A, %jit3A_95 : i32
    %ne3A_109 = arith.constant 0 : i32
    %ne3A_110 = arith.cmpi ne, %rem3A, %ne3A_109 : i32
    %and3A = arith.andi %ne3A, %ne3A_110 : i1
    %sub3A = arith.constant 1 : i32
    %sub3A_111 = arith.subi %div3A, %sub3A : i32
    %select_n3A_112 = arith.select %and3A, %sub3A_111, %div3A : i32
    %eq3A_113 = arith.constant 0 : i32
    %eq3A_114 = arith.cmpi eq, %arg0, %eq3A_113 : i32
    %mul3A = arith.constant 624 : i32
    %mul3A_115 = arith.muli %arg1, %mul3A : i32
    %mul3A_116 = arith.constant 16 : i32
    %mul3A_117 = arith.muli %arg1, %mul3A_116 : i32
    %add3A = arith.constant 9984 : i32
    %add3A_118 = arith.addi %add3A, %mul3A_117 : i32
    %select_n3A_119 = arith.select %eq3A_114, %mul3A_115, %add3A_118 : i32
    %mul3A_120 = arith.constant 32 : i32
    %mul3A_121 = arith.muli %select_n3A_119, %mul3A_120 : i32
    %add3A_122 = arith.constant 128 : i32
    %add3A_123 = arith.addi %mul3A_121, %add3A_122 : i32
    %dma_start3A = arith.constant 0 : i32
    %dma_start3A_124 = arith.constant 0 : i32
    %dma_start3A_125 = tpu.memref_slice %arg17[%dma_start3A, %dma_start3A_124] : memref<2x128xi32, #tpu.memory_space<vmem>> -> memref<1x128xi32, #tpu.memory_space<vmem>>
    %dma_start3A_126 = tpu.memref_squeeze %dma_start3A_125 : memref<1x128xi32, #tpu.memory_space<vmem>> -> memref<128xi32, #tpu.memory_space<vmem>>
    %dma_start3A_127 = tpu.memref_slice %arg2[%mul3A_121] : memref<327680xi32, #tpu.memory_space<hbm>> -> memref<128xi32, #tpu.memory_space<hbm>>
    %dma_start3A_128 = arith.constant 0 : i32
    %dma_start3A_129 = tpu.memref_slice %arg17[%dma_start3A, %dma_start3A_128] : memref<2x128xi32, #tpu.memory_space<vmem>> -> memref<1x128xi32, #tpu.memory_space<vmem>>
    %dma_start3A_130 = tpu.memref_squeeze %dma_start3A_129 : memref<1x128xi32, #tpu.memory_space<vmem>> -> memref<128xi32, #tpu.memory_space<vmem>>
    %dma_start3A_131 = tpu.memref_slice %arg2[%mul3A_121] : memref<327680xi32, #tpu.memory_space<hbm>> -> memref<128xi32, #tpu.memory_space<hbm>>
    tpu.enqueue_dma source(%dma_start3A_131 : memref<128xi32, #tpu.memory_space<hbm>>) target(%dma_start3A_130 : memref<128xi32, #tpu.memory_space<vmem>>) target_semaphore(%arg23 : memref<!tpu.dma_semaphore, #tpu.memory_space<semaphore_mem>>)
    %dma_start3A_132 = arith.constant 1 : i32
    %dma_start3A_133 = arith.constant 0 : i32
    %dma_start3A_134 = tpu.memref_slice %arg17[%dma_start3A_132, %dma_start3A_133] : memref<2x128xi32, #tpu.memory_space<vmem>> -> memref<1x128xi32, #tpu.memory_space<vmem>>
    %dma_start3A_135 = tpu.memref_squeeze %dma_start3A_134 : memref<1x128xi32, #tpu.memory_space<vmem>> -> memref<128xi32, #tpu.memory_space<vmem>>
    %dma_start3A_136 = tpu.memref_slice %arg2[%add3A_123] : memref<327680xi32, #tpu.memory_space<hbm>> -> memref<128xi32, #tpu.memory_space<hbm>>
    %dma_start3A_137 = arith.constant 0 : i32
    %dma_start3A_138 = tpu.memref_slice %arg17[%dma_start3A_132, %dma_start3A_137] : memref<2x128xi32, #tpu.memory_space<vmem>> -> memref<1x128xi32, #tpu.memory_space<vmem>>
    %dma_start3A_139 = tpu.memref_squeeze %dma_start3A_138 : memref<1x128xi32, #tpu.memory_space<vmem>> -> memref<128xi32, #tpu.memory_space<vmem>>
    %dma_start3A_140 = tpu.memref_slice %arg2[%add3A_123] : memref<327680xi32, #tpu.memory_space<hbm>> -> memref<128xi32, #tpu.memory_space<hbm>>
    tpu.enqueue_dma source(%dma_start3A_140 : memref<128xi32, #tpu.memory_space<hbm>>) target(%dma_start3A_139 : memref<128xi32, #tpu.memory_space<vmem>>) target_semaphore(%arg23 : memref<!tpu.dma_semaphore, #tpu.memory_space<semaphore_mem>>)
    %dma_start3A_141 = arith.constant 0 : i32
    %dma_start3A_142 = tpu.memref_slice %arg8[%select_n3A_119, %dma_start3A_141] : memref<10240x256xf32, #tpu.memory_space<hbm>> -> memref<8x256xf32, #tpu.memory_space<hbm>>
    %dma_start3A_143 = arith.constant 0 : i32
    %dma_start3A_144 = tpu.memref_slice %arg8[%select_n3A_119, %dma_start3A_143] : memref<10240x256xf32, #tpu.memory_space<hbm>> -> memref<8x256xf32, #tpu.memory_space<hbm>>
    tpu.enqueue_dma source(%dma_start3A_144 : memref<8x256xf32, #tpu.memory_space<hbm>>) target(%arg19 : memref<8x256xf32, #tpu.memory_space<vmem>>) target_semaphore(%arg23 : memref<!tpu.dma_semaphore, #tpu.memory_space<semaphore_mem>>)
    %dma_start3A_145 = arith.constant 0 : i32
    %dma_start3A_146 = tpu.memref_slice %arg3[%select_n3A_119, %dma_start3A_145] : memref<10240x16xf32, #tpu.memory_space<hbm>> -> memref<8x16xf32, #tpu.memory_space<hbm>>
    %dma_start3A_147 = arith.constant 0 : i32
    %dma_start3A_148 = tpu.memref_slice %arg3[%select_n3A_119, %dma_start3A_147] : memref<10240x16xf32, #tpu.memory_space<hbm>> -> memref<8x16xf32, #tpu.memory_space<hbm>>
    tpu.enqueue_dma source(%dma_start3A_148 : memref<8x16xf32, #tpu.memory_space<hbm>>) target(%arg20 : memref<8x16xf32, #tpu.memory_space<vmem>>) target_semaphore(%arg23 : memref<!tpu.dma_semaphore, #tpu.memory_space<semaphore_mem>>)
    %add3A_149 = arith.constant 8 : i32
    %add3A_150 = arith.addi %select_n3A_119, %add3A_149 : i32
    %mul3A_151 = arith.constant 32 : i32
    %mul3A_152 = arith.muli %add3A_150, %mul3A_151 : i32
    %add3A_153 = arith.constant 128 : i32
    %add3A_154 = arith.addi %mul3A_152, %add3A_153 : i32
    %dma_start3A_155 = arith.constant 0 : i32
    %dma_start3A_156 = arith.constant 0 : i32
    %dma_start3A_157 = tpu.memref_slice %arg26[%dma_start3A_155, %dma_start3A_156] : memref<2x128xi32, #tpu.memory_space<vmem>> -> memref<1x128xi32, #tpu.memory_space<vmem>>
    %dma_start3A_158 = tpu.memref_squeeze %dma_start3A_157 : memref<1x128xi32, #tpu.memory_space<vmem>> -> memref<128xi32, #tpu.memory_space<vmem>>
    %dma_start3A_159 = tpu.memref_slice %arg2[%mul3A_152] : memref<327680xi32, #tpu.memory_space<hbm>> -> memref<128xi32, #tpu.memory_space<hbm>>
    %dma_start3A_160 = arith.constant 0 : i32
    %dma_start3A_161 = tpu.memref_slice %arg26[%dma_start3A_155, %dma_start3A_160] : memref<2x128xi32, #tpu.memory_space<vmem>> -> memref<1x128xi32, #tpu.memory_space<vmem>>
    %dma_start3A_162 = tpu.memref_squeeze %dma_start3A_161 : memref<1x128xi32, #tpu.memory_space<vmem>> -> memref<128xi32, #tpu.memory_space<vmem>>
    %dma_start3A_163 = tpu.memref_slice %arg2[%mul3A_152] : memref<327680xi32, #tpu.memory_space<hbm>> -> memref<128xi32, #tpu.memory_space<hbm>>
    tpu.enqueue_dma source(%dma_start3A_163 : memref<128xi32, #tpu.memory_space<hbm>>) target(%dma_start3A_162 : memref<128xi32, #tpu.memory_space<vmem>>) target_semaphore(%arg32 : memref<!tpu.dma_semaphore, #tpu.memory_space<semaphore_mem>>)
    %dma_start3A_164 = arith.constant 1 : i32
    %dma_start3A_165 = arith.constant 0 : i32
    %dma_start3A_166 = tpu.memref_slice %arg26[%dma_start3A_164, %dma_start3A_165] : memref<2x128xi32, #tpu.memory_space<vmem>> -> memref<1x128xi32, #tpu.memory_space<vmem>>
    %dma_start3A_167 = tpu.memref_squeeze %dma_start3A_166 : memref<1x128xi32, #tpu.memory_space<vmem>> -> memref<128xi32, #tpu.memory_space<vmem>>
    %dma_start3A_168 = tpu.memref_slice %arg2[%add3A_154] : memref<327680xi32, #tpu.memory_space<hbm>> -> memref<128xi32, #tpu.memory_space<hbm>>
    %dma_start3A_169 = arith.constant 0 : i32
    %dma_start3A_170 = tpu.memref_slice %arg26[%dma_start3A_164, %dma_start3A_169] : memref<2x128xi32, #tpu.memory_space<vmem>> -> memref<1x128xi32, #tpu.memory_space<vmem>>
    %dma_start3A_171 = tpu.memref_squeeze %dma_start3A_170 : memref<1x128xi32, #tpu.memory_space<vmem>> -> memref<128xi32, #tpu.memory_space<vmem>>
    %dma_start3A_172 = tpu.memref_slice %arg2[%add3A_154] : memref<327680xi32, #tpu.memory_space<hbm>> -> memref<128xi32, #tpu.memory_space<hbm>>
    tpu.enqueue_dma source(%dma_start3A_172 : memref<128xi32, #tpu.memory_space<hbm>>) target(%dma_start3A_171 : memref<128xi32, #tpu.memory_space<vmem>>) target_semaphore(%arg32 : memref<!tpu.dma_semaphore, #tpu.memory_space<semaphore_mem>>)
    %dma_start3A_173 = arith.constant 0 : i32
    %dma_start3A_174 = tpu.memref_slice %arg8[%add3A_150, %dma_start3A_173] : memref<10240x256xf32, #tpu.memory_space<hbm>> -> memref<8x256xf32, #tpu.memory_space<hbm>>
    %dma_start3A_175 = arith.constant 0 : i32
    %dma_start3A_176 = tpu.memref_slice %arg8[%add3A_150, %dma_start3A_175] : memref<10240x256xf32, #tpu.memory_space<hbm>> -> memref<8x256xf32, #tpu.memory_space<hbm>>
    tpu.enqueue_dma source(%dma_start3A_176 : memref<8x256xf32, #tpu.memory_space<hbm>>) target(%arg28 : memref<8x256xf32, #tpu.memory_space<vmem>>) target_semaphore(%arg32 : memref<!tpu.dma_semaphore, #tpu.memory_space<semaphore_mem>>)
    %dma_start3A_177 = arith.constant 0 : i32
    %dma_start3A_178 = tpu.memref_slice %arg3[%add3A_150, %dma_start3A_177] : memref<10240x16xf32, #tpu.memory_space<hbm>> -> memref<8x16xf32, #tpu.memory_space<hbm>>
    %dma_start3A_179 = arith.constant 0 : i32
    %dma_start3A_180 = tpu.memref_slice %arg3[%add3A_150, %dma_start3A_179] : memref<10240x16xf32, #tpu.memory_space<hbm>> -> memref<8x16xf32, #tpu.memory_space<hbm>>
    tpu.enqueue_dma source(%dma_start3A_180 : memref<8x16xf32, #tpu.memory_space<hbm>>) target(%arg29 : memref<8x16xf32, #tpu.memory_space<vmem>>) target_semaphore(%arg32 : memref<!tpu.dma_semaphore, #tpu.memory_space<semaphore_mem>>)
    %mul3A_181 = arith.constant 32 : i32
    %mul3A_182 = arith.muli %select_n3A_119, %mul3A_181 : i32
    %add3A_183 = arith.constant 128 : i32
    %add3A_184 = arith.addi %mul3A_182, %add3A_183 : i32
    %dma_wait3A = arith.constant 0 : i32
    %dma_wait3A_185 = arith.constant 0 : i32
    %dma_wait3A_186 = tpu.memref_slice %arg17[%dma_wait3A, %dma_wait3A_185] : memref<2x128xi32, #tpu.memory_space<vmem>> -> memref<1x128xi32, #tpu.memory_space<vmem>>
    %dma_wait3A_187 = tpu.memref_squeeze %dma_wait3A_186 : memref<1x128xi32, #tpu.memory_space<vmem>> -> memref<128xi32, #tpu.memory_space<vmem>>
    %dma_wait3A_188 = tpu.memref_slice %arg2[%mul3A_182] : memref<327680xi32, #tpu.memory_space<hbm>> -> memref<128xi32, #tpu.memory_space<hbm>>
    %dma_wait3A_189 = arith.constant 0 : i32
    %dma_wait3A_190 = tpu.memref_slice %arg17[%dma_wait3A, %dma_wait3A_189] : memref<2x128xi32, #tpu.memory_space<vmem>> -> memref<1x128xi32, #tpu.memory_space<vmem>>
    %dma_wait3A_191 = tpu.memref_squeeze %dma_wait3A_190 : memref<1x128xi32, #tpu.memory_space<vmem>> -> memref<128xi32, #tpu.memory_space<vmem>>
    %dma_wait3A_192 = tpu.memref_slice %arg2[%mul3A_182] : memref<327680xi32, #tpu.memory_space<hbm>> -> memref<128xi32, #tpu.memory_space<hbm>>
    tpu.wait_dma2 semaphore(%arg23 : memref<!tpu.dma_semaphore, #tpu.memory_space<semaphore_mem>>) src(%dma_wait3A_192 : memref<128xi32, #tpu.memory_space<hbm>>) dst(%dma_wait3A_191 : memref<128xi32, #tpu.memory_space<vmem>>)
    %dma_wait3A_193 = arith.constant 1 : i32
    %dma_wait3A_194 = arith.constant 0 : i32
    %dma_wait3A_195 = tpu.memref_slice %arg17[%dma_wait3A_193, %dma_wait3A_194] : memref<2x128xi32, #tpu.memory_space<vmem>> -> memref<1x128xi32, #tpu.memory_space<vmem>>
    %dma_wait3A_196 = tpu.memref_squeeze %dma_wait3A_195 : memref<1x128xi32, #tpu.memory_space<vmem>> -> memref<128xi32, #tpu.memory_space<vmem>>
    %dma_wait3A_197 = tpu.memref_slice %arg2[%add3A_184] : memref<327680xi32, #tpu.memory_space<hbm>> -> memref<128xi32, #tpu.memory_space<hbm>>
    %dma_wait3A_198 = arith.constant 0 : i32
    %dma_wait3A_199 = tpu.memref_slice %arg17[%dma_wait3A_193, %dma_wait3A_198] : memref<2x128xi32, #tpu.memory_space<vmem>> -> memref<1x128xi32, #tpu.memory_space<vmem>>
    %dma_wait3A_200 = tpu.memref_squeeze %dma_wait3A_199 : memref<1x128xi32, #tpu.memory_space<vmem>> -> memref<128xi32, #tpu.memory_space<vmem>>
    %dma_wait3A_201 = tpu.memref_slice %arg2[%add3A_184] : memref<327680xi32, #tpu.memory_space<hbm>> -> memref<128xi32, #tpu.memory_space<hbm>>
    tpu.wait_dma2 semaphore(%arg23 : memref<!tpu.dma_semaphore, #tpu.memory_space<semaphore_mem>>) src(%dma_wait3A_201 : memref<128xi32, #tpu.memory_space<hbm>>) dst(%dma_wait3A_200 : memref<128xi32, #tpu.memory_space<vmem>>)
    %dma_wait3A_202 = arith.constant 0 : i32
    %dma_wait3A_203 = tpu.memref_slice %arg8[%select_n3A_119, %dma_wait3A_202] : memref<10240x256xf32, #tpu.memory_space<hbm>> -> memref<8x256xf32, #tpu.memory_space<hbm>>
    %dma_wait3A_204 = arith.constant 0 : i32
    %dma_wait3A_205 = tpu.memref_slice %arg8[%select_n3A_119, %dma_wait3A_204] : memref<10240x256xf32, #tpu.memory_space<hbm>> -> memref<8x256xf32, #tpu.memory_space<hbm>>
    tpu.wait_dma2 semaphore(%arg23 : memref<!tpu.dma_semaphore, #tpu.memory_space<semaphore_mem>>) src(%dma_wait3A_205 : memref<8x256xf32, #tpu.memory_space<hbm>>) dst(%arg19 : memref<8x256xf32, #tpu.memory_space<vmem>>)
    %dma_wait3A_206 = arith.constant 0 : i32
    %dma_wait3A_207 = tpu.memref_slice %arg3[%select_n3A_119, %dma_wait3A_206] : memref<10240x16xf32, #tpu.memory_space<hbm>> -> memref<8x16xf32, #tpu.memory_space<hbm>>
    %dma_wait3A_208 = arith.constant 0 : i32
    %dma_wait3A_209 = tpu.memref_slice %arg3[%select_n3A_119, %dma_wait3A_208] : memref<10240x16xf32, #tpu.memory_space<hbm>> -> memref<8x16xf32, #tpu.memory_space<hbm>>
    tpu.wait_dma2 semaphore(%arg23 : memref<!tpu.dma_semaphore, #tpu.memory_space<semaphore_mem>>) src(%dma_wait3A_209 : memref<8x16xf32, #tpu.memory_space<hbm>>) dst(%arg20 : memref<8x16xf32, #tpu.memory_space<vmem>>)
    %dma_start3A_210 = arith.constant 0 : i32
    %dma_start3A_211 = arith.constant 0 : i32
    %dma_start3A_212 = arith.constant 0 : i32
    %dma_start3A_213 = tpu.memref_slice %arg18[%dma_start3A_211, %dma_start3A_212] : memref<256x128xf32, #tpu.memory_space<vmem>> -> memref<128x128xf32, #tpu.memory_space<vmem>>
    %dma_start3A_214 = arith.constant 0 : i32
    %dma_start3A_215 = tpu.memref_slice %arg17[%dma_start3A_210, %dma_start3A_214] : memref<2x128xi32, #tpu.memory_space<vmem>> -> memref<1x128xi32, #tpu.memory_space<vmem>>
    %dma_start3A_216 = tpu.memref_squeeze %dma_start3A_215 : memref<1x128xi32, #tpu.memory_space<vmem>> -> memref<128xi32, #tpu.memory_space<vmem>>
    %dma_start3A_217 = arith.constant 0 : i32
    %dma_start3A_218 = arith.constant 0 : i32
    %dma_start3A_219 = tpu.memref_slice %arg7[%dma_start3A_217, %dma_start3A_218] : memref<10000x128xf32, #tpu.memory_space<hbm>> -> memref<10000x128xf32, #tpu.memory_space<hbm>>
    tpu.enqueue_indirect_dma source(%dma_start3A_219 : memref<10000x128xf32, #tpu.memory_space<hbm>>) target(%dma_start3A_213 : memref<128x128xf32, #tpu.memory_space<vmem>>) offsets(%dma_start3A_216 : memref<128xi32, #tpu.memory_space<vmem>>) semaphore(%arg24 : memref<!tpu.dma_semaphore, #tpu.memory_space<semaphore_mem>>)
    %dma_start3A_220 = arith.constant 1 : i32
    %dma_start3A_221 = arith.constant 128 : i32
    %dma_start3A_222 = arith.constant 0 : i32
    %dma_start3A_223 = tpu.memref_slice %arg18[%dma_start3A_221, %dma_start3A_222] : memref<256x128xf32, #tpu.memory_space<vmem>> -> memref<128x128xf32, #tpu.memory_space<vmem>>
    %dma_start3A_224 = arith.constant 0 : i32
    %dma_start3A_225 = tpu.memref_slice %arg17[%dma_start3A_220, %dma_start3A_224] : memref<2x128xi32, #tpu.memory_space<vmem>> -> memref<1x128xi32, #tpu.memory_space<vmem>>
    %dma_start3A_226 = tpu.memref_squeeze %dma_start3A_225 : memref<1x128xi32, #tpu.memory_space<vmem>> -> memref<128xi32, #tpu.memory_space<vmem>>
    %dma_start3A_227 = arith.constant 0 : i32
    %dma_start3A_228 = arith.constant 0 : i32
    %dma_start3A_229 = tpu.memref_slice %arg7[%dma_start3A_227, %dma_start3A_228] : memref<10000x128xf32, #tpu.memory_space<hbm>> -> memref<10000x128xf32, #tpu.memory_space<hbm>>
    tpu.enqueue_indirect_dma source(%dma_start3A_229 : memref<10000x128xf32, #tpu.memory_space<hbm>>) target(%dma_start3A_223 : memref<128x128xf32, #tpu.memory_space<vmem>>) offsets(%dma_start3A_226 : memref<128xi32, #tpu.memory_space<vmem>>) semaphore(%arg24 : memref<!tpu.dma_semaphore, #tpu.memory_space<semaphore_mem>>)
    %while3A = arith.constant 0 : i32
    %while3A_230 = arith.constant 0 : i32
    %while3A_231 = arith.subi %select_n3A_112, %while3A_230 : i32
    %while3A_232 = arith.addi %while3A_230, %while3A_231 : i32
    %while3A_233 = arith.constant 1 : i32
    %while3A_234 = arith.divsi %while3A_231, %while3A_233 : i32
    %while3A_235 = arith.muli %while3A_234, %while3A_233 : i32
    %while3A_236 = arith.addi %while3A_230, %while3A_235 : i32
    %while3A_237 = arith.constant 1 : i32
    scf.for %while3A_257 = %while3A_230 to %while3A_236 step %while3A_237  : i32 {
      %mul3A_258 = arith.constant 2 : i32
      %mul3A_259 = arith.muli %mul3A_258, %while3A_257 : i32
      %mul3A_260 = arith.constant 8 : i32
      %mul3A_261 = arith.muli %mul3A_259, %mul3A_260 : i32
      %add3A_262 = arith.addi %select_n3A_119, %mul3A_261 : i32
      %dma_wait3A_263 = arith.constant 0 : i32
      %dma_wait3A_264 = arith.constant 0 : i32
      %dma_wait3A_265 = arith.constant 0 : i32
      %dma_wait3A_266 = tpu.memref_slice %arg18[%dma_wait3A_264, %dma_wait3A_265] : memref<256x128xf32, #tpu.memory_space<vmem>> -> memref<128x128xf32, #tpu.memory_space<vmem>>
      %dma_wait3A_267 = arith.constant 0 : i32
      %dma_wait3A_268 = tpu.memref_slice %arg17[%dma_wait3A_263, %dma_wait3A_267] : memref<2x128xi32, #tpu.memory_space<vmem>> -> memref<1x128xi32, #tpu.memory_space<vmem>>
      %dma_wait3A_269 = tpu.memref_squeeze %dma_wait3A_268 : memref<1x128xi32, #tpu.memory_space<vmem>> -> memref<128xi32, #tpu.memory_space<vmem>>
      %dma_wait3A_270 = arith.constant 0 : i32
      %dma_wait3A_271 = arith.constant 0 : i32
      %dma_wait3A_272 = tpu.memref_slice %arg7[%dma_wait3A_270, %dma_wait3A_271] : memref<10000x128xf32, #tpu.memory_space<hbm>> -> memref<10000x128xf32, #tpu.memory_space<hbm>>
      tpu.wait_indirect_dma semaphore(%arg24 : memref<!tpu.dma_semaphore, #tpu.memory_space<semaphore_mem>>) src(%dma_wait3A_272 : memref<10000x128xf32, #tpu.memory_space<hbm>>) dst(%dma_wait3A_266 : memref<128x128xf32, #tpu.memory_space<vmem>>)
      %dma_wait3A_273 = arith.constant 1 : i32
      %dma_wait3A_274 = arith.constant 128 : i32
      %dma_wait3A_275 = arith.constant 0 : i32
      %dma_wait3A_276 = tpu.memref_slice %arg18[%dma_wait3A_274, %dma_wait3A_275] : memref<256x128xf32, #tpu.memory_space<vmem>> -> memref<128x128xf32, #tpu.memory_space<vmem>>
      %dma_wait3A_277 = arith.constant 0 : i32
      %dma_wait3A_278 = tpu.memref_slice %arg17[%dma_wait3A_273, %dma_wait3A_277] : memref<2x128xi32, #tpu.memory_space<vmem>> -> memref<1x128xi32, #tpu.memory_space<vmem>>
      %dma_wait3A_279 = tpu.memref_squeeze %dma_wait3A_278 : memref<1x128xi32, #tpu.memory_space<vmem>> -> memref<128xi32, #tpu.memory_space<vmem>>
      %dma_wait3A_280 = arith.constant 0 : i32
      %dma_wait3A_281 = arith.constant 0 : i32
      %dma_wait3A_282 = tpu.memref_slice %arg7[%dma_wait3A_280, %dma_wait3A_281] : memref<10000x128xf32, #tpu.memory_space<hbm>> -> memref<10000x128xf32, #tpu.memory_space<hbm>>
      tpu.wait_indirect_dma semaphore(%arg24 : memref<!tpu.dma_semaphore, #tpu.memory_space<semaphore_mem>>) src(%dma_wait3A_282 : memref<10000x128xf32, #tpu.memory_space<hbm>>) dst(%dma_wait3A_276 : memref<128x128xf32, #tpu.memory_space<vmem>>)
      %add3A_283 = arith.constant 1 : i32
      %add3A_284 = arith.addi %mul3A_259, %add3A_283 : i32
      %lt3A = arith.cmpi slt, %add3A_284, %select_n3A : i32
      %convert_element_type3A = arith.extui %lt3A : i1 to i32
      %cond3A = arith.constant 0 : i32
      %cond3A_285 = arith.cmpi ne, %convert_element_type3A, %cond3A : i32
      scf.if %cond3A_285 {
        %add3A_371 = arith.constant 8 : i32
        %add3A_372 = arith.addi %add3A_262, %add3A_371 : i32
        %mul3A_373 = arith.constant 32 : i32
        %mul3A_374 = arith.muli %add3A_372, %mul3A_373 : i32
        %add3A_375 = arith.constant 128 : i32
        %add3A_376 = arith.addi %mul3A_374, %add3A_375 : i32
        %dma_wait3A_377 = arith.constant 0 : i32
        %dma_wait3A_378 = arith.constant 0 : i32
        %dma_wait3A_379 = tpu.memref_slice %arg26[%dma_wait3A_377, %dma_wait3A_378] : memref<2x128xi32, #tpu.memory_space<vmem>> -> memref<1x128xi32, #tpu.memory_space<vmem>>
        %dma_wait3A_380 = tpu.memref_squeeze %dma_wait3A_379 : memref<1x128xi32, #tpu.memory_space<vmem>> -> memref<128xi32, #tpu.memory_space<vmem>>
        %dma_wait3A_381 = tpu.memref_slice %arg2[%mul3A_374] : memref<327680xi32, #tpu.memory_space<hbm>> -> memref<128xi32, #tpu.memory_space<hbm>>
        %dma_wait3A_382 = arith.constant 0 : i32
        %dma_wait3A_383 = tpu.memref_slice %arg26[%dma_wait3A_377, %dma_wait3A_382] : memref<2x128xi32, #tpu.memory_space<vmem>> -> memref<1x128xi32, #tpu.memory_space<vmem>>
        %dma_wait3A_384 = tpu.memref_squeeze %dma_wait3A_383 : memref<1x128xi32, #tpu.memory_space<vmem>> -> memref<128xi32, #tpu.memory_space<vmem>>
        %dma_wait3A_385 = tpu.memref_slice %arg2[%mul3A_374] : memref<327680xi32, #tpu.memory_space<hbm>> -> memref<128xi32, #tpu.memory_space<hbm>>
        tpu.wait_dma2 semaphore(%arg32 : memref<!tpu.dma_semaphore, #tpu.memory_space<semaphore_mem>>) src(%dma_wait3A_385 : memref<128xi32, #tpu.memory_space<hbm>>) dst(%dma_wait3A_384 : memref<128xi32, #tpu.memory_space<vmem>>)
        %dma_wait3A_386 = arith.constant 1 : i32
        %dma_wait3A_387 = arith.constant 0 : i32
        %dma_wait3A_388 = tpu.memref_slice %arg26[%dma_wait3A_386, %dma_wait3A_387] : memref<2x128xi32, #tpu.memory_space<vmem>> -> memref<1x128xi32, #tpu.memory_space<vmem>>
        %dma_wait3A_389 = tpu.memref_squeeze %dma_wait3A_388 : memref<1x128xi32, #tpu.memory_space<vmem>> -> memref<128xi32, #tpu.memory_space<vmem>>
        %dma_wait3A_390 = tpu.memref_slice %arg2[%add3A_376] : memref<327680xi32, #tpu.memory_space<hbm>> -> memref<128xi32, #tpu.memory_space<hbm>>
        %dma_wait3A_391 = arith.constant 0 : i32
        %dma_wait3A_392 = tpu.memref_slice %arg26[%dma_wait3A_386, %dma_wait3A_391] : memref<2x128xi32, #tpu.memory_space<vmem>> -> memref<1x128xi32, #tpu.memory_space<vmem>>
        %dma_wait3A_393 = tpu.memref_squeeze %dma_wait3A_392 : memref<1x128xi32, #tpu.memory_space<vmem>> -> memref<128xi32, #tpu.memory_space<vmem>>
        %dma_wait3A_394 = tpu.memref_slice %arg2[%add3A_376] : memref<327680xi32, #tpu.memory_space<hbm>> -> memref<128xi32, #tpu.memory_space<hbm>>
        tpu.wait_dma2 semaphore(%arg32 : memref<!tpu.dma_semaphore, #tpu.memory_space<semaphore_mem>>) src(%dma_wait3A_394 : memref<128xi32, #tpu.memory_space<hbm>>) dst(%dma_wait3A_393 : memref<128xi32, #tpu.memory_space<vmem>>)
        %dma_wait3A_395 = arith.constant 0 : i32
        %dma_wait3A_396 = tpu.memref_slice %arg8[%add3A_372, %dma_wait3A_395] : memref<10240x256xf32, #tpu.memory_space<hbm>> -> memref<8x256xf32, #tpu.memory_space<hbm>>
        %dma_wait3A_397 = arith.constant 0 : i32
        %dma_wait3A_398 = tpu.memref_slice %arg8[%add3A_372, %dma_wait3A_397] : memref<10240x256xf32, #tpu.memory_space<hbm>> -> memref<8x256xf32, #tpu.memory_space<hbm>>
        tpu.wait_dma2 semaphore(%arg32 : memref<!tpu.dma_semaphore, #tpu.memory_space<semaphore_mem>>) src(%dma_wait3A_398 : memref<8x256xf32, #tpu.memory_space<hbm>>) dst(%arg28 : memref<8x256xf32, #tpu.memory_space<vmem>>)
        %dma_wait3A_399 = arith.constant 0 : i32
        %dma_wait3A_400 = tpu.memref_slice %arg3[%add3A_372, %dma_wait3A_399] : memref<10240x16xf32, #tpu.memory_space<hbm>> -> memref<8x16xf32, #tpu.memory_space<hbm>>
        %dma_wait3A_401 = arith.constant 0 : i32
        %dma_wait3A_402 = tpu.memref_slice %arg3[%add3A_372, %dma_wait3A_401] : memref<10240x16xf32, #tpu.memory_space<hbm>> -> memref<8x16xf32, #tpu.memory_space<hbm>>
        tpu.wait_dma2 semaphore(%arg32 : memref<!tpu.dma_semaphore, #tpu.memory_space<semaphore_mem>>) src(%dma_wait3A_402 : memref<8x16xf32, #tpu.memory_space<hbm>>) dst(%arg29 : memref<8x16xf32, #tpu.memory_space<vmem>>)
        %dma_start3A_403 = arith.constant 0 : i32
        %dma_start3A_404 = arith.constant 0 : i32
        %dma_start3A_405 = arith.constant 0 : i32
        %dma_start3A_406 = tpu.memref_slice %arg27[%dma_start3A_404, %dma_start3A_405] : memref<256x128xf32, #tpu.memory_space<vmem>> -> memref<128x128xf32, #tpu.memory_space<vmem>>
        %dma_start3A_407 = arith.constant 0 : i32
        %dma_start3A_408 = tpu.memref_slice %arg26[%dma_start3A_403, %dma_start3A_407] : memref<2x128xi32, #tpu.memory_space<vmem>> -> memref<1x128xi32, #tpu.memory_space<vmem>>
        %dma_start3A_409 = tpu.memref_squeeze %dma_start3A_408 : memref<1x128xi32, #tpu.memory_space<vmem>> -> memref<128xi32, #tpu.memory_space<vmem>>
        %dma_start3A_410 = arith.constant 0 : i32
        %dma_start3A_411 = arith.constant 0 : i32
        %dma_start3A_412 = tpu.memref_slice %arg7[%dma_start3A_410, %dma_start3A_411] : memref<10000x128xf32, #tpu.memory_space<hbm>> -> memref<10000x128xf32, #tpu.memory_space<hbm>>
        tpu.enqueue_indirect_dma source(%dma_start3A_412 : memref<10000x128xf32, #tpu.memory_space<hbm>>) target(%dma_start3A_406 : memref<128x128xf32, #tpu.memory_space<vmem>>) offsets(%dma_start3A_409 : memref<128xi32, #tpu.memory_space<vmem>>) semaphore(%arg33 : memref<!tpu.dma_semaphore, #tpu.memory_space<semaphore_mem>>)
        %dma_start3A_413 = arith.constant 1 : i32
        %dma_start3A_414 = arith.constant 128 : i32
        %dma_start3A_415 = arith.constant 0 : i32
        %dma_start3A_416 = tpu.memref_slice %arg27[%dma_start3A_414, %dma_start3A_415] : memref<256x128xf32, #tpu.memory_space<vmem>> -> memref<128x128xf32, #tpu.memory_space<vmem>>
        %dma_start3A_417 = arith.constant 0 : i32
        %dma_start3A_418 = tpu.memref_slice %arg26[%dma_start3A_413, %dma_start3A_417] : memref<2x128xi32, #tpu.memory_space<vmem>> -> memref<1x128xi32, #tpu.memory_space<vmem>>
        %dma_start3A_419 = tpu.memref_squeeze %dma_start3A_418 : memref<1x128xi32, #tpu.memory_space<vmem>> -> memref<128xi32, #tpu.memory_space<vmem>>
        %dma_start3A_420 = arith.constant 0 : i32
        %dma_start3A_421 = arith.constant 0 : i32
        %dma_start3A_422 = tpu.memref_slice %arg7[%dma_start3A_420, %dma_start3A_421] : memref<10000x128xf32, #tpu.memory_space<hbm>> -> memref<10000x128xf32, #tpu.memory_space<hbm>>
        tpu.enqueue_indirect_dma source(%dma_start3A_422 : memref<10000x128xf32, #tpu.memory_space<hbm>>) target(%dma_start3A_416 : memref<128x128xf32, #tpu.memory_space<vmem>>) offsets(%dma_start3A_419 : memref<128xi32, #tpu.memory_space<vmem>>) semaphore(%arg33 : memref<!tpu.dma_semaphore, #tpu.memory_space<semaphore_mem>>)
      } else {
      }
      %ge3A = arith.constant 2 : i32
      %ge3A_286 = arith.cmpi sge, %mul3A_259, %ge3A : i32
      %convert_element_type3A_287 = arith.extui %ge3A_286 : i1 to i32
      %cond3A_288 = arith.constant 0 : i32
      %cond3A_289 = arith.cmpi ne, %convert_element_type3A_287, %cond3A_288 : i32
      scf.if %cond3A_289 {
        %dma_wait3A_371 = arith.constant 0 : i32
        %dma_wait3A_372 = tpu.memref_slice %arg11[%add3A_262, %dma_wait3A_371] : memref<10240x128xf32, #tpu.memory_space<hbm>> -> memref<8x128xf32, #tpu.memory_space<hbm>>
        %dma_wait3A_373 = arith.constant 0 : i32
        %dma_wait3A_374 = tpu.memref_slice %arg11[%add3A_262, %dma_wait3A_373] : memref<10240x128xf32, #tpu.memory_space<hbm>> -> memref<8x128xf32, #tpu.memory_space<hbm>>
        tpu.wait_dma2 semaphore(%arg25 : memref<!tpu.dma_semaphore, #tpu.memory_space<semaphore_mem>>) src(%arg22 : memref<8x128xf32, #tpu.memory_space<vmem>>) dst(%dma_wait3A_374 : memref<8x128xf32, #tpu.memory_space<hbm>>)
      } else {
      }
      %scan3A = arith.constant 0 : i32
      %scan3A_290 = arith.constant 0 : i32
      %scan3A_291 = arith.constant 16 : i32
      %scan3A_292 = arith.addi %scan3A_290, %scan3A_291 : i32
      %scan3A_293 = arith.constant 1 : i32
      scf.for %scan3A_371 = %scan3A_290 to %scan3A_292 step %scan3A_293  : i32 {
        %shift_right_arithmetic3A = arith.constant 3 : i32
        %shift_right_arithmetic3A_372 = arith.shrsi %scan3A_371, %shift_right_arithmetic3A : i32
        %and3A_373 = arith.constant 7 : i32
        %and3A_374 = arith.andi %scan3A_371, %and3A_373 : i32
        %mul3A_375 = arith.constant 16 : i32
        %mul3A_376 = arith.muli %and3A_374, %mul3A_375 : i32
        %get3A_377 = arith.index_cast %shift_right_arithmetic3A_372 : i32 to index
        %get3A_378 = arith.index_cast %mul3A_376 : i32 to index
        %get3A_379 = tpu.vector_load %arg17[%get3A_377, %get3A_378] {strides = array<i32>} : memref<2x128xi32, #tpu.memory_space<vmem>>, vector<16xi32>,
        %gather3A = tpu.vector_load_idx %arg12[%get3A_379] : memref<10000xf32, #tpu.memory_space<vmem>>[vector<16xi32>], vector<16xf32>,
        %gather3A_380 = tpu.vector_load_idx %arg13[%get3A_379] : memref<10000xf32, #tpu.memory_space<vmem>>[vector<16xi32>], vector<16xf32>,
        %gather3A_381 = tpu.vector_load_idx %arg14[%get3A_379] : memref<10000xf32, #tpu.memory_space<vmem>>[vector<16xi32>], vector<16xf32>,
        %shift_right_arithmetic3A_382 = arith.constant 1 : i32
        %shift_right_arithmetic3A_383 = arith.shrsi %scan3A_371, %shift_right_arithmetic3A_382 : i32
        %get3A_384 = arith.index_cast %shift_right_arithmetic3A_383 : i32 to index
        %get3A_385 = arith.constant 0 : index
        %get3A_386 = tpu.vector_load %arg20[%get3A_384, %get3A_385] {strides = array<i32>} : memref<8x16xf32, #tpu.memory_space<vmem>>, vector<16xf32>,
        %slice3A_387 = vector.extract_strided_slice %get3A_386 {offsets = [0], sizes = [1], strides = [1]} : vector<16xf32> to vector<1xf32>
        %squeeze3A_388 = vector.extract %slice3A_387[0] : f32 from vector<1xf32>
        %sub3A_389 = vector.broadcast %squeeze3A_388 : f32 to vector<16xf32>
        %sub3A_390 = arith.subf %gather3A, %sub3A_389 : vector<16xf32>
        %slice3A_391 = vector.extract_strided_slice %get3A_386 {offsets = [1], sizes = [1], strides = [1]} : vector<16xf32> to vector<1xf32>
        %squeeze3A_392 = vector.extract %slice3A_391[0] : f32 from vector<1xf32>
        %sub3A_393 = vector.broadcast %squeeze3A_392 : f32 to vector<16xf32>
        %sub3A_394 = arith.subf %gather3A_380, %sub3A_393 : vector<16xf32>
        %slice3A_395 = vector.extract_strided_slice %get3A_386 {offsets = [2], sizes = [1], strides = [1]} : vector<16xf32> to vector<1xf32>
        %squeeze3A_396 = vector.extract %slice3A_395[0] : f32 from vector<1xf32>
        %sub3A_397 = vector.broadcast %squeeze3A_396 : f32 to vector<16xf32>
        %sub3A_398 = arith.subf %gather3A_381, %sub3A_397 : vector<16xf32>
        %broadcast_in_dim3A = arith.constant 1.000000e+30 : f32
        %broadcast_in_dim3A_399 = vector.broadcast %broadcast_in_dim3A : f32 to vector<16xf32>
        %broadcast_in_dim3A_400 = arith.constant 0 : i32
        %broadcast_in_dim3A_401 = vector.broadcast %broadcast_in_dim3A_400 : i32 to vector<16xi32>
        %sub3A_402 = vector.broadcast %squeeze3A : f32 to vector<16xf32>
        %sub3A_403 = arith.subf %sub3A_390, %sub3A_402 : vector<16xf32>
        %sub3A_404 = vector.broadcast %squeeze3A_34 : f32 to vector<16xf32>
        %sub3A_405 = arith.subf %sub3A_394, %sub3A_404 : vector<16xf32>
        %sub3A_406 = vector.broadcast %squeeze3A_64 : f32 to vector<16xf32>
        %sub3A_407 = arith.subf %sub3A_398, %sub3A_406 : vector<16xf32>
        %mul3A_408 = arith.mulf %sub3A_403, %sub3A_403 : vector<16xf32>
        %mul3A_409 = arith.mulf %sub3A_405, %sub3A_405 : vector<16xf32>
        %add3A_410 = arith.addf %mul3A_408, %mul3A_409 : vector<16xf32>
        %mul3A_411 = arith.mulf %sub3A_407, %sub3A_407 : vector<16xf32>
        %add3A_412 = arith.addf %add3A_410, %mul3A_411 : vector<16xf32>
        %lt3A_413 = arith.cmpf olt, %add3A_412, %broadcast_in_dim3A_399 : vector<16xf32>
        %select_n3A_414 = arith.select %lt3A_413, %add3A_412, %broadcast_in_dim3A_399 : vector<16xi1>, vector<16xf32>
        %jit3A_415 = arith.constant 0 : i32
        %broadcast_in_dim3A_416 = vector.broadcast %jit3A_415 : i32 to vector<16xi32>
        %select_n3A_417 = arith.select %lt3A_413, %broadcast_in_dim3A_416, %broadcast_in_dim3A_401 : vector<16xi1>, vector<16xi32>
        %sub3A_418 = vector.broadcast %squeeze3A_6 : f32 to vector<16xf32>
        %sub3A_419 = arith.subf %sub3A_390, %sub3A_418 : vector<16xf32>
        %sub3A_420 = vector.broadcast %squeeze3A_36 : f32 to vector<16xf32>
        %sub3A_421 = arith.subf %sub3A_394, %sub3A_420 : vector<16xf32>
        %sub3A_422 = vector.broadcast %squeeze3A_66 : f32 to vector<16xf32>
        %sub3A_423 = arith.subf %sub3A_398, %sub3A_422 : vector<16xf32>
        %mul3A_424 = arith.mulf %sub3A_419, %sub3A_419 : vector<16xf32>
        %mul3A_425 = arith.mulf %sub3A_421, %sub3A_421 : vector<16xf32>
        %add3A_426 = arith.addf %mul3A_424, %mul3A_425 : vector<16xf32>
        %mul3A_427 = arith.mulf %sub3A_423, %sub3A_423 : vector<16xf32>
        %add3A_428 = arith.addf %add3A_426, %mul3A_427 : vector<16xf32>
        %lt3A_429 = arith.cmpf olt, %add3A_428, %select_n3A_414 : vector<16xf32>
        %select_n3A_430 = arith.select %lt3A_429, %add3A_428, %select_n3A_414 : vector<16xi1>, vector<16xf32>
        %jit3A_431 = arith.constant 1 : i32
        %broadcast_in_dim3A_432 = vector.broadcast %jit3A_431 : i32 to vector<16xi32>
        %select_n3A_433 = arith.select %lt3A_429, %broadcast_in_dim3A_432, %select_n3A_417 : vector<16xi1>, vector<16xi32>
        %sub3A_434 = vector.broadcast %squeeze3A_8 : f32 to vector<16xf32>
        %sub3A_435 = arith.subf %sub3A_390, %sub3A_434 : vector<16xf32>
        %sub3A_436 = vector.broadcast %squeeze3A_38 : f32 to vector<16xf32>
        %sub3A_437 = arith.subf %sub3A_394, %sub3A_436 : vector<16xf32>
        %sub3A_438 = vector.broadcast %squeeze3A_68 : f32 to vector<16xf32>
        %sub3A_439 = arith.subf %sub3A_398, %sub3A_438 : vector<16xf32>
        %mul3A_440 = arith.mulf %sub3A_435, %sub3A_435 : vector<16xf32>
        %mul3A_441 = arith.mulf %sub3A_437, %sub3A_437 : vector<16xf32>
        %add3A_442 = arith.addf %mul3A_440, %mul3A_441 : vector<16xf32>
        %mul3A_443 = arith.mulf %sub3A_439, %sub3A_439 : vector<16xf32>
        %add3A_444 = arith.addf %add3A_442, %mul3A_443 : vector<16xf32>
        %lt3A_445 = arith.cmpf olt, %add3A_444, %select_n3A_430 : vector<16xf32>
        %select_n3A_446 = arith.select %lt3A_445, %add3A_444, %select_n3A_430 : vector<16xi1>, vector<16xf32>
        %jit3A_447 = arith.constant 2 : i32
        %broadcast_in_dim3A_448 = vector.broadcast %jit3A_447 : i32 to vector<16xi32>
        %select_n3A_449 = arith.select %lt3A_445, %broadcast_in_dim3A_448, %select_n3A_433 : vector<16xi1>, vector<16xi32>
        %sub3A_450 = vector.broadcast %squeeze3A_10 : f32 to vector<16xf32>
        %sub3A_451 = arith.subf %sub3A_390, %sub3A_450 : vector<16xf32>
        %sub3A_452 = vector.broadcast %squeeze3A_40 : f32 to vector<16xf32>
        %sub3A_453 = arith.subf %sub3A_394, %sub3A_452 : vector<16xf32>
        %sub3A_454 = vector.broadcast %squeeze3A_70 : f32 to vector<16xf32>
        %sub3A_455 = arith.subf %sub3A_398, %sub3A_454 : vector<16xf32>
        %mul3A_456 = arith.mulf %sub3A_451, %sub3A_451 : vector<16xf32>
        %mul3A_457 = arith.mulf %sub3A_453, %sub3A_453 : vector<16xf32>
        %add3A_458 = arith.addf %mul3A_456, %mul3A_457 : vector<16xf32>
        %mul3A_459 = arith.mulf %sub3A_455, %sub3A_455 : vector<16xf32>
        %add3A_460 = arith.addf %add3A_458, %mul3A_459 : vector<16xf32>
        %lt3A_461 = arith.cmpf olt, %add3A_460, %select_n3A_446 : vector<16xf32>
        %select_n3A_462 = arith.select %lt3A_461, %add3A_460, %select_n3A_446 : vector<16xi1>, vector<16xf32>
        %jit3A_463 = arith.constant 3 : i32
        %broadcast_in_dim3A_464 = vector.broadcast %jit3A_463 : i32 to vector<16xi32>
        %select_n3A_465 = arith.select %lt3A_461, %broadcast_in_dim3A_464, %select_n3A_449 : vector<16xi1>, vector<16xi32>
        %sub3A_466 = vector.broadcast %squeeze3A_12 : f32 to vector<16xf32>
        %sub3A_467 = arith.subf %sub3A_390, %sub3A_466 : vector<16xf32>
        %sub3A_468 = vector.broadcast %squeeze3A_42 : f32 to vector<16xf32>
        %sub3A_469 = arith.subf %sub3A_394, %sub3A_468 : vector<16xf32>
        %sub3A_470 = vector.broadcast %squeeze3A_72 : f32 to vector<16xf32>
        %sub3A_471 = arith.subf %sub3A_398, %sub3A_470 : vector<16xf32>
        %mul3A_472 = arith.mulf %sub3A_467, %sub3A_467 : vector<16xf32>
        %mul3A_473 = arith.mulf %sub3A_469, %sub3A_469 : vector<16xf32>
        %add3A_474 = arith.addf %mul3A_472, %mul3A_473 : vector<16xf32>
        %mul3A_475 = arith.mulf %sub3A_471, %sub3A_471 : vector<16xf32>
        %add3A_476 = arith.addf %add3A_474, %mul3A_475 : vector<16xf32>
        %lt3A_477 = arith.cmpf olt, %add3A_476, %select_n3A_462 : vector<16xf32>
        %select_n3A_478 = arith.select %lt3A_477, %add3A_476, %select_n3A_462 : vector<16xi1>, vector<16xf32>
        %jit3A_479 = arith.constant 4 : i32
        %broadcast_in_dim3A_480 = vector.broadcast %jit3A_479 : i32 to vector<16xi32>
        %select_n3A_481 = arith.select %lt3A_477, %broadcast_in_dim3A_480, %select_n3A_465 : vector<16xi1>, vector<16xi32>
        %sub3A_482 = vector.broadcast %squeeze3A_14 : f32 to vector<16xf32>
        %sub3A_483 = arith.subf %sub3A_390, %sub3A_482 : vector<16xf32>
        %sub3A_484 = vector.broadcast %squeeze3A_44 : f32 to vector<16xf32>
        %sub3A_485 = arith.subf %sub3A_394, %sub3A_484 : vector<16xf32>
        %sub3A_486 = vector.broadcast %squeeze3A_74 : f32 to vector<16xf32>
        %sub3A_487 = arith.subf %sub3A_398, %sub3A_486 : vector<16xf32>
        %mul3A_488 = arith.mulf %sub3A_483, %sub3A_483 : vector<16xf32>
        %mul3A_489 = arith.mulf %sub3A_485, %sub3A_485 : vector<16xf32>
        %add3A_490 = arith.addf %mul3A_488, %mul3A_489 : vector<16xf32>
        %mul3A_491 = arith.mulf %sub3A_487, %sub3A_487 : vector<16xf32>
        %add3A_492 = arith.addf %add3A_490, %mul3A_491 : vector<16xf32>
        %lt3A_493 = arith.cmpf olt, %add3A_492, %select_n3A_478 : vector<16xf32>
        %select_n3A_494 = arith.select %lt3A_493, %add3A_492, %select_n3A_478 : vector<16xi1>, vector<16xf32>
        %jit3A_495 = arith.constant 5 : i32
        %broadcast_in_dim3A_496 = vector.broadcast %jit3A_495 : i32 to vector<16xi32>
        %select_n3A_497 = arith.select %lt3A_493, %broadcast_in_dim3A_496, %select_n3A_481 : vector<16xi1>, vector<16xi32>
        %sub3A_498 = vector.broadcast %squeeze3A_16 : f32 to vector<16xf32>
        %sub3A_499 = arith.subf %sub3A_390, %sub3A_498 : vector<16xf32>
        %sub3A_500 = vector.broadcast %squeeze3A_46 : f32 to vector<16xf32>
        %sub3A_501 = arith.subf %sub3A_394, %sub3A_500 : vector<16xf32>
        %sub3A_502 = vector.broadcast %squeeze3A_76 : f32 to vector<16xf32>
        %sub3A_503 = arith.subf %sub3A_398, %sub3A_502 : vector<16xf32>
        %mul3A_504 = arith.mulf %sub3A_499, %sub3A_499 : vector<16xf32>
        %mul3A_505 = arith.mulf %sub3A_501, %sub3A_501 : vector<16xf32>
        %add3A_506 = arith.addf %mul3A_504, %mul3A_505 : vector<16xf32>
        %mul3A_507 = arith.mulf %sub3A_503, %sub3A_503 : vector<16xf32>
        %add3A_508 = arith.addf %add3A_506, %mul3A_507 : vector<16xf32>
        %lt3A_509 = arith.cmpf olt, %add3A_508, %select_n3A_494 : vector<16xf32>
        %select_n3A_510 = arith.select %lt3A_509, %add3A_508, %select_n3A_494 : vector<16xi1>, vector<16xf32>
        %jit3A_511 = arith.constant 6 : i32
        %broadcast_in_dim3A_512 = vector.broadcast %jit3A_511 : i32 to vector<16xi32>
        %select_n3A_513 = arith.select %lt3A_509, %broadcast_in_dim3A_512, %select_n3A_497 : vector<16xi1>, vector<16xi32>
        %sub3A_514 = vector.broadcast %squeeze3A_18 : f32 to vector<16xf32>
        %sub3A_515 = arith.subf %sub3A_390, %sub3A_514 : vector<16xf32>
        %sub3A_516 = vector.broadcast %squeeze3A_48 : f32 to vector<16xf32>
        %sub3A_517 = arith.subf %sub3A_394, %sub3A_516 : vector<16xf32>
        %sub3A_518 = vector.broadcast %squeeze3A_78 : f32 to vector<16xf32>
        %sub3A_519 = arith.subf %sub3A_398, %sub3A_518 : vector<16xf32>
        %mul3A_520 = arith.mulf %sub3A_515, %sub3A_515 : vector<16xf32>
        %mul3A_521 = arith.mulf %sub3A_517, %sub3A_517 : vector<16xf32>
        %add3A_522 = arith.addf %mul3A_520, %mul3A_521 : vector<16xf32>
        %mul3A_523 = arith.mulf %sub3A_519, %sub3A_519 : vector<16xf32>
        %add3A_524 = arith.addf %add3A_522, %mul3A_523 : vector<16xf32>
        %lt3A_525 = arith.cmpf olt, %add3A_524, %select_n3A_510 : vector<16xf32>
        %select_n3A_526 = arith.select %lt3A_525, %add3A_524, %select_n3A_510 : vector<16xi1>, vector<16xf32>
        %jit3A_527 = arith.constant 7 : i32
        %broadcast_in_dim3A_528 = vector.broadcast %jit3A_527 : i32 to vector<16xi32>
        %select_n3A_529 = arith.select %lt3A_525, %broadcast_in_dim3A_528, %select_n3A_513 : vector<16xi1>, vector<16xi32>
        %sub3A_530 = vector.broadcast %squeeze3A_20 : f32 to vector<16xf32>
        %sub3A_531 = arith.subf %sub3A_390, %sub3A_530 : vector<16xf32>
        %sub3A_532 = vector.broadcast %squeeze3A_50 : f32 to vector<16xf32>
        %sub3A_533 = arith.subf %sub3A_394, %sub3A_532 : vector<16xf32>
        %sub3A_534 = vector.broadcast %squeeze3A_80 : f32 to vector<16xf32>
        %sub3A_535 = arith.subf %sub3A_398, %sub3A_534 : vector<16xf32>
        %mul3A_536 = arith.mulf %sub3A_531, %sub3A_531 : vector<16xf32>
        %mul3A_537 = arith.mulf %sub3A_533, %sub3A_533 : vector<16xf32>
        %add3A_538 = arith.addf %mul3A_536, %mul3A_537 : vector<16xf32>
        %mul3A_539 = arith.mulf %sub3A_535, %sub3A_535 : vector<16xf32>
        %add3A_540 = arith.addf %add3A_538, %mul3A_539 : vector<16xf32>
        %lt3A_541 = arith.cmpf olt, %add3A_540, %select_n3A_526 : vector<16xf32>
        %select_n3A_542 = arith.select %lt3A_541, %add3A_540, %select_n3A_526 : vector<16xi1>, vector<16xf32>
        %jit3A_543 = arith.constant 8 : i32
        %broadcast_in_dim3A_544 = vector.broadcast %jit3A_543 : i32 to vector<16xi32>
        %select_n3A_545 = arith.select %lt3A_541, %broadcast_in_dim3A_544, %select_n3A_529 : vector<16xi1>, vector<16xi32>
        %sub3A_546 = vector.broadcast %squeeze3A_22 : f32 to vector<16xf32>
        %sub3A_547 = arith.subf %sub3A_390, %sub3A_546 : vector<16xf32>
        %sub3A_548 = vector.broadcast %squeeze3A_52 : f32 to vector<16xf32>
        %sub3A_549 = arith.subf %sub3A_394, %sub3A_548 : vector<16xf32>
        %sub3A_550 = vector.broadcast %squeeze3A_82 : f32 to vector<16xf32>
        %sub3A_551 = arith.subf %sub3A_398, %sub3A_550 : vector<16xf32>
        %mul3A_552 = arith.mulf %sub3A_547, %sub3A_547 : vector<16xf32>
        %mul3A_553 = arith.mulf %sub3A_549, %sub3A_549 : vector<16xf32>
        %add3A_554 = arith.addf %mul3A_552, %mul3A_553 : vector<16xf32>
        %mul3A_555 = arith.mulf %sub3A_551, %sub3A_551 : vector<16xf32>
        %add3A_556 = arith.addf %add3A_554, %mul3A_555 : vector<16xf32>
        %lt3A_557 = arith.cmpf olt, %add3A_556, %select_n3A_542 : vector<16xf32>
        %select_n3A_558 = arith.select %lt3A_557, %add3A_556, %select_n3A_542 : vector<16xi1>, vector<16xf32>
        %jit3A_559 = arith.constant 9 : i32
        %broadcast_in_dim3A_560 = vector.broadcast %jit3A_559 : i32 to vector<16xi32>
        %select_n3A_561 = arith.select %lt3A_557, %broadcast_in_dim3A_560, %select_n3A_545 : vector<16xi1>, vector<16xi32>
        %sub3A_562 = vector.broadcast %squeeze3A_24 : f32 to vector<16xf32>
        %sub3A_563 = arith.subf %sub3A_390, %sub3A_562 : vector<16xf32>
        %sub3A_564 = vector.broadcast %squeeze3A_54 : f32 to vector<16xf32>
        %sub3A_565 = arith.subf %sub3A_394, %sub3A_564 : vector<16xf32>
        %sub3A_566 = vector.broadcast %squeeze3A_84 : f32 to vector<16xf32>
        %sub3A_567 = arith.subf %sub3A_398, %sub3A_566 : vector<16xf32>
        %mul3A_568 = arith.mulf %sub3A_563, %sub3A_563 : vector<16xf32>
        %mul3A_569 = arith.mulf %sub3A_565, %sub3A_565 : vector<16xf32>
        %add3A_570 = arith.addf %mul3A_568, %mul3A_569 : vector<16xf32>
        %mul3A_571 = arith.mulf %sub3A_567, %sub3A_567 : vector<16xf32>
        %add3A_572 = arith.addf %add3A_570, %mul3A_571 : vector<16xf32>
        %lt3A_573 = arith.cmpf olt, %add3A_572, %select_n3A_558 : vector<16xf32>
        %select_n3A_574 = arith.select %lt3A_573, %add3A_572, %select_n3A_558 : vector<16xi1>, vector<16xf32>
        %jit3A_575 = arith.constant 10 : i32
        %broadcast_in_dim3A_576 = vector.broadcast %jit3A_575 : i32 to vector<16xi32>
        %select_n3A_577 = arith.select %lt3A_573, %broadcast_in_dim3A_576, %select_n3A_561 : vector<16xi1>, vector<16xi32>
        %sub3A_578 = vector.broadcast %squeeze3A_26 : f32 to vector<16xf32>
        %sub3A_579 = arith.subf %sub3A_390, %sub3A_578 : vector<16xf32>
        %sub3A_580 = vector.broadcast %squeeze3A_56 : f32 to vector<16xf32>
        %sub3A_581 = arith.subf %sub3A_394, %sub3A_580 : vector<16xf32>
        %sub3A_582 = vector.broadcast %squeeze3A_86 : f32 to vector<16xf32>
        %sub3A_583 = arith.subf %sub3A_398, %sub3A_582 : vector<16xf32>
        %mul3A_584 = arith.mulf %sub3A_579, %sub3A_579 : vector<16xf32>
        %mul3A_585 = arith.mulf %sub3A_581, %sub3A_581 : vector<16xf32>
        %add3A_586 = arith.addf %mul3A_584, %mul3A_585 : vector<16xf32>
        %mul3A_587 = arith.mulf %sub3A_583, %sub3A_583 : vector<16xf32>
        %add3A_588 = arith.addf %add3A_586, %mul3A_587 : vector<16xf32>
        %lt3A_589 = arith.cmpf olt, %add3A_588, %select_n3A_574 : vector<16xf32>
        %select_n3A_590 = arith.select %lt3A_589, %add3A_588, %select_n3A_574 : vector<16xi1>, vector<16xf32>
        %jit3A_591 = arith.constant 11 : i32
        %broadcast_in_dim3A_592 = vector.broadcast %jit3A_591 : i32 to vector<16xi32>
        %select_n3A_593 = arith.select %lt3A_589, %broadcast_in_dim3A_592, %select_n3A_577 : vector<16xi1>, vector<16xi32>
        %sub3A_594 = vector.broadcast %squeeze3A_28 : f32 to vector<16xf32>
        %sub3A_595 = arith.subf %sub3A_390, %sub3A_594 : vector<16xf32>
        %sub3A_596 = vector.broadcast %squeeze3A_58 : f32 to vector<16xf32>
        %sub3A_597 = arith.subf %sub3A_394, %sub3A_596 : vector<16xf32>
        %sub3A_598 = vector.broadcast %squeeze3A_88 : f32 to vector<16xf32>
        %sub3A_599 = arith.subf %sub3A_398, %sub3A_598 : vector<16xf32>
        %mul3A_600 = arith.mulf %sub3A_595, %sub3A_595 : vector<16xf32>
        %mul3A_601 = arith.mulf %sub3A_597, %sub3A_597 : vector<16xf32>
        %add3A_602 = arith.addf %mul3A_600, %mul3A_601 : vector<16xf32>
        %mul3A_603 = arith.mulf %sub3A_599, %sub3A_599 : vector<16xf32>
        %add3A_604 = arith.addf %add3A_602, %mul3A_603 : vector<16xf32>
        %lt3A_605 = arith.cmpf olt, %add3A_604, %select_n3A_590 : vector<16xf32>
        %select_n3A_606 = arith.select %lt3A_605, %add3A_604, %select_n3A_590 : vector<16xi1>, vector<16xf32>
        %jit3A_607 = arith.constant 12 : i32
        %broadcast_in_dim3A_608 = vector.broadcast %jit3A_607 : i32 to vector<16xi32>
        %select_n3A_609 = arith.select %lt3A_605, %broadcast_in_dim3A_608, %select_n3A_593 : vector<16xi1>, vector<16xi32>
        %sub3A_610 = vector.broadcast %squeeze3A_30 : f32 to vector<16xf32>
        %sub3A_611 = arith.subf %sub3A_390, %sub3A_610 : vector<16xf32>
        %sub3A_612 = vector.broadcast %squeeze3A_60 : f32 to vector<16xf32>
        %sub3A_613 = arith.subf %sub3A_394, %sub3A_612 : vector<16xf32>
        %sub3A_614 = vector.broadcast %squeeze3A_90 : f32 to vector<16xf32>
        %sub3A_615 = arith.subf %sub3A_398, %sub3A_614 : vector<16xf32>
        %mul3A_616 = arith.mulf %sub3A_611, %sub3A_611 : vector<16xf32>
        %mul3A_617 = arith.mulf %sub3A_613, %sub3A_613 : vector<16xf32>
        %add3A_618 = arith.addf %mul3A_616, %mul3A_617 : vector<16xf32>
        %mul3A_619 = arith.mulf %sub3A_615, %sub3A_615 : vector<16xf32>
        %add3A_620 = arith.addf %add3A_618, %mul3A_619 : vector<16xf32>
        %lt3A_621 = arith.cmpf olt, %add3A_620, %select_n3A_606 : vector<16xf32>
        %select_n3A_622 = arith.select %lt3A_621, %add3A_620, %select_n3A_606 : vector<16xi1>, vector<16xf32>
        %jit3A_623 = arith.constant 13 : i32
        %broadcast_in_dim3A_624 = vector.broadcast %jit3A_623 : i32 to vector<16xi32>
        %select_n3A_625 = arith.select %lt3A_621, %broadcast_in_dim3A_624, %select_n3A_609 : vector<16xi1>, vector<16xi32>
        %sub3A_626 = vector.broadcast %squeeze3A_32 : f32 to vector<16xf32>
        %sub3A_627 = arith.subf %sub3A_390, %sub3A_626 : vector<16xf32>
        %sub3A_628 = vector.broadcast %squeeze3A_62 : f32 to vector<16xf32>
        %sub3A_629 = arith.subf %sub3A_394, %sub3A_628 : vector<16xf32>
        %sub3A_630 = vector.broadcast %squeeze3A_92 : f32 to vector<16xf32>
        %sub3A_631 = arith.subf %sub3A_398, %sub3A_630 : vector<16xf32>
        %mul3A_632 = arith.mulf %sub3A_627, %sub3A_627 : vector<16xf32>
        %mul3A_633 = arith.mulf %sub3A_629, %sub3A_629 : vector<16xf32>
        %add3A_634 = arith.addf %mul3A_632, %mul3A_633 : vector<16xf32>
        %mul3A_635 = arith.mulf %sub3A_631, %sub3A_631 : vector<16xf32>
        %add3A_636 = arith.addf %add3A_634, %mul3A_635 : vector<16xf32>
        %lt3A_637 = arith.cmpf olt, %add3A_636, %select_n3A_622 : vector<16xf32>
        %select_n3A_638 = arith.select %lt3A_637, %add3A_636, %select_n3A_622 : vector<16xi1>, vector<16xf32>
        %jit3A_639 = arith.constant 14 : i32
        %broadcast_in_dim3A_640 = vector.broadcast %jit3A_639 : i32 to vector<16xi32>
        %select_n3A_641 = arith.select %lt3A_637, %broadcast_in_dim3A_640, %select_n3A_625 : vector<16xi1>, vector<16xi32>
        %max3A = arith.constant 9.99999968E-21 : f32
        %max3A_642 = vector.broadcast %max3A : f32 to vector<16xf32>
        %max3A_643 = arith.maximumf %select_n3A_638, %max3A_642 : vector<16xf32>
        %bitcast3A = vector.bitcast %max3A_643 : vector<16xf32> to vector<16xi32>
        %shift_right_arithmetic3A_644 = arith.constant 1 : i32
        %shift_right_arithmetic3A_645 = vector.broadcast %shift_right_arithmetic3A_644 : i32 to vector<16xi32>
        %shift_right_arithmetic3A_646 = arith.shrsi %bitcast3A, %shift_right_arithmetic3A_645 : vector<16xi32>
        %sub3A_647 = arith.constant 1597463007 : i32
        %sub3A_648 = vector.broadcast %sub3A_647 : i32 to vector<16xi32>
        %sub3A_649 = arith.subi %sub3A_648, %shift_right_arithmetic3A_646 : vector<16xi32>
        %bitcast3A_650 = vector.bitcast %sub3A_649 : vector<16xi32> to vector<16xf32>
        %mul3A_651 = arith.constant 5.000000e-01 : f32
        %mul3A_652 = vector.broadcast %mul3A_651 : f32 to vector<16xf32>
        %mul3A_653 = arith.mulf %mul3A_652, %max3A_643 : vector<16xf32>
        %mul3A_654 = arith.mulf %mul3A_653, %bitcast3A_650 : vector<16xf32>
        %mul3A_655 = arith.mulf %mul3A_654, %bitcast3A_650 : vector<16xf32>
        %sub3A_656 = arith.constant 1.500000e+00 : f32
        %sub3A_657 = vector.broadcast %sub3A_656 : f32 to vector<16xf32>
        %sub3A_658 = arith.subf %sub3A_657, %mul3A_655 : vector<16xf32>
        %mul3A_659 = arith.mulf %bitcast3A_650, %sub3A_658 : vector<16xf32>
        %mul3A_660 = arith.constant 5.000000e-01 : f32
        %mul3A_661 = vector.broadcast %mul3A_660 : f32 to vector<16xf32>
        %mul3A_662 = arith.mulf %mul3A_661, %max3A_643 : vector<16xf32>
        %mul3A_663 = arith.mulf %mul3A_662, %mul3A_659 : vector<16xf32>
        %mul3A_664 = arith.mulf %mul3A_663, %mul3A_659 : vector<16xf32>
        %sub3A_665 = arith.constant 1.500000e+00 : f32
        %sub3A_666 = vector.broadcast %sub3A_665 : f32 to vector<16xf32>
        %sub3A_667 = arith.subf %sub3A_666, %mul3A_664 : vector<16xf32>
        %mul3A_668 = arith.mulf %mul3A_659, %sub3A_667 : vector<16xf32>
        %mul3A_669 = arith.constant 5.000000e-01 : f32
        %mul3A_670 = vector.broadcast %mul3A_669 : f32 to vector<16xf32>
        %mul3A_671 = arith.mulf %mul3A_670, %max3A_643 : vector<16xf32>
        %mul3A_672 = arith.mulf %mul3A_671, %mul3A_668 : vector<16xf32>
        %mul3A_673 = arith.mulf %mul3A_672, %mul3A_668 : vector<16xf32>
        %sub3A_674 = arith.constant 1.500000e+00 : f32
        %sub3A_675 = vector.broadcast %sub3A_674 : f32 to vector<16xf32>
        %sub3A_676 = arith.subf %sub3A_675, %mul3A_673 : vector<16xf32>
        %mul3A_677 = arith.mulf %mul3A_668, %sub3A_676 : vector<16xf32>
        %mul3A_678 = arith.mulf %max3A_643, %mul3A_677 : vector<16xf32>
        %mul3A_679 = arith.constant 5.000000e-01 : f32
        %mul3A_680 = vector.broadcast %mul3A_679 : f32 to vector<16xf32>
        %mul3A_681 = arith.mulf %mul3A_678, %mul3A_680 : vector<16xf32>
        %sub3A_682 = arith.constant 1.000000e+00 : f32
        %sub3A_683 = vector.broadcast %sub3A_682 : f32 to vector<16xf32>
        %sub3A_684 = arith.subf %sub3A_683, %mul3A_681 : vector<16xf32>
        %max3A_685 = arith.constant 0.000000e+00 : f32
        %max3A_686 = vector.broadcast %max3A_685 : f32 to vector<16xf32>
        %max3A_687 = arith.maximumf %sub3A_684, %max3A_686 : vector<16xf32>
        %bitcast3A_688 = vector.bitcast %max3A_687 : vector<16xf32> to vector<16xi32>
        %and3A_689 = arith.constant -16 : i32
        %and3A_690 = vector.broadcast %and3A_689 : i32 to vector<16xi32>
        %and3A_691 = arith.andi %bitcast3A_688, %and3A_690 : vector<16xi32>
        %or3A = arith.ori %and3A_691, %select_n3A_641 : vector<16xi32>
        %mul3A_692 = arith.constant 16 : i32
        %mul3A_693 = arith.muli %scan3A_371, %mul3A_692 : i32
        %swap3A = arith.index_cast %mul3A_693 : i32 to index
        %swap3A_694 = tpu.vector_load %arg21[%swap3A] {strides = array<i32>} : memref<272xi32, #tpu.memory_space<vmem>>, vector<16xi32>,
        tpu.vector_store %arg21[%swap3A], %or3A {strides = array<i32>} : memref<272xi32, #tpu.memory_space<vmem>>, vector<16xi32>,
      }
      %scan3A_294 = arith.constant 16 : i32
      %scan3A_295 = arith.constant 0 : i32
      %scan3A_296 = arith.constant 0 : i32
      %scan3A_297 = arith.constant 8 : i32
      %scan3A_298 = arith.addi %scan3A_296, %scan3A_297 : i32
      %scan3A_299 = arith.constant 1 : i32
      scf.for %scan3A_371 = %scan3A_296 to %scan3A_298 step %scan3A_299  : i32 {
        %broadcast_in_dim3A = arith.constant 0.000000e+00 : f32
        %broadcast_in_dim3A_372 = vector.broadcast %broadcast_in_dim3A : f32 to vector<16xf32>
        %broadcast_in_dim3A_373 = arith.constant 0.000000e+00 : f32
        %broadcast_in_dim3A_374 = vector.broadcast %broadcast_in_dim3A_373 : f32 to vector<16xf32>
        %broadcast_in_dim3A_375 = arith.constant 0.000000e+00 : f32
        %broadcast_in_dim3A_376 = vector.broadcast %broadcast_in_dim3A_375 : f32 to vector<16xf32>
        %broadcast_in_dim3A_377 = arith.constant 0.000000e+00 : f32
        %broadcast_in_dim3A_378 = vector.broadcast %broadcast_in_dim3A_377 : f32 to vector<16xf32>
        %broadcast_in_dim3A_379 = arith.constant 0.000000e+00 : f32
        %broadcast_in_dim3A_380 = vector.broadcast %broadcast_in_dim3A_379 : f32 to vector<16xf32>
        %broadcast_in_dim3A_381 = arith.constant 0.000000e+00 : f32
        %broadcast_in_dim3A_382 = vector.broadcast %broadcast_in_dim3A_381 : f32 to vector<16xf32>
        %broadcast_in_dim3A_383 = arith.constant 0.000000e+00 : f32
        %broadcast_in_dim3A_384 = vector.broadcast %broadcast_in_dim3A_383 : f32 to vector<16xf32>
        %broadcast_in_dim3A_385 = arith.constant 0.000000e+00 : f32
        %broadcast_in_dim3A_386 = vector.broadcast %broadcast_in_dim3A_385 : f32 to vector<16xf32>
        %scan3A_387 = arith.constant 0 : i32
        %scan3A_388 = arith.constant 32 : i32
        %scan3A_389 = arith.addi %scan3A_387, %scan3A_388 : i32
        %scan3A_390 = arith.constant 1 : i32
        %scan3A_391:8 = scf.for %scan3A_416 = %scan3A_387 to %scan3A_389 step %scan3A_390 iter_args(%scan3A_417 = %broadcast_in_dim3A_372, %scan3A_418 = %broadcast_in_dim3A_374, %scan3A_419 = %broadcast_in_dim3A_376, %scan3A_420 = %broadcast_in_dim3A_378, %scan3A_421 = %broadcast_in_dim3A_380, %scan3A_422 = %broadcast_in_dim3A_382, %scan3A_423 = %broadcast_in_dim3A_384, %scan3A_424 = %broadcast_in_dim3A_386) -> (vector<16xf32>, vector<16xf32>, vector<16xf32>, vector<16xf32>, vector<16xf32>, vector<16xf32>, vector<16xf32>, vector<16xf32>)  : i32 {
          %mul3A_425 = arith.constant 32 : i32
          %mul3A_426 = arith.muli %scan3A_371, %mul3A_425 : i32
          %add3A_427 = arith.addi %mul3A_426, %scan3A_416 : i32
          %get3A_428 = arith.index_cast %add3A_427 : i32 to index
          %get3A_429 = tpu.vector_load %arg21[%get3A_428] {strides = array<i32>} : memref<272xi32, #tpu.memory_space<vmem>>, vector<16xi32>,
          %slice3A_430 = vector.extract_strided_slice %get3A_429 {offsets = [0], sizes = [1], strides = [1]} : vector<16xi32> to vector<1xi32>
          %squeeze3A_431 = vector.extract %slice3A_430[0] : i32 from vector<1xi32>
          %and3A_432 = arith.constant 15 : i32
          %and3A_433 = arith.andi %squeeze3A_431, %and3A_432 : i32
          %broadcast_in_dim3A_434 = vector.broadcast %squeeze3A_431 : i32 to vector<16xi32>
          %and3A_435 = arith.constant -16 : i32
          %and3A_436 = vector.broadcast %and3A_435 : i32 to vector<16xi32>
          %and3A_437 = arith.andi %broadcast_in_dim3A_434, %and3A_436 : vector<16xi32>
          %bitcast3A = vector.bitcast %and3A_437 : vector<16xi32> to vector<16xf32>
          %mul3A_438 = arith.constant 16 : i32
          %mul3A_439 = arith.muli %and3A_433, %mul3A_438 : i32
          %get3A_440 = arith.index_cast %scan3A_371 : i32 to index
          %get3A_441 = arith.index_cast %mul3A_439 : i32 to index
          %get3A_442 = tpu.vector_load %arg19[%get3A_440, %get3A_441] {strides = array<i32>} : memref<8x256xf32, #tpu.memory_space<vmem>>, vector<16xf32>,
          %mul3A_443 = arith.mulf %get3A_442, %bitcast3A : vector<16xf32>
          %get3A_444 = arith.index_cast %add3A_427 : i32 to index
          %get3A_445 = arith.constant 0 : index
          %get3A_446 = tpu.vector_load %arg18[%get3A_444, %get3A_445] {strides = array<i32>} : memref<256x128xf32, #tpu.memory_space<vmem>>, vector<16xf32>,
          %get3A_447 = arith.index_cast %and3A_433 : i32 to index
          %get3A_448 = arith.constant 0 : index
          %get3A_449 = tpu.vector_load %arg15[%get3A_447, %get3A_448] {strides = array<i32>} : memref<15x128xf32, #tpu.memory_space<vmem>>, vector<16xf32>,
          %mul3A_450 = arith.mulf %get3A_449, %mul3A_443 : vector<16xf32>
          %mul3A_451 = arith.mulf %get3A_446, %mul3A_450 : vector<16xf32>
          %add3A_452 = arith.addf %scan3A_417, %mul3A_451 : vector<16xf32>
          %get3A_453 = arith.index_cast %add3A_427 : i32 to index
          %get3A_454 = arith.constant 16 : index
          %get3A_455 = tpu.vector_load %arg18[%get3A_453, %get3A_454] {strides = array<i32>} : memref<256x128xf32, #tpu.memory_space<vmem>>, vector<16xf32>,
          %get3A_456 = arith.index_cast %and3A_433 : i32 to index
          %get3A_457 = arith.constant 16 : index
          %get3A_458 = tpu.vector_load %arg15[%get3A_456, %get3A_457] {strides = array<i32>} : memref<15x128xf32, #tpu.memory_space<vmem>>, vector<16xf32>,
          %mul3A_459 = arith.mulf %get3A_458, %mul3A_443 : vector<16xf32>
          %mul3A_460 = arith.mulf %get3A_455, %mul3A_459 : vector<16xf32>
          %add3A_461 = arith.addf %scan3A_418, %mul3A_460 : vector<16xf32>
          %get3A_462 = arith.index_cast %add3A_427 : i32 to index
          %get3A_463 = arith.constant 32 : index
          %get3A_464 = tpu.vector_load %arg18[%get3A_462, %get3A_463] {strides = array<i32>} : memref<256x128xf32, #tpu.memory_space<vmem>>, vector<16xf32>,
          %get3A_465 = arith.index_cast %and3A_433 : i32 to index
          %get3A_466 = arith.constant 32 : index
          %get3A_467 = tpu.vector_load %arg15[%get3A_465, %get3A_466] {strides = array<i32>} : memref<15x128xf32, #tpu.memory_space<vmem>>, vector<16xf32>,
          %mul3A_468 = arith.mulf %get3A_467, %mul3A_443 : vector<16xf32>
          %mul3A_469 = arith.mulf %get3A_464, %mul3A_468 : vector<16xf32>
          %add3A_470 = arith.addf %scan3A_419, %mul3A_469 : vector<16xf32>
          %get3A_471 = arith.index_cast %add3A_427 : i32 to index
          %get3A_472 = arith.constant 48 : index
          %get3A_473 = tpu.vector_load %arg18[%get3A_471, %get3A_472] {strides = array<i32>} : memref<256x128xf32, #tpu.memory_space<vmem>>, vector<16xf32>,
          %get3A_474 = arith.index_cast %and3A_433 : i32 to index
          %get3A_475 = arith.constant 48 : index
          %get3A_476 = tpu.vector_load %arg15[%get3A_474, %get3A_475] {strides = array<i32>} : memref<15x128xf32, #tpu.memory_space<vmem>>, vector<16xf32>,
          %mul3A_477 = arith.mulf %get3A_476, %mul3A_443 : vector<16xf32>
          %mul3A_478 = arith.mulf %get3A_473, %mul3A_477 : vector<16xf32>
          %add3A_479 = arith.addf %scan3A_420, %mul3A_478 : vector<16xf32>
          %get3A_480 = arith.index_cast %add3A_427 : i32 to index
          %get3A_481 = arith.constant 64 : index
          %get3A_482 = tpu.vector_load %arg18[%get3A_480, %get3A_481] {strides = array<i32>} : memref<256x128xf32, #tpu.memory_space<vmem>>, vector<16xf32>,
          %get3A_483 = arith.index_cast %and3A_433 : i32 to index
          %get3A_484 = arith.constant 64 : index
          %get3A_485 = tpu.vector_load %arg15[%get3A_483, %get3A_484] {strides = array<i32>} : memref<15x128xf32, #tpu.memory_space<vmem>>, vector<16xf32>,
          %mul3A_486 = arith.mulf %get3A_485, %mul3A_443 : vector<16xf32>
          %mul3A_487 = arith.mulf %get3A_482, %mul3A_486 : vector<16xf32>
          %add3A_488 = arith.addf %scan3A_421, %mul3A_487 : vector<16xf32>
          %get3A_489 = arith.index_cast %add3A_427 : i32 to index
          %get3A_490 = arith.constant 80 : index
          %get3A_491 = tpu.vector_load %arg18[%get3A_489, %get3A_490] {strides = array<i32>} : memref<256x128xf32, #tpu.memory_space<vmem>>, vector<16xf32>,
          %get3A_492 = arith.index_cast %and3A_433 : i32 to index
          %get3A_493 = arith.constant 80 : index
          %get3A_494 = tpu.vector_load %arg15[%get3A_492, %get3A_493] {strides = array<i32>} : memref<15x128xf32, #tpu.memory_space<vmem>>, vector<16xf32>,
          %mul3A_495 = arith.mulf %get3A_494, %mul3A_443 : vector<16xf32>
          %mul3A_496 = arith.mulf %get3A_491, %mul3A_495 : vector<16xf32>
          %add3A_497 = arith.addf %scan3A_422, %mul3A_496 : vector<16xf32>
          %get3A_498 = arith.index_cast %add3A_427 : i32 to index
          %get3A_499 = arith.constant 96 : index
          %get3A_500 = tpu.vector_load %arg18[%get3A_498, %get3A_499] {strides = array<i32>} : memref<256x128xf32, #tpu.memory_space<vmem>>, vector<16xf32>,
          %get3A_501 = arith.index_cast %and3A_433 : i32 to index
          %get3A_502 = arith.constant 96 : index
          %get3A_503 = tpu.vector_load %arg15[%get3A_501, %get3A_502] {strides = array<i32>} : memref<15x128xf32, #tpu.memory_space<vmem>>, vector<16xf32>,
          %mul3A_504 = arith.mulf %get3A_503, %mul3A_443 : vector<16xf32>
          %mul3A_505 = arith.mulf %get3A_500, %mul3A_504 : vector<16xf32>
          %add3A_506 = arith.addf %scan3A_423, %mul3A_505 : vector<16xf32>
          %get3A_507 = arith.index_cast %add3A_427 : i32 to index
          %get3A_508 = arith.constant 112 : index
          %get3A_509 = tpu.vector_load %arg18[%get3A_507, %get3A_508] {strides = array<i32>} : memref<256x128xf32, #tpu.memory_space<vmem>>, vector<16xf32>,
          %get3A_510 = arith.index_cast %and3A_433 : i32 to index
          %get3A_511 = arith.constant 112 : index
          %get3A_512 = tpu.vector_load %arg15[%get3A_510, %get3A_511] {strides = array<i32>} : memref<15x128xf32, #tpu.memory_space<vmem>>, vector<16xf32>,
          %mul3A_513 = arith.mulf %get3A_512, %mul3A_443 : vector<16xf32>
          %mul3A_514 = arith.mulf %get3A_509, %mul3A_513 : vector<16xf32>
          %add3A_515 = arith.addf %scan3A_424, %mul3A_514 : vector<16xf32>
          scf.yield %add3A_452, %add3A_461, %add3A_470, %add3A_479, %add3A_488, %add3A_497, %add3A_506, %add3A_515 : vector<16xf32>, vector<16xf32>, vector<16xf32>, vector<16xf32>, vector<16xf32>, vector<16xf32>, vector<16xf32>, vector<16xf32>
        }
        %scan3A_392 = arith.constant 32 : i32
        %swap3A = arith.index_cast %scan3A_371 : i32 to index
        %swap3A_393 = arith.constant 0 : index
        %swap3A_394 = tpu.vector_load %arg22[%swap3A, %swap3A_393] {strides = array<i32>} : memref<8x128xf32, #tpu.memory_space<vmem>>, vector<16xf32>,
        tpu.vector_store %arg22[%swap3A, %swap3A_393], %scan3A_391#0 {strides = array<i32>} : memref<8x128xf32, #tpu.memory_space<vmem>>, vector<16xf32>,
        %swap3A_395 = arith.index_cast %scan3A_371 : i32 to index
        %swap3A_396 = arith.constant 16 : index
        %swap3A_397 = tpu.vector_load %arg22[%swap3A_395, %swap3A_396] {strides = array<i32>} : memref<8x128xf32, #tpu.memory_space<vmem>>, vector<16xf32>,
        tpu.vector_store %arg22[%swap3A_395, %swap3A_396], %scan3A_391#1 {strides = array<i32>} : memref<8x128xf32, #tpu.memory_space<vmem>>, vector<16xf32>,
        %swap3A_398 = arith.index_cast %scan3A_371 : i32 to index
        %swap3A_399 = arith.constant 32 : index
        %swap3A_400 = tpu.vector_load %arg22[%swap3A_398, %swap3A_399] {strides = array<i32>} : memref<8x128xf32, #tpu.memory_space<vmem>>, vector<16xf32>,
        tpu.vector_store %arg22[%swap3A_398, %swap3A_399], %scan3A_391#2 {strides = array<i32>} : memref<8x128xf32, #tpu.memory_space<vmem>>, vector<16xf32>,
        %swap3A_401 = arith.index_cast %scan3A_371 : i32 to index
        %swap3A_402 = arith.constant 48 : index
        %swap3A_403 = tpu.vector_load %arg22[%swap3A_401, %swap3A_402] {strides = array<i32>} : memref<8x128xf32, #tpu.memory_space<vmem>>, vector<16xf32>,
        tpu.vector_store %arg22[%swap3A_401, %swap3A_402], %scan3A_391#3 {strides = array<i32>} : memref<8x128xf32, #tpu.memory_space<vmem>>, vector<16xf32>,
        %swap3A_404 = arith.index_cast %scan3A_371 : i32 to index
        %swap3A_405 = arith.constant 64 : index
        %swap3A_406 = tpu.vector_load %arg22[%swap3A_404, %swap3A_405] {strides = array<i32>} : memref<8x128xf32, #tpu.memory_space<vmem>>, vector<16xf32>,
        tpu.vector_store %arg22[%swap3A_404, %swap3A_405], %scan3A_391#4 {strides = array<i32>} : memref<8x128xf32, #tpu.memory_space<vmem>>, vector<16xf32>,
        %swap3A_407 = arith.index_cast %scan3A_371 : i32 to index
        %swap3A_408 = arith.constant 80 : index
        %swap3A_409 = tpu.vector_load %arg22[%swap3A_407, %swap3A_408] {strides = array<i32>} : memref<8x128xf32, #tpu.memory_space<vmem>>, vector<16xf32>,
        tpu.vector_store %arg22[%swap3A_407, %swap3A_408], %scan3A_391#5 {strides = array<i32>} : memref<8x128xf32, #tpu.memory_space<vmem>>, vector<16xf32>,
        %swap3A_410 = arith.index_cast %scan3A_371 : i32 to index
        %swap3A_411 = arith.constant 96 : index
        %swap3A_412 = tpu.vector_load %arg22[%swap3A_410, %swap3A_411] {strides = array<i32>} : memref<8x128xf32, #tpu.memory_space<vmem>>, vector<16xf32>,
        tpu.vector_store %arg22[%swap3A_410, %swap3A_411], %scan3A_391#6 {strides = array<i32>} : memref<8x128xf32, #tpu.memory_space<vmem>>, vector<16xf32>,
        %swap3A_413 = arith.index_cast %scan3A_371 : i32 to index
        %swap3A_414 = arith.constant 112 : index
        %swap3A_415 = tpu.vector_load %arg22[%swap3A_413, %swap3A_414] {strides = array<i32>} : memref<8x128xf32, #tpu.memory_space<vmem>>, vector<16xf32>,
        tpu.vector_store %arg22[%swap3A_413, %swap3A_414], %scan3A_391#7 {strides = array<i32>} : memref<8x128xf32, #tpu.memory_space<vmem>>, vector<16xf32>,
      }
      %scan3A_300 = arith.constant 8 : i32
      %dma_start3A_301 = arith.constant 0 : i32
      %dma_start3A_302 = tpu.memref_slice %arg11[%add3A_262, %dma_start3A_301] : memref<10240x128xf32, #tpu.memory_space<hbm>> -> memref<8x128xf32, #tpu.memory_space<hbm>>
      %dma_start3A_303 = arith.constant 0 : i32
      %dma_start3A_304 = tpu.memref_slice %arg11[%add3A_262, %dma_start3A_303] : memref<10240x128xf32, #tpu.memory_space<hbm>> -> memref<8x128xf32, #tpu.memory_space<hbm>>
      tpu.enqueue_dma source(%arg22 : memref<8x128xf32, #tpu.memory_space<vmem>>) target(%dma_start3A_304 : memref<8x128xf32, #tpu.memory_space<hbm>>) target_semaphore(%arg25 : memref<!tpu.dma_semaphore, #tpu.memory_space<semaphore_mem>>)
      %add3A_305 = arith.constant 2 : i32
      %add3A_306 = arith.addi %mul3A_259, %add3A_305 : i32
      %lt3A_307 = arith.cmpi slt, %add3A_306, %select_n3A : i32
      %convert_element_type3A_308 = arith.extui %lt3A_307 : i1 to i32
      %cond3A_309 = arith.constant 0 : i32
      %cond3A_310 = arith.cmpi ne, %convert_element_type3A_308, %cond3A_309 : i32
      scf.if %cond3A_310 {
        %add3A_371 = arith.constant 2 : i32
        %add3A_372 = arith.addi %mul3A_259, %add3A_371 : i32
        %mul3A_373 = arith.constant 8 : i32
        %mul3A_374 = arith.muli %add3A_372, %mul3A_373 : i32
        %add3A_375 = arith.addi %select_n3A_119, %mul3A_374 : i32
        %mul3A_376 = arith.constant 32 : i32
        %mul3A_377 = arith.muli %add3A_375, %mul3A_376 : i32
        %add3A_378 = arith.constant 128 : i32
        %add3A_379 = arith.addi %mul3A_377, %add3A_378 : i32
        %dma_start3A_380 = arith.constant 0 : i32
        %dma_start3A_381 = arith.constant 0 : i32
        %dma_start3A_382 = tpu.memref_slice %arg17[%dma_start3A_380, %dma_start3A_381] : memref<2x128xi32, #tpu.memory_space<vmem>> -> memref<1x128xi32, #tpu.memory_space<vmem>>
        %dma_start3A_383 = tpu.memref_squeeze %dma_start3A_382 : memref<1x128xi32, #tpu.memory_space<vmem>> -> memref<128xi32, #tpu.memory_space<vmem>>
        %dma_start3A_384 = tpu.memref_slice %arg2[%mul3A_377] : memref<327680xi32, #tpu.memory_space<hbm>> -> memref<128xi32, #tpu.memory_space<hbm>>
        %dma_start3A_385 = arith.constant 0 : i32
        %dma_start3A_386 = tpu.memref_slice %arg17[%dma_start3A_380, %dma_start3A_385] : memref<2x128xi32, #tpu.memory_space<vmem>> -> memref<1x128xi32, #tpu.memory_space<vmem>>
        %dma_start3A_387 = tpu.memref_squeeze %dma_start3A_386 : memref<1x128xi32, #tpu.memory_space<vmem>> -> memref<128xi32, #tpu.memory_space<vmem>>
        %dma_start3A_388 = tpu.memref_slice %arg2[%mul3A_377] : memref<327680xi32, #tpu.memory_space<hbm>> -> memref<128xi32, #tpu.memory_space<hbm>>
        tpu.enqueue_dma source(%dma_start3A_388 : memref<128xi32, #tpu.memory_space<hbm>>) target(%dma_start3A_387 : memref<128xi32, #tpu.memory_space<vmem>>) target_semaphore(%arg23 : memref<!tpu.dma_semaphore, #tpu.memory_space<semaphore_mem>>)
        %dma_start3A_389 = arith.constant 1 : i32
        %dma_start3A_390 = arith.constant 0 : i32
        %dma_start3A_391 = tpu.memref_slice %arg17[%dma_start3A_389, %dma_start3A_390] : memref<2x128xi32, #tpu.memory_space<vmem>> -> memref<1x128xi32, #tpu.memory_space<vmem>>
        %dma_start3A_392 = tpu.memref_squeeze %dma_start3A_391 : memref<1x128xi32, #tpu.memory_space<vmem>> -> memref<128xi32, #tpu.memory_space<vmem>>
        %dma_start3A_393 = tpu.memref_slice %arg2[%add3A_379] : memref<327680xi32, #tpu.memory_space<hbm>> -> memref<128xi32, #tpu.memory_space<hbm>>
        %dma_start3A_394 = arith.constant 0 : i32
        %dma_start3A_395 = tpu.memref_slice %arg17[%dma_start3A_389, %dma_start3A_394] : memref<2x128xi32, #tpu.memory_space<vmem>> -> memref<1x128xi32, #tpu.memory_space<vmem>>
        %dma_start3A_396 = tpu.memref_squeeze %dma_start3A_395 : memref<1x128xi32, #tpu.memory_space<vmem>> -> memref<128xi32, #tpu.memory_space<vmem>>
        %dma_start3A_397 = tpu.memref_slice %arg2[%add3A_379] : memref<327680xi32, #tpu.memory_space<hbm>> -> memref<128xi32, #tpu.memory_space<hbm>>
        tpu.enqueue_dma source(%dma_start3A_397 : memref<128xi32, #tpu.memory_space<hbm>>) target(%dma_start3A_396 : memref<128xi32, #tpu.memory_space<vmem>>) target_semaphore(%arg23 : memref<!tpu.dma_semaphore, #tpu.memory_space<semaphore_mem>>)
        %dma_start3A_398 = arith.constant 0 : i32
        %dma_start3A_399 = tpu.memref_slice %arg8[%add3A_375, %dma_start3A_398] : memref<10240x256xf32, #tpu.memory_space<hbm>> -> memref<8x256xf32, #tpu.memory_space<hbm>>
        %dma_start3A_400 = arith.constant 0 : i32
        %dma_start3A_401 = tpu.memref_slice %arg8[%add3A_375, %dma_start3A_400] : memref<10240x256xf32, #tpu.memory_space<hbm>> -> memref<8x256xf32, #tpu.memory_space<hbm>>
        tpu.enqueue_dma source(%dma_start3A_401 : memref<8x256xf32, #tpu.memory_space<hbm>>) target(%arg19 : memref<8x256xf32, #tpu.memory_space<vmem>>) target_semaphore(%arg23 : memref<!tpu.dma_semaphore, #tpu.memory_space<semaphore_mem>>)
        %dma_start3A_402 = arith.constant 0 : i32
        %dma_start3A_403 = tpu.memref_slice %arg3[%add3A_375, %dma_start3A_402] : memref<10240x16xf32, #tpu.memory_space<hbm>> -> memref<8x16xf32, #tpu.memory_space<hbm>>
        %dma_start3A_404 = arith.constant 0 : i32
        %dma_start3A_405 = tpu.memref_slice %arg3[%add3A_375, %dma_start3A_404] : memref<10240x16xf32, #tpu.memory_space<hbm>> -> memref<8x16xf32, #tpu.memory_space<hbm>>
        tpu.enqueue_dma source(%dma_start3A_405 : memref<8x16xf32, #tpu.memory_space<hbm>>) target(%arg20 : memref<8x16xf32, #tpu.memory_space<vmem>>) target_semaphore(%arg23 : memref<!tpu.dma_semaphore, #tpu.memory_space<semaphore_mem>>)
      } else {
      }
      %mul3A_311 = arith.constant 2 : i32
      %mul3A_312 = arith.muli %mul3A_311, %while3A_257 : i32
      %add3A_313 = arith.constant 1 : i32
      %add3A_314 = arith.addi %mul3A_312, %add3A_313 : i32
      %mul3A_315 = arith.constant 8 : i32
      %mul3A_316 = arith.muli %add3A_314, %mul3A_315 : i32
      %add3A_317 = arith.addi %select_n3A_119, %mul3A_316 : i32
      %dma_wait3A_318 = arith.constant 0 : i32
      %dma_wait3A_319 = arith.constant 0 : i32
      %dma_wait3A_320 = arith.constant 0 : i32
      %dma_wait3A_321 = tpu.memref_slice %arg27[%dma_wait3A_319, %dma_wait3A_320] : memref<256x128xf32, #tpu.memory_space<vmem>> -> memref<128x128xf32, #tpu.memory_space<vmem>>
      %dma_wait3A_322 = arith.constant 0 : i32
      %dma_wait3A_323 = tpu.memref_slice %arg26[%dma_wait3A_318, %dma_wait3A_322] : memref<2x128xi32, #tpu.memory_space<vmem>> -> memref<1x128xi32, #tpu.memory_space<vmem>>
      %dma_wait3A_324 = tpu.memref_squeeze %dma_wait3A_323 : memref<1x128xi32, #tpu.memory_space<vmem>> -> memref<128xi32, #tpu.memory_space<vmem>>
      %dma_wait3A_325 = arith.constant 0 : i32
      %dma_wait3A_326 = arith.constant 0 : i32
      %dma_wait3A_327 = tpu.memref_slice %arg7[%dma_wait3A_325, %dma_wait3A_326] : memref<10000x128xf32, #tpu.memory_space<hbm>> -> memref<10000x128xf32, #tpu.memory_space<hbm>>
      tpu.wait_indirect_dma semaphore(%arg33 : memref<!tpu.dma_semaphore, #tpu.memory_space<semaphore_mem>>) src(%dma_wait3A_327 : memref<10000x128xf32, #tpu.memory_space<hbm>>) dst(%dma_wait3A_321 : memref<128x128xf32, #tpu.memory_space<vmem>>)
      %dma_wait3A_328 = arith.constant 1 : i32
      %dma_wait3A_329 = arith.constant 128 : i32
      %dma_wait3A_330 = arith.constant 0 : i32
      %dma_wait3A_331 = tpu.memref_slice %arg27[%dma_wait3A_329, %dma_wait3A_330] : memref<256x128xf32, #tpu.memory_space<vmem>> -> memref<128x128xf32, #tpu.memory_space<vmem>>
      %dma_wait3A_332 = arith.constant 0 : i32
      %dma_wait3A_333 = tpu.memref_slice %arg26[%dma_wait3A_328, %dma_wait3A_332] : memref<2x128xi32, #tpu.memory_space<vmem>> -> memref<1x128xi32, #tpu.memory_space<vmem>>
      %dma_wait3A_334 = tpu.memref_squeeze %dma_wait3A_333 : memref<1x128xi32, #tpu.memory_space<vmem>> -> memref<128xi32, #tpu.memory_space<vmem>>
      %dma_wait3A_335 = arith.constant 0 : i32
      %dma_wait3A_336 = arith.constant 0 : i32
      %dma_wait3A_337 = tpu.memref_slice %arg7[%dma_wait3A_335, %dma_wait3A_336] : memref<10000x128xf32, #tpu.memory_space<hbm>> -> memref<10000x128xf32, #tpu.memory_space<hbm>>
      tpu.wait_indirect_dma semaphore(%arg33 : memref<!tpu.dma_semaphore, #tpu.memory_space<semaphore_mem>>) src(%dma_wait3A_337 : memref<10000x128xf32, #tpu.memory_space<hbm>>) dst(%dma_wait3A_331 : memref<128x128xf32, #tpu.memory_space<vmem>>)
      %add3A_338 = arith.constant 1 : i32
      %add3A_339 = arith.addi %add3A_314, %add3A_338 : i32
      %lt3A_340 = arith.cmpi slt, %add3A_339, %select_n3A : i32
      %convert_element_type3A_341 = arith.extui %lt3A_340 : i1 to i32
      %cond3A_342 = arith.constant 0 : i32
      %cond3A_343 = arith.cmpi ne, %convert_element_type3A_341, %cond3A_342 : i32
      scf.if %cond3A_343 {
        %add3A_371 = arith.constant 8 : i32
        %add3A_372 = arith.addi %add3A_317, %add3A_371 : i32
        %mul3A_373 = arith.constant 32 : i32
        %mul3A_374 = arith.muli %add3A_372, %mul3A_373 : i32
        %add3A_375 = arith.constant 128 : i32
        %add3A_376 = arith.addi %mul3A_374, %add3A_375 : i32
        %dma_wait3A_377 = arith.constant 0 : i32
        %dma_wait3A_378 = arith.constant 0 : i32
        %dma_wait3A_379 = tpu.memref_slice %arg17[%dma_wait3A_377, %dma_wait3A_378] : memref<2x128xi32, #tpu.memory_space<vmem>> -> memref<1x128xi32, #tpu.memory_space<vmem>>
        %dma_wait3A_380 = tpu.memref_squeeze %dma_wait3A_379 : memref<1x128xi32, #tpu.memory_space<vmem>> -> memref<128xi32, #tpu.memory_space<vmem>>
        %dma_wait3A_381 = tpu.memref_slice %arg2[%mul3A_374] : memref<327680xi32, #tpu.memory_space<hbm>> -> memref<128xi32, #tpu.memory_space<hbm>>
        %dma_wait3A_382 = arith.constant 0 : i32
        %dma_wait3A_383 = tpu.memref_slice %arg17[%dma_wait3A_377, %dma_wait3A_382] : memref<2x128xi32, #tpu.memory_space<vmem>> -> memref<1x128xi32, #tpu.memory_space<vmem>>
        %dma_wait3A_384 = tpu.memref_squeeze %dma_wait3A_383 : memref<1x128xi32, #tpu.memory_space<vmem>> -> memref<128xi32, #tpu.memory_space<vmem>>
        %dma_wait3A_385 = tpu.memref_slice %arg2[%mul3A_374] : memref<327680xi32, #tpu.memory_space<hbm>> -> memref<128xi32, #tpu.memory_space<hbm>>
        tpu.wait_dma2 semaphore(%arg23 : memref<!tpu.dma_semaphore, #tpu.memory_space<semaphore_mem>>) src(%dma_wait3A_385 : memref<128xi32, #tpu.memory_space<hbm>>) dst(%dma_wait3A_384 : memref<128xi32, #tpu.memory_space<vmem>>)
        %dma_wait3A_386 = arith.constant 1 : i32
        %dma_wait3A_387 = arith.constant 0 : i32
        %dma_wait3A_388 = tpu.memref_slice %arg17[%dma_wait3A_386, %dma_wait3A_387] : memref<2x128xi32, #tpu.memory_space<vmem>> -> memref<1x128xi32, #tpu.memory_space<vmem>>
        %dma_wait3A_389 = tpu.memref_squeeze %dma_wait3A_388 : memref<1x128xi32, #tpu.memory_space<vmem>> -> memref<128xi32, #tpu.memory_space<vmem>>
        %dma_wait3A_390 = tpu.memref_slice %arg2[%add3A_376] : memref<327680xi32, #tpu.memory_space<hbm>> -> memref<128xi32, #tpu.memory_space<hbm>>
        %dma_wait3A_391 = arith.constant 0 : i32
        %dma_wait3A_392 = tpu.memref_slice %arg17[%dma_wait3A_386, %dma_wait3A_391] : memref<2x128xi32, #tpu.memory_space<vmem>> -> memref<1x128xi32, #tpu.memory_space<vmem>>
        %dma_wait3A_393 = tpu.memref_squeeze %dma_wait3A_392 : memref<1x128xi32, #tpu.memory_space<vmem>> -> memref<128xi32, #tpu.memory_space<vmem>>
        %dma_wait3A_394 = tpu.memref_slice %arg2[%add3A_376] : memref<327680xi32, #tpu.memory_space<hbm>> -> memref<128xi32, #tpu.memory_space<hbm>>
        tpu.wait_dma2 semaphore(%arg23 : memref<!tpu.dma_semaphore, #tpu.memory_space<semaphore_mem>>) src(%dma_wait3A_394 : memref<128xi32, #tpu.memory_space<hbm>>) dst(%dma_wait3A_393 : memref<128xi32, #tpu.memory_space<vmem>>)
        %dma_wait3A_395 = arith.constant 0 : i32
        %dma_wait3A_396 = tpu.memref_slice %arg8[%add3A_372, %dma_wait3A_395] : memref<10240x256xf32, #tpu.memory_space<hbm>> -> memref<8x256xf32, #tpu.memory_space<hbm>>
        %dma_wait3A_397 = arith.constant 0 : i32
        %dma_wait3A_398 = tpu.memref_slice %arg8[%add3A_372, %dma_wait3A_397] : memref<10240x256xf32, #tpu.memory_space<hbm>> -> memref<8x256xf32, #tpu.memory_space<hbm>>
        tpu.wait_dma2 semaphore(%arg23 : memref<!tpu.dma_semaphore, #tpu.memory_space<semaphore_mem>>) src(%dma_wait3A_398 : memref<8x256xf32, #tpu.memory_space<hbm>>) dst(%arg19 : memref<8x256xf32, #tpu.memory_space<vmem>>)
        %dma_wait3A_399 = arith.constant 0 : i32
        %dma_wait3A_400 = tpu.memref_slice %arg3[%add3A_372, %dma_wait3A_399] : memref<10240x16xf32, #tpu.memory_space<hbm>> -> memref<8x16xf32, #tpu.memory_space<hbm>>
        %dma_wait3A_401 = arith.constant 0 : i32
        %dma_wait3A_402 = tpu.memref_slice %arg3[%add3A_372, %dma_wait3A_401] : memref<10240x16xf32, #tpu.memory_space<hbm>> -> memref<8x16xf32, #tpu.memory_space<hbm>>
        tpu.wait_dma2 semaphore(%arg23 : memref<!tpu.dma_semaphore, #tpu.memory_space<semaphore_mem>>) src(%dma_wait3A_402 : memref<8x16xf32, #tpu.memory_space<hbm>>) dst(%arg20 : memref<8x16xf32, #tpu.memory_space<vmem>>)
        %dma_start3A_403 = arith.constant 0 : i32
        %dma_start3A_404 = arith.constant 0 : i32
        %dma_start3A_405 = arith.constant 0 : i32
        %dma_start3A_406 = tpu.memref_slice %arg18[%dma_start3A_404, %dma_start3A_405] : memref<256x128xf32, #tpu.memory_space<vmem>> -> memref<128x128xf32, #tpu.memory_space<vmem>>
        %dma_start3A_407 = arith.constant 0 : i32
        %dma_start3A_408 = tpu.memref_slice %arg17[%dma_start3A_403, %dma_start3A_407] : memref<2x128xi32, #tpu.memory_space<vmem>> -> memref<1x128xi32, #tpu.memory_space<vmem>>
        %dma_start3A_409 = tpu.memref_squeeze %dma_start3A_408 : memref<1x128xi32, #tpu.memory_space<vmem>> -> memref<128xi32, #tpu.memory_space<vmem>>
        %dma_start3A_410 = arith.constant 0 : i32
        %dma_start3A_411 = arith.constant 0 : i32
        %dma_start3A_412 = tpu.memref_slice %arg7[%dma_start3A_410, %dma_start3A_411] : memref<10000x128xf32, #tpu.memory_space<hbm>> -> memref<10000x128xf32, #tpu.memory_space<hbm>>
        tpu.enqueue_indirect_dma source(%dma_start3A_412 : memref<10000x128xf32, #tpu.memory_space<hbm>>) target(%dma_start3A_406 : memref<128x128xf32, #tpu.memory_space<vmem>>) offsets(%dma_start3A_409 : memref<128xi32, #tpu.memory_space<vmem>>) semaphore(%arg24 : memref<!tpu.dma_semaphore, #tpu.memory_space<semaphore_mem>>)
        %dma_start3A_413 = arith.constant 1 : i32
        %dma_start3A_414 = arith.constant 128 : i32
        %dma_start3A_415 = arith.constant 0 : i32
        %dma_start3A_416 = tpu.memref_slice %arg18[%dma_start3A_414, %dma_start3A_415] : memref<256x128xf32, #tpu.memory_space<vmem>> -> memref<128x128xf32, #tpu.memory_space<vmem>>
        %dma_start3A_417 = arith.constant 0 : i32
        %dma_start3A_418 = tpu.memref_slice %arg17[%dma_start3A_413, %dma_start3A_417] : memref<2x128xi32, #tpu.memory_space<vmem>> -> memref<1x128xi32, #tpu.memory_space<vmem>>
        %dma_start3A_419 = tpu.memref_squeeze %dma_start3A_418 : memref<1x128xi32, #tpu.memory_space<vmem>> -> memref<128xi32, #tpu.memory_space<vmem>>
        %dma_start3A_420 = arith.constant 0 : i32
        %dma_start3A_421 = arith.constant 0 : i32
        %dma_start3A_422 = tpu.memref_slice %arg7[%dma_start3A_420, %dma_start3A_421] : memref<10000x128xf32, #tpu.memory_space<hbm>> -> memref<10000x128xf32, #tpu.memory_space<hbm>>
        tpu.enqueue_indirect_dma source(%dma_start3A_422 : memref<10000x128xf32, #tpu.memory_space<hbm>>) target(%dma_start3A_416 : memref<128x128xf32, #tpu.memory_space<vmem>>) offsets(%dma_start3A_419 : memref<128xi32, #tpu.memory_space<vmem>>) semaphore(%arg24 : memref<!tpu.dma_semaphore, #tpu.memory_space<semaphore_mem>>)
      } else {
      }
      %ge3A_344 = arith.constant 2 : i32
      %ge3A_345 = arith.cmpi sge, %add3A_314, %ge3A_344 : i32
      %convert_element_type3A_346 = arith.extui %ge3A_345 : i1 to i32
      %cond3A_347 = arith.constant 0 : i32
      %cond3A_348 = arith.cmpi ne, %convert_element_type3A_346, %cond3A_347 : i32
      scf.if %cond3A_348 {
        %dma_wait3A_371 = arith.constant 0 : i32
        %dma_wait3A_372 = tpu.memref_slice %arg11[%add3A_317, %dma_wait3A_371] : memref<10240x128xf32, #tpu.memory_space<hbm>> -> memref<8x128xf32, #tpu.memory_space<hbm>>
        %dma_wait3A_373 = arith.constant 0 : i32
        %dma_wait3A_374 = tpu.memref_slice %arg11[%add3A_317, %dma_wait3A_373] : memref<10240x128xf32, #tpu.memory_space<hbm>> -> memref<8x128xf32, #tpu.memory_space<hbm>>
        tpu.wait_dma2 semaphore(%arg34 : memref<!tpu.dma_semaphore, #tpu.memory_space<semaphore_mem>>) src(%arg31 : memref<8x128xf32, #tpu.memory_space<vmem>>) dst(%dma_wait3A_374 : memref<8x128xf32, #tpu.memory_space<hbm>>)
      } else {
      }
      %scan3A_349 = arith.constant 0 : i32
      %scan3A_350 = arith.constant 0 : i32
      %scan3A_351 = arith.constant 16 : i32
      %scan3A_352 = arith.addi %scan3A_350, %scan3A_351 : i32
      %scan3A_353 = arith.constant 1 : i32
      scf.for %scan3A_371 = %scan3A_350 to %scan3A_352 step %scan3A_353  : i32 {
        %shift_right_arithmetic3A = arith.constant 3 : i32
        %shift_right_arithmetic3A_372 = arith.shrsi %scan3A_371, %shift_right_arithmetic3A : i32
        %and3A_373 = arith.constant 7 : i32
        %and3A_374 = arith.andi %scan3A_371, %and3A_373 : i32
        %mul3A_375 = arith.constant 16 : i32
        %mul3A_376 = arith.muli %and3A_374, %mul3A_375 : i32
        %get3A_377 = arith.index_cast %shift_right_arithmetic3A_372 : i32 to index
        %get3A_378 = arith.index_cast %mul3A_376 : i32 to index
        %get3A_379 = tpu.vector_load %arg26[%get3A_377, %get3A_378] {strides = array<i32>} : memref<2x128xi32, #tpu.memory_space<vmem>>, vector<16xi32>,
        %gather3A = tpu.vector_load_idx %arg12[%get3A_379] : memref<10000xf32, #tpu.memory_space<vmem>>[vector<16xi32>], vector<16xf32>,
        %gather3A_380 = tpu.vector_load_idx %arg13[%get3A_379] : memref<10000xf32, #tpu.memory_space<vmem>>[vector<16xi32>], vector<16xf32>,
        %gather3A_381 = tpu.vector_load_idx %arg14[%get3A_379] : memref<10000xf32, #tpu.memory_space<vmem>>[vector<16xi32>], vector<16xf32>,
        %shift_right_arithmetic3A_382 = arith.constant 1 : i32
        %shift_right_arithmetic3A_383 = arith.shrsi %scan3A_371, %shift_right_arithmetic3A_382 : i32
        %get3A_384 = arith.index_cast %shift_right_arithmetic3A_383 : i32 to index
        %get3A_385 = arith.constant 0 : index
        %get3A_386 = tpu.vector_load %arg29[%get3A_384, %get3A_385] {strides = array<i32>} : memref<8x16xf32, #tpu.memory_space<vmem>>, vector<16xf32>,
        %slice3A_387 = vector.extract_strided_slice %get3A_386 {offsets = [0], sizes = [1], strides = [1]} : vector<16xf32> to vector<1xf32>
        %squeeze3A_388 = vector.extract %slice3A_387[0] : f32 from vector<1xf32>
        %sub3A_389 = vector.broadcast %squeeze3A_388 : f32 to vector<16xf32>
        %sub3A_390 = arith.subf %gather3A, %sub3A_389 : vector<16xf32>
        %slice3A_391 = vector.extract_strided_slice %get3A_386 {offsets = [1], sizes = [1], strides = [1]} : vector<16xf32> to vector<1xf32>
        %squeeze3A_392 = vector.extract %slice3A_391[0] : f32 from vector<1xf32>
        %sub3A_393 = vector.broadcast %squeeze3A_392 : f32 to vector<16xf32>
        %sub3A_394 = arith.subf %gather3A_380, %sub3A_393 : vector<16xf32>
        %slice3A_395 = vector.extract_strided_slice %get3A_386 {offsets = [2], sizes = [1], strides = [1]} : vector<16xf32> to vector<1xf32>
        %squeeze3A_396 = vector.extract %slice3A_395[0] : f32 from vector<1xf32>
        %sub3A_397 = vector.broadcast %squeeze3A_396 : f32 to vector<16xf32>
        %sub3A_398 = arith.subf %gather3A_381, %sub3A_397 : vector<16xf32>
        %broadcast_in_dim3A = arith.constant 1.000000e+30 : f32
        %broadcast_in_dim3A_399 = vector.broadcast %broadcast_in_dim3A : f32 to vector<16xf32>
        %broadcast_in_dim3A_400 = arith.constant 0 : i32
        %broadcast_in_dim3A_401 = vector.broadcast %broadcast_in_dim3A_400 : i32 to vector<16xi32>
        %sub3A_402 = vector.broadcast %squeeze3A : f32 to vector<16xf32>
        %sub3A_403 = arith.subf %sub3A_390, %sub3A_402 : vector<16xf32>
        %sub3A_404 = vector.broadcast %squeeze3A_34 : f32 to vector<16xf32>
        %sub3A_405 = arith.subf %sub3A_394, %sub3A_404 : vector<16xf32>
        %sub3A_406 = vector.broadcast %squeeze3A_64 : f32 to vector<16xf32>
        %sub3A_407 = arith.subf %sub3A_398, %sub3A_406 : vector<16xf32>
        %mul3A_408 = arith.mulf %sub3A_403, %sub3A_403 : vector<16xf32>
        %mul3A_409 = arith.mulf %sub3A_405, %sub3A_405 : vector<16xf32>
        %add3A_410 = arith.addf %mul3A_408, %mul3A_409 : vector<16xf32>
        %mul3A_411 = arith.mulf %sub3A_407, %sub3A_407 : vector<16xf32>
        %add3A_412 = arith.addf %add3A_410, %mul3A_411 : vector<16xf32>
        %lt3A_413 = arith.cmpf olt, %add3A_412, %broadcast_in_dim3A_399 : vector<16xf32>
        %select_n3A_414 = arith.select %lt3A_413, %add3A_412, %broadcast_in_dim3A_399 : vector<16xi1>, vector<16xf32>
        %jit3A_415 = arith.constant 0 : i32
        %broadcast_in_dim3A_416 = vector.broadcast %jit3A_415 : i32 to vector<16xi32>
        %select_n3A_417 = arith.select %lt3A_413, %broadcast_in_dim3A_416, %broadcast_in_dim3A_401 : vector<16xi1>, vector<16xi32>
        %sub3A_418 = vector.broadcast %squeeze3A_6 : f32 to vector<16xf32>
        %sub3A_419 = arith.subf %sub3A_390, %sub3A_418 : vector<16xf32>
        %sub3A_420 = vector.broadcast %squeeze3A_36 : f32 to vector<16xf32>
        %sub3A_421 = arith.subf %sub3A_394, %sub3A_420 : vector<16xf32>
        %sub3A_422 = vector.broadcast %squeeze3A_66 : f32 to vector<16xf32>
        %sub3A_423 = arith.subf %sub3A_398, %sub3A_422 : vector<16xf32>
        %mul3A_424 = arith.mulf %sub3A_419, %sub3A_419 : vector<16xf32>
        %mul3A_425 = arith.mulf %sub3A_421, %sub3A_421 : vector<16xf32>
        %add3A_426 = arith.addf %mul3A_424, %mul3A_425 : vector<16xf32>
        %mul3A_427 = arith.mulf %sub3A_423, %sub3A_423 : vector<16xf32>
        %add3A_428 = arith.addf %add3A_426, %mul3A_427 : vector<16xf32>
        %lt3A_429 = arith.cmpf olt, %add3A_428, %select_n3A_414 : vector<16xf32>
        %select_n3A_430 = arith.select %lt3A_429, %add3A_428, %select_n3A_414 : vector<16xi1>, vector<16xf32>
        %jit3A_431 = arith.constant 1 : i32
        %broadcast_in_dim3A_432 = vector.broadcast %jit3A_431 : i32 to vector<16xi32>
        %select_n3A_433 = arith.select %lt3A_429, %broadcast_in_dim3A_432, %select_n3A_417 : vector<16xi1>, vector<16xi32>
        %sub3A_434 = vector.broadcast %squeeze3A_8 : f32 to vector<16xf32>
        %sub3A_435 = arith.subf %sub3A_390, %sub3A_434 : vector<16xf32>
        %sub3A_436 = vector.broadcast %squeeze3A_38 : f32 to vector<16xf32>
        %sub3A_437 = arith.subf %sub3A_394, %sub3A_436 : vector<16xf32>
        %sub3A_438 = vector.broadcast %squeeze3A_68 : f32 to vector<16xf32>
        %sub3A_439 = arith.subf %sub3A_398, %sub3A_438 : vector<16xf32>
        %mul3A_440 = arith.mulf %sub3A_435, %sub3A_435 : vector<16xf32>
        %mul3A_441 = arith.mulf %sub3A_437, %sub3A_437 : vector<16xf32>
        %add3A_442 = arith.addf %mul3A_440, %mul3A_441 : vector<16xf32>
        %mul3A_443 = arith.mulf %sub3A_439, %sub3A_439 : vector<16xf32>
        %add3A_444 = arith.addf %add3A_442, %mul3A_443 : vector<16xf32>
        %lt3A_445 = arith.cmpf olt, %add3A_444, %select_n3A_430 : vector<16xf32>
        %select_n3A_446 = arith.select %lt3A_445, %add3A_444, %select_n3A_430 : vector<16xi1>, vector<16xf32>
        %jit3A_447 = arith.constant 2 : i32
        %broadcast_in_dim3A_448 = vector.broadcast %jit3A_447 : i32 to vector<16xi32>
        %select_n3A_449 = arith.select %lt3A_445, %broadcast_in_dim3A_448, %select_n3A_433 : vector<16xi1>, vector<16xi32>
        %sub3A_450 = vector.broadcast %squeeze3A_10 : f32 to vector<16xf32>
        %sub3A_451 = arith.subf %sub3A_390, %sub3A_450 : vector<16xf32>
        %sub3A_452 = vector.broadcast %squeeze3A_40 : f32 to vector<16xf32>
        %sub3A_453 = arith.subf %sub3A_394, %sub3A_452 : vector<16xf32>
        %sub3A_454 = vector.broadcast %squeeze3A_70 : f32 to vector<16xf32>
        %sub3A_455 = arith.subf %sub3A_398, %sub3A_454 : vector<16xf32>
        %mul3A_456 = arith.mulf %sub3A_451, %sub3A_451 : vector<16xf32>
        %mul3A_457 = arith.mulf %sub3A_453, %sub3A_453 : vector<16xf32>
        %add3A_458 = arith.addf %mul3A_456, %mul3A_457 : vector<16xf32>
        %mul3A_459 = arith.mulf %sub3A_455, %sub3A_455 : vector<16xf32>
        %add3A_460 = arith.addf %add3A_458, %mul3A_459 : vector<16xf32>
        %lt3A_461 = arith.cmpf olt, %add3A_460, %select_n3A_446 : vector<16xf32>
        %select_n3A_462 = arith.select %lt3A_461, %add3A_460, %select_n3A_446 : vector<16xi1>, vector<16xf32>
        %jit3A_463 = arith.constant 3 : i32
        %broadcast_in_dim3A_464 = vector.broadcast %jit3A_463 : i32 to vector<16xi32>
        %select_n3A_465 = arith.select %lt3A_461, %broadcast_in_dim3A_464, %select_n3A_449 : vector<16xi1>, vector<16xi32>
        %sub3A_466 = vector.broadcast %squeeze3A_12 : f32 to vector<16xf32>
        %sub3A_467 = arith.subf %sub3A_390, %sub3A_466 : vector<16xf32>
        %sub3A_468 = vector.broadcast %squeeze3A_42 : f32 to vector<16xf32>
        %sub3A_469 = arith.subf %sub3A_394, %sub3A_468 : vector<16xf32>
        %sub3A_470 = vector.broadcast %squeeze3A_72 : f32 to vector<16xf32>
        %sub3A_471 = arith.subf %sub3A_398, %sub3A_470 : vector<16xf32>
        %mul3A_472 = arith.mulf %sub3A_467, %sub3A_467 : vector<16xf32>
        %mul3A_473 = arith.mulf %sub3A_469, %sub3A_469 : vector<16xf32>
        %add3A_474 = arith.addf %mul3A_472, %mul3A_473 : vector<16xf32>
        %mul3A_475 = arith.mulf %sub3A_471, %sub3A_471 : vector<16xf32>
        %add3A_476 = arith.addf %add3A_474, %mul3A_475 : vector<16xf32>
        %lt3A_477 = arith.cmpf olt, %add3A_476, %select_n3A_462 : vector<16xf32>
        %select_n3A_478 = arith.select %lt3A_477, %add3A_476, %select_n3A_462 : vector<16xi1>, vector<16xf32>
        %jit3A_479 = arith.constant 4 : i32
        %broadcast_in_dim3A_480 = vector.broadcast %jit3A_479 : i32 to vector<16xi32>
        %select_n3A_481 = arith.select %lt3A_477, %broadcast_in_dim3A_480, %select_n3A_465 : vector<16xi1>, vector<16xi32>
        %sub3A_482 = vector.broadcast %squeeze3A_14 : f32 to vector<16xf32>
        %sub3A_483 = arith.subf %sub3A_390, %sub3A_482 : vector<16xf32>
        %sub3A_484 = vector.broadcast %squeeze3A_44 : f32 to vector<16xf32>
        %sub3A_485 = arith.subf %sub3A_394, %sub3A_484 : vector<16xf32>
        %sub3A_486 = vector.broadcast %squeeze3A_74 : f32 to vector<16xf32>
        %sub3A_487 = arith.subf %sub3A_398, %sub3A_486 : vector<16xf32>
        %mul3A_488 = arith.mulf %sub3A_483, %sub3A_483 : vector<16xf32>
        %mul3A_489 = arith.mulf %sub3A_485, %sub3A_485 : vector<16xf32>
        %add3A_490 = arith.addf %mul3A_488, %mul3A_489 : vector<16xf32>
        %mul3A_491 = arith.mulf %sub3A_487, %sub3A_487 : vector<16xf32>
        %add3A_492 = arith.addf %add3A_490, %mul3A_491 : vector<16xf32>
        %lt3A_493 = arith.cmpf olt, %add3A_492, %select_n3A_478 : vector<16xf32>
        %select_n3A_494 = arith.select %lt3A_493, %add3A_492, %select_n3A_478 : vector<16xi1>, vector<16xf32>
        %jit3A_495 = arith.constant 5 : i32
        %broadcast_in_dim3A_496 = vector.broadcast %jit3A_495 : i32 to vector<16xi32>
        %select_n3A_497 = arith.select %lt3A_493, %broadcast_in_dim3A_496, %select_n3A_481 : vector<16xi1>, vector<16xi32>
        %sub3A_498 = vector.broadcast %squeeze3A_16 : f32 to vector<16xf32>
        %sub3A_499 = arith.subf %sub3A_390, %sub3A_498 : vector<16xf32>
        %sub3A_500 = vector.broadcast %squeeze3A_46 : f32 to vector<16xf32>
        %sub3A_501 = arith.subf %sub3A_394, %sub3A_500 : vector<16xf32>
        %sub3A_502 = vector.broadcast %squeeze3A_76 : f32 to vector<16xf32>
        %sub3A_503 = arith.subf %sub3A_398, %sub3A_502 : vector<16xf32>
        %mul3A_504 = arith.mulf %sub3A_499, %sub3A_499 : vector<16xf32>
        %mul3A_505 = arith.mulf %sub3A_501, %sub3A_501 : vector<16xf32>
        %add3A_506 = arith.addf %mul3A_504, %mul3A_505 : vector<16xf32>
        %mul3A_507 = arith.mulf %sub3A_503, %sub3A_503 : vector<16xf32>
        %add3A_508 = arith.addf %add3A_506, %mul3A_507 : vector<16xf32>
        %lt3A_509 = arith.cmpf olt, %add3A_508, %select_n3A_494 : vector<16xf32>
        %select_n3A_510 = arith.select %lt3A_509, %add3A_508, %select_n3A_494 : vector<16xi1>, vector<16xf32>
        %jit3A_511 = arith.constant 6 : i32
        %broadcast_in_dim3A_512 = vector.broadcast %jit3A_511 : i32 to vector<16xi32>
        %select_n3A_513 = arith.select %lt3A_509, %broadcast_in_dim3A_512, %select_n3A_497 : vector<16xi1>, vector<16xi32>
        %sub3A_514 = vector.broadcast %squeeze3A_18 : f32 to vector<16xf32>
        %sub3A_515 = arith.subf %sub3A_390, %sub3A_514 : vector<16xf32>
        %sub3A_516 = vector.broadcast %squeeze3A_48 : f32 to vector<16xf32>
        %sub3A_517 = arith.subf %sub3A_394, %sub3A_516 : vector<16xf32>
        %sub3A_518 = vector.broadcast %squeeze3A_78 : f32 to vector<16xf32>
        %sub3A_519 = arith.subf %sub3A_398, %sub3A_518 : vector<16xf32>
        %mul3A_520 = arith.mulf %sub3A_515, %sub3A_515 : vector<16xf32>
        %mul3A_521 = arith.mulf %sub3A_517, %sub3A_517 : vector<16xf32>
        %add3A_522 = arith.addf %mul3A_520, %mul3A_521 : vector<16xf32>
        %mul3A_523 = arith.mulf %sub3A_519, %sub3A_519 : vector<16xf32>
        %add3A_524 = arith.addf %add3A_522, %mul3A_523 : vector<16xf32>
        %lt3A_525 = arith.cmpf olt, %add3A_524, %select_n3A_510 : vector<16xf32>
        %select_n3A_526 = arith.select %lt3A_525, %add3A_524, %select_n3A_510 : vector<16xi1>, vector<16xf32>
        %jit3A_527 = arith.constant 7 : i32
        %broadcast_in_dim3A_528 = vector.broadcast %jit3A_527 : i32 to vector<16xi32>
        %select_n3A_529 = arith.select %lt3A_525, %broadcast_in_dim3A_528, %select_n3A_513 : vector<16xi1>, vector<16xi32>
        %sub3A_530 = vector.broadcast %squeeze3A_20 : f32 to vector<16xf32>
        %sub3A_531 = arith.subf %sub3A_390, %sub3A_530 : vector<16xf32>
        %sub3A_532 = vector.broadcast %squeeze3A_50 : f32 to vector<16xf32>
        %sub3A_533 = arith.subf %sub3A_394, %sub3A_532 : vector<16xf32>
        %sub3A_534 = vector.broadcast %squeeze3A_80 : f32 to vector<16xf32>
        %sub3A_535 = arith.subf %sub3A_398, %sub3A_534 : vector<16xf32>
        %mul3A_536 = arith.mulf %sub3A_531, %sub3A_531 : vector<16xf32>
        %mul3A_537 = arith.mulf %sub3A_533, %sub3A_533 : vector<16xf32>
        %add3A_538 = arith.addf %mul3A_536, %mul3A_537 : vector<16xf32>
        %mul3A_539 = arith.mulf %sub3A_535, %sub3A_535 : vector<16xf32>
        %add3A_540 = arith.addf %add3A_538, %mul3A_539 : vector<16xf32>
        %lt3A_541 = arith.cmpf olt, %add3A_540, %select_n3A_526 : vector<16xf32>
        %select_n3A_542 = arith.select %lt3A_541, %add3A_540, %select_n3A_526 : vector<16xi1>, vector<16xf32>
        %jit3A_543 = arith.constant 8 : i32
        %broadcast_in_dim3A_544 = vector.broadcast %jit3A_543 : i32 to vector<16xi32>
        %select_n3A_545 = arith.select %lt3A_541, %broadcast_in_dim3A_544, %select_n3A_529 : vector<16xi1>, vector<16xi32>
        %sub3A_546 = vector.broadcast %squeeze3A_22 : f32 to vector<16xf32>
        %sub3A_547 = arith.subf %sub3A_390, %sub3A_546 : vector<16xf32>
        %sub3A_548 = vector.broadcast %squeeze3A_52 : f32 to vector<16xf32>
        %sub3A_549 = arith.subf %sub3A_394, %sub3A_548 : vector<16xf32>
        %sub3A_550 = vector.broadcast %squeeze3A_82 : f32 to vector<16xf32>
        %sub3A_551 = arith.subf %sub3A_398, %sub3A_550 : vector<16xf32>
        %mul3A_552 = arith.mulf %sub3A_547, %sub3A_547 : vector<16xf32>
        %mul3A_553 = arith.mulf %sub3A_549, %sub3A_549 : vector<16xf32>
        %add3A_554 = arith.addf %mul3A_552, %mul3A_553 : vector<16xf32>
        %mul3A_555 = arith.mulf %sub3A_551, %sub3A_551 : vector<16xf32>
        %add3A_556 = arith.addf %add3A_554, %mul3A_555 : vector<16xf32>
        %lt3A_557 = arith.cmpf olt, %add3A_556, %select_n3A_542 : vector<16xf32>
        %select_n3A_558 = arith.select %lt3A_557, %add3A_556, %select_n3A_542 : vector<16xi1>, vector<16xf32>
        %jit3A_559 = arith.constant 9 : i32
        %broadcast_in_dim3A_560 = vector.broadcast %jit3A_559 : i32 to vector<16xi32>
        %select_n3A_561 = arith.select %lt3A_557, %broadcast_in_dim3A_560, %select_n3A_545 : vector<16xi1>, vector<16xi32>
        %sub3A_562 = vector.broadcast %squeeze3A_24 : f32 to vector<16xf32>
        %sub3A_563 = arith.subf %sub3A_390, %sub3A_562 : vector<16xf32>
        %sub3A_564 = vector.broadcast %squeeze3A_54 : f32 to vector<16xf32>
        %sub3A_565 = arith.subf %sub3A_394, %sub3A_564 : vector<16xf32>
        %sub3A_566 = vector.broadcast %squeeze3A_84 : f32 to vector<16xf32>
        %sub3A_567 = arith.subf %sub3A_398, %sub3A_566 : vector<16xf32>
        %mul3A_568 = arith.mulf %sub3A_563, %sub3A_563 : vector<16xf32>
        %mul3A_569 = arith.mulf %sub3A_565, %sub3A_565 : vector<16xf32>
        %add3A_570 = arith.addf %mul3A_568, %mul3A_569 : vector<16xf32>
        %mul3A_571 = arith.mulf %sub3A_567, %sub3A_567 : vector<16xf32>
        %add3A_572 = arith.addf %add3A_570, %mul3A_571 : vector<16xf32>
        %lt3A_573 = arith.cmpf olt, %add3A_572, %select_n3A_558 : vector<16xf32>
        %select_n3A_574 = arith.select %lt3A_573, %add3A_572, %select_n3A_558 : vector<16xi1>, vector<16xf32>
        %jit3A_575 = arith.constant 10 : i32
        %broadcast_in_dim3A_576 = vector.broadcast %jit3A_575 : i32 to vector<16xi32>
        %select_n3A_577 = arith.select %lt3A_573, %broadcast_in_dim3A_576, %select_n3A_561 : vector<16xi1>, vector<16xi32>
        %sub3A_578 = vector.broadcast %squeeze3A_26 : f32 to vector<16xf32>
        %sub3A_579 = arith.subf %sub3A_390, %sub3A_578 : vector<16xf32>
        %sub3A_580 = vector.broadcast %squeeze3A_56 : f32 to vector<16xf32>
        %sub3A_581 = arith.subf %sub3A_394, %sub3A_580 : vector<16xf32>
        %sub3A_582 = vector.broadcast %squeeze3A_86 : f32 to vector<16xf32>
        %sub3A_583 = arith.subf %sub3A_398, %sub3A_582 : vector<16xf32>
        %mul3A_584 = arith.mulf %sub3A_579, %sub3A_579 : vector<16xf32>
        %mul3A_585 = arith.mulf %sub3A_581, %sub3A_581 : vector<16xf32>
        %add3A_586 = arith.addf %mul3A_584, %mul3A_585 : vector<16xf32>
        %mul3A_587 = arith.mulf %sub3A_583, %sub3A_583 : vector<16xf32>
        %add3A_588 = arith.addf %add3A_586, %mul3A_587 : vector<16xf32>
        %lt3A_589 = arith.cmpf olt, %add3A_588, %select_n3A_574 : vector<16xf32>
        %select_n3A_590 = arith.select %lt3A_589, %add3A_588, %select_n3A_574 : vector<16xi1>, vector<16xf32>
        %jit3A_591 = arith.constant 11 : i32
        %broadcast_in_dim3A_592 = vector.broadcast %jit3A_591 : i32 to vector<16xi32>
        %select_n3A_593 = arith.select %lt3A_589, %broadcast_in_dim3A_592, %select_n3A_577 : vector<16xi1>, vector<16xi32>
        %sub3A_594 = vector.broadcast %squeeze3A_28 : f32 to vector<16xf32>
        %sub3A_595 = arith.subf %sub3A_390, %sub3A_594 : vector<16xf32>
        %sub3A_596 = vector.broadcast %squeeze3A_58 : f32 to vector<16xf32>
        %sub3A_597 = arith.subf %sub3A_394, %sub3A_596 : vector<16xf32>
        %sub3A_598 = vector.broadcast %squeeze3A_88 : f32 to vector<16xf32>
        %sub3A_599 = arith.subf %sub3A_398, %sub3A_598 : vector<16xf32>
        %mul3A_600 = arith.mulf %sub3A_595, %sub3A_595 : vector<16xf32>
        %mul3A_601 = arith.mulf %sub3A_597, %sub3A_597 : vector<16xf32>
        %add3A_602 = arith.addf %mul3A_600, %mul3A_601 : vector<16xf32>
        %mul3A_603 = arith.mulf %sub3A_599, %sub3A_599 : vector<16xf32>
        %add3A_604 = arith.addf %add3A_602, %mul3A_603 : vector<16xf32>
        %lt3A_605 = arith.cmpf olt, %add3A_604, %select_n3A_590 : vector<16xf32>
        %select_n3A_606 = arith.select %lt3A_605, %add3A_604, %select_n3A_590 : vector<16xi1>, vector<16xf32>
        %jit3A_607 = arith.constant 12 : i32
        %broadcast_in_dim3A_608 = vector.broadcast %jit3A_607 : i32 to vector<16xi32>
        %select_n3A_609 = arith.select %lt3A_605, %broadcast_in_dim3A_608, %select_n3A_593 : vector<16xi1>, vector<16xi32>
        %sub3A_610 = vector.broadcast %squeeze3A_30 : f32 to vector<16xf32>
        %sub3A_611 = arith.subf %sub3A_390, %sub3A_610 : vector<16xf32>
        %sub3A_612 = vector.broadcast %squeeze3A_60 : f32 to vector<16xf32>
        %sub3A_613 = arith.subf %sub3A_394, %sub3A_612 : vector<16xf32>
        %sub3A_614 = vector.broadcast %squeeze3A_90 : f32 to vector<16xf32>
        %sub3A_615 = arith.subf %sub3A_398, %sub3A_614 : vector<16xf32>
        %mul3A_616 = arith.mulf %sub3A_611, %sub3A_611 : vector<16xf32>
        %mul3A_617 = arith.mulf %sub3A_613, %sub3A_613 : vector<16xf32>
        %add3A_618 = arith.addf %mul3A_616, %mul3A_617 : vector<16xf32>
        %mul3A_619 = arith.mulf %sub3A_615, %sub3A_615 : vector<16xf32>
        %add3A_620 = arith.addf %add3A_618, %mul3A_619 : vector<16xf32>
        %lt3A_621 = arith.cmpf olt, %add3A_620, %select_n3A_606 : vector<16xf32>
        %select_n3A_622 = arith.select %lt3A_621, %add3A_620, %select_n3A_606 : vector<16xi1>, vector<16xf32>
        %jit3A_623 = arith.constant 13 : i32
        %broadcast_in_dim3A_624 = vector.broadcast %jit3A_623 : i32 to vector<16xi32>
        %select_n3A_625 = arith.select %lt3A_621, %broadcast_in_dim3A_624, %select_n3A_609 : vector<16xi1>, vector<16xi32>
        %sub3A_626 = vector.broadcast %squeeze3A_32 : f32 to vector<16xf32>
        %sub3A_627 = arith.subf %sub3A_390, %sub3A_626 : vector<16xf32>
        %sub3A_628 = vector.broadcast %squeeze3A_62 : f32 to vector<16xf32>
        %sub3A_629 = arith.subf %sub3A_394, %sub3A_628 : vector<16xf32>
        %sub3A_630 = vector.broadcast %squeeze3A_92 : f32 to vector<16xf32>
        %sub3A_631 = arith.subf %sub3A_398, %sub3A_630 : vector<16xf32>
        %mul3A_632 = arith.mulf %sub3A_627, %sub3A_627 : vector<16xf32>
        %mul3A_633 = arith.mulf %sub3A_629, %sub3A_629 : vector<16xf32>
        %add3A_634 = arith.addf %mul3A_632, %mul3A_633 : vector<16xf32>
        %mul3A_635 = arith.mulf %sub3A_631, %sub3A_631 : vector<16xf32>
        %add3A_636 = arith.addf %add3A_634, %mul3A_635 : vector<16xf32>
        %lt3A_637 = arith.cmpf olt, %add3A_636, %select_n3A_622 : vector<16xf32>
        %select_n3A_638 = arith.select %lt3A_637, %add3A_636, %select_n3A_622 : vector<16xi1>, vector<16xf32>
        %jit3A_639 = arith.constant 14 : i32
        %broadcast_in_dim3A_640 = vector.broadcast %jit3A_639 : i32 to vector<16xi32>
        %select_n3A_641 = arith.select %lt3A_637, %broadcast_in_dim3A_640, %select_n3A_625 : vector<16xi1>, vector<16xi32>
        %max3A = arith.constant 9.99999968E-21 : f32
        %max3A_642 = vector.broadcast %max3A : f32 to vector<16xf32>
        %max3A_643 = arith.maximumf %select_n3A_638, %max3A_642 : vector<16xf32>
        %bitcast3A = vector.bitcast %max3A_643 : vector<16xf32> to vector<16xi32>
        %shift_right_arithmetic3A_644 = arith.constant 1 : i32
        %shift_right_arithmetic3A_645 = vector.broadcast %shift_right_arithmetic3A_644 : i32 to vector<16xi32>
        %shift_right_arithmetic3A_646 = arith.shrsi %bitcast3A, %shift_right_arithmetic3A_645 : vector<16xi32>
        %sub3A_647 = arith.constant 1597463007 : i32
        %sub3A_648 = vector.broadcast %sub3A_647 : i32 to vector<16xi32>
        %sub3A_649 = arith.subi %sub3A_648, %shift_right_arithmetic3A_646 : vector<16xi32>
        %bitcast3A_650 = vector.bitcast %sub3A_649 : vector<16xi32> to vector<16xf32>
        %mul3A_651 = arith.constant 5.000000e-01 : f32
        %mul3A_652 = vector.broadcast %mul3A_651 : f32 to vector<16xf32>
        %mul3A_653 = arith.mulf %mul3A_652, %max3A_643 : vector<16xf32>
        %mul3A_654 = arith.mulf %mul3A_653, %bitcast3A_650 : vector<16xf32>
        %mul3A_655 = arith.mulf %mul3A_654, %bitcast3A_650 : vector<16xf32>
        %sub3A_656 = arith.constant 1.500000e+00 : f32
        %sub3A_657 = vector.broadcast %sub3A_656 : f32 to vector<16xf32>
        %sub3A_658 = arith.subf %sub3A_657, %mul3A_655 : vector<16xf32>
        %mul3A_659 = arith.mulf %bitcast3A_650, %sub3A_658 : vector<16xf32>
        %mul3A_660 = arith.constant 5.000000e-01 : f32
        %mul3A_661 = vector.broadcast %mul3A_660 : f32 to vector<16xf32>
        %mul3A_662 = arith.mulf %mul3A_661, %max3A_643 : vector<16xf32>
        %mul3A_663 = arith.mulf %mul3A_662, %mul3A_659 : vector<16xf32>
        %mul3A_664 = arith.mulf %mul3A_663, %mul3A_659 : vector<16xf32>
        %sub3A_665 = arith.constant 1.500000e+00 : f32
        %sub3A_666 = vector.broadcast %sub3A_665 : f32 to vector<16xf32>
        %sub3A_667 = arith.subf %sub3A_666, %mul3A_664 : vector<16xf32>
        %mul3A_668 = arith.mulf %mul3A_659, %sub3A_667 : vector<16xf32>
        %mul3A_669 = arith.constant 5.000000e-01 : f32
        %mul3A_670 = vector.broadcast %mul3A_669 : f32 to vector<16xf32>
        %mul3A_671 = arith.mulf %mul3A_670, %max3A_643 : vector<16xf32>
        %mul3A_672 = arith.mulf %mul3A_671, %mul3A_668 : vector<16xf32>
        %mul3A_673 = arith.mulf %mul3A_672, %mul3A_668 : vector<16xf32>
        %sub3A_674 = arith.constant 1.500000e+00 : f32
        %sub3A_675 = vector.broadcast %sub3A_674 : f32 to vector<16xf32>
        %sub3A_676 = arith.subf %sub3A_675, %mul3A_673 : vector<16xf32>
        %mul3A_677 = arith.mulf %mul3A_668, %sub3A_676 : vector<16xf32>
        %mul3A_678 = arith.mulf %max3A_643, %mul3A_677 : vector<16xf32>
        %mul3A_679 = arith.constant 5.000000e-01 : f32
        %mul3A_680 = vector.broadcast %mul3A_679 : f32 to vector<16xf32>
        %mul3A_681 = arith.mulf %mul3A_678, %mul3A_680 : vector<16xf32>
        %sub3A_682 = arith.constant 1.000000e+00 : f32
        %sub3A_683 = vector.broadcast %sub3A_682 : f32 to vector<16xf32>
        %sub3A_684 = arith.subf %sub3A_683, %mul3A_681 : vector<16xf32>
        %max3A_685 = arith.constant 0.000000e+00 : f32
        %max3A_686 = vector.broadcast %max3A_685 : f32 to vector<16xf32>
        %max3A_687 = arith.maximumf %sub3A_684, %max3A_686 : vector<16xf32>
        %bitcast3A_688 = vector.bitcast %max3A_687 : vector<16xf32> to vector<16xi32>
        %and3A_689 = arith.constant -16 : i32
        %and3A_690 = vector.broadcast %and3A_689 : i32 to vector<16xi32>
        %and3A_691 = arith.andi %bitcast3A_688, %and3A_690 : vector<16xi32>
        %or3A = arith.ori %and3A_691, %select_n3A_641 : vector<16xi32>
        %mul3A_692 = arith.constant 16 : i32
        %mul3A_693 = arith.muli %scan3A_371, %mul3A_692 : i32
        %swap3A = arith.index_cast %mul3A_693 : i32 to index
        %swap3A_694 = tpu.vector_load %arg30[%swap3A] {strides = array<i32>} : memref<272xi32, #tpu.memory_space<vmem>>, vector<16xi32>,
        tpu.vector_store %arg30[%swap3A], %or3A {strides = array<i32>} : memref<272xi32, #tpu.memory_space<vmem>>, vector<16xi32>,
      }
      %scan3A_354 = arith.constant 16 : i32
      %scan3A_355 = arith.constant 0 : i32
      %scan3A_356 = arith.constant 0 : i32
      %scan3A_357 = arith.constant 8 : i32
      %scan3A_358 = arith.addi %scan3A_356, %scan3A_357 : i32
      %scan3A_359 = arith.constant 1 : i32
      scf.for %scan3A_371 = %scan3A_356 to %scan3A_358 step %scan3A_359  : i32 {
        %broadcast_in_dim3A = arith.constant 0.000000e+00 : f32
        %broadcast_in_dim3A_372 = vector.broadcast %broadcast_in_dim3A : f32 to vector<16xf32>
        %broadcast_in_dim3A_373 = arith.constant 0.000000e+00 : f32
        %broadcast_in_dim3A_374 = vector.broadcast %broadcast_in_dim3A_373 : f32 to vector<16xf32>
        %broadcast_in_dim3A_375 = arith.constant 0.000000e+00 : f32
        %broadcast_in_dim3A_376 = vector.broadcast %broadcast_in_dim3A_375 : f32 to vector<16xf32>
        %broadcast_in_dim3A_377 = arith.constant 0.000000e+00 : f32
        %broadcast_in_dim3A_378 = vector.broadcast %broadcast_in_dim3A_377 : f32 to vector<16xf32>
        %broadcast_in_dim3A_379 = arith.constant 0.000000e+00 : f32
        %broadcast_in_dim3A_380 = vector.broadcast %broadcast_in_dim3A_379 : f32 to vector<16xf32>
        %broadcast_in_dim3A_381 = arith.constant 0.000000e+00 : f32
        %broadcast_in_dim3A_382 = vector.broadcast %broadcast_in_dim3A_381 : f32 to vector<16xf32>
        %broadcast_in_dim3A_383 = arith.constant 0.000000e+00 : f32
        %broadcast_in_dim3A_384 = vector.broadcast %broadcast_in_dim3A_383 : f32 to vector<16xf32>
        %broadcast_in_dim3A_385 = arith.constant 0.000000e+00 : f32
        %broadcast_in_dim3A_386 = vector.broadcast %broadcast_in_dim3A_385 : f32 to vector<16xf32>
        %scan3A_387 = arith.constant 0 : i32
        %scan3A_388 = arith.constant 32 : i32
        %scan3A_389 = arith.addi %scan3A_387, %scan3A_388 : i32
        %scan3A_390 = arith.constant 1 : i32
        %scan3A_391:8 = scf.for %scan3A_416 = %scan3A_387 to %scan3A_389 step %scan3A_390 iter_args(%scan3A_417 = %broadcast_in_dim3A_372, %scan3A_418 = %broadcast_in_dim3A_374, %scan3A_419 = %broadcast_in_dim3A_376, %scan3A_420 = %broadcast_in_dim3A_378, %scan3A_421 = %broadcast_in_dim3A_380, %scan3A_422 = %broadcast_in_dim3A_382, %scan3A_423 = %broadcast_in_dim3A_384, %scan3A_424 = %broadcast_in_dim3A_386) -> (vector<16xf32>, vector<16xf32>, vector<16xf32>, vector<16xf32>, vector<16xf32>, vector<16xf32>, vector<16xf32>, vector<16xf32>)  : i32 {
          %mul3A_425 = arith.constant 32 : i32
          %mul3A_426 = arith.muli %scan3A_371, %mul3A_425 : i32
          %add3A_427 = arith.addi %mul3A_426, %scan3A_416 : i32
          %get3A_428 = arith.index_cast %add3A_427 : i32 to index
          %get3A_429 = tpu.vector_load %arg30[%get3A_428] {strides = array<i32>} : memref<272xi32, #tpu.memory_space<vmem>>, vector<16xi32>,
          %slice3A_430 = vector.extract_strided_slice %get3A_429 {offsets = [0], sizes = [1], strides = [1]} : vector<16xi32> to vector<1xi32>
          %squeeze3A_431 = vector.extract %slice3A_430[0] : i32 from vector<1xi32>
          %and3A_432 = arith.constant 15 : i32
          %and3A_433 = arith.andi %squeeze3A_431, %and3A_432 : i32
          %broadcast_in_dim3A_434 = vector.broadcast %squeeze3A_431 : i32 to vector<16xi32>
          %and3A_435 = arith.constant -16 : i32
          %and3A_436 = vector.broadcast %and3A_435 : i32 to vector<16xi32>
          %and3A_437 = arith.andi %broadcast_in_dim3A_434, %and3A_436 : vector<16xi32>
          %bitcast3A = vector.bitcast %and3A_437 : vector<16xi32> to vector<16xf32>
          %mul3A_438 = arith.constant 16 : i32
          %mul3A_439 = arith.muli %and3A_433, %mul3A_438 : i32
          %get3A_440 = arith.index_cast %scan3A_371 : i32 to index
          %get3A_441 = arith.index_cast %mul3A_439 : i32 to index
          %get3A_442 = tpu.vector_load %arg28[%get3A_440, %get3A_441] {strides = array<i32>} : memref<8x256xf32, #tpu.memory_space<vmem>>, vector<16xf32>,
          %mul3A_443 = arith.mulf %get3A_442, %bitcast3A : vector<16xf32>
          %get3A_444 = arith.index_cast %add3A_427 : i32 to index
          %get3A_445 = arith.constant 0 : index
          %get3A_446 = tpu.vector_load %arg27[%get3A_444, %get3A_445] {strides = array<i32>} : memref<256x128xf32, #tpu.memory_space<vmem>>, vector<16xf32>,
          %get3A_447 = arith.index_cast %and3A_433 : i32 to index
          %get3A_448 = arith.constant 0 : index
          %get3A_449 = tpu.vector_load %arg15[%get3A_447, %get3A_448] {strides = array<i32>} : memref<15x128xf32, #tpu.memory_space<vmem>>, vector<16xf32>,
          %mul3A_450 = arith.mulf %get3A_449, %mul3A_443 : vector<16xf32>
          %mul3A_451 = arith.mulf %get3A_446, %mul3A_450 : vector<16xf32>
          %add3A_452 = arith.addf %scan3A_417, %mul3A_451 : vector<16xf32>
          %get3A_453 = arith.index_cast %add3A_427 : i32 to index
          %get3A_454 = arith.constant 16 : index
          %get3A_455 = tpu.vector_load %arg27[%get3A_453, %get3A_454] {strides = array<i32>} : memref<256x128xf32, #tpu.memory_space<vmem>>, vector<16xf32>,
          %get3A_456 = arith.index_cast %and3A_433 : i32 to index
          %get3A_457 = arith.constant 16 : index
          %get3A_458 = tpu.vector_load %arg15[%get3A_456, %get3A_457] {strides = array<i32>} : memref<15x128xf32, #tpu.memory_space<vmem>>, vector<16xf32>,
          %mul3A_459 = arith.mulf %get3A_458, %mul3A_443 : vector<16xf32>
          %mul3A_460 = arith.mulf %get3A_455, %mul3A_459 : vector<16xf32>
          %add3A_461 = arith.addf %scan3A_418, %mul3A_460 : vector<16xf32>
          %get3A_462 = arith.index_cast %add3A_427 : i32 to index
          %get3A_463 = arith.constant 32 : index
          %get3A_464 = tpu.vector_load %arg27[%get3A_462, %get3A_463] {strides = array<i32>} : memref<256x128xf32, #tpu.memory_space<vmem>>, vector<16xf32>,
          %get3A_465 = arith.index_cast %and3A_433 : i32 to index
          %get3A_466 = arith.constant 32 : index
          %get3A_467 = tpu.vector_load %arg15[%get3A_465, %get3A_466] {strides = array<i32>} : memref<15x128xf32, #tpu.memory_space<vmem>>, vector<16xf32>,
          %mul3A_468 = arith.mulf %get3A_467, %mul3A_443 : vector<16xf32>
          %mul3A_469 = arith.mulf %get3A_464, %mul3A_468 : vector<16xf32>
          %add3A_470 = arith.addf %scan3A_419, %mul3A_469 : vector<16xf32>
          %get3A_471 = arith.index_cast %add3A_427 : i32 to index
          %get3A_472 = arith.constant 48 : index
          %get3A_473 = tpu.vector_load %arg27[%get3A_471, %get3A_472] {strides = array<i32>} : memref<256x128xf32, #tpu.memory_space<vmem>>, vector<16xf32>,
          %get3A_474 = arith.index_cast %and3A_433 : i32 to index
          %get3A_475 = arith.constant 48 : index
          %get3A_476 = tpu.vector_load %arg15[%get3A_474, %get3A_475] {strides = array<i32>} : memref<15x128xf32, #tpu.memory_space<vmem>>, vector<16xf32>,
          %mul3A_477 = arith.mulf %get3A_476, %mul3A_443 : vector<16xf32>
          %mul3A_478 = arith.mulf %get3A_473, %mul3A_477 : vector<16xf32>
          %add3A_479 = arith.addf %scan3A_420, %mul3A_478 : vector<16xf32>
          %get3A_480 = arith.index_cast %add3A_427 : i32 to index
          %get3A_481 = arith.constant 64 : index
          %get3A_482 = tpu.vector_load %arg27[%get3A_480, %get3A_481] {strides = array<i32>} : memref<256x128xf32, #tpu.memory_space<vmem>>, vector<16xf32>,
          %get3A_483 = arith.index_cast %and3A_433 : i32 to index
          %get3A_484 = arith.constant 64 : index
          %get3A_485 = tpu.vector_load %arg15[%get3A_483, %get3A_484] {strides = array<i32>} : memref<15x128xf32, #tpu.memory_space<vmem>>, vector<16xf32>,
          %mul3A_486 = arith.mulf %get3A_485, %mul3A_443 : vector<16xf32>
          %mul3A_487 = arith.mulf %get3A_482, %mul3A_486 : vector<16xf32>
          %add3A_488 = arith.addf %scan3A_421, %mul3A_487 : vector<16xf32>
          %get3A_489 = arith.index_cast %add3A_427 : i32 to index
          %get3A_490 = arith.constant 80 : index
          %get3A_491 = tpu.vector_load %arg27[%get3A_489, %get3A_490] {strides = array<i32>} : memref<256x128xf32, #tpu.memory_space<vmem>>, vector<16xf32>,
          %get3A_492 = arith.index_cast %and3A_433 : i32 to index
          %get3A_493 = arith.constant 80 : index
          %get3A_494 = tpu.vector_load %arg15[%get3A_492, %get3A_493] {strides = array<i32>} : memref<15x128xf32, #tpu.memory_space<vmem>>, vector<16xf32>,
          %mul3A_495 = arith.mulf %get3A_494, %mul3A_443 : vector<16xf32>
          %mul3A_496 = arith.mulf %get3A_491, %mul3A_495 : vector<16xf32>
          %add3A_497 = arith.addf %scan3A_422, %mul3A_496 : vector<16xf32>
          %get3A_498 = arith.index_cast %add3A_427 : i32 to index
          %get3A_499 = arith.constant 96 : index
          %get3A_500 = tpu.vector_load %arg27[%get3A_498, %get3A_499] {strides = array<i32>} : memref<256x128xf32, #tpu.memory_space<vmem>>, vector<16xf32>,
          %get3A_501 = arith.index_cast %and3A_433 : i32 to index
          %get3A_502 = arith.constant 96 : index
          %get3A_503 = tpu.vector_load %arg15[%get3A_501, %get3A_502] {strides = array<i32>} : memref<15x128xf32, #tpu.memory_space<vmem>>, vector<16xf32>,
          %mul3A_504 = arith.mulf %get3A_503, %mul3A_443 : vector<16xf32>
          %mul3A_505 = arith.mulf %get3A_500, %mul3A_504 : vector<16xf32>
          %add3A_506 = arith.addf %scan3A_423, %mul3A_505 : vector<16xf32>
          %get3A_507 = arith.index_cast %add3A_427 : i32 to index
          %get3A_508 = arith.constant 112 : index
          %get3A_509 = tpu.vector_load %arg27[%get3A_507, %get3A_508] {strides = array<i32>} : memref<256x128xf32, #tpu.memory_space<vmem>>, vector<16xf32>,
          %get3A_510 = arith.index_cast %and3A_433 : i32 to index
          %get3A_511 = arith.constant 112 : index
          %get3A_512 = tpu.vector_load %arg15[%get3A_510, %get3A_511] {strides = array<i32>} : memref<15x128xf32, #tpu.memory_space<vmem>>, vector<16xf32>,
          %mul3A_513 = arith.mulf %get3A_512, %mul3A_443 : vector<16xf32>
          %mul3A_514 = arith.mulf %get3A_509, %mul3A_513 : vector<16xf32>
          %add3A_515 = arith.addf %scan3A_424, %mul3A_514 : vector<16xf32>
          scf.yield %add3A_452, %add3A_461, %add3A_470, %add3A_479, %add3A_488, %add3A_497, %add3A_506, %add3A_515 : vector<16xf32>, vector<16xf32>, vector<16xf32>, vector<16xf32>, vector<16xf32>, vector<16xf32>, vector<16xf32>, vector<16xf32>
        }
        %scan3A_392 = arith.constant 32 : i32
        %swap3A = arith.index_cast %scan3A_371 : i32 to index
        %swap3A_393 = arith.constant 0 : index
        %swap3A_394 = tpu.vector_load %arg31[%swap3A, %swap3A_393] {strides = array<i32>} : memref<8x128xf32, #tpu.memory_space<vmem>>, vector<16xf32>,
        tpu.vector_store %arg31[%swap3A, %swap3A_393], %scan3A_391#0 {strides = array<i32>} : memref<8x128xf32, #tpu.memory_space<vmem>>, vector<16xf32>,
        %swap3A_395 = arith.index_cast %scan3A_371 : i32 to index
        %swap3A_396 = arith.constant 16 : index
        %swap3A_397 = tpu.vector_load %arg31[%swap3A_395, %swap3A_396] {strides = array<i32>} : memref<8x128xf32, #tpu.memory_space<vmem>>, vector<16xf32>,
        tpu.vector_store %arg31[%swap3A_395, %swap3A_396], %scan3A_391#1 {strides = array<i32>} : memref<8x128xf32, #tpu.memory_space<vmem>>, vector<16xf32>,
        %swap3A_398 = arith.index_cast %scan3A_371 : i32 to index
        %swap3A_399 = arith.constant 32 : index
        %swap3A_400 = tpu.vector_load %arg31[%swap3A_398, %swap3A_399] {strides = array<i32>} : memref<8x128xf32, #tpu.memory_space<vmem>>, vector<16xf32>,
        tpu.vector_store %arg31[%swap3A_398, %swap3A_399], %scan3A_391#2 {strides = array<i32>} : memref<8x128xf32, #tpu.memory_space<vmem>>, vector<16xf32>,
        %swap3A_401 = arith.index_cast %scan3A_371 : i32 to index
        %swap3A_402 = arith.constant 48 : index
        %swap3A_403 = tpu.vector_load %arg31[%swap3A_401, %swap3A_402] {strides = array<i32>} : memref<8x128xf32, #tpu.memory_space<vmem>>, vector<16xf32>,
        tpu.vector_store %arg31[%swap3A_401, %swap3A_402], %scan3A_391#3 {strides = array<i32>} : memref<8x128xf32, #tpu.memory_space<vmem>>, vector<16xf32>,
        %swap3A_404 = arith.index_cast %scan3A_371 : i32 to index
        %swap3A_405 = arith.constant 64 : index
        %swap3A_406 = tpu.vector_load %arg31[%swap3A_404, %swap3A_405] {strides = array<i32>} : memref<8x128xf32, #tpu.memory_space<vmem>>, vector<16xf32>,
        tpu.vector_store %arg31[%swap3A_404, %swap3A_405], %scan3A_391#4 {strides = array<i32>} : memref<8x128xf32, #tpu.memory_space<vmem>>, vector<16xf32>,
        %swap3A_407 = arith.index_cast %scan3A_371 : i32 to index
        %swap3A_408 = arith.constant 80 : index
        %swap3A_409 = tpu.vector_load %arg31[%swap3A_407, %swap3A_408] {strides = array<i32>} : memref<8x128xf32, #tpu.memory_space<vmem>>, vector<16xf32>,
        tpu.vector_store %arg31[%swap3A_407, %swap3A_408], %scan3A_391#5 {strides = array<i32>} : memref<8x128xf32, #tpu.memory_space<vmem>>, vector<16xf32>,
        %swap3A_410 = arith.index_cast %scan3A_371 : i32 to index
        %swap3A_411 = arith.constant 96 : index
        %swap3A_412 = tpu.vector_load %arg31[%swap3A_410, %swap3A_411] {strides = array<i32>} : memref<8x128xf32, #tpu.memory_space<vmem>>, vector<16xf32>,
        tpu.vector_store %arg31[%swap3A_410, %swap3A_411], %scan3A_391#6 {strides = array<i32>} : memref<8x128xf32, #tpu.memory_space<vmem>>, vector<16xf32>,
        %swap3A_413 = arith.index_cast %scan3A_371 : i32 to index
        %swap3A_414 = arith.constant 112 : index
        %swap3A_415 = tpu.vector_load %arg31[%swap3A_413, %swap3A_414] {strides = array<i32>} : memref<8x128xf32, #tpu.memory_space<vmem>>, vector<16xf32>,
        tpu.vector_store %arg31[%swap3A_413, %swap3A_414], %scan3A_391#7 {strides = array<i32>} : memref<8x128xf32, #tpu.memory_space<vmem>>, vector<16xf32>,
      }
      %scan3A_360 = arith.constant 8 : i32
      %dma_start3A_361 = arith.constant 0 : i32
      %dma_start3A_362 = tpu.memref_slice %arg11[%add3A_317, %dma_start3A_361] : memref<10240x128xf32, #tpu.memory_space<hbm>> -> memref<8x128xf32, #tpu.memory_space<hbm>>
      %dma_start3A_363 = arith.constant 0 : i32
      %dma_start3A_364 = tpu.memref_slice %arg11[%add3A_317, %dma_start3A_363] : memref<10240x128xf32, #tpu.memory_space<hbm>> -> memref<8x128xf32, #tpu.memory_space<hbm>>
      tpu.enqueue_dma source(%arg31 : memref<8x128xf32, #tpu.memory_space<vmem>>) target(%dma_start3A_364 : memref<8x128xf32, #tpu.memory_space<hbm>>) target_semaphore(%arg34 : memref<!tpu.dma_semaphore, #tpu.memory_space<semaphore_mem>>)
      %add3A_365 = arith.constant 2 : i32
      %add3A_366 = arith.addi %add3A_314, %add3A_365 : i32
      %lt3A_367 = arith.cmpi slt, %add3A_366, %select_n3A : i32
      %convert_element_type3A_368 = arith.extui %lt3A_367 : i1 to i32
      %cond3A_369 = arith.constant 0 : i32
      %cond3A_370 = arith.cmpi ne, %convert_element_type3A_368, %cond3A_369 : i32
      scf.if %cond3A_370 {
        %add3A_371 = arith.constant 2 : i32
        %add3A_372 = arith.addi %add3A_314, %add3A_371 : i32
        %mul3A_373 = arith.constant 8 : i32
        %mul3A_374 = arith.muli %add3A_372, %mul3A_373 : i32
        %add3A_375 = arith.addi %select_n3A_119, %mul3A_374 : i32
        %mul3A_376 = arith.constant 32 : i32
        %mul3A_377 = arith.muli %add3A_375, %mul3A_376 : i32
        %add3A_378 = arith.constant 128 : i32
        %add3A_379 = arith.addi %mul3A_377, %add3A_378 : i32
        %dma_start3A_380 = arith.constant 0 : i32
        %dma_start3A_381 = arith.constant 0 : i32
        %dma_start3A_382 = tpu.memref_slice %arg26[%dma_start3A_380, %dma_start3A_381] : memref<2x128xi32, #tpu.memory_space<vmem>> -> memref<1x128xi32, #tpu.memory_space<vmem>>
        %dma_start3A_383 = tpu.memref_squeeze %dma_start3A_382 : memref<1x128xi32, #tpu.memory_space<vmem>> -> memref<128xi32, #tpu.memory_space<vmem>>
        %dma_start3A_384 = tpu.memref_slice %arg2[%mul3A_377] : memref<327680xi32, #tpu.memory_space<hbm>> -> memref<128xi32, #tpu.memory_space<hbm>>
        %dma_start3A_385 = arith.constant 0 : i32
        %dma_start3A_386 = tpu.memref_slice %arg26[%dma_start3A_380, %dma_start3A_385] : memref<2x128xi32, #tpu.memory_space<vmem>> -> memref<1x128xi32, #tpu.memory_space<vmem>>
        %dma_start3A_387 = tpu.memref_squeeze %dma_start3A_386 : memref<1x128xi32, #tpu.memory_space<vmem>> -> memref<128xi32, #tpu.memory_space<vmem>>
        %dma_start3A_388 = tpu.memref_slice %arg2[%mul3A_377] : memref<327680xi32, #tpu.memory_space<hbm>> -> memref<128xi32, #tpu.memory_space<hbm>>
        tpu.enqueue_dma source(%dma_start3A_388 : memref<128xi32, #tpu.memory_space<hbm>>) target(%dma_start3A_387 : memref<128xi32, #tpu.memory_space<vmem>>) target_semaphore(%arg32 : memref<!tpu.dma_semaphore, #tpu.memory_space<semaphore_mem>>)
        %dma_start3A_389 = arith.constant 1 : i32
        %dma_start3A_390 = arith.constant 0 : i32
        %dma_start3A_391 = tpu.memref_slice %arg26[%dma_start3A_389, %dma_start3A_390] : memref<2x128xi32, #tpu.memory_space<vmem>> -> memref<1x128xi32, #tpu.memory_space<vmem>>
        %dma_start3A_392 = tpu.memref_squeeze %dma_start3A_391 : memref<1x128xi32, #tpu.memory_space<vmem>> -> memref<128xi32, #tpu.memory_space<vmem>>
        %dma_start3A_393 = tpu.memref_slice %arg2[%add3A_379] : memref<327680xi32, #tpu.memory_space<hbm>> -> memref<128xi32, #tpu.memory_space<hbm>>
        %dma_start3A_394 = arith.constant 0 : i32
        %dma_start3A_395 = tpu.memref_slice %arg26[%dma_start3A_389, %dma_start3A_394] : memref<2x128xi32, #tpu.memory_space<vmem>> -> memref<1x128xi32, #tpu.memory_space<vmem>>
        %dma_start3A_396 = tpu.memref_squeeze %dma_start3A_395 : memref<1x128xi32, #tpu.memory_space<vmem>> -> memref<128xi32, #tpu.memory_space<vmem>>
        %dma_start3A_397 = tpu.memref_slice %arg2[%add3A_379] : memref<327680xi32, #tpu.memory_space<hbm>> -> memref<128xi32, #tpu.memory_space<hbm>>
        tpu.enqueue_dma source(%dma_start3A_397 : memref<128xi32, #tpu.memory_space<hbm>>) target(%dma_start3A_396 : memref<128xi32, #tpu.memory_space<vmem>>) target_semaphore(%arg32 : memref<!tpu.dma_semaphore, #tpu.memory_space<semaphore_mem>>)
        %dma_start3A_398 = arith.constant 0 : i32
        %dma_start3A_399 = tpu.memref_slice %arg8[%add3A_375, %dma_start3A_398] : memref<10240x256xf32, #tpu.memory_space<hbm>> -> memref<8x256xf32, #tpu.memory_space<hbm>>
        %dma_start3A_400 = arith.constant 0 : i32
        %dma_start3A_401 = tpu.memref_slice %arg8[%add3A_375, %dma_start3A_400] : memref<10240x256xf32, #tpu.memory_space<hbm>> -> memref<8x256xf32, #tpu.memory_space<hbm>>
        tpu.enqueue_dma source(%dma_start3A_401 : memref<8x256xf32, #tpu.memory_space<hbm>>) target(%arg28 : memref<8x256xf32, #tpu.memory_space<vmem>>) target_semaphore(%arg32 : memref<!tpu.dma_semaphore, #tpu.memory_space<semaphore_mem>>)
        %dma_start3A_402 = arith.constant 0 : i32
        %dma_start3A_403 = tpu.memref_slice %arg3[%add3A_375, %dma_start3A_402] : memref<10240x16xf32, #tpu.memory_space<hbm>> -> memref<8x16xf32, #tpu.memory_space<hbm>>
        %dma_start3A_404 = arith.constant 0 : i32
        %dma_start3A_405 = tpu.memref_slice %arg3[%add3A_375, %dma_start3A_404] : memref<10240x16xf32, #tpu.memory_space<hbm>> -> memref<8x16xf32, #tpu.memory_space<hbm>>
        tpu.enqueue_dma source(%dma_start3A_405 : memref<8x16xf32, #tpu.memory_space<hbm>>) target(%arg29 : memref<8x16xf32, #tpu.memory_space<vmem>>) target_semaphore(%arg32 : memref<!tpu.dma_semaphore, #tpu.memory_space<semaphore_mem>>)
      } else {
      }
    }
    %while3A_238 = arith.constant 1 : i32
    scf.for %while3A_257 = %while3A_236 to %while3A_232 step %while3A_238  : i32 {
      %mul3A_258 = arith.constant 2 : i32
      %mul3A_259 = arith.muli %mul3A_258, %while3A_257 : i32
      %mul3A_260 = arith.constant 8 : i32
      %mul3A_261 = arith.muli %mul3A_259, %mul3A_260 : i32
      %add3A_262 = arith.addi %select_n3A_119, %mul3A_261 : i32
      %dma_wait3A_263 = arith.constant 0 : i32
      %dma_wait3A_264 = arith.constant 0 : i32
      %dma_wait3A_265 = arith.constant 0 : i32
      %dma_wait3A_266 = tpu.memref_slice %arg18[%dma_wait3A_264, %dma_wait3A_265] : memref<256x128xf32, #tpu.memory_space<vmem>> -> memref<128x128xf32, #tpu.memory_space<vmem>>
      %dma_wait3A_267 = arith.constant 0 : i32
      %dma_wait3A_268 = tpu.memref_slice %arg17[%dma_wait3A_263, %dma_wait3A_267] : memref<2x128xi32, #tpu.memory_space<vmem>> -> memref<1x128xi32, #tpu.memory_space<vmem>>
      %dma_wait3A_269 = tpu.memref_squeeze %dma_wait3A_268 : memref<1x128xi32, #tpu.memory_space<vmem>> -> memref<128xi32, #tpu.memory_space<vmem>>
      %dma_wait3A_270 = arith.constant 0 : i32
      %dma_wait3A_271 = arith.constant 0 : i32
      %dma_wait3A_272 = tpu.memref_slice %arg7[%dma_wait3A_270, %dma_wait3A_271] : memref<10000x128xf32, #tpu.memory_space<hbm>> -> memref<10000x128xf32, #tpu.memory_space<hbm>>
      tpu.wait_indirect_dma semaphore(%arg24 : memref<!tpu.dma_semaphore, #tpu.memory_space<semaphore_mem>>) src(%dma_wait3A_272 : memref<10000x128xf32, #tpu.memory_space<hbm>>) dst(%dma_wait3A_266 : memref<128x128xf32, #tpu.memory_space<vmem>>)
      %dma_wait3A_273 = arith.constant 1 : i32
      %dma_wait3A_274 = arith.constant 128 : i32
      %dma_wait3A_275 = arith.constant 0 : i32
      %dma_wait3A_276 = tpu.memref_slice %arg18[%dma_wait3A_274, %dma_wait3A_275] : memref<256x128xf32, #tpu.memory_space<vmem>> -> memref<128x128xf32, #tpu.memory_space<vmem>>
      %dma_wait3A_277 = arith.constant 0 : i32
      %dma_wait3A_278 = tpu.memref_slice %arg17[%dma_wait3A_273, %dma_wait3A_277] : memref<2x128xi32, #tpu.memory_space<vmem>> -> memref<1x128xi32, #tpu.memory_space<vmem>>
      %dma_wait3A_279 = tpu.memref_squeeze %dma_wait3A_278 : memref<1x128xi32, #tpu.memory_space<vmem>> -> memref<128xi32, #tpu.memory_space<vmem>>
      %dma_wait3A_280 = arith.constant 0 : i32
      %dma_wait3A_281 = arith.constant 0 : i32
      %dma_wait3A_282 = tpu.memref_slice %arg7[%dma_wait3A_280, %dma_wait3A_281] : memref<10000x128xf32, #tpu.memory_space<hbm>> -> memref<10000x128xf32, #tpu.memory_space<hbm>>
      tpu.wait_indirect_dma semaphore(%arg24 : memref<!tpu.dma_semaphore, #tpu.memory_space<semaphore_mem>>) src(%dma_wait3A_282 : memref<10000x128xf32, #tpu.memory_space<hbm>>) dst(%dma_wait3A_276 : memref<128x128xf32, #tpu.memory_space<vmem>>)
      %add3A_283 = arith.constant 1 : i32
      %add3A_284 = arith.addi %mul3A_259, %add3A_283 : i32
      %lt3A = arith.cmpi slt, %add3A_284, %select_n3A : i32
      %convert_element_type3A = arith.extui %lt3A : i1 to i32
      %cond3A = arith.constant 0 : i32
      %cond3A_285 = arith.cmpi ne, %convert_element_type3A, %cond3A : i32
      scf.if %cond3A_285 {
        %add3A_371 = arith.constant 8 : i32
        %add3A_372 = arith.addi %add3A_262, %add3A_371 : i32
        %mul3A_373 = arith.constant 32 : i32
        %mul3A_374 = arith.muli %add3A_372, %mul3A_373 : i32
        %add3A_375 = arith.constant 128 : i32
        %add3A_376 = arith.addi %mul3A_374, %add3A_375 : i32
        %dma_wait3A_377 = arith.constant 0 : i32
        %dma_wait3A_378 = arith.constant 0 : i32
        %dma_wait3A_379 = tpu.memref_slice %arg26[%dma_wait3A_377, %dma_wait3A_378] : memref<2x128xi32, #tpu.memory_space<vmem>> -> memref<1x128xi32, #tpu.memory_space<vmem>>
        %dma_wait3A_380 = tpu.memref_squeeze %dma_wait3A_379 : memref<1x128xi32, #tpu.memory_space<vmem>> -> memref<128xi32, #tpu.memory_space<vmem>>
        %dma_wait3A_381 = tpu.memref_slice %arg2[%mul3A_374] : memref<327680xi32, #tpu.memory_space<hbm>> -> memref<128xi32, #tpu.memory_space<hbm>>
        %dma_wait3A_382 = arith.constant 0 : i32
        %dma_wait3A_383 = tpu.memref_slice %arg26[%dma_wait3A_377, %dma_wait3A_382] : memref<2x128xi32, #tpu.memory_space<vmem>> -> memref<1x128xi32, #tpu.memory_space<vmem>>
        %dma_wait3A_384 = tpu.memref_squeeze %dma_wait3A_383 : memref<1x128xi32, #tpu.memory_space<vmem>> -> memref<128xi32, #tpu.memory_space<vmem>>
        %dma_wait3A_385 = tpu.memref_slice %arg2[%mul3A_374] : memref<327680xi32, #tpu.memory_space<hbm>> -> memref<128xi32, #tpu.memory_space<hbm>>
        tpu.wait_dma2 semaphore(%arg32 : memref<!tpu.dma_semaphore, #tpu.memory_space<semaphore_mem>>) src(%dma_wait3A_385 : memref<128xi32, #tpu.memory_space<hbm>>) dst(%dma_wait3A_384 : memref<128xi32, #tpu.memory_space<vmem>>)
        %dma_wait3A_386 = arith.constant 1 : i32
        %dma_wait3A_387 = arith.constant 0 : i32
        %dma_wait3A_388 = tpu.memref_slice %arg26[%dma_wait3A_386, %dma_wait3A_387] : memref<2x128xi32, #tpu.memory_space<vmem>> -> memref<1x128xi32, #tpu.memory_space<vmem>>
        %dma_wait3A_389 = tpu.memref_squeeze %dma_wait3A_388 : memref<1x128xi32, #tpu.memory_space<vmem>> -> memref<128xi32, #tpu.memory_space<vmem>>
        %dma_wait3A_390 = tpu.memref_slice %arg2[%add3A_376] : memref<327680xi32, #tpu.memory_space<hbm>> -> memref<128xi32, #tpu.memory_space<hbm>>
        %dma_wait3A_391 = arith.constant 0 : i32
        %dma_wait3A_392 = tpu.memref_slice %arg26[%dma_wait3A_386, %dma_wait3A_391] : memref<2x128xi32, #tpu.memory_space<vmem>> -> memref<1x128xi32, #tpu.memory_space<vmem>>
        %dma_wait3A_393 = tpu.memref_squeeze %dma_wait3A_392 : memref<1x128xi32, #tpu.memory_space<vmem>> -> memref<128xi32, #tpu.memory_space<vmem>>
        %dma_wait3A_394 = tpu.memref_slice %arg2[%add3A_376] : memref<327680xi32, #tpu.memory_space<hbm>> -> memref<128xi32, #tpu.memory_space<hbm>>
        tpu.wait_dma2 semaphore(%arg32 : memref<!tpu.dma_semaphore, #tpu.memory_space<semaphore_mem>>) src(%dma_wait3A_394 : memref<128xi32, #tpu.memory_space<hbm>>) dst(%dma_wait3A_393 : memref<128xi32, #tpu.memory_space<vmem>>)
        %dma_wait3A_395 = arith.constant 0 : i32
        %dma_wait3A_396 = tpu.memref_slice %arg8[%add3A_372, %dma_wait3A_395] : memref<10240x256xf32, #tpu.memory_space<hbm>> -> memref<8x256xf32, #tpu.memory_space<hbm>>
        %dma_wait3A_397 = arith.constant 0 : i32
        %dma_wait3A_398 = tpu.memref_slice %arg8[%add3A_372, %dma_wait3A_397] : memref<10240x256xf32, #tpu.memory_space<hbm>> -> memref<8x256xf32, #tpu.memory_space<hbm>>
        tpu.wait_dma2 semaphore(%arg32 : memref<!tpu.dma_semaphore, #tpu.memory_space<semaphore_mem>>) src(%dma_wait3A_398 : memref<8x256xf32, #tpu.memory_space<hbm>>) dst(%arg28 : memref<8x256xf32, #tpu.memory_space<vmem>>)
        %dma_wait3A_399 = arith.constant 0 : i32
        %dma_wait3A_400 = tpu.memref_slice %arg3[%add3A_372, %dma_wait3A_399] : memref<10240x16xf32, #tpu.memory_space<hbm>> -> memref<8x16xf32, #tpu.memory_space<hbm>>
        %dma_wait3A_401 = arith.constant 0 : i32
        %dma_wait3A_402 = tpu.memref_slice %arg3[%add3A_372, %dma_wait3A_401] : memref<10240x16xf32, #tpu.memory_space<hbm>> -> memref<8x16xf32, #tpu.memory_space<hbm>>
        tpu.wait_dma2 semaphore(%arg32 : memref<!tpu.dma_semaphore, #tpu.memory_space<semaphore_mem>>) src(%dma_wait3A_402 : memref<8x16xf32, #tpu.memory_space<hbm>>) dst(%arg29 : memref<8x16xf32, #tpu.memory_space<vmem>>)
        %dma_start3A_403 = arith.constant 0 : i32
        %dma_start3A_404 = arith.constant 0 : i32
        %dma_start3A_405 = arith.constant 0 : i32
        %dma_start3A_406 = tpu.memref_slice %arg27[%dma_start3A_404, %dma_start3A_405] : memref<256x128xf32, #tpu.memory_space<vmem>> -> memref<128x128xf32, #tpu.memory_space<vmem>>
        %dma_start3A_407 = arith.constant 0 : i32
        %dma_start3A_408 = tpu.memref_slice %arg26[%dma_start3A_403, %dma_start3A_407] : memref<2x128xi32, #tpu.memory_space<vmem>> -> memref<1x128xi32, #tpu.memory_space<vmem>>
        %dma_start3A_409 = tpu.memref_squeeze %dma_start3A_408 : memref<1x128xi32, #tpu.memory_space<vmem>> -> memref<128xi32, #tpu.memory_space<vmem>>
        %dma_start3A_410 = arith.constant 0 : i32
        %dma_start3A_411 = arith.constant 0 : i32
        %dma_start3A_412 = tpu.memref_slice %arg7[%dma_start3A_410, %dma_start3A_411] : memref<10000x128xf32, #tpu.memory_space<hbm>> -> memref<10000x128xf32, #tpu.memory_space<hbm>>
        tpu.enqueue_indirect_dma source(%dma_start3A_412 : memref<10000x128xf32, #tpu.memory_space<hbm>>) target(%dma_start3A_406 : memref<128x128xf32, #tpu.memory_space<vmem>>) offsets(%dma_start3A_409 : memref<128xi32, #tpu.memory_space<vmem>>) semaphore(%arg33 : memref<!tpu.dma_semaphore, #tpu.memory_space<semaphore_mem>>)
        %dma_start3A_413 = arith.constant 1 : i32
        %dma_start3A_414 = arith.constant 128 : i32
        %dma_start3A_415 = arith.constant 0 : i32
        %dma_start3A_416 = tpu.memref_slice %arg27[%dma_start3A_414, %dma_start3A_415] : memref<256x128xf32, #tpu.memory_space<vmem>> -> memref<128x128xf32, #tpu.memory_space<vmem>>
        %dma_start3A_417 = arith.constant 0 : i32
        %dma_start3A_418 = tpu.memref_slice %arg26[%dma_start3A_413, %dma_start3A_417] : memref<2x128xi32, #tpu.memory_space<vmem>> -> memref<1x128xi32, #tpu.memory_space<vmem>>
        %dma_start3A_419 = tpu.memref_squeeze %dma_start3A_418 : memref<1x128xi32, #tpu.memory_space<vmem>> -> memref<128xi32, #tpu.memory_space<vmem>>
        %dma_start3A_420 = arith.constant 0 : i32
        %dma_start3A_421 = arith.constant 0 : i32
        %dma_start3A_422 = tpu.memref_slice %arg7[%dma_start3A_420, %dma_start3A_421] : memref<10000x128xf32, #tpu.memory_space<hbm>> -> memref<10000x128xf32, #tpu.memory_space<hbm>>
        tpu.enqueue_indirect_dma source(%dma_start3A_422 : memref<10000x128xf32, #tpu.memory_space<hbm>>) target(%dma_start3A_416 : memref<128x128xf32, #tpu.memory_space<vmem>>) offsets(%dma_start3A_419 : memref<128xi32, #tpu.memory_space<vmem>>) semaphore(%arg33 : memref<!tpu.dma_semaphore, #tpu.memory_space<semaphore_mem>>)
      } else {
      }
      %ge3A = arith.constant 2 : i32
      %ge3A_286 = arith.cmpi sge, %mul3A_259, %ge3A : i32
      %convert_element_type3A_287 = arith.extui %ge3A_286 : i1 to i32
      %cond3A_288 = arith.constant 0 : i32
      %cond3A_289 = arith.cmpi ne, %convert_element_type3A_287, %cond3A_288 : i32
      scf.if %cond3A_289 {
        %dma_wait3A_371 = arith.constant 0 : i32
        %dma_wait3A_372 = tpu.memref_slice %arg11[%add3A_262, %dma_wait3A_371] : memref<10240x128xf32, #tpu.memory_space<hbm>> -> memref<8x128xf32, #tpu.memory_space<hbm>>
        %dma_wait3A_373 = arith.constant 0 : i32
        %dma_wait3A_374 = tpu.memref_slice %arg11[%add3A_262, %dma_wait3A_373] : memref<10240x128xf32, #tpu.memory_space<hbm>> -> memref<8x128xf32, #tpu.memory_space<hbm>>
        tpu.wait_dma2 semaphore(%arg25 : memref<!tpu.dma_semaphore, #tpu.memory_space<semaphore_mem>>) src(%arg22 : memref<8x128xf32, #tpu.memory_space<vmem>>) dst(%dma_wait3A_374 : memref<8x128xf32, #tpu.memory_space<hbm>>)
      } else {
      }
      %scan3A = arith.constant 0 : i32
      %scan3A_290 = arith.constant 0 : i32
      %scan3A_291 = arith.constant 16 : i32
      %scan3A_292 = arith.addi %scan3A_290, %scan3A_291 : i32
      %scan3A_293 = arith.constant 1 : i32
      scf.for %scan3A_371 = %scan3A_290 to %scan3A_292 step %scan3A_293  : i32 {
        %shift_right_arithmetic3A = arith.constant 3 : i32
        %shift_right_arithmetic3A_372 = arith.shrsi %scan3A_371, %shift_right_arithmetic3A : i32
        %and3A_373 = arith.constant 7 : i32
        %and3A_374 = arith.andi %scan3A_371, %and3A_373 : i32
        %mul3A_375 = arith.constant 16 : i32
        %mul3A_376 = arith.muli %and3A_374, %mul3A_375 : i32
        %get3A_377 = arith.index_cast %shift_right_arithmetic3A_372 : i32 to index
        %get3A_378 = arith.index_cast %mul3A_376 : i32 to index
        %get3A_379 = tpu.vector_load %arg17[%get3A_377, %get3A_378] {strides = array<i32>} : memref<2x128xi32, #tpu.memory_space<vmem>>, vector<16xi32>,
        %gather3A = tpu.vector_load_idx %arg12[%get3A_379] : memref<10000xf32, #tpu.memory_space<vmem>>[vector<16xi32>], vector<16xf32>,
        %gather3A_380 = tpu.vector_load_idx %arg13[%get3A_379] : memref<10000xf32, #tpu.memory_space<vmem>>[vector<16xi32>], vector<16xf32>,
        %gather3A_381 = tpu.vector_load_idx %arg14[%get3A_379] : memref<10000xf32, #tpu.memory_space<vmem>>[vector<16xi32>], vector<16xf32>,
        %shift_right_arithmetic3A_382 = arith.constant 1 : i32
        %shift_right_arithmetic3A_383 = arith.shrsi %scan3A_371, %shift_right_arithmetic3A_382 : i32
        %get3A_384 = arith.index_cast %shift_right_arithmetic3A_383 : i32 to index
        %get3A_385 = arith.constant 0 : index
        %get3A_386 = tpu.vector_load %arg20[%get3A_384, %get3A_385] {strides = array<i32>} : memref<8x16xf32, #tpu.memory_space<vmem>>, vector<16xf32>,
        %slice3A_387 = vector.extract_strided_slice %get3A_386 {offsets = [0], sizes = [1], strides = [1]} : vector<16xf32> to vector<1xf32>
        %squeeze3A_388 = vector.extract %slice3A_387[0] : f32 from vector<1xf32>
        %sub3A_389 = vector.broadcast %squeeze3A_388 : f32 to vector<16xf32>
        %sub3A_390 = arith.subf %gather3A, %sub3A_389 : vector<16xf32>
        %slice3A_391 = vector.extract_strided_slice %get3A_386 {offsets = [1], sizes = [1], strides = [1]} : vector<16xf32> to vector<1xf32>
        %squeeze3A_392 = vector.extract %slice3A_391[0] : f32 from vector<1xf32>
        %sub3A_393 = vector.broadcast %squeeze3A_392 : f32 to vector<16xf32>
        %sub3A_394 = arith.subf %gather3A_380, %sub3A_393 : vector<16xf32>
        %slice3A_395 = vector.extract_strided_slice %get3A_386 {offsets = [2], sizes = [1], strides = [1]} : vector<16xf32> to vector<1xf32>
        %squeeze3A_396 = vector.extract %slice3A_395[0] : f32 from vector<1xf32>
        %sub3A_397 = vector.broadcast %squeeze3A_396 : f32 to vector<16xf32>
        %sub3A_398 = arith.subf %gather3A_381, %sub3A_397 : vector<16xf32>
        %broadcast_in_dim3A = arith.constant 1.000000e+30 : f32
        %broadcast_in_dim3A_399 = vector.broadcast %broadcast_in_dim3A : f32 to vector<16xf32>
        %broadcast_in_dim3A_400 = arith.constant 0 : i32
        %broadcast_in_dim3A_401 = vector.broadcast %broadcast_in_dim3A_400 : i32 to vector<16xi32>
        %sub3A_402 = vector.broadcast %squeeze3A : f32 to vector<16xf32>
        %sub3A_403 = arith.subf %sub3A_390, %sub3A_402 : vector<16xf32>
        %sub3A_404 = vector.broadcast %squeeze3A_34 : f32 to vector<16xf32>
        %sub3A_405 = arith.subf %sub3A_394, %sub3A_404 : vector<16xf32>
        %sub3A_406 = vector.broadcast %squeeze3A_64 : f32 to vector<16xf32>
        %sub3A_407 = arith.subf %sub3A_398, %sub3A_406 : vector<16xf32>
        %mul3A_408 = arith.mulf %sub3A_403, %sub3A_403 : vector<16xf32>
        %mul3A_409 = arith.mulf %sub3A_405, %sub3A_405 : vector<16xf32>
        %add3A_410 = arith.addf %mul3A_408, %mul3A_409 : vector<16xf32>
        %mul3A_411 = arith.mulf %sub3A_407, %sub3A_407 : vector<16xf32>
        %add3A_412 = arith.addf %add3A_410, %mul3A_411 : vector<16xf32>
        %lt3A_413 = arith.cmpf olt, %add3A_412, %broadcast_in_dim3A_399 : vector<16xf32>
        %select_n3A_414 = arith.select %lt3A_413, %add3A_412, %broadcast_in_dim3A_399 : vector<16xi1>, vector<16xf32>
        %jit3A_415 = arith.constant 0 : i32
        %broadcast_in_dim3A_416 = vector.broadcast %jit3A_415 : i32 to vector<16xi32>
        %select_n3A_417 = arith.select %lt3A_413, %broadcast_in_dim3A_416, %broadcast_in_dim3A_401 : vector<16xi1>, vector<16xi32>
        %sub3A_418 = vector.broadcast %squeeze3A_6 : f32 to vector<16xf32>
        %sub3A_419 = arith.subf %sub3A_390, %sub3A_418 : vector<16xf32>
        %sub3A_420 = vector.broadcast %squeeze3A_36 : f32 to vector<16xf32>
        %sub3A_421 = arith.subf %sub3A_394, %sub3A_420 : vector<16xf32>
        %sub3A_422 = vector.broadcast %squeeze3A_66 : f32 to vector<16xf32>
        %sub3A_423 = arith.subf %sub3A_398, %sub3A_422 : vector<16xf32>
        %mul3A_424 = arith.mulf %sub3A_419, %sub3A_419 : vector<16xf32>
        %mul3A_425 = arith.mulf %sub3A_421, %sub3A_421 : vector<16xf32>
        %add3A_426 = arith.addf %mul3A_424, %mul3A_425 : vector<16xf32>
        %mul3A_427 = arith.mulf %sub3A_423, %sub3A_423 : vector<16xf32>
        %add3A_428 = arith.addf %add3A_426, %mul3A_427 : vector<16xf32>
        %lt3A_429 = arith.cmpf olt, %add3A_428, %select_n3A_414 : vector<16xf32>
        %select_n3A_430 = arith.select %lt3A_429, %add3A_428, %select_n3A_414 : vector<16xi1>, vector<16xf32>
        %jit3A_431 = arith.constant 1 : i32
        %broadcast_in_dim3A_432 = vector.broadcast %jit3A_431 : i32 to vector<16xi32>
        %select_n3A_433 = arith.select %lt3A_429, %broadcast_in_dim3A_432, %select_n3A_417 : vector<16xi1>, vector<16xi32>
        %sub3A_434 = vector.broadcast %squeeze3A_8 : f32 to vector<16xf32>
        %sub3A_435 = arith.subf %sub3A_390, %sub3A_434 : vector<16xf32>
        %sub3A_436 = vector.broadcast %squeeze3A_38 : f32 to vector<16xf32>
        %sub3A_437 = arith.subf %sub3A_394, %sub3A_436 : vector<16xf32>
        %sub3A_438 = vector.broadcast %squeeze3A_68 : f32 to vector<16xf32>
        %sub3A_439 = arith.subf %sub3A_398, %sub3A_438 : vector<16xf32>
        %mul3A_440 = arith.mulf %sub3A_435, %sub3A_435 : vector<16xf32>
        %mul3A_441 = arith.mulf %sub3A_437, %sub3A_437 : vector<16xf32>
        %add3A_442 = arith.addf %mul3A_440, %mul3A_441 : vector<16xf32>
        %mul3A_443 = arith.mulf %sub3A_439, %sub3A_439 : vector<16xf32>
        %add3A_444 = arith.addf %add3A_442, %mul3A_443 : vector<16xf32>
        %lt3A_445 = arith.cmpf olt, %add3A_444, %select_n3A_430 : vector<16xf32>
        %select_n3A_446 = arith.select %lt3A_445, %add3A_444, %select_n3A_430 : vector<16xi1>, vector<16xf32>
        %jit3A_447 = arith.constant 2 : i32
        %broadcast_in_dim3A_448 = vector.broadcast %jit3A_447 : i32 to vector<16xi32>
        %select_n3A_449 = arith.select %lt3A_445, %broadcast_in_dim3A_448, %select_n3A_433 : vector<16xi1>, vector<16xi32>
        %sub3A_450 = vector.broadcast %squeeze3A_10 : f32 to vector<16xf32>
        %sub3A_451 = arith.subf %sub3A_390, %sub3A_450 : vector<16xf32>
        %sub3A_452 = vector.broadcast %squeeze3A_40 : f32 to vector<16xf32>
        %sub3A_453 = arith.subf %sub3A_394, %sub3A_452 : vector<16xf32>
        %sub3A_454 = vector.broadcast %squeeze3A_70 : f32 to vector<16xf32>
        %sub3A_455 = arith.subf %sub3A_398, %sub3A_454 : vector<16xf32>
        %mul3A_456 = arith.mulf %sub3A_451, %sub3A_451 : vector<16xf32>
        %mul3A_457 = arith.mulf %sub3A_453, %sub3A_453 : vector<16xf32>
        %add3A_458 = arith.addf %mul3A_456, %mul3A_457 : vector<16xf32>
        %mul3A_459 = arith.mulf %sub3A_455, %sub3A_455 : vector<16xf32>
        %add3A_460 = arith.addf %add3A_458, %mul3A_459 : vector<16xf32>
        %lt3A_461 = arith.cmpf olt, %add3A_460, %select_n3A_446 : vector<16xf32>
        %select_n3A_462 = arith.select %lt3A_461, %add3A_460, %select_n3A_446 : vector<16xi1>, vector<16xf32>
        %jit3A_463 = arith.constant 3 : i32
        %broadcast_in_dim3A_464 = vector.broadcast %jit3A_463 : i32 to vector<16xi32>
        %select_n3A_465 = arith.select %lt3A_461, %broadcast_in_dim3A_464, %select_n3A_449 : vector<16xi1>, vector<16xi32>
        %sub3A_466 = vector.broadcast %squeeze3A_12 : f32 to vector<16xf32>
        %sub3A_467 = arith.subf %sub3A_390, %sub3A_466 : vector<16xf32>
        %sub3A_468 = vector.broadcast %squeeze3A_42 : f32 to vector<16xf32>
        %sub3A_469 = arith.subf %sub3A_394, %sub3A_468 : vector<16xf32>
        %sub3A_470 = vector.broadcast %squeeze3A_72 : f32 to vector<16xf32>
        %sub3A_471 = arith.subf %sub3A_398, %sub3A_470 : vector<16xf32>
        %mul3A_472 = arith.mulf %sub3A_467, %sub3A_467 : vector<16xf32>
        %mul3A_473 = arith.mulf %sub3A_469, %sub3A_469 : vector<16xf32>
        %add3A_474 = arith.addf %mul3A_472, %mul3A_473 : vector<16xf32>
        %mul3A_475 = arith.mulf %sub3A_471, %sub3A_471 : vector<16xf32>
        %add3A_476 = arith.addf %add3A_474, %mul3A_475 : vector<16xf32>
        %lt3A_477 = arith.cmpf olt, %add3A_476, %select_n3A_462 : vector<16xf32>
        %select_n3A_478 = arith.select %lt3A_477, %add3A_476, %select_n3A_462 : vector<16xi1>, vector<16xf32>
        %jit3A_479 = arith.constant 4 : i32
        %broadcast_in_dim3A_480 = vector.broadcast %jit3A_479 : i32 to vector<16xi32>
        %select_n3A_481 = arith.select %lt3A_477, %broadcast_in_dim3A_480, %select_n3A_465 : vector<16xi1>, vector<16xi32>
        %sub3A_482 = vector.broadcast %squeeze3A_14 : f32 to vector<16xf32>
        %sub3A_483 = arith.subf %sub3A_390, %sub3A_482 : vector<16xf32>
        %sub3A_484 = vector.broadcast %squeeze3A_44 : f32 to vector<16xf32>
        %sub3A_485 = arith.subf %sub3A_394, %sub3A_484 : vector<16xf32>
        %sub3A_486 = vector.broadcast %squeeze3A_74 : f32 to vector<16xf32>
        %sub3A_487 = arith.subf %sub3A_398, %sub3A_486 : vector<16xf32>
        %mul3A_488 = arith.mulf %sub3A_483, %sub3A_483 : vector<16xf32>
        %mul3A_489 = arith.mulf %sub3A_485, %sub3A_485 : vector<16xf32>
        %add3A_490 = arith.addf %mul3A_488, %mul3A_489 : vector<16xf32>
        %mul3A_491 = arith.mulf %sub3A_487, %sub3A_487 : vector<16xf32>
        %add3A_492 = arith.addf %add3A_490, %mul3A_491 : vector<16xf32>
        %lt3A_493 = arith.cmpf olt, %add3A_492, %select_n3A_478 : vector<16xf32>
        %select_n3A_494 = arith.select %lt3A_493, %add3A_492, %select_n3A_478 : vector<16xi1>, vector<16xf32>
        %jit3A_495 = arith.constant 5 : i32
        %broadcast_in_dim3A_496 = vector.broadcast %jit3A_495 : i32 to vector<16xi32>
        %select_n3A_497 = arith.select %lt3A_493, %broadcast_in_dim3A_496, %select_n3A_481 : vector<16xi1>, vector<16xi32>
        %sub3A_498 = vector.broadcast %squeeze3A_16 : f32 to vector<16xf32>
        %sub3A_499 = arith.subf %sub3A_390, %sub3A_498 : vector<16xf32>
        %sub3A_500 = vector.broadcast %squeeze3A_46 : f32 to vector<16xf32>
        %sub3A_501 = arith.subf %sub3A_394, %sub3A_500 : vector<16xf32>
        %sub3A_502 = vector.broadcast %squeeze3A_76 : f32 to vector<16xf32>
        %sub3A_503 = arith.subf %sub3A_398, %sub3A_502 : vector<16xf32>
        %mul3A_504 = arith.mulf %sub3A_499, %sub3A_499 : vector<16xf32>
        %mul3A_505 = arith.mulf %sub3A_501, %sub3A_501 : vector<16xf32>
        %add3A_506 = arith.addf %mul3A_504, %mul3A_505 : vector<16xf32>
        %mul3A_507 = arith.mulf %sub3A_503, %sub3A_503 : vector<16xf32>
        %add3A_508 = arith.addf %add3A_506, %mul3A_507 : vector<16xf32>
        %lt3A_509 = arith.cmpf olt, %add3A_508, %select_n3A_494 : vector<16xf32>
        %select_n3A_510 = arith.select %lt3A_509, %add3A_508, %select_n3A_494 : vector<16xi1>, vector<16xf32>
        %jit3A_511 = arith.constant 6 : i32
        %broadcast_in_dim3A_512 = vector.broadcast %jit3A_511 : i32 to vector<16xi32>
        %select_n3A_513 = arith.select %lt3A_509, %broadcast_in_dim3A_512, %select_n3A_497 : vector<16xi1>, vector<16xi32>
        %sub3A_514 = vector.broadcast %squeeze3A_18 : f32 to vector<16xf32>
        %sub3A_515 = arith.subf %sub3A_390, %sub3A_514 : vector<16xf32>
        %sub3A_516 = vector.broadcast %squeeze3A_48 : f32 to vector<16xf32>
        %sub3A_517 = arith.subf %sub3A_394, %sub3A_516 : vector<16xf32>
        %sub3A_518 = vector.broadcast %squeeze3A_78 : f32 to vector<16xf32>
        %sub3A_519 = arith.subf %sub3A_398, %sub3A_518 : vector<16xf32>
        %mul3A_520 = arith.mulf %sub3A_515, %sub3A_515 : vector<16xf32>
        %mul3A_521 = arith.mulf %sub3A_517, %sub3A_517 : vector<16xf32>
        %add3A_522 = arith.addf %mul3A_520, %mul3A_521 : vector<16xf32>
        %mul3A_523 = arith.mulf %sub3A_519, %sub3A_519 : vector<16xf32>
        %add3A_524 = arith.addf %add3A_522, %mul3A_523 : vector<16xf32>
        %lt3A_525 = arith.cmpf olt, %add3A_524, %select_n3A_510 : vector<16xf32>
        %select_n3A_526 = arith.select %lt3A_525, %add3A_524, %select_n3A_510 : vector<16xi1>, vector<16xf32>
        %jit3A_527 = arith.constant 7 : i32
        %broadcast_in_dim3A_528 = vector.broadcast %jit3A_527 : i32 to vector<16xi32>
        %select_n3A_529 = arith.select %lt3A_525, %broadcast_in_dim3A_528, %select_n3A_513 : vector<16xi1>, vector<16xi32>
        %sub3A_530 = vector.broadcast %squeeze3A_20 : f32 to vector<16xf32>
        %sub3A_531 = arith.subf %sub3A_390, %sub3A_530 : vector<16xf32>
        %sub3A_532 = vector.broadcast %squeeze3A_50 : f32 to vector<16xf32>
        %sub3A_533 = arith.subf %sub3A_394, %sub3A_532 : vector<16xf32>
        %sub3A_534 = vector.broadcast %squeeze3A_80 : f32 to vector<16xf32>
        %sub3A_535 = arith.subf %sub3A_398, %sub3A_534 : vector<16xf32>
        %mul3A_536 = arith.mulf %sub3A_531, %sub3A_531 : vector<16xf32>
        %mul3A_537 = arith.mulf %sub3A_533, %sub3A_533 : vector<16xf32>
        %add3A_538 = arith.addf %mul3A_536, %mul3A_537 : vector<16xf32>
        %mul3A_539 = arith.mulf %sub3A_535, %sub3A_535 : vector<16xf32>
        %add3A_540 = arith.addf %add3A_538, %mul3A_539 : vector<16xf32>
        %lt3A_541 = arith.cmpf olt, %add3A_540, %select_n3A_526 : vector<16xf32>
        %select_n3A_542 = arith.select %lt3A_541, %add3A_540, %select_n3A_526 : vector<16xi1>, vector<16xf32>
        %jit3A_543 = arith.constant 8 : i32
        %broadcast_in_dim3A_544 = vector.broadcast %jit3A_543 : i32 to vector<16xi32>
        %select_n3A_545 = arith.select %lt3A_541, %broadcast_in_dim3A_544, %select_n3A_529 : vector<16xi1>, vector<16xi32>
        %sub3A_546 = vector.broadcast %squeeze3A_22 : f32 to vector<16xf32>
        %sub3A_547 = arith.subf %sub3A_390, %sub3A_546 : vector<16xf32>
        %sub3A_548 = vector.broadcast %squeeze3A_52 : f32 to vector<16xf32>
        %sub3A_549 = arith.subf %sub3A_394, %sub3A_548 : vector<16xf32>
        %sub3A_550 = vector.broadcast %squeeze3A_82 : f32 to vector<16xf32>
        %sub3A_551 = arith.subf %sub3A_398, %sub3A_550 : vector<16xf32>
        %mul3A_552 = arith.mulf %sub3A_547, %sub3A_547 : vector<16xf32>
        %mul3A_553 = arith.mulf %sub3A_549, %sub3A_549 : vector<16xf32>
        %add3A_554 = arith.addf %mul3A_552, %mul3A_553 : vector<16xf32>
        %mul3A_555 = arith.mulf %sub3A_551, %sub3A_551 : vector<16xf32>
        %add3A_556 = arith.addf %add3A_554, %mul3A_555 : vector<16xf32>
        %lt3A_557 = arith.cmpf olt, %add3A_556, %select_n3A_542 : vector<16xf32>
        %select_n3A_558 = arith.select %lt3A_557, %add3A_556, %select_n3A_542 : vector<16xi1>, vector<16xf32>
        %jit3A_559 = arith.constant 9 : i32
        %broadcast_in_dim3A_560 = vector.broadcast %jit3A_559 : i32 to vector<16xi32>
        %select_n3A_561 = arith.select %lt3A_557, %broadcast_in_dim3A_560, %select_n3A_545 : vector<16xi1>, vector<16xi32>
        %sub3A_562 = vector.broadcast %squeeze3A_24 : f32 to vector<16xf32>
        %sub3A_563 = arith.subf %sub3A_390, %sub3A_562 : vector<16xf32>
        %sub3A_564 = vector.broadcast %squeeze3A_54 : f32 to vector<16xf32>
        %sub3A_565 = arith.subf %sub3A_394, %sub3A_564 : vector<16xf32>
        %sub3A_566 = vector.broadcast %squeeze3A_84 : f32 to vector<16xf32>
        %sub3A_567 = arith.subf %sub3A_398, %sub3A_566 : vector<16xf32>
        %mul3A_568 = arith.mulf %sub3A_563, %sub3A_563 : vector<16xf32>
        %mul3A_569 = arith.mulf %sub3A_565, %sub3A_565 : vector<16xf32>
        %add3A_570 = arith.addf %mul3A_568, %mul3A_569 : vector<16xf32>
        %mul3A_571 = arith.mulf %sub3A_567, %sub3A_567 : vector<16xf32>
        %add3A_572 = arith.addf %add3A_570, %mul3A_571 : vector<16xf32>
        %lt3A_573 = arith.cmpf olt, %add3A_572, %select_n3A_558 : vector<16xf32>
        %select_n3A_574 = arith.select %lt3A_573, %add3A_572, %select_n3A_558 : vector<16xi1>, vector<16xf32>
        %jit3A_575 = arith.constant 10 : i32
        %broadcast_in_dim3A_576 = vector.broadcast %jit3A_575 : i32 to vector<16xi32>
        %select_n3A_577 = arith.select %lt3A_573, %broadcast_in_dim3A_576, %select_n3A_561 : vector<16xi1>, vector<16xi32>
        %sub3A_578 = vector.broadcast %squeeze3A_26 : f32 to vector<16xf32>
        %sub3A_579 = arith.subf %sub3A_390, %sub3A_578 : vector<16xf32>
        %sub3A_580 = vector.broadcast %squeeze3A_56 : f32 to vector<16xf32>
        %sub3A_581 = arith.subf %sub3A_394, %sub3A_580 : vector<16xf32>
        %sub3A_582 = vector.broadcast %squeeze3A_86 : f32 to vector<16xf32>
        %sub3A_583 = arith.subf %sub3A_398, %sub3A_582 : vector<16xf32>
        %mul3A_584 = arith.mulf %sub3A_579, %sub3A_579 : vector<16xf32>
        %mul3A_585 = arith.mulf %sub3A_581, %sub3A_581 : vector<16xf32>
        %add3A_586 = arith.addf %mul3A_584, %mul3A_585 : vector<16xf32>
        %mul3A_587 = arith.mulf %sub3A_583, %sub3A_583 : vector<16xf32>
        %add3A_588 = arith.addf %add3A_586, %mul3A_587 : vector<16xf32>
        %lt3A_589 = arith.cmpf olt, %add3A_588, %select_n3A_574 : vector<16xf32>
        %select_n3A_590 = arith.select %lt3A_589, %add3A_588, %select_n3A_574 : vector<16xi1>, vector<16xf32>
        %jit3A_591 = arith.constant 11 : i32
        %broadcast_in_dim3A_592 = vector.broadcast %jit3A_591 : i32 to vector<16xi32>
        %select_n3A_593 = arith.select %lt3A_589, %broadcast_in_dim3A_592, %select_n3A_577 : vector<16xi1>, vector<16xi32>
        %sub3A_594 = vector.broadcast %squeeze3A_28 : f32 to vector<16xf32>
        %sub3A_595 = arith.subf %sub3A_390, %sub3A_594 : vector<16xf32>
        %sub3A_596 = vector.broadcast %squeeze3A_58 : f32 to vector<16xf32>
        %sub3A_597 = arith.subf %sub3A_394, %sub3A_596 : vector<16xf32>
        %sub3A_598 = vector.broadcast %squeeze3A_88 : f32 to vector<16xf32>
        %sub3A_599 = arith.subf %sub3A_398, %sub3A_598 : vector<16xf32>
        %mul3A_600 = arith.mulf %sub3A_595, %sub3A_595 : vector<16xf32>
        %mul3A_601 = arith.mulf %sub3A_597, %sub3A_597 : vector<16xf32>
        %add3A_602 = arith.addf %mul3A_600, %mul3A_601 : vector<16xf32>
        %mul3A_603 = arith.mulf %sub3A_599, %sub3A_599 : vector<16xf32>
        %add3A_604 = arith.addf %add3A_602, %mul3A_603 : vector<16xf32>
        %lt3A_605 = arith.cmpf olt, %add3A_604, %select_n3A_590 : vector<16xf32>
        %select_n3A_606 = arith.select %lt3A_605, %add3A_604, %select_n3A_590 : vector<16xi1>, vector<16xf32>
        %jit3A_607 = arith.constant 12 : i32
        %broadcast_in_dim3A_608 = vector.broadcast %jit3A_607 : i32 to vector<16xi32>
        %select_n3A_609 = arith.select %lt3A_605, %broadcast_in_dim3A_608, %select_n3A_593 : vector<16xi1>, vector<16xi32>
        %sub3A_610 = vector.broadcast %squeeze3A_30 : f32 to vector<16xf32>
        %sub3A_611 = arith.subf %sub3A_390, %sub3A_610 : vector<16xf32>
        %sub3A_612 = vector.broadcast %squeeze3A_60 : f32 to vector<16xf32>
        %sub3A_613 = arith.subf %sub3A_394, %sub3A_612 : vector<16xf32>
        %sub3A_614 = vector.broadcast %squeeze3A_90 : f32 to vector<16xf32>
        %sub3A_615 = arith.subf %sub3A_398, %sub3A_614 : vector<16xf32>
        %mul3A_616 = arith.mulf %sub3A_611, %sub3A_611 : vector<16xf32>
        %mul3A_617 = arith.mulf %sub3A_613, %sub3A_613 : vector<16xf32>
        %add3A_618 = arith.addf %mul3A_616, %mul3A_617 : vector<16xf32>
        %mul3A_619 = arith.mulf %sub3A_615, %sub3A_615 : vector<16xf32>
        %add3A_620 = arith.addf %add3A_618, %mul3A_619 : vector<16xf32>
        %lt3A_621 = arith.cmpf olt, %add3A_620, %select_n3A_606 : vector<16xf32>
        %select_n3A_622 = arith.select %lt3A_621, %add3A_620, %select_n3A_606 : vector<16xi1>, vector<16xf32>
        %jit3A_623 = arith.constant 13 : i32
        %broadcast_in_dim3A_624 = vector.broadcast %jit3A_623 : i32 to vector<16xi32>
        %select_n3A_625 = arith.select %lt3A_621, %broadcast_in_dim3A_624, %select_n3A_609 : vector<16xi1>, vector<16xi32>
        %sub3A_626 = vector.broadcast %squeeze3A_32 : f32 to vector<16xf32>
        %sub3A_627 = arith.subf %sub3A_390, %sub3A_626 : vector<16xf32>
        %sub3A_628 = vector.broadcast %squeeze3A_62 : f32 to vector<16xf32>
        %sub3A_629 = arith.subf %sub3A_394, %sub3A_628 : vector<16xf32>
        %sub3A_630 = vector.broadcast %squeeze3A_92 : f32 to vector<16xf32>
        %sub3A_631 = arith.subf %sub3A_398, %sub3A_630 : vector<16xf32>
        %mul3A_632 = arith.mulf %sub3A_627, %sub3A_627 : vector<16xf32>
        %mul3A_633 = arith.mulf %sub3A_629, %sub3A_629 : vector<16xf32>
        %add3A_634 = arith.addf %mul3A_632, %mul3A_633 : vector<16xf32>
        %mul3A_635 = arith.mulf %sub3A_631, %sub3A_631 : vector<16xf32>
        %add3A_636 = arith.addf %add3A_634, %mul3A_635 : vector<16xf32>
        %lt3A_637 = arith.cmpf olt, %add3A_636, %select_n3A_622 : vector<16xf32>
        %select_n3A_638 = arith.select %lt3A_637, %add3A_636, %select_n3A_622 : vector<16xi1>, vector<16xf32>
        %jit3A_639 = arith.constant 14 : i32
        %broadcast_in_dim3A_640 = vector.broadcast %jit3A_639 : i32 to vector<16xi32>
        %select_n3A_641 = arith.select %lt3A_637, %broadcast_in_dim3A_640, %select_n3A_625 : vector<16xi1>, vector<16xi32>
        %max3A = arith.constant 9.99999968E-21 : f32
        %max3A_642 = vector.broadcast %max3A : f32 to vector<16xf32>
        %max3A_643 = arith.maximumf %select_n3A_638, %max3A_642 : vector<16xf32>
        %bitcast3A = vector.bitcast %max3A_643 : vector<16xf32> to vector<16xi32>
        %shift_right_arithmetic3A_644 = arith.constant 1 : i32
        %shift_right_arithmetic3A_645 = vector.broadcast %shift_right_arithmetic3A_644 : i32 to vector<16xi32>
        %shift_right_arithmetic3A_646 = arith.shrsi %bitcast3A, %shift_right_arithmetic3A_645 : vector<16xi32>
        %sub3A_647 = arith.constant 1597463007 : i32
        %sub3A_648 = vector.broadcast %sub3A_647 : i32 to vector<16xi32>
        %sub3A_649 = arith.subi %sub3A_648, %shift_right_arithmetic3A_646 : vector<16xi32>
        %bitcast3A_650 = vector.bitcast %sub3A_649 : vector<16xi32> to vector<16xf32>
        %mul3A_651 = arith.constant 5.000000e-01 : f32
        %mul3A_652 = vector.broadcast %mul3A_651 : f32 to vector<16xf32>
        %mul3A_653 = arith.mulf %mul3A_652, %max3A_643 : vector<16xf32>
        %mul3A_654 = arith.mulf %mul3A_653, %bitcast3A_650 : vector<16xf32>
        %mul3A_655 = arith.mulf %mul3A_654, %bitcast3A_650 : vector<16xf32>
        %sub3A_656 = arith.constant 1.500000e+00 : f32
        %sub3A_657 = vector.broadcast %sub3A_656 : f32 to vector<16xf32>
        %sub3A_658 = arith.subf %sub3A_657, %mul3A_655 : vector<16xf32>
        %mul3A_659 = arith.mulf %bitcast3A_650, %sub3A_658 : vector<16xf32>
        %mul3A_660 = arith.constant 5.000000e-01 : f32
        %mul3A_661 = vector.broadcast %mul3A_660 : f32 to vector<16xf32>
        %mul3A_662 = arith.mulf %mul3A_661, %max3A_643 : vector<16xf32>
        %mul3A_663 = arith.mulf %mul3A_662, %mul3A_659 : vector<16xf32>
        %mul3A_664 = arith.mulf %mul3A_663, %mul3A_659 : vector<16xf32>
        %sub3A_665 = arith.constant 1.500000e+00 : f32
        %sub3A_666 = vector.broadcast %sub3A_665 : f32 to vector<16xf32>
        %sub3A_667 = arith.subf %sub3A_666, %mul3A_664 : vector<16xf32>
        %mul3A_668 = arith.mulf %mul3A_659, %sub3A_667 : vector<16xf32>
        %mul3A_669 = arith.constant 5.000000e-01 : f32
        %mul3A_670 = vector.broadcast %mul3A_669 : f32 to vector<16xf32>
        %mul3A_671 = arith.mulf %mul3A_670, %max3A_643 : vector<16xf32>
        %mul3A_672 = arith.mulf %mul3A_671, %mul3A_668 : vector<16xf32>
        %mul3A_673 = arith.mulf %mul3A_672, %mul3A_668 : vector<16xf32>
        %sub3A_674 = arith.constant 1.500000e+00 : f32
        %sub3A_675 = vector.broadcast %sub3A_674 : f32 to vector<16xf32>
        %sub3A_676 = arith.subf %sub3A_675, %mul3A_673 : vector<16xf32>
        %mul3A_677 = arith.mulf %mul3A_668, %sub3A_676 : vector<16xf32>
        %mul3A_678 = arith.mulf %max3A_643, %mul3A_677 : vector<16xf32>
        %mul3A_679 = arith.constant 5.000000e-01 : f32
        %mul3A_680 = vector.broadcast %mul3A_679 : f32 to vector<16xf32>
        %mul3A_681 = arith.mulf %mul3A_678, %mul3A_680 : vector<16xf32>
        %sub3A_682 = arith.constant 1.000000e+00 : f32
        %sub3A_683 = vector.broadcast %sub3A_682 : f32 to vector<16xf32>
        %sub3A_684 = arith.subf %sub3A_683, %mul3A_681 : vector<16xf32>
        %max3A_685 = arith.constant 0.000000e+00 : f32
        %max3A_686 = vector.broadcast %max3A_685 : f32 to vector<16xf32>
        %max3A_687 = arith.maximumf %sub3A_684, %max3A_686 : vector<16xf32>
        %bitcast3A_688 = vector.bitcast %max3A_687 : vector<16xf32> to vector<16xi32>
        %and3A_689 = arith.constant -16 : i32
        %and3A_690 = vector.broadcast %and3A_689 : i32 to vector<16xi32>
        %and3A_691 = arith.andi %bitcast3A_688, %and3A_690 : vector<16xi32>
        %or3A = arith.ori %and3A_691, %select_n3A_641 : vector<16xi32>
        %mul3A_692 = arith.constant 16 : i32
        %mul3A_693 = arith.muli %scan3A_371, %mul3A_692 : i32
        %swap3A = arith.index_cast %mul3A_693 : i32 to index
        %swap3A_694 = tpu.vector_load %arg21[%swap3A] {strides = array<i32>} : memref<272xi32, #tpu.memory_space<vmem>>, vector<16xi32>,
        tpu.vector_store %arg21[%swap3A], %or3A {strides = array<i32>} : memref<272xi32, #tpu.memory_space<vmem>>, vector<16xi32>,
      }
      %scan3A_294 = arith.constant 16 : i32
      %scan3A_295 = arith.constant 0 : i32
      %scan3A_296 = arith.constant 0 : i32
      %scan3A_297 = arith.constant 8 : i32
      %scan3A_298 = arith.addi %scan3A_296, %scan3A_297 : i32
      %scan3A_299 = arith.constant 1 : i32
      scf.for %scan3A_371 = %scan3A_296 to %scan3A_298 step %scan3A_299  : i32 {
        %broadcast_in_dim3A = arith.constant 0.000000e+00 : f32
        %broadcast_in_dim3A_372 = vector.broadcast %broadcast_in_dim3A : f32 to vector<16xf32>
        %broadcast_in_dim3A_373 = arith.constant 0.000000e+00 : f32
        %broadcast_in_dim3A_374 = vector.broadcast %broadcast_in_dim3A_373 : f32 to vector<16xf32>
        %broadcast_in_dim3A_375 = arith.constant 0.000000e+00 : f32
        %broadcast_in_dim3A_376 = vector.broadcast %broadcast_in_dim3A_375 : f32 to vector<16xf32>
        %broadcast_in_dim3A_377 = arith.constant 0.000000e+00 : f32
        %broadcast_in_dim3A_378 = vector.broadcast %broadcast_in_dim3A_377 : f32 to vector<16xf32>
        %broadcast_in_dim3A_379 = arith.constant 0.000000e+00 : f32
        %broadcast_in_dim3A_380 = vector.broadcast %broadcast_in_dim3A_379 : f32 to vector<16xf32>
        %broadcast_in_dim3A_381 = arith.constant 0.000000e+00 : f32
        %broadcast_in_dim3A_382 = vector.broadcast %broadcast_in_dim3A_381 : f32 to vector<16xf32>
        %broadcast_in_dim3A_383 = arith.constant 0.000000e+00 : f32
        %broadcast_in_dim3A_384 = vector.broadcast %broadcast_in_dim3A_383 : f32 to vector<16xf32>
        %broadcast_in_dim3A_385 = arith.constant 0.000000e+00 : f32
        %broadcast_in_dim3A_386 = vector.broadcast %broadcast_in_dim3A_385 : f32 to vector<16xf32>
        %scan3A_387 = arith.constant 0 : i32
        %scan3A_388 = arith.constant 32 : i32
        %scan3A_389 = arith.addi %scan3A_387, %scan3A_388 : i32
        %scan3A_390 = arith.constant 1 : i32
        %scan3A_391:8 = scf.for %scan3A_416 = %scan3A_387 to %scan3A_389 step %scan3A_390 iter_args(%scan3A_417 = %broadcast_in_dim3A_372, %scan3A_418 = %broadcast_in_dim3A_374, %scan3A_419 = %broadcast_in_dim3A_376, %scan3A_420 = %broadcast_in_dim3A_378, %scan3A_421 = %broadcast_in_dim3A_380, %scan3A_422 = %broadcast_in_dim3A_382, %scan3A_423 = %broadcast_in_dim3A_384, %scan3A_424 = %broadcast_in_dim3A_386) -> (vector<16xf32>, vector<16xf32>, vector<16xf32>, vector<16xf32>, vector<16xf32>, vector<16xf32>, vector<16xf32>, vector<16xf32>)  : i32 {
          %mul3A_425 = arith.constant 32 : i32
          %mul3A_426 = arith.muli %scan3A_371, %mul3A_425 : i32
          %add3A_427 = arith.addi %mul3A_426, %scan3A_416 : i32
          %get3A_428 = arith.index_cast %add3A_427 : i32 to index
          %get3A_429 = tpu.vector_load %arg21[%get3A_428] {strides = array<i32>} : memref<272xi32, #tpu.memory_space<vmem>>, vector<16xi32>,
          %slice3A_430 = vector.extract_strided_slice %get3A_429 {offsets = [0], sizes = [1], strides = [1]} : vector<16xi32> to vector<1xi32>
          %squeeze3A_431 = vector.extract %slice3A_430[0] : i32 from vector<1xi32>
          %and3A_432 = arith.constant 15 : i32
          %and3A_433 = arith.andi %squeeze3A_431, %and3A_432 : i32
          %broadcast_in_dim3A_434 = vector.broadcast %squeeze3A_431 : i32 to vector<16xi32>
          %and3A_435 = arith.constant -16 : i32
          %and3A_436 = vector.broadcast %and3A_435 : i32 to vector<16xi32>
          %and3A_437 = arith.andi %broadcast_in_dim3A_434, %and3A_436 : vector<16xi32>
          %bitcast3A = vector.bitcast %and3A_437 : vector<16xi32> to vector<16xf32>
          %mul3A_438 = arith.constant 16 : i32
          %mul3A_439 = arith.muli %and3A_433, %mul3A_438 : i32
          %get3A_440 = arith.index_cast %scan3A_371 : i32 to index
          %get3A_441 = arith.index_cast %mul3A_439 : i32 to index
          %get3A_442 = tpu.vector_load %arg19[%get3A_440, %get3A_441] {strides = array<i32>} : memref<8x256xf32, #tpu.memory_space<vmem>>, vector<16xf32>,
          %mul3A_443 = arith.mulf %get3A_442, %bitcast3A : vector<16xf32>
          %get3A_444 = arith.index_cast %add3A_427 : i32 to index
          %get3A_445 = arith.constant 0 : index
          %get3A_446 = tpu.vector_load %arg18[%get3A_444, %get3A_445] {strides = array<i32>} : memref<256x128xf32, #tpu.memory_space<vmem>>, vector<16xf32>,
          %get3A_447 = arith.index_cast %and3A_433 : i32 to index
          %get3A_448 = arith.constant 0 : index
          %get3A_449 = tpu.vector_load %arg15[%get3A_447, %get3A_448] {strides = array<i32>} : memref<15x128xf32, #tpu.memory_space<vmem>>, vector<16xf32>,
          %mul3A_450 = arith.mulf %get3A_449, %mul3A_443 : vector<16xf32>
          %mul3A_451 = arith.mulf %get3A_446, %mul3A_450 : vector<16xf32>
          %add3A_452 = arith.addf %scan3A_417, %mul3A_451 : vector<16xf32>
          %get3A_453 = arith.index_cast %add3A_427 : i32 to index
          %get3A_454 = arith.constant 16 : index
          %get3A_455 = tpu.vector_load %arg18[%get3A_453, %get3A_454] {strides = array<i32>} : memref<256x128xf32, #tpu.memory_space<vmem>>, vector<16xf32>,
          %get3A_456 = arith.index_cast %and3A_433 : i32 to index
          %get3A_457 = arith.constant 16 : index
          %get3A_458 = tpu.vector_load %arg15[%get3A_456, %get3A_457] {strides = array<i32>} : memref<15x128xf32, #tpu.memory_space<vmem>>, vector<16xf32>,
          %mul3A_459 = arith.mulf %get3A_458, %mul3A_443 : vector<16xf32>
          %mul3A_460 = arith.mulf %get3A_455, %mul3A_459 : vector<16xf32>
          %add3A_461 = arith.addf %scan3A_418, %mul3A_460 : vector<16xf32>
          %get3A_462 = arith.index_cast %add3A_427 : i32 to index
          %get3A_463 = arith.constant 32 : index
          %get3A_464 = tpu.vector_load %arg18[%get3A_462, %get3A_463] {strides = array<i32>} : memref<256x128xf32, #tpu.memory_space<vmem>>, vector<16xf32>,
          %get3A_465 = arith.index_cast %and3A_433 : i32 to index
          %get3A_466 = arith.constant 32 : index
          %get3A_467 = tpu.vector_load %arg15[%get3A_465, %get3A_466] {strides = array<i32>} : memref<15x128xf32, #tpu.memory_space<vmem>>, vector<16xf32>,
          %mul3A_468 = arith.mulf %get3A_467, %mul3A_443 : vector<16xf32>
          %mul3A_469 = arith.mulf %get3A_464, %mul3A_468 : vector<16xf32>
          %add3A_470 = arith.addf %scan3A_419, %mul3A_469 : vector<16xf32>
          %get3A_471 = arith.index_cast %add3A_427 : i32 to index
          %get3A_472 = arith.constant 48 : index
          %get3A_473 = tpu.vector_load %arg18[%get3A_471, %get3A_472] {strides = array<i32>} : memref<256x128xf32, #tpu.memory_space<vmem>>, vector<16xf32>,
          %get3A_474 = arith.index_cast %and3A_433 : i32 to index
          %get3A_475 = arith.constant 48 : index
          %get3A_476 = tpu.vector_load %arg15[%get3A_474, %get3A_475] {strides = array<i32>} : memref<15x128xf32, #tpu.memory_space<vmem>>, vector<16xf32>,
          %mul3A_477 = arith.mulf %get3A_476, %mul3A_443 : vector<16xf32>
          %mul3A_478 = arith.mulf %get3A_473, %mul3A_477 : vector<16xf32>
          %add3A_479 = arith.addf %scan3A_420, %mul3A_478 : vector<16xf32>
          %get3A_480 = arith.index_cast %add3A_427 : i32 to index
          %get3A_481 = arith.constant 64 : index
          %get3A_482 = tpu.vector_load %arg18[%get3A_480, %get3A_481] {strides = array<i32>} : memref<256x128xf32, #tpu.memory_space<vmem>>, vector<16xf32>,
          %get3A_483 = arith.index_cast %and3A_433 : i32 to index
          %get3A_484 = arith.constant 64 : index
          %get3A_485 = tpu.vector_load %arg15[%get3A_483, %get3A_484] {strides = array<i32>} : memref<15x128xf32, #tpu.memory_space<vmem>>, vector<16xf32>,
          %mul3A_486 = arith.mulf %get3A_485, %mul3A_443 : vector<16xf32>
          %mul3A_487 = arith.mulf %get3A_482, %mul3A_486 : vector<16xf32>
          %add3A_488 = arith.addf %scan3A_421, %mul3A_487 : vector<16xf32>
          %get3A_489 = arith.index_cast %add3A_427 : i32 to index
          %get3A_490 = arith.constant 80 : index
          %get3A_491 = tpu.vector_load %arg18[%get3A_489, %get3A_490] {strides = array<i32>} : memref<256x128xf32, #tpu.memory_space<vmem>>, vector<16xf32>,
          %get3A_492 = arith.index_cast %and3A_433 : i32 to index
          %get3A_493 = arith.constant 80 : index
          %get3A_494 = tpu.vector_load %arg15[%get3A_492, %get3A_493] {strides = array<i32>} : memref<15x128xf32, #tpu.memory_space<vmem>>, vector<16xf32>,
          %mul3A_495 = arith.mulf %get3A_494, %mul3A_443 : vector<16xf32>
          %mul3A_496 = arith.mulf %get3A_491, %mul3A_495 : vector<16xf32>
          %add3A_497 = arith.addf %scan3A_422, %mul3A_496 : vector<16xf32>
          %get3A_498 = arith.index_cast %add3A_427 : i32 to index
          %get3A_499 = arith.constant 96 : index
          %get3A_500 = tpu.vector_load %arg18[%get3A_498, %get3A_499] {strides = array<i32>} : memref<256x128xf32, #tpu.memory_space<vmem>>, vector<16xf32>,
          %get3A_501 = arith.index_cast %and3A_433 : i32 to index
          %get3A_502 = arith.constant 96 : index
          %get3A_503 = tpu.vector_load %arg15[%get3A_501, %get3A_502] {strides = array<i32>} : memref<15x128xf32, #tpu.memory_space<vmem>>, vector<16xf32>,
          %mul3A_504 = arith.mulf %get3A_503, %mul3A_443 : vector<16xf32>
          %mul3A_505 = arith.mulf %get3A_500, %mul3A_504 : vector<16xf32>
          %add3A_506 = arith.addf %scan3A_423, %mul3A_505 : vector<16xf32>
          %get3A_507 = arith.index_cast %add3A_427 : i32 to index
          %get3A_508 = arith.constant 112 : index
          %get3A_509 = tpu.vector_load %arg18[%get3A_507, %get3A_508] {strides = array<i32>} : memref<256x128xf32, #tpu.memory_space<vmem>>, vector<16xf32>,
          %get3A_510 = arith.index_cast %and3A_433 : i32 to index
          %get3A_511 = arith.constant 112 : index
          %get3A_512 = tpu.vector_load %arg15[%get3A_510, %get3A_511] {strides = array<i32>} : memref<15x128xf32, #tpu.memory_space<vmem>>, vector<16xf32>,
          %mul3A_513 = arith.mulf %get3A_512, %mul3A_443 : vector<16xf32>
          %mul3A_514 = arith.mulf %get3A_509, %mul3A_513 : vector<16xf32>
          %add3A_515 = arith.addf %scan3A_424, %mul3A_514 : vector<16xf32>
          scf.yield %add3A_452, %add3A_461, %add3A_470, %add3A_479, %add3A_488, %add3A_497, %add3A_506, %add3A_515 : vector<16xf32>, vector<16xf32>, vector<16xf32>, vector<16xf32>, vector<16xf32>, vector<16xf32>, vector<16xf32>, vector<16xf32>
        }
        %scan3A_392 = arith.constant 32 : i32
        %swap3A = arith.index_cast %scan3A_371 : i32 to index
        %swap3A_393 = arith.constant 0 : index
        %swap3A_394 = tpu.vector_load %arg22[%swap3A, %swap3A_393] {strides = array<i32>} : memref<8x128xf32, #tpu.memory_space<vmem>>, vector<16xf32>,
        tpu.vector_store %arg22[%swap3A, %swap3A_393], %scan3A_391#0 {strides = array<i32>} : memref<8x128xf32, #tpu.memory_space<vmem>>, vector<16xf32>,
        %swap3A_395 = arith.index_cast %scan3A_371 : i32 to index
        %swap3A_396 = arith.constant 16 : index
        %swap3A_397 = tpu.vector_load %arg22[%swap3A_395, %swap3A_396] {strides = array<i32>} : memref<8x128xf32, #tpu.memory_space<vmem>>, vector<16xf32>,
        tpu.vector_store %arg22[%swap3A_395, %swap3A_396], %scan3A_391#1 {strides = array<i32>} : memref<8x128xf32, #tpu.memory_space<vmem>>, vector<16xf32>,
        %swap3A_398 = arith.index_cast %scan3A_371 : i32 to index
        %swap3A_399 = arith.constant 32 : index
        %swap3A_400 = tpu.vector_load %arg22[%swap3A_398, %swap3A_399] {strides = array<i32>} : memref<8x128xf32, #tpu.memory_space<vmem>>, vector<16xf32>,
        tpu.vector_store %arg22[%swap3A_398, %swap3A_399], %scan3A_391#2 {strides = array<i32>} : memref<8x128xf32, #tpu.memory_space<vmem>>, vector<16xf32>,
        %swap3A_401 = arith.index_cast %scan3A_371 : i32 to index
        %swap3A_402 = arith.constant 48 : index
        %swap3A_403 = tpu.vector_load %arg22[%swap3A_401, %swap3A_402] {strides = array<i32>} : memref<8x128xf32, #tpu.memory_space<vmem>>, vector<16xf32>,
        tpu.vector_store %arg22[%swap3A_401, %swap3A_402], %scan3A_391#3 {strides = array<i32>} : memref<8x128xf32, #tpu.memory_space<vmem>>, vector<16xf32>,
        %swap3A_404 = arith.index_cast %scan3A_371 : i32 to index
        %swap3A_405 = arith.constant 64 : index
        %swap3A_406 = tpu.vector_load %arg22[%swap3A_404, %swap3A_405] {strides = array<i32>} : memref<8x128xf32, #tpu.memory_space<vmem>>, vector<16xf32>,
        tpu.vector_store %arg22[%swap3A_404, %swap3A_405], %scan3A_391#4 {strides = array<i32>} : memref<8x128xf32, #tpu.memory_space<vmem>>, vector<16xf32>,
        %swap3A_407 = arith.index_cast %scan3A_371 : i32 to index
        %swap3A_408 = arith.constant 80 : index
        %swap3A_409 = tpu.vector_load %arg22[%swap3A_407, %swap3A_408] {strides = array<i32>} : memref<8x128xf32, #tpu.memory_space<vmem>>, vector<16xf32>,
        tpu.vector_store %arg22[%swap3A_407, %swap3A_408], %scan3A_391#5 {strides = array<i32>} : memref<8x128xf32, #tpu.memory_space<vmem>>, vector<16xf32>,
        %swap3A_410 = arith.index_cast %scan3A_371 : i32 to index
        %swap3A_411 = arith.constant 96 : index
        %swap3A_412 = tpu.vector_load %arg22[%swap3A_410, %swap3A_411] {strides = array<i32>} : memref<8x128xf32, #tpu.memory_space<vmem>>, vector<16xf32>,
        tpu.vector_store %arg22[%swap3A_410, %swap3A_411], %scan3A_391#6 {strides = array<i32>} : memref<8x128xf32, #tpu.memory_space<vmem>>, vector<16xf32>,
        %swap3A_413 = arith.index_cast %scan3A_371 : i32 to index
        %swap3A_414 = arith.constant 112 : index
        %swap3A_415 = tpu.vector_load %arg22[%swap3A_413, %swap3A_414] {strides = array<i32>} : memref<8x128xf32, #tpu.memory_space<vmem>>, vector<16xf32>,
        tpu.vector_store %arg22[%swap3A_413, %swap3A_414], %scan3A_391#7 {strides = array<i32>} : memref<8x128xf32, #tpu.memory_space<vmem>>, vector<16xf32>,
      }
      %scan3A_300 = arith.constant 8 : i32
      %dma_start3A_301 = arith.constant 0 : i32
      %dma_start3A_302 = tpu.memref_slice %arg11[%add3A_262, %dma_start3A_301] : memref<10240x128xf32, #tpu.memory_space<hbm>> -> memref<8x128xf32, #tpu.memory_space<hbm>>
      %dma_start3A_303 = arith.constant 0 : i32
      %dma_start3A_304 = tpu.memref_slice %arg11[%add3A_262, %dma_start3A_303] : memref<10240x128xf32, #tpu.memory_space<hbm>> -> memref<8x128xf32, #tpu.memory_space<hbm>>
      tpu.enqueue_dma source(%arg22 : memref<8x128xf32, #tpu.memory_space<vmem>>) target(%dma_start3A_304 : memref<8x128xf32, #tpu.memory_space<hbm>>) target_semaphore(%arg25 : memref<!tpu.dma_semaphore, #tpu.memory_space<semaphore_mem>>)
      %add3A_305 = arith.constant 2 : i32
      %add3A_306 = arith.addi %mul3A_259, %add3A_305 : i32
      %lt3A_307 = arith.cmpi slt, %add3A_306, %select_n3A : i32
      %convert_element_type3A_308 = arith.extui %lt3A_307 : i1 to i32
      %cond3A_309 = arith.constant 0 : i32
      %cond3A_310 = arith.cmpi ne, %convert_element_type3A_308, %cond3A_309 : i32
      scf.if %cond3A_310 {
        %add3A_371 = arith.constant 2 : i32
        %add3A_372 = arith.addi %mul3A_259, %add3A_371 : i32
        %mul3A_373 = arith.constant 8 : i32
        %mul3A_374 = arith.muli %add3A_372, %mul3A_373 : i32
        %add3A_375 = arith.addi %select_n3A_119, %mul3A_374 : i32
        %mul3A_376 = arith.constant 32 : i32
        %mul3A_377 = arith.muli %add3A_375, %mul3A_376 : i32
        %add3A_378 = arith.constant 128 : i32
        %add3A_379 = arith.addi %mul3A_377, %add3A_378 : i32
        %dma_start3A_380 = arith.constant 0 : i32
        %dma_start3A_381 = arith.constant 0 : i32
        %dma_start3A_382 = tpu.memref_slice %arg17[%dma_start3A_380, %dma_start3A_381] : memref<2x128xi32, #tpu.memory_space<vmem>> -> memref<1x128xi32, #tpu.memory_space<vmem>>
        %dma_start3A_383 = tpu.memref_squeeze %dma_start3A_382 : memref<1x128xi32, #tpu.memory_space<vmem>> -> memref<128xi32, #tpu.memory_space<vmem>>
        %dma_start3A_384 = tpu.memref_slice %arg2[%mul3A_377] : memref<327680xi32, #tpu.memory_space<hbm>> -> memref<128xi32, #tpu.memory_space<hbm>>
        %dma_start3A_385 = arith.constant 0 : i32
        %dma_start3A_386 = tpu.memref_slice %arg17[%dma_start3A_380, %dma_start3A_385] : memref<2x128xi32, #tpu.memory_space<vmem>> -> memref<1x128xi32, #tpu.memory_space<vmem>>
        %dma_start3A_387 = tpu.memref_squeeze %dma_start3A_386 : memref<1x128xi32, #tpu.memory_space<vmem>> -> memref<128xi32, #tpu.memory_space<vmem>>
        %dma_start3A_388 = tpu.memref_slice %arg2[%mul3A_377] : memref<327680xi32, #tpu.memory_space<hbm>> -> memref<128xi32, #tpu.memory_space<hbm>>
        tpu.enqueue_dma source(%dma_start3A_388 : memref<128xi32, #tpu.memory_space<hbm>>) target(%dma_start3A_387 : memref<128xi32, #tpu.memory_space<vmem>>) target_semaphore(%arg23 : memref<!tpu.dma_semaphore, #tpu.memory_space<semaphore_mem>>)
        %dma_start3A_389 = arith.constant 1 : i32
        %dma_start3A_390 = arith.constant 0 : i32
        %dma_start3A_391 = tpu.memref_slice %arg17[%dma_start3A_389, %dma_start3A_390] : memref<2x128xi32, #tpu.memory_space<vmem>> -> memref<1x128xi32, #tpu.memory_space<vmem>>
        %dma_start3A_392 = tpu.memref_squeeze %dma_start3A_391 : memref<1x128xi32, #tpu.memory_space<vmem>> -> memref<128xi32, #tpu.memory_space<vmem>>
        %dma_start3A_393 = tpu.memref_slice %arg2[%add3A_379] : memref<327680xi32, #tpu.memory_space<hbm>> -> memref<128xi32, #tpu.memory_space<hbm>>
        %dma_start3A_394 = arith.constant 0 : i32
        %dma_start3A_395 = tpu.memref_slice %arg17[%dma_start3A_389, %dma_start3A_394] : memref<2x128xi32, #tpu.memory_space<vmem>> -> memref<1x128xi32, #tpu.memory_space<vmem>>
        %dma_start3A_396 = tpu.memref_squeeze %dma_start3A_395 : memref<1x128xi32, #tpu.memory_space<vmem>> -> memref<128xi32, #tpu.memory_space<vmem>>
        %dma_start3A_397 = tpu.memref_slice %arg2[%add3A_379] : memref<327680xi32, #tpu.memory_space<hbm>> -> memref<128xi32, #tpu.memory_space<hbm>>
        tpu.enqueue_dma source(%dma_start3A_397 : memref<128xi32, #tpu.memory_space<hbm>>) target(%dma_start3A_396 : memref<128xi32, #tpu.memory_space<vmem>>) target_semaphore(%arg23 : memref<!tpu.dma_semaphore, #tpu.memory_space<semaphore_mem>>)
        %dma_start3A_398 = arith.constant 0 : i32
        %dma_start3A_399 = tpu.memref_slice %arg8[%add3A_375, %dma_start3A_398] : memref<10240x256xf32, #tpu.memory_space<hbm>> -> memref<8x256xf32, #tpu.memory_space<hbm>>
        %dma_start3A_400 = arith.constant 0 : i32
        %dma_start3A_401 = tpu.memref_slice %arg8[%add3A_375, %dma_start3A_400] : memref<10240x256xf32, #tpu.memory_space<hbm>> -> memref<8x256xf32, #tpu.memory_space<hbm>>
        tpu.enqueue_dma source(%dma_start3A_401 : memref<8x256xf32, #tpu.memory_space<hbm>>) target(%arg19 : memref<8x256xf32, #tpu.memory_space<vmem>>) target_semaphore(%arg23 : memref<!tpu.dma_semaphore, #tpu.memory_space<semaphore_mem>>)
        %dma_start3A_402 = arith.constant 0 : i32
        %dma_start3A_403 = tpu.memref_slice %arg3[%add3A_375, %dma_start3A_402] : memref<10240x16xf32, #tpu.memory_space<hbm>> -> memref<8x16xf32, #tpu.memory_space<hbm>>
        %dma_start3A_404 = arith.constant 0 : i32
        %dma_start3A_405 = tpu.memref_slice %arg3[%add3A_375, %dma_start3A_404] : memref<10240x16xf32, #tpu.memory_space<hbm>> -> memref<8x16xf32, #tpu.memory_space<hbm>>
        tpu.enqueue_dma source(%dma_start3A_405 : memref<8x16xf32, #tpu.memory_space<hbm>>) target(%arg20 : memref<8x16xf32, #tpu.memory_space<vmem>>) target_semaphore(%arg23 : memref<!tpu.dma_semaphore, #tpu.memory_space<semaphore_mem>>)
      } else {
      }
      %mul3A_311 = arith.constant 2 : i32
      %mul3A_312 = arith.muli %mul3A_311, %while3A_257 : i32
      %add3A_313 = arith.constant 1 : i32
      %add3A_314 = arith.addi %mul3A_312, %add3A_313 : i32
      %mul3A_315 = arith.constant 8 : i32
      %mul3A_316 = arith.muli %add3A_314, %mul3A_315 : i32
      %add3A_317 = arith.addi %select_n3A_119, %mul3A_316 : i32
      %dma_wait3A_318 = arith.constant 0 : i32
      %dma_wait3A_319 = arith.constant 0 : i32
      %dma_wait3A_320 = arith.constant 0 : i32
      %dma_wait3A_321 = tpu.memref_slice %arg27[%dma_wait3A_319, %dma_wait3A_320] : memref<256x128xf32, #tpu.memory_space<vmem>> -> memref<128x128xf32, #tpu.memory_space<vmem>>
      %dma_wait3A_322 = arith.constant 0 : i32
      %dma_wait3A_323 = tpu.memref_slice %arg26[%dma_wait3A_318, %dma_wait3A_322] : memref<2x128xi32, #tpu.memory_space<vmem>> -> memref<1x128xi32, #tpu.memory_space<vmem>>
      %dma_wait3A_324 = tpu.memref_squeeze %dma_wait3A_323 : memref<1x128xi32, #tpu.memory_space<vmem>> -> memref<128xi32, #tpu.memory_space<vmem>>
      %dma_wait3A_325 = arith.constant 0 : i32
      %dma_wait3A_326 = arith.constant 0 : i32
      %dma_wait3A_327 = tpu.memref_slice %arg7[%dma_wait3A_325, %dma_wait3A_326] : memref<10000x128xf32, #tpu.memory_space<hbm>> -> memref<10000x128xf32, #tpu.memory_space<hbm>>
      tpu.wait_indirect_dma semaphore(%arg33 : memref<!tpu.dma_semaphore, #tpu.memory_space<semaphore_mem>>) src(%dma_wait3A_327 : memref<10000x128xf32, #tpu.memory_space<hbm>>) dst(%dma_wait3A_321 : memref<128x128xf32, #tpu.memory_space<vmem>>)
      %dma_wait3A_328 = arith.constant 1 : i32
      %dma_wait3A_329 = arith.constant 128 : i32
      %dma_wait3A_330 = arith.constant 0 : i32
      %dma_wait3A_331 = tpu.memref_slice %arg27[%dma_wait3A_329, %dma_wait3A_330] : memref<256x128xf32, #tpu.memory_space<vmem>> -> memref<128x128xf32, #tpu.memory_space<vmem>>
      %dma_wait3A_332 = arith.constant 0 : i32
      %dma_wait3A_333 = tpu.memref_slice %arg26[%dma_wait3A_328, %dma_wait3A_332] : memref<2x128xi32, #tpu.memory_space<vmem>> -> memref<1x128xi32, #tpu.memory_space<vmem>>
      %dma_wait3A_334 = tpu.memref_squeeze %dma_wait3A_333 : memref<1x128xi32, #tpu.memory_space<vmem>> -> memref<128xi32, #tpu.memory_space<vmem>>
      %dma_wait3A_335 = arith.constant 0 : i32
      %dma_wait3A_336 = arith.constant 0 : i32
      %dma_wait3A_337 = tpu.memref_slice %arg7[%dma_wait3A_335, %dma_wait3A_336] : memref<10000x128xf32, #tpu.memory_space<hbm>> -> memref<10000x128xf32, #tpu.memory_space<hbm>>
      tpu.wait_indirect_dma semaphore(%arg33 : memref<!tpu.dma_semaphore, #tpu.memory_space<semaphore_mem>>) src(%dma_wait3A_337 : memref<10000x128xf32, #tpu.memory_space<hbm>>) dst(%dma_wait3A_331 : memref<128x128xf32, #tpu.memory_space<vmem>>)
      %add3A_338 = arith.constant 1 : i32
      %add3A_339 = arith.addi %add3A_314, %add3A_338 : i32
      %lt3A_340 = arith.cmpi slt, %add3A_339, %select_n3A : i32
      %convert_element_type3A_341 = arith.extui %lt3A_340 : i1 to i32
      %cond3A_342 = arith.constant 0 : i32
      %cond3A_343 = arith.cmpi ne, %convert_element_type3A_341, %cond3A_342 : i32
      scf.if %cond3A_343 {
        %add3A_371 = arith.constant 8 : i32
        %add3A_372 = arith.addi %add3A_317, %add3A_371 : i32
        %mul3A_373 = arith.constant 32 : i32
        %mul3A_374 = arith.muli %add3A_372, %mul3A_373 : i32
        %add3A_375 = arith.constant 128 : i32
        %add3A_376 = arith.addi %mul3A_374, %add3A_375 : i32
        %dma_wait3A_377 = arith.constant 0 : i32
        %dma_wait3A_378 = arith.constant 0 : i32
        %dma_wait3A_379 = tpu.memref_slice %arg17[%dma_wait3A_377, %dma_wait3A_378] : memref<2x128xi32, #tpu.memory_space<vmem>> -> memref<1x128xi32, #tpu.memory_space<vmem>>
        %dma_wait3A_380 = tpu.memref_squeeze %dma_wait3A_379 : memref<1x128xi32, #tpu.memory_space<vmem>> -> memref<128xi32, #tpu.memory_space<vmem>>
        %dma_wait3A_381 = tpu.memref_slice %arg2[%mul3A_374] : memref<327680xi32, #tpu.memory_space<hbm>> -> memref<128xi32, #tpu.memory_space<hbm>>
        %dma_wait3A_382 = arith.constant 0 : i32
        %dma_wait3A_383 = tpu.memref_slice %arg17[%dma_wait3A_377, %dma_wait3A_382] : memref<2x128xi32, #tpu.memory_space<vmem>> -> memref<1x128xi32, #tpu.memory_space<vmem>>
        %dma_wait3A_384 = tpu.memref_squeeze %dma_wait3A_383 : memref<1x128xi32, #tpu.memory_space<vmem>> -> memref<128xi32, #tpu.memory_space<vmem>>
        %dma_wait3A_385 = tpu.memref_slice %arg2[%mul3A_374] : memref<327680xi32, #tpu.memory_space<hbm>> -> memref<128xi32, #tpu.memory_space<hbm>>
        tpu.wait_dma2 semaphore(%arg23 : memref<!tpu.dma_semaphore, #tpu.memory_space<semaphore_mem>>) src(%dma_wait3A_385 : memref<128xi32, #tpu.memory_space<hbm>>) dst(%dma_wait3A_384 : memref<128xi32, #tpu.memory_space<vmem>>)
        %dma_wait3A_386 = arith.constant 1 : i32
        %dma_wait3A_387 = arith.constant 0 : i32
        %dma_wait3A_388 = tpu.memref_slice %arg17[%dma_wait3A_386, %dma_wait3A_387] : memref<2x128xi32, #tpu.memory_space<vmem>> -> memref<1x128xi32, #tpu.memory_space<vmem>>
        %dma_wait3A_389 = tpu.memref_squeeze %dma_wait3A_388 : memref<1x128xi32, #tpu.memory_space<vmem>> -> memref<128xi32, #tpu.memory_space<vmem>>
        %dma_wait3A_390 = tpu.memref_slice %arg2[%add3A_376] : memref<327680xi32, #tpu.memory_space<hbm>> -> memref<128xi32, #tpu.memory_space<hbm>>
        %dma_wait3A_391 = arith.constant 0 : i32
        %dma_wait3A_392 = tpu.memref_slice %arg17[%dma_wait3A_386, %dma_wait3A_391] : memref<2x128xi32, #tpu.memory_space<vmem>> -> memref<1x128xi32, #tpu.memory_space<vmem>>
        %dma_wait3A_393 = tpu.memref_squeeze %dma_wait3A_392 : memref<1x128xi32, #tpu.memory_space<vmem>> -> memref<128xi32, #tpu.memory_space<vmem>>
        %dma_wait3A_394 = tpu.memref_slice %arg2[%add3A_376] : memref<327680xi32, #tpu.memory_space<hbm>> -> memref<128xi32, #tpu.memory_space<hbm>>
        tpu.wait_dma2 semaphore(%arg23 : memref<!tpu.dma_semaphore, #tpu.memory_space<semaphore_mem>>) src(%dma_wait3A_394 : memref<128xi32, #tpu.memory_space<hbm>>) dst(%dma_wait3A_393 : memref<128xi32, #tpu.memory_space<vmem>>)
        %dma_wait3A_395 = arith.constant 0 : i32
        %dma_wait3A_396 = tpu.memref_slice %arg8[%add3A_372, %dma_wait3A_395] : memref<10240x256xf32, #tpu.memory_space<hbm>> -> memref<8x256xf32, #tpu.memory_space<hbm>>
        %dma_wait3A_397 = arith.constant 0 : i32
        %dma_wait3A_398 = tpu.memref_slice %arg8[%add3A_372, %dma_wait3A_397] : memref<10240x256xf32, #tpu.memory_space<hbm>> -> memref<8x256xf32, #tpu.memory_space<hbm>>
        tpu.wait_dma2 semaphore(%arg23 : memref<!tpu.dma_semaphore, #tpu.memory_space<semaphore_mem>>) src(%dma_wait3A_398 : memref<8x256xf32, #tpu.memory_space<hbm>>) dst(%arg19 : memref<8x256xf32, #tpu.memory_space<vmem>>)
        %dma_wait3A_399 = arith.constant 0 : i32
        %dma_wait3A_400 = tpu.memref_slice %arg3[%add3A_372, %dma_wait3A_399] : memref<10240x16xf32, #tpu.memory_space<hbm>> -> memref<8x16xf32, #tpu.memory_space<hbm>>
        %dma_wait3A_401 = arith.constant 0 : i32
        %dma_wait3A_402 = tpu.memref_slice %arg3[%add3A_372, %dma_wait3A_401] : memref<10240x16xf32, #tpu.memory_space<hbm>> -> memref<8x16xf32, #tpu.memory_space<hbm>>
        tpu.wait_dma2 semaphore(%arg23 : memref<!tpu.dma_semaphore, #tpu.memory_space<semaphore_mem>>) src(%dma_wait3A_402 : memref<8x16xf32, #tpu.memory_space<hbm>>) dst(%arg20 : memref<8x16xf32, #tpu.memory_space<vmem>>)
        %dma_start3A_403 = arith.constant 0 : i32
        %dma_start3A_404 = arith.constant 0 : i32
        %dma_start3A_405 = arith.constant 0 : i32
        %dma_start3A_406 = tpu.memref_slice %arg18[%dma_start3A_404, %dma_start3A_405] : memref<256x128xf32, #tpu.memory_space<vmem>> -> memref<128x128xf32, #tpu.memory_space<vmem>>
        %dma_start3A_407 = arith.constant 0 : i32
        %dma_start3A_408 = tpu.memref_slice %arg17[%dma_start3A_403, %dma_start3A_407] : memref<2x128xi32, #tpu.memory_space<vmem>> -> memref<1x128xi32, #tpu.memory_space<vmem>>
        %dma_start3A_409 = tpu.memref_squeeze %dma_start3A_408 : memref<1x128xi32, #tpu.memory_space<vmem>> -> memref<128xi32, #tpu.memory_space<vmem>>
        %dma_start3A_410 = arith.constant 0 : i32
        %dma_start3A_411 = arith.constant 0 : i32
        %dma_start3A_412 = tpu.memref_slice %arg7[%dma_start3A_410, %dma_start3A_411] : memref<10000x128xf32, #tpu.memory_space<hbm>> -> memref<10000x128xf32, #tpu.memory_space<hbm>>
        tpu.enqueue_indirect_dma source(%dma_start3A_412 : memref<10000x128xf32, #tpu.memory_space<hbm>>) target(%dma_start3A_406 : memref<128x128xf32, #tpu.memory_space<vmem>>) offsets(%dma_start3A_409 : memref<128xi32, #tpu.memory_space<vmem>>) semaphore(%arg24 : memref<!tpu.dma_semaphore, #tpu.memory_space<semaphore_mem>>)
        %dma_start3A_413 = arith.constant 1 : i32
        %dma_start3A_414 = arith.constant 128 : i32
        %dma_start3A_415 = arith.constant 0 : i32
        %dma_start3A_416 = tpu.memref_slice %arg18[%dma_start3A_414, %dma_start3A_415] : memref<256x128xf32, #tpu.memory_space<vmem>> -> memref<128x128xf32, #tpu.memory_space<vmem>>
        %dma_start3A_417 = arith.constant 0 : i32
        %dma_start3A_418 = tpu.memref_slice %arg17[%dma_start3A_413, %dma_start3A_417] : memref<2x128xi32, #tpu.memory_space<vmem>> -> memref<1x128xi32, #tpu.memory_space<vmem>>
        %dma_start3A_419 = tpu.memref_squeeze %dma_start3A_418 : memref<1x128xi32, #tpu.memory_space<vmem>> -> memref<128xi32, #tpu.memory_space<vmem>>
        %dma_start3A_420 = arith.constant 0 : i32
        %dma_start3A_421 = arith.constant 0 : i32
        %dma_start3A_422 = tpu.memref_slice %arg7[%dma_start3A_420, %dma_start3A_421] : memref<10000x128xf32, #tpu.memory_space<hbm>> -> memref<10000x128xf32, #tpu.memory_space<hbm>>
        tpu.enqueue_indirect_dma source(%dma_start3A_422 : memref<10000x128xf32, #tpu.memory_space<hbm>>) target(%dma_start3A_416 : memref<128x128xf32, #tpu.memory_space<vmem>>) offsets(%dma_start3A_419 : memref<128xi32, #tpu.memory_space<vmem>>) semaphore(%arg24 : memref<!tpu.dma_semaphore, #tpu.memory_space<semaphore_mem>>)
      } else {
      }
      %ge3A_344 = arith.constant 2 : i32
      %ge3A_345 = arith.cmpi sge, %add3A_314, %ge3A_344 : i32
      %convert_element_type3A_346 = arith.extui %ge3A_345 : i1 to i32
      %cond3A_347 = arith.constant 0 : i32
      %cond3A_348 = arith.cmpi ne, %convert_element_type3A_346, %cond3A_347 : i32
      scf.if %cond3A_348 {
        %dma_wait3A_371 = arith.constant 0 : i32
        %dma_wait3A_372 = tpu.memref_slice %arg11[%add3A_317, %dma_wait3A_371] : memref<10240x128xf32, #tpu.memory_space<hbm>> -> memref<8x128xf32, #tpu.memory_space<hbm>>
        %dma_wait3A_373 = arith.constant 0 : i32
        %dma_wait3A_374 = tpu.memref_slice %arg11[%add3A_317, %dma_wait3A_373] : memref<10240x128xf32, #tpu.memory_space<hbm>> -> memref<8x128xf32, #tpu.memory_space<hbm>>
        tpu.wait_dma2 semaphore(%arg34 : memref<!tpu.dma_semaphore, #tpu.memory_space<semaphore_mem>>) src(%arg31 : memref<8x128xf32, #tpu.memory_space<vmem>>) dst(%dma_wait3A_374 : memref<8x128xf32, #tpu.memory_space<hbm>>)
      } else {
      }
      %scan3A_349 = arith.constant 0 : i32
      %scan3A_350 = arith.constant 0 : i32
      %scan3A_351 = arith.constant 16 : i32
      %scan3A_352 = arith.addi %scan3A_350, %scan3A_351 : i32
      %scan3A_353 = arith.constant 1 : i32
      scf.for %scan3A_371 = %scan3A_350 to %scan3A_352 step %scan3A_353  : i32 {
        %shift_right_arithmetic3A = arith.constant 3 : i32
        %shift_right_arithmetic3A_372 = arith.shrsi %scan3A_371, %shift_right_arithmetic3A : i32
        %and3A_373 = arith.constant 7 : i32
        %and3A_374 = arith.andi %scan3A_371, %and3A_373 : i32
        %mul3A_375 = arith.constant 16 : i32
        %mul3A_376 = arith.muli %and3A_374, %mul3A_375 : i32
        %get3A_377 = arith.index_cast %shift_right_arithmetic3A_372 : i32 to index
        %get3A_378 = arith.index_cast %mul3A_376 : i32 to index
        %get3A_379 = tpu.vector_load %arg26[%get3A_377, %get3A_378] {strides = array<i32>} : memref<2x128xi32, #tpu.memory_space<vmem>>, vector<16xi32>,
        %gather3A = tpu.vector_load_idx %arg12[%get3A_379] : memref<10000xf32, #tpu.memory_space<vmem>>[vector<16xi32>], vector<16xf32>,
        %gather3A_380 = tpu.vector_load_idx %arg13[%get3A_379] : memref<10000xf32, #tpu.memory_space<vmem>>[vector<16xi32>], vector<16xf32>,
        %gather3A_381 = tpu.vector_load_idx %arg14[%get3A_379] : memref<10000xf32, #tpu.memory_space<vmem>>[vector<16xi32>], vector<16xf32>,
        %shift_right_arithmetic3A_382 = arith.constant 1 : i32
        %shift_right_arithmetic3A_383 = arith.shrsi %scan3A_371, %shift_right_arithmetic3A_382 : i32
        %get3A_384 = arith.index_cast %shift_right_arithmetic3A_383 : i32 to index
        %get3A_385 = arith.constant 0 : index
        %get3A_386 = tpu.vector_load %arg29[%get3A_384, %get3A_385] {strides = array<i32>} : memref<8x16xf32, #tpu.memory_space<vmem>>, vector<16xf32>,
        %slice3A_387 = vector.extract_strided_slice %get3A_386 {offsets = [0], sizes = [1], strides = [1]} : vector<16xf32> to vector<1xf32>
        %squeeze3A_388 = vector.extract %slice3A_387[0] : f32 from vector<1xf32>
        %sub3A_389 = vector.broadcast %squeeze3A_388 : f32 to vector<16xf32>
        %sub3A_390 = arith.subf %gather3A, %sub3A_389 : vector<16xf32>
        %slice3A_391 = vector.extract_strided_slice %get3A_386 {offsets = [1], sizes = [1], strides = [1]} : vector<16xf32> to vector<1xf32>
        %squeeze3A_392 = vector.extract %slice3A_391[0] : f32 from vector<1xf32>
        %sub3A_393 = vector.broadcast %squeeze3A_392 : f32 to vector<16xf32>
        %sub3A_394 = arith.subf %gather3A_380, %sub3A_393 : vector<16xf32>
        %slice3A_395 = vector.extract_strided_slice %get3A_386 {offsets = [2], sizes = [1], strides = [1]} : vector<16xf32> to vector<1xf32>
        %squeeze3A_396 = vector.extract %slice3A_395[0] : f32 from vector<1xf32>
        %sub3A_397 = vector.broadcast %squeeze3A_396 : f32 to vector<16xf32>
        %sub3A_398 = arith.subf %gather3A_381, %sub3A_397 : vector<16xf32>
        %broadcast_in_dim3A = arith.constant 1.000000e+30 : f32
        %broadcast_in_dim3A_399 = vector.broadcast %broadcast_in_dim3A : f32 to vector<16xf32>
        %broadcast_in_dim3A_400 = arith.constant 0 : i32
        %broadcast_in_dim3A_401 = vector.broadcast %broadcast_in_dim3A_400 : i32 to vector<16xi32>
        %sub3A_402 = vector.broadcast %squeeze3A : f32 to vector<16xf32>
        %sub3A_403 = arith.subf %sub3A_390, %sub3A_402 : vector<16xf32>
        %sub3A_404 = vector.broadcast %squeeze3A_34 : f32 to vector<16xf32>
        %sub3A_405 = arith.subf %sub3A_394, %sub3A_404 : vector<16xf32>
        %sub3A_406 = vector.broadcast %squeeze3A_64 : f32 to vector<16xf32>
        %sub3A_407 = arith.subf %sub3A_398, %sub3A_406 : vector<16xf32>
        %mul3A_408 = arith.mulf %sub3A_403, %sub3A_403 : vector<16xf32>
        %mul3A_409 = arith.mulf %sub3A_405, %sub3A_405 : vector<16xf32>
        %add3A_410 = arith.addf %mul3A_408, %mul3A_409 : vector<16xf32>
        %mul3A_411 = arith.mulf %sub3A_407, %sub3A_407 : vector<16xf32>
        %add3A_412 = arith.addf %add3A_410, %mul3A_411 : vector<16xf32>
        %lt3A_413 = arith.cmpf olt, %add3A_412, %broadcast_in_dim3A_399 : vector<16xf32>
        %select_n3A_414 = arith.select %lt3A_413, %add3A_412, %broadcast_in_dim3A_399 : vector<16xi1>, vector<16xf32>
        %jit3A_415 = arith.constant 0 : i32
        %broadcast_in_dim3A_416 = vector.broadcast %jit3A_415 : i32 to vector<16xi32>
        %select_n3A_417 = arith.select %lt3A_413, %broadcast_in_dim3A_416, %broadcast_in_dim3A_401 : vector<16xi1>, vector<16xi32>
        %sub3A_418 = vector.broadcast %squeeze3A_6 : f32 to vector<16xf32>
        %sub3A_419 = arith.subf %sub3A_390, %sub3A_418 : vector<16xf32>
        %sub3A_420 = vector.broadcast %squeeze3A_36 : f32 to vector<16xf32>
        %sub3A_421 = arith.subf %sub3A_394, %sub3A_420 : vector<16xf32>
        %sub3A_422 = vector.broadcast %squeeze3A_66 : f32 to vector<16xf32>
        %sub3A_423 = arith.subf %sub3A_398, %sub3A_422 : vector<16xf32>
        %mul3A_424 = arith.mulf %sub3A_419, %sub3A_419 : vector<16xf32>
        %mul3A_425 = arith.mulf %sub3A_421, %sub3A_421 : vector<16xf32>
        %add3A_426 = arith.addf %mul3A_424, %mul3A_425 : vector<16xf32>
        %mul3A_427 = arith.mulf %sub3A_423, %sub3A_423 : vector<16xf32>
        %add3A_428 = arith.addf %add3A_426, %mul3A_427 : vector<16xf32>
        %lt3A_429 = arith.cmpf olt, %add3A_428, %select_n3A_414 : vector<16xf32>
        %select_n3A_430 = arith.select %lt3A_429, %add3A_428, %select_n3A_414 : vector<16xi1>, vector<16xf32>
        %jit3A_431 = arith.constant 1 : i32
        %broadcast_in_dim3A_432 = vector.broadcast %jit3A_431 : i32 to vector<16xi32>
        %select_n3A_433 = arith.select %lt3A_429, %broadcast_in_dim3A_432, %select_n3A_417 : vector<16xi1>, vector<16xi32>
        %sub3A_434 = vector.broadcast %squeeze3A_8 : f32 to vector<16xf32>
        %sub3A_435 = arith.subf %sub3A_390, %sub3A_434 : vector<16xf32>
        %sub3A_436 = vector.broadcast %squeeze3A_38 : f32 to vector<16xf32>
        %sub3A_437 = arith.subf %sub3A_394, %sub3A_436 : vector<16xf32>
        %sub3A_438 = vector.broadcast %squeeze3A_68 : f32 to vector<16xf32>
        %sub3A_439 = arith.subf %sub3A_398, %sub3A_438 : vector<16xf32>
        %mul3A_440 = arith.mulf %sub3A_435, %sub3A_435 : vector<16xf32>
        %mul3A_441 = arith.mulf %sub3A_437, %sub3A_437 : vector<16xf32>
        %add3A_442 = arith.addf %mul3A_440, %mul3A_441 : vector<16xf32>
        %mul3A_443 = arith.mulf %sub3A_439, %sub3A_439 : vector<16xf32>
        %add3A_444 = arith.addf %add3A_442, %mul3A_443 : vector<16xf32>
        %lt3A_445 = arith.cmpf olt, %add3A_444, %select_n3A_430 : vector<16xf32>
        %select_n3A_446 = arith.select %lt3A_445, %add3A_444, %select_n3A_430 : vector<16xi1>, vector<16xf32>
        %jit3A_447 = arith.constant 2 : i32
        %broadcast_in_dim3A_448 = vector.broadcast %jit3A_447 : i32 to vector<16xi32>
        %select_n3A_449 = arith.select %lt3A_445, %broadcast_in_dim3A_448, %select_n3A_433 : vector<16xi1>, vector<16xi32>
        %sub3A_450 = vector.broadcast %squeeze3A_10 : f32 to vector<16xf32>
        %sub3A_451 = arith.subf %sub3A_390, %sub3A_450 : vector<16xf32>
        %sub3A_452 = vector.broadcast %squeeze3A_40 : f32 to vector<16xf32>
        %sub3A_453 = arith.subf %sub3A_394, %sub3A_452 : vector<16xf32>
        %sub3A_454 = vector.broadcast %squeeze3A_70 : f32 to vector<16xf32>
        %sub3A_455 = arith.subf %sub3A_398, %sub3A_454 : vector<16xf32>
        %mul3A_456 = arith.mulf %sub3A_451, %sub3A_451 : vector<16xf32>
        %mul3A_457 = arith.mulf %sub3A_453, %sub3A_453 : vector<16xf32>
        %add3A_458 = arith.addf %mul3A_456, %mul3A_457 : vector<16xf32>
        %mul3A_459 = arith.mulf %sub3A_455, %sub3A_455 : vector<16xf32>
        %add3A_460 = arith.addf %add3A_458, %mul3A_459 : vector<16xf32>
        %lt3A_461 = arith.cmpf olt, %add3A_460, %select_n3A_446 : vector<16xf32>
        %select_n3A_462 = arith.select %lt3A_461, %add3A_460, %select_n3A_446 : vector<16xi1>, vector<16xf32>
        %jit3A_463 = arith.constant 3 : i32
        %broadcast_in_dim3A_464 = vector.broadcast %jit3A_463 : i32 to vector<16xi32>
        %select_n3A_465 = arith.select %lt3A_461, %broadcast_in_dim3A_464, %select_n3A_449 : vector<16xi1>, vector<16xi32>
        %sub3A_466 = vector.broadcast %squeeze3A_12 : f32 to vector<16xf32>
        %sub3A_467 = arith.subf %sub3A_390, %sub3A_466 : vector<16xf32>
        %sub3A_468 = vector.broadcast %squeeze3A_42 : f32 to vector<16xf32>
        %sub3A_469 = arith.subf %sub3A_394, %sub3A_468 : vector<16xf32>
        %sub3A_470 = vector.broadcast %squeeze3A_72 : f32 to vector<16xf32>
        %sub3A_471 = arith.subf %sub3A_398, %sub3A_470 : vector<16xf32>
        %mul3A_472 = arith.mulf %sub3A_467, %sub3A_467 : vector<16xf32>
        %mul3A_473 = arith.mulf %sub3A_469, %sub3A_469 : vector<16xf32>
        %add3A_474 = arith.addf %mul3A_472, %mul3A_473 : vector<16xf32>
        %mul3A_475 = arith.mulf %sub3A_471, %sub3A_471 : vector<16xf32>
        %add3A_476 = arith.addf %add3A_474, %mul3A_475 : vector<16xf32>
        %lt3A_477 = arith.cmpf olt, %add3A_476, %select_n3A_462 : vector<16xf32>
        %select_n3A_478 = arith.select %lt3A_477, %add3A_476, %select_n3A_462 : vector<16xi1>, vector<16xf32>
        %jit3A_479 = arith.constant 4 : i32
        %broadcast_in_dim3A_480 = vector.broadcast %jit3A_479 : i32 to vector<16xi32>
        %select_n3A_481 = arith.select %lt3A_477, %broadcast_in_dim3A_480, %select_n3A_465 : vector<16xi1>, vector<16xi32>
        %sub3A_482 = vector.broadcast %squeeze3A_14 : f32 to vector<16xf32>
        %sub3A_483 = arith.subf %sub3A_390, %sub3A_482 : vector<16xf32>
        %sub3A_484 = vector.broadcast %squeeze3A_44 : f32 to vector<16xf32>
        %sub3A_485 = arith.subf %sub3A_394, %sub3A_484 : vector<16xf32>
        %sub3A_486 = vector.broadcast %squeeze3A_74 : f32 to vector<16xf32>
        %sub3A_487 = arith.subf %sub3A_398, %sub3A_486 : vector<16xf32>
        %mul3A_488 = arith.mulf %sub3A_483, %sub3A_483 : vector<16xf32>
        %mul3A_489 = arith.mulf %sub3A_485, %sub3A_485 : vector<16xf32>
        %add3A_490 = arith.addf %mul3A_488, %mul3A_489 : vector<16xf32>
        %mul3A_491 = arith.mulf %sub3A_487, %sub3A_487 : vector<16xf32>
        %add3A_492 = arith.addf %add3A_490, %mul3A_491 : vector<16xf32>
        %lt3A_493 = arith.cmpf olt, %add3A_492, %select_n3A_478 : vector<16xf32>
        %select_n3A_494 = arith.select %lt3A_493, %add3A_492, %select_n3A_478 : vector<16xi1>, vector<16xf32>
        %jit3A_495 = arith.constant 5 : i32
        %broadcast_in_dim3A_496 = vector.broadcast %jit3A_495 : i32 to vector<16xi32>
        %select_n3A_497 = arith.select %lt3A_493, %broadcast_in_dim3A_496, %select_n3A_481 : vector<16xi1>, vector<16xi32>
        %sub3A_498 = vector.broadcast %squeeze3A_16 : f32 to vector<16xf32>
        %sub3A_499 = arith.subf %sub3A_390, %sub3A_498 : vector<16xf32>
        %sub3A_500 = vector.broadcast %squeeze3A_46 : f32 to vector<16xf32>
        %sub3A_501 = arith.subf %sub3A_394, %sub3A_500 : vector<16xf32>
        %sub3A_502 = vector.broadcast %squeeze3A_76 : f32 to vector<16xf32>
        %sub3A_503 = arith.subf %sub3A_398, %sub3A_502 : vector<16xf32>
        %mul3A_504 = arith.mulf %sub3A_499, %sub3A_499 : vector<16xf32>
        %mul3A_505 = arith.mulf %sub3A_501, %sub3A_501 : vector<16xf32>
        %add3A_506 = arith.addf %mul3A_504, %mul3A_505 : vector<16xf32>
        %mul3A_507 = arith.mulf %sub3A_503, %sub3A_503 : vector<16xf32>
        %add3A_508 = arith.addf %add3A_506, %mul3A_507 : vector<16xf32>
        %lt3A_509 = arith.cmpf olt, %add3A_508, %select_n3A_494 : vector<16xf32>
        %select_n3A_510 = arith.select %lt3A_509, %add3A_508, %select_n3A_494 : vector<16xi1>, vector<16xf32>
        %jit3A_511 = arith.constant 6 : i32
        %broadcast_in_dim3A_512 = vector.broadcast %jit3A_511 : i32 to vector<16xi32>
        %select_n3A_513 = arith.select %lt3A_509, %broadcast_in_dim3A_512, %select_n3A_497 : vector<16xi1>, vector<16xi32>
        %sub3A_514 = vector.broadcast %squeeze3A_18 : f32 to vector<16xf32>
        %sub3A_515 = arith.subf %sub3A_390, %sub3A_514 : vector<16xf32>
        %sub3A_516 = vector.broadcast %squeeze3A_48 : f32 to vector<16xf32>
        %sub3A_517 = arith.subf %sub3A_394, %sub3A_516 : vector<16xf32>
        %sub3A_518 = vector.broadcast %squeeze3A_78 : f32 to vector<16xf32>
        %sub3A_519 = arith.subf %sub3A_398, %sub3A_518 : vector<16xf32>
        %mul3A_520 = arith.mulf %sub3A_515, %sub3A_515 : vector<16xf32>
        %mul3A_521 = arith.mulf %sub3A_517, %sub3A_517 : vector<16xf32>
        %add3A_522 = arith.addf %mul3A_520, %mul3A_521 : vector<16xf32>
        %mul3A_523 = arith.mulf %sub3A_519, %sub3A_519 : vector<16xf32>
        %add3A_524 = arith.addf %add3A_522, %mul3A_523 : vector<16xf32>
        %lt3A_525 = arith.cmpf olt, %add3A_524, %select_n3A_510 : vector<16xf32>
        %select_n3A_526 = arith.select %lt3A_525, %add3A_524, %select_n3A_510 : vector<16xi1>, vector<16xf32>
        %jit3A_527 = arith.constant 7 : i32
        %broadcast_in_dim3A_528 = vector.broadcast %jit3A_527 : i32 to vector<16xi32>
        %select_n3A_529 = arith.select %lt3A_525, %broadcast_in_dim3A_528, %select_n3A_513 : vector<16xi1>, vector<16xi32>
        %sub3A_530 = vector.broadcast %squeeze3A_20 : f32 to vector<16xf32>
        %sub3A_531 = arith.subf %sub3A_390, %sub3A_530 : vector<16xf32>
        %sub3A_532 = vector.broadcast %squeeze3A_50 : f32 to vector<16xf32>
        %sub3A_533 = arith.subf %sub3A_394, %sub3A_532 : vector<16xf32>
        %sub3A_534 = vector.broadcast %squeeze3A_80 : f32 to vector<16xf32>
        %sub3A_535 = arith.subf %sub3A_398, %sub3A_534 : vector<16xf32>
        %mul3A_536 = arith.mulf %sub3A_531, %sub3A_531 : vector<16xf32>
        %mul3A_537 = arith.mulf %sub3A_533, %sub3A_533 : vector<16xf32>
        %add3A_538 = arith.addf %mul3A_536, %mul3A_537 : vector<16xf32>
        %mul3A_539 = arith.mulf %sub3A_535, %sub3A_535 : vector<16xf32>
        %add3A_540 = arith.addf %add3A_538, %mul3A_539 : vector<16xf32>
        %lt3A_541 = arith.cmpf olt, %add3A_540, %select_n3A_526 : vector<16xf32>
        %select_n3A_542 = arith.select %lt3A_541, %add3A_540, %select_n3A_526 : vector<16xi1>, vector<16xf32>
        %jit3A_543 = arith.constant 8 : i32
        %broadcast_in_dim3A_544 = vector.broadcast %jit3A_543 : i32 to vector<16xi32>
        %select_n3A_545 = arith.select %lt3A_541, %broadcast_in_dim3A_544, %select_n3A_529 : vector<16xi1>, vector<16xi32>
        %sub3A_546 = vector.broadcast %squeeze3A_22 : f32 to vector<16xf32>
        %sub3A_547 = arith.subf %sub3A_390, %sub3A_546 : vector<16xf32>
        %sub3A_548 = vector.broadcast %squeeze3A_52 : f32 to vector<16xf32>
        %sub3A_549 = arith.subf %sub3A_394, %sub3A_548 : vector<16xf32>
        %sub3A_550 = vector.broadcast %squeeze3A_82 : f32 to vector<16xf32>
        %sub3A_551 = arith.subf %sub3A_398, %sub3A_550 : vector<16xf32>
        %mul3A_552 = arith.mulf %sub3A_547, %sub3A_547 : vector<16xf32>
        %mul3A_553 = arith.mulf %sub3A_549, %sub3A_549 : vector<16xf32>
        %add3A_554 = arith.addf %mul3A_552, %mul3A_553 : vector<16xf32>
        %mul3A_555 = arith.mulf %sub3A_551, %sub3A_551 : vector<16xf32>
        %add3A_556 = arith.addf %add3A_554, %mul3A_555 : vector<16xf32>
        %lt3A_557 = arith.cmpf olt, %add3A_556, %select_n3A_542 : vector<16xf32>
        %select_n3A_558 = arith.select %lt3A_557, %add3A_556, %select_n3A_542 : vector<16xi1>, vector<16xf32>
        %jit3A_559 = arith.constant 9 : i32
        %broadcast_in_dim3A_560 = vector.broadcast %jit3A_559 : i32 to vector<16xi32>
        %select_n3A_561 = arith.select %lt3A_557, %broadcast_in_dim3A_560, %select_n3A_545 : vector<16xi1>, vector<16xi32>
        %sub3A_562 = vector.broadcast %squeeze3A_24 : f32 to vector<16xf32>
        %sub3A_563 = arith.subf %sub3A_390, %sub3A_562 : vector<16xf32>
        %sub3A_564 = vector.broadcast %squeeze3A_54 : f32 to vector<16xf32>
        %sub3A_565 = arith.subf %sub3A_394, %sub3A_564 : vector<16xf32>
        %sub3A_566 = vector.broadcast %squeeze3A_84 : f32 to vector<16xf32>
        %sub3A_567 = arith.subf %sub3A_398, %sub3A_566 : vector<16xf32>
        %mul3A_568 = arith.mulf %sub3A_563, %sub3A_563 : vector<16xf32>
        %mul3A_569 = arith.mulf %sub3A_565, %sub3A_565 : vector<16xf32>
        %add3A_570 = arith.addf %mul3A_568, %mul3A_569 : vector<16xf32>
        %mul3A_571 = arith.mulf %sub3A_567, %sub3A_567 : vector<16xf32>
        %add3A_572 = arith.addf %add3A_570, %mul3A_571 : vector<16xf32>
        %lt3A_573 = arith.cmpf olt, %add3A_572, %select_n3A_558 : vector<16xf32>
        %select_n3A_574 = arith.select %lt3A_573, %add3A_572, %select_n3A_558 : vector<16xi1>, vector<16xf32>
        %jit3A_575 = arith.constant 10 : i32
        %broadcast_in_dim3A_576 = vector.broadcast %jit3A_575 : i32 to vector<16xi32>
        %select_n3A_577 = arith.select %lt3A_573, %broadcast_in_dim3A_576, %select_n3A_561 : vector<16xi1>, vector<16xi32>
        %sub3A_578 = vector.broadcast %squeeze3A_26 : f32 to vector<16xf32>
        %sub3A_579 = arith.subf %sub3A_390, %sub3A_578 : vector<16xf32>
        %sub3A_580 = vector.broadcast %squeeze3A_56 : f32 to vector<16xf32>
        %sub3A_581 = arith.subf %sub3A_394, %sub3A_580 : vector<16xf32>
        %sub3A_582 = vector.broadcast %squeeze3A_86 : f32 to vector<16xf32>
        %sub3A_583 = arith.subf %sub3A_398, %sub3A_582 : vector<16xf32>
        %mul3A_584 = arith.mulf %sub3A_579, %sub3A_579 : vector<16xf32>
        %mul3A_585 = arith.mulf %sub3A_581, %sub3A_581 : vector<16xf32>
        %add3A_586 = arith.addf %mul3A_584, %mul3A_585 : vector<16xf32>
        %mul3A_587 = arith.mulf %sub3A_583, %sub3A_583 : vector<16xf32>
        %add3A_588 = arith.addf %add3A_586, %mul3A_587 : vector<16xf32>
        %lt3A_589 = arith.cmpf olt, %add3A_588, %select_n3A_574 : vector<16xf32>
        %select_n3A_590 = arith.select %lt3A_589, %add3A_588, %select_n3A_574 : vector<16xi1>, vector<16xf32>
        %jit3A_591 = arith.constant 11 : i32
        %broadcast_in_dim3A_592 = vector.broadcast %jit3A_591 : i32 to vector<16xi32>
        %select_n3A_593 = arith.select %lt3A_589, %broadcast_in_dim3A_592, %select_n3A_577 : vector<16xi1>, vector<16xi32>
        %sub3A_594 = vector.broadcast %squeeze3A_28 : f32 to vector<16xf32>
        %sub3A_595 = arith.subf %sub3A_390, %sub3A_594 : vector<16xf32>
        %sub3A_596 = vector.broadcast %squeeze3A_58 : f32 to vector<16xf32>
        %sub3A_597 = arith.subf %sub3A_394, %sub3A_596 : vector<16xf32>
        %sub3A_598 = vector.broadcast %squeeze3A_88 : f32 to vector<16xf32>
        %sub3A_599 = arith.subf %sub3A_398, %sub3A_598 : vector<16xf32>
        %mul3A_600 = arith.mulf %sub3A_595, %sub3A_595 : vector<16xf32>
        %mul3A_601 = arith.mulf %sub3A_597, %sub3A_597 : vector<16xf32>
        %add3A_602 = arith.addf %mul3A_600, %mul3A_601 : vector<16xf32>
        %mul3A_603 = arith.mulf %sub3A_599, %sub3A_599 : vector<16xf32>
        %add3A_604 = arith.addf %add3A_602, %mul3A_603 : vector<16xf32>
        %lt3A_605 = arith.cmpf olt, %add3A_604, %select_n3A_590 : vector<16xf32>
        %select_n3A_606 = arith.select %lt3A_605, %add3A_604, %select_n3A_590 : vector<16xi1>, vector<16xf32>
        %jit3A_607 = arith.constant 12 : i32
        %broadcast_in_dim3A_608 = vector.broadcast %jit3A_607 : i32 to vector<16xi32>
        %select_n3A_609 = arith.select %lt3A_605, %broadcast_in_dim3A_608, %select_n3A_593 : vector<16xi1>, vector<16xi32>
        %sub3A_610 = vector.broadcast %squeeze3A_30 : f32 to vector<16xf32>
        %sub3A_611 = arith.subf %sub3A_390, %sub3A_610 : vector<16xf32>
        %sub3A_612 = vector.broadcast %squeeze3A_60 : f32 to vector<16xf32>
        %sub3A_613 = arith.subf %sub3A_394, %sub3A_612 : vector<16xf32>
        %sub3A_614 = vector.broadcast %squeeze3A_90 : f32 to vector<16xf32>
        %sub3A_615 = arith.subf %sub3A_398, %sub3A_614 : vector<16xf32>
        %mul3A_616 = arith.mulf %sub3A_611, %sub3A_611 : vector<16xf32>
        %mul3A_617 = arith.mulf %sub3A_613, %sub3A_613 : vector<16xf32>
        %add3A_618 = arith.addf %mul3A_616, %mul3A_617 : vector<16xf32>
        %mul3A_619 = arith.mulf %sub3A_615, %sub3A_615 : vector<16xf32>
        %add3A_620 = arith.addf %add3A_618, %mul3A_619 : vector<16xf32>
        %lt3A_621 = arith.cmpf olt, %add3A_620, %select_n3A_606 : vector<16xf32>
        %select_n3A_622 = arith.select %lt3A_621, %add3A_620, %select_n3A_606 : vector<16xi1>, vector<16xf32>
        %jit3A_623 = arith.constant 13 : i32
        %broadcast_in_dim3A_624 = vector.broadcast %jit3A_623 : i32 to vector<16xi32>
        %select_n3A_625 = arith.select %lt3A_621, %broadcast_in_dim3A_624, %select_n3A_609 : vector<16xi1>, vector<16xi32>
        %sub3A_626 = vector.broadcast %squeeze3A_32 : f32 to vector<16xf32>
        %sub3A_627 = arith.subf %sub3A_390, %sub3A_626 : vector<16xf32>
        %sub3A_628 = vector.broadcast %squeeze3A_62 : f32 to vector<16xf32>
        %sub3A_629 = arith.subf %sub3A_394, %sub3A_628 : vector<16xf32>
        %sub3A_630 = vector.broadcast %squeeze3A_92 : f32 to vector<16xf32>
        %sub3A_631 = arith.subf %sub3A_398, %sub3A_630 : vector<16xf32>
        %mul3A_632 = arith.mulf %sub3A_627, %sub3A_627 : vector<16xf32>
        %mul3A_633 = arith.mulf %sub3A_629, %sub3A_629 : vector<16xf32>
        %add3A_634 = arith.addf %mul3A_632, %mul3A_633 : vector<16xf32>
        %mul3A_635 = arith.mulf %sub3A_631, %sub3A_631 : vector<16xf32>
        %add3A_636 = arith.addf %add3A_634, %mul3A_635 : vector<16xf32>
        %lt3A_637 = arith.cmpf olt, %add3A_636, %select_n3A_622 : vector<16xf32>
        %select_n3A_638 = arith.select %lt3A_637, %add3A_636, %select_n3A_622 : vector<16xi1>, vector<16xf32>
        %jit3A_639 = arith.constant 14 : i32
        %broadcast_in_dim3A_640 = vector.broadcast %jit3A_639 : i32 to vector<16xi32>
        %select_n3A_641 = arith.select %lt3A_637, %broadcast_in_dim3A_640, %select_n3A_625 : vector<16xi1>, vector<16xi32>
        %max3A = arith.constant 9.99999968E-21 : f32
        %max3A_642 = vector.broadcast %max3A : f32 to vector<16xf32>
        %max3A_643 = arith.maximumf %select_n3A_638, %max3A_642 : vector<16xf32>
        %bitcast3A = vector.bitcast %max3A_643 : vector<16xf32> to vector<16xi32>
        %shift_right_arithmetic3A_644 = arith.constant 1 : i32
        %shift_right_arithmetic3A_645 = vector.broadcast %shift_right_arithmetic3A_644 : i32 to vector<16xi32>
        %shift_right_arithmetic3A_646 = arith.shrsi %bitcast3A, %shift_right_arithmetic3A_645 : vector<16xi32>
        %sub3A_647 = arith.constant 1597463007 : i32
        %sub3A_648 = vector.broadcast %sub3A_647 : i32 to vector<16xi32>
        %sub3A_649 = arith.subi %sub3A_648, %shift_right_arithmetic3A_646 : vector<16xi32>
        %bitcast3A_650 = vector.bitcast %sub3A_649 : vector<16xi32> to vector<16xf32>
        %mul3A_651 = arith.constant 5.000000e-01 : f32
        %mul3A_652 = vector.broadcast %mul3A_651 : f32 to vector<16xf32>
        %mul3A_653 = arith.mulf %mul3A_652, %max3A_643 : vector<16xf32>
        %mul3A_654 = arith.mulf %mul3A_653, %bitcast3A_650 : vector<16xf32>
        %mul3A_655 = arith.mulf %mul3A_654, %bitcast3A_650 : vector<16xf32>
        %sub3A_656 = arith.constant 1.500000e+00 : f32
        %sub3A_657 = vector.broadcast %sub3A_656 : f32 to vector<16xf32>
        %sub3A_658 = arith.subf %sub3A_657, %mul3A_655 : vector<16xf32>
        %mul3A_659 = arith.mulf %bitcast3A_650, %sub3A_658 : vector<16xf32>
        %mul3A_660 = arith.constant 5.000000e-01 : f32
        %mul3A_661 = vector.broadcast %mul3A_660 : f32 to vector<16xf32>
        %mul3A_662 = arith.mulf %mul3A_661, %max3A_643 : vector<16xf32>
        %mul3A_663 = arith.mulf %mul3A_662, %mul3A_659 : vector<16xf32>
        %mul3A_664 = arith.mulf %mul3A_663, %mul3A_659 : vector<16xf32>
        %sub3A_665 = arith.constant 1.500000e+00 : f32
        %sub3A_666 = vector.broadcast %sub3A_665 : f32 to vector<16xf32>
        %sub3A_667 = arith.subf %sub3A_666, %mul3A_664 : vector<16xf32>
        %mul3A_668 = arith.mulf %mul3A_659, %sub3A_667 : vector<16xf32>
        %mul3A_669 = arith.constant 5.000000e-01 : f32
        %mul3A_670 = vector.broadcast %mul3A_669 : f32 to vector<16xf32>
        %mul3A_671 = arith.mulf %mul3A_670, %max3A_643 : vector<16xf32>
        %mul3A_672 = arith.mulf %mul3A_671, %mul3A_668 : vector<16xf32>
        %mul3A_673 = arith.mulf %mul3A_672, %mul3A_668 : vector<16xf32>
        %sub3A_674 = arith.constant 1.500000e+00 : f32
        %sub3A_675 = vector.broadcast %sub3A_674 : f32 to vector<16xf32>
        %sub3A_676 = arith.subf %sub3A_675, %mul3A_673 : vector<16xf32>
        %mul3A_677 = arith.mulf %mul3A_668, %sub3A_676 : vector<16xf32>
        %mul3A_678 = arith.mulf %max3A_643, %mul3A_677 : vector<16xf32>
        %mul3A_679 = arith.constant 5.000000e-01 : f32
        %mul3A_680 = vector.broadcast %mul3A_679 : f32 to vector<16xf32>
        %mul3A_681 = arith.mulf %mul3A_678, %mul3A_680 : vector<16xf32>
        %sub3A_682 = arith.constant 1.000000e+00 : f32
        %sub3A_683 = vector.broadcast %sub3A_682 : f32 to vector<16xf32>
        %sub3A_684 = arith.subf %sub3A_683, %mul3A_681 : vector<16xf32>
        %max3A_685 = arith.constant 0.000000e+00 : f32
        %max3A_686 = vector.broadcast %max3A_685 : f32 to vector<16xf32>
        %max3A_687 = arith.maximumf %sub3A_684, %max3A_686 : vector<16xf32>
        %bitcast3A_688 = vector.bitcast %max3A_687 : vector<16xf32> to vector<16xi32>
        %and3A_689 = arith.constant -16 : i32
        %and3A_690 = vector.broadcast %and3A_689 : i32 to vector<16xi32>
        %and3A_691 = arith.andi %bitcast3A_688, %and3A_690 : vector<16xi32>
        %or3A = arith.ori %and3A_691, %select_n3A_641 : vector<16xi32>
        %mul3A_692 = arith.constant 16 : i32
        %mul3A_693 = arith.muli %scan3A_371, %mul3A_692 : i32
        %swap3A = arith.index_cast %mul3A_693 : i32 to index
        %swap3A_694 = tpu.vector_load %arg30[%swap3A] {strides = array<i32>} : memref<272xi32, #tpu.memory_space<vmem>>, vector<16xi32>,
        tpu.vector_store %arg30[%swap3A], %or3A {strides = array<i32>} : memref<272xi32, #tpu.memory_space<vmem>>, vector<16xi32>,
      }
      %scan3A_354 = arith.constant 16 : i32
      %scan3A_355 = arith.constant 0 : i32
      %scan3A_356 = arith.constant 0 : i32
      %scan3A_357 = arith.constant 8 : i32
      %scan3A_358 = arith.addi %scan3A_356, %scan3A_357 : i32
      %scan3A_359 = arith.constant 1 : i32
      scf.for %scan3A_371 = %scan3A_356 to %scan3A_358 step %scan3A_359  : i32 {
        %broadcast_in_dim3A = arith.constant 0.000000e+00 : f32
        %broadcast_in_dim3A_372 = vector.broadcast %broadcast_in_dim3A : f32 to vector<16xf32>
        %broadcast_in_dim3A_373 = arith.constant 0.000000e+00 : f32
        %broadcast_in_dim3A_374 = vector.broadcast %broadcast_in_dim3A_373 : f32 to vector<16xf32>
        %broadcast_in_dim3A_375 = arith.constant 0.000000e+00 : f32
        %broadcast_in_dim3A_376 = vector.broadcast %broadcast_in_dim3A_375 : f32 to vector<16xf32>
        %broadcast_in_dim3A_377 = arith.constant 0.000000e+00 : f32
        %broadcast_in_dim3A_378 = vector.broadcast %broadcast_in_dim3A_377 : f32 to vector<16xf32>
        %broadcast_in_dim3A_379 = arith.constant 0.000000e+00 : f32
        %broadcast_in_dim3A_380 = vector.broadcast %broadcast_in_dim3A_379 : f32 to vector<16xf32>
        %broadcast_in_dim3A_381 = arith.constant 0.000000e+00 : f32
        %broadcast_in_dim3A_382 = vector.broadcast %broadcast_in_dim3A_381 : f32 to vector<16xf32>
        %broadcast_in_dim3A_383 = arith.constant 0.000000e+00 : f32
        %broadcast_in_dim3A_384 = vector.broadcast %broadcast_in_dim3A_383 : f32 to vector<16xf32>
        %broadcast_in_dim3A_385 = arith.constant 0.000000e+00 : f32
        %broadcast_in_dim3A_386 = vector.broadcast %broadcast_in_dim3A_385 : f32 to vector<16xf32>
        %scan3A_387 = arith.constant 0 : i32
        %scan3A_388 = arith.constant 32 : i32
        %scan3A_389 = arith.addi %scan3A_387, %scan3A_388 : i32
        %scan3A_390 = arith.constant 1 : i32
        %scan3A_391:8 = scf.for %scan3A_416 = %scan3A_387 to %scan3A_389 step %scan3A_390 iter_args(%scan3A_417 = %broadcast_in_dim3A_372, %scan3A_418 = %broadcast_in_dim3A_374, %scan3A_419 = %broadcast_in_dim3A_376, %scan3A_420 = %broadcast_in_dim3A_378, %scan3A_421 = %broadcast_in_dim3A_380, %scan3A_422 = %broadcast_in_dim3A_382, %scan3A_423 = %broadcast_in_dim3A_384, %scan3A_424 = %broadcast_in_dim3A_386) -> (vector<16xf32>, vector<16xf32>, vector<16xf32>, vector<16xf32>, vector<16xf32>, vector<16xf32>, vector<16xf32>, vector<16xf32>)  : i32 {
          %mul3A_425 = arith.constant 32 : i32
          %mul3A_426 = arith.muli %scan3A_371, %mul3A_425 : i32
          %add3A_427 = arith.addi %mul3A_426, %scan3A_416 : i32
          %get3A_428 = arith.index_cast %add3A_427 : i32 to index
          %get3A_429 = tpu.vector_load %arg30[%get3A_428] {strides = array<i32>} : memref<272xi32, #tpu.memory_space<vmem>>, vector<16xi32>,
          %slice3A_430 = vector.extract_strided_slice %get3A_429 {offsets = [0], sizes = [1], strides = [1]} : vector<16xi32> to vector<1xi32>
          %squeeze3A_431 = vector.extract %slice3A_430[0] : i32 from vector<1xi32>
          %and3A_432 = arith.constant 15 : i32
          %and3A_433 = arith.andi %squeeze3A_431, %and3A_432 : i32
          %broadcast_in_dim3A_434 = vector.broadcast %squeeze3A_431 : i32 to vector<16xi32>
          %and3A_435 = arith.constant -16 : i32
          %and3A_436 = vector.broadcast %and3A_435 : i32 to vector<16xi32>
          %and3A_437 = arith.andi %broadcast_in_dim3A_434, %and3A_436 : vector<16xi32>
          %bitcast3A = vector.bitcast %and3A_437 : vector<16xi32> to vector<16xf32>
          %mul3A_438 = arith.constant 16 : i32
          %mul3A_439 = arith.muli %and3A_433, %mul3A_438 : i32
          %get3A_440 = arith.index_cast %scan3A_371 : i32 to index
          %get3A_441 = arith.index_cast %mul3A_439 : i32 to index
          %get3A_442 = tpu.vector_load %arg28[%get3A_440, %get3A_441] {strides = array<i32>} : memref<8x256xf32, #tpu.memory_space<vmem>>, vector<16xf32>,
          %mul3A_443 = arith.mulf %get3A_442, %bitcast3A : vector<16xf32>
          %get3A_444 = arith.index_cast %add3A_427 : i32 to index
          %get3A_445 = arith.constant 0 : index
          %get3A_446 = tpu.vector_load %arg27[%get3A_444, %get3A_445] {strides = array<i32>} : memref<256x128xf32, #tpu.memory_space<vmem>>, vector<16xf32>,
          %get3A_447 = arith.index_cast %and3A_433 : i32 to index
          %get3A_448 = arith.constant 0 : index
          %get3A_449 = tpu.vector_load %arg15[%get3A_447, %get3A_448] {strides = array<i32>} : memref<15x128xf32, #tpu.memory_space<vmem>>, vector<16xf32>,
          %mul3A_450 = arith.mulf %get3A_449, %mul3A_443 : vector<16xf32>
          %mul3A_451 = arith.mulf %get3A_446, %mul3A_450 : vector<16xf32>
          %add3A_452 = arith.addf %scan3A_417, %mul3A_451 : vector<16xf32>
          %get3A_453 = arith.index_cast %add3A_427 : i32 to index
          %get3A_454 = arith.constant 16 : index
          %get3A_455 = tpu.vector_load %arg27[%get3A_453, %get3A_454] {strides = array<i32>} : memref<256x128xf32, #tpu.memory_space<vmem>>, vector<16xf32>,
          %get3A_456 = arith.index_cast %and3A_433 : i32 to index
          %get3A_457 = arith.constant 16 : index
          %get3A_458 = tpu.vector_load %arg15[%get3A_456, %get3A_457] {strides = array<i32>} : memref<15x128xf32, #tpu.memory_space<vmem>>, vector<16xf32>,
          %mul3A_459 = arith.mulf %get3A_458, %mul3A_443 : vector<16xf32>
          %mul3A_460 = arith.mulf %get3A_455, %mul3A_459 : vector<16xf32>
          %add3A_461 = arith.addf %scan3A_418, %mul3A_460 : vector<16xf32>
          %get3A_462 = arith.index_cast %add3A_427 : i32 to index
          %get3A_463 = arith.constant 32 : index
          %get3A_464 = tpu.vector_load %arg27[%get3A_462, %get3A_463] {strides = array<i32>} : memref<256x128xf32, #tpu.memory_space<vmem>>, vector<16xf32>,
          %get3A_465 = arith.index_cast %and3A_433 : i32 to index
          %get3A_466 = arith.constant 32 : index
          %get3A_467 = tpu.vector_load %arg15[%get3A_465, %get3A_466] {strides = array<i32>} : memref<15x128xf32, #tpu.memory_space<vmem>>, vector<16xf32>,
          %mul3A_468 = arith.mulf %get3A_467, %mul3A_443 : vector<16xf32>
          %mul3A_469 = arith.mulf %get3A_464, %mul3A_468 : vector<16xf32>
          %add3A_470 = arith.addf %scan3A_419, %mul3A_469 : vector<16xf32>
          %get3A_471 = arith.index_cast %add3A_427 : i32 to index
          %get3A_472 = arith.constant 48 : index
          %get3A_473 = tpu.vector_load %arg27[%get3A_471, %get3A_472] {strides = array<i32>} : memref<256x128xf32, #tpu.memory_space<vmem>>, vector<16xf32>,
          %get3A_474 = arith.index_cast %and3A_433 : i32 to index
          %get3A_475 = arith.constant 48 : index
          %get3A_476 = tpu.vector_load %arg15[%get3A_474, %get3A_475] {strides = array<i32>} : memref<15x128xf32, #tpu.memory_space<vmem>>, vector<16xf32>,
          %mul3A_477 = arith.mulf %get3A_476, %mul3A_443 : vector<16xf32>
          %mul3A_478 = arith.mulf %get3A_473, %mul3A_477 : vector<16xf32>
          %add3A_479 = arith.addf %scan3A_420, %mul3A_478 : vector<16xf32>
          %get3A_480 = arith.index_cast %add3A_427 : i32 to index
          %get3A_481 = arith.constant 64 : index
          %get3A_482 = tpu.vector_load %arg27[%get3A_480, %get3A_481] {strides = array<i32>} : memref<256x128xf32, #tpu.memory_space<vmem>>, vector<16xf32>,
          %get3A_483 = arith.index_cast %and3A_433 : i32 to index
          %get3A_484 = arith.constant 64 : index
          %get3A_485 = tpu.vector_load %arg15[%get3A_483, %get3A_484] {strides = array<i32>} : memref<15x128xf32, #tpu.memory_space<vmem>>, vector<16xf32>,
          %mul3A_486 = arith.mulf %get3A_485, %mul3A_443 : vector<16xf32>
          %mul3A_487 = arith.mulf %get3A_482, %mul3A_486 : vector<16xf32>
          %add3A_488 = arith.addf %scan3A_421, %mul3A_487 : vector<16xf32>
          %get3A_489 = arith.index_cast %add3A_427 : i32 to index
          %get3A_490 = arith.constant 80 : index
          %get3A_491 = tpu.vector_load %arg27[%get3A_489, %get3A_490] {strides = array<i32>} : memref<256x128xf32, #tpu.memory_space<vmem>>, vector<16xf32>,
          %get3A_492 = arith.index_cast %and3A_433 : i32 to index
          %get3A_493 = arith.constant 80 : index
          %get3A_494 = tpu.vector_load %arg15[%get3A_492, %get3A_493] {strides = array<i32>} : memref<15x128xf32, #tpu.memory_space<vmem>>, vector<16xf32>,
          %mul3A_495 = arith.mulf %get3A_494, %mul3A_443 : vector<16xf32>
          %mul3A_496 = arith.mulf %get3A_491, %mul3A_495 : vector<16xf32>
          %add3A_497 = arith.addf %scan3A_422, %mul3A_496 : vector<16xf32>
          %get3A_498 = arith.index_cast %add3A_427 : i32 to index
          %get3A_499 = arith.constant 96 : index
          %get3A_500 = tpu.vector_load %arg27[%get3A_498, %get3A_499] {strides = array<i32>} : memref<256x128xf32, #tpu.memory_space<vmem>>, vector<16xf32>,
          %get3A_501 = arith.index_cast %and3A_433 : i32 to index
          %get3A_502 = arith.constant 96 : index
          %get3A_503 = tpu.vector_load %arg15[%get3A_501, %get3A_502] {strides = array<i32>} : memref<15x128xf32, #tpu.memory_space<vmem>>, vector<16xf32>,
          %mul3A_504 = arith.mulf %get3A_503, %mul3A_443 : vector<16xf32>
          %mul3A_505 = arith.mulf %get3A_500, %mul3A_504 : vector<16xf32>
          %add3A_506 = arith.addf %scan3A_423, %mul3A_505 : vector<16xf32>
          %get3A_507 = arith.index_cast %add3A_427 : i32 to index
          %get3A_508 = arith.constant 112 : index
          %get3A_509 = tpu.vector_load %arg27[%get3A_507, %get3A_508] {strides = array<i32>} : memref<256x128xf32, #tpu.memory_space<vmem>>, vector<16xf32>,
          %get3A_510 = arith.index_cast %and3A_433 : i32 to index
          %get3A_511 = arith.constant 112 : index
          %get3A_512 = tpu.vector_load %arg15[%get3A_510, %get3A_511] {strides = array<i32>} : memref<15x128xf32, #tpu.memory_space<vmem>>, vector<16xf32>,
          %mul3A_513 = arith.mulf %get3A_512, %mul3A_443 : vector<16xf32>
          %mul3A_514 = arith.mulf %get3A_509, %mul3A_513 : vector<16xf32>
          %add3A_515 = arith.addf %scan3A_424, %mul3A_514 : vector<16xf32>
          scf.yield %add3A_452, %add3A_461, %add3A_470, %add3A_479, %add3A_488, %add3A_497, %add3A_506, %add3A_515 : vector<16xf32>, vector<16xf32>, vector<16xf32>, vector<16xf32>, vector<16xf32>, vector<16xf32>, vector<16xf32>, vector<16xf32>
        }
        %scan3A_392 = arith.constant 32 : i32
        %swap3A = arith.index_cast %scan3A_371 : i32 to index
        %swap3A_393 = arith.constant 0 : index
        %swap3A_394 = tpu.vector_load %arg31[%swap3A, %swap3A_393] {strides = array<i32>} : memref<8x128xf32, #tpu.memory_space<vmem>>, vector<16xf32>,
        tpu.vector_store %arg31[%swap3A, %swap3A_393], %scan3A_391#0 {strides = array<i32>} : memref<8x128xf32, #tpu.memory_space<vmem>>, vector<16xf32>,
        %swap3A_395 = arith.index_cast %scan3A_371 : i32 to index
        %swap3A_396 = arith.constant 16 : index
        %swap3A_397 = tpu.vector_load %arg31[%swap3A_395, %swap3A_396] {strides = array<i32>} : memref<8x128xf32, #tpu.memory_space<vmem>>, vector<16xf32>,
        tpu.vector_store %arg31[%swap3A_395, %swap3A_396], %scan3A_391#1 {strides = array<i32>} : memref<8x128xf32, #tpu.memory_space<vmem>>, vector<16xf32>,
        %swap3A_398 = arith.index_cast %scan3A_371 : i32 to index
        %swap3A_399 = arith.constant 32 : index
        %swap3A_400 = tpu.vector_load %arg31[%swap3A_398, %swap3A_399] {strides = array<i32>} : memref<8x128xf32, #tpu.memory_space<vmem>>, vector<16xf32>,
        tpu.vector_store %arg31[%swap3A_398, %swap3A_399], %scan3A_391#2 {strides = array<i32>} : memref<8x128xf32, #tpu.memory_space<vmem>>, vector<16xf32>,
        %swap3A_401 = arith.index_cast %scan3A_371 : i32 to index
        %swap3A_402 = arith.constant 48 : index
        %swap3A_403 = tpu.vector_load %arg31[%swap3A_401, %swap3A_402] {strides = array<i32>} : memref<8x128xf32, #tpu.memory_space<vmem>>, vector<16xf32>,
        tpu.vector_store %arg31[%swap3A_401, %swap3A_402], %scan3A_391#3 {strides = array<i32>} : memref<8x128xf32, #tpu.memory_space<vmem>>, vector<16xf32>,
        %swap3A_404 = arith.index_cast %scan3A_371 : i32 to index
        %swap3A_405 = arith.constant 64 : index
        %swap3A_406 = tpu.vector_load %arg31[%swap3A_404, %swap3A_405] {strides = array<i32>} : memref<8x128xf32, #tpu.memory_space<vmem>>, vector<16xf32>,
        tpu.vector_store %arg31[%swap3A_404, %swap3A_405], %scan3A_391#4 {strides = array<i32>} : memref<8x128xf32, #tpu.memory_space<vmem>>, vector<16xf32>,
        %swap3A_407 = arith.index_cast %scan3A_371 : i32 to index
        %swap3A_408 = arith.constant 80 : index
        %swap3A_409 = tpu.vector_load %arg31[%swap3A_407, %swap3A_408] {strides = array<i32>} : memref<8x128xf32, #tpu.memory_space<vmem>>, vector<16xf32>,
        tpu.vector_store %arg31[%swap3A_407, %swap3A_408], %scan3A_391#5 {strides = array<i32>} : memref<8x128xf32, #tpu.memory_space<vmem>>, vector<16xf32>,
        %swap3A_410 = arith.index_cast %scan3A_371 : i32 to index
        %swap3A_411 = arith.constant 96 : index
        %swap3A_412 = tpu.vector_load %arg31[%swap3A_410, %swap3A_411] {strides = array<i32>} : memref<8x128xf32, #tpu.memory_space<vmem>>, vector<16xf32>,
        tpu.vector_store %arg31[%swap3A_410, %swap3A_411], %scan3A_391#6 {strides = array<i32>} : memref<8x128xf32, #tpu.memory_space<vmem>>, vector<16xf32>,
        %swap3A_413 = arith.index_cast %scan3A_371 : i32 to index
        %swap3A_414 = arith.constant 112 : index
        %swap3A_415 = tpu.vector_load %arg31[%swap3A_413, %swap3A_414] {strides = array<i32>} : memref<8x128xf32, #tpu.memory_space<vmem>>, vector<16xf32>,
        tpu.vector_store %arg31[%swap3A_413, %swap3A_414], %scan3A_391#7 {strides = array<i32>} : memref<8x128xf32, #tpu.memory_space<vmem>>, vector<16xf32>,
      }
      %scan3A_360 = arith.constant 8 : i32
      %dma_start3A_361 = arith.constant 0 : i32
      %dma_start3A_362 = tpu.memref_slice %arg11[%add3A_317, %dma_start3A_361] : memref<10240x128xf32, #tpu.memory_space<hbm>> -> memref<8x128xf32, #tpu.memory_space<hbm>>
      %dma_start3A_363 = arith.constant 0 : i32
      %dma_start3A_364 = tpu.memref_slice %arg11[%add3A_317, %dma_start3A_363] : memref<10240x128xf32, #tpu.memory_space<hbm>> -> memref<8x128xf32, #tpu.memory_space<hbm>>
      tpu.enqueue_dma source(%arg31 : memref<8x128xf32, #tpu.memory_space<vmem>>) target(%dma_start3A_364 : memref<8x128xf32, #tpu.memory_space<hbm>>) target_semaphore(%arg34 : memref<!tpu.dma_semaphore, #tpu.memory_space<semaphore_mem>>)
      %add3A_365 = arith.constant 2 : i32
      %add3A_366 = arith.addi %add3A_314, %add3A_365 : i32
      %lt3A_367 = arith.cmpi slt, %add3A_366, %select_n3A : i32
      %convert_element_type3A_368 = arith.extui %lt3A_367 : i1 to i32
      %cond3A_369 = arith.constant 0 : i32
      %cond3A_370 = arith.cmpi ne, %convert_element_type3A_368, %cond3A_369 : i32
      scf.if %cond3A_370 {
        %add3A_371 = arith.constant 2 : i32
        %add3A_372 = arith.addi %add3A_314, %add3A_371 : i32
        %mul3A_373 = arith.constant 8 : i32
        %mul3A_374 = arith.muli %add3A_372, %mul3A_373 : i32
        %add3A_375 = arith.addi %select_n3A_119, %mul3A_374 : i32
        %mul3A_376 = arith.constant 32 : i32
        %mul3A_377 = arith.muli %add3A_375, %mul3A_376 : i32
        %add3A_378 = arith.constant 128 : i32
        %add3A_379 = arith.addi %mul3A_377, %add3A_378 : i32
        %dma_start3A_380 = arith.constant 0 : i32
        %dma_start3A_381 = arith.constant 0 : i32
        %dma_start3A_382 = tpu.memref_slice %arg26[%dma_start3A_380, %dma_start3A_381] : memref<2x128xi32, #tpu.memory_space<vmem>> -> memref<1x128xi32, #tpu.memory_space<vmem>>
        %dma_start3A_383 = tpu.memref_squeeze %dma_start3A_382 : memref<1x128xi32, #tpu.memory_space<vmem>> -> memref<128xi32, #tpu.memory_space<vmem>>
        %dma_start3A_384 = tpu.memref_slice %arg2[%mul3A_377] : memref<327680xi32, #tpu.memory_space<hbm>> -> memref<128xi32, #tpu.memory_space<hbm>>
        %dma_start3A_385 = arith.constant 0 : i32
        %dma_start3A_386 = tpu.memref_slice %arg26[%dma_start3A_380, %dma_start3A_385] : memref<2x128xi32, #tpu.memory_space<vmem>> -> memref<1x128xi32, #tpu.memory_space<vmem>>
        %dma_start3A_387 = tpu.memref_squeeze %dma_start3A_386 : memref<1x128xi32, #tpu.memory_space<vmem>> -> memref<128xi32, #tpu.memory_space<vmem>>
        %dma_start3A_388 = tpu.memref_slice %arg2[%mul3A_377] : memref<327680xi32, #tpu.memory_space<hbm>> -> memref<128xi32, #tpu.memory_space<hbm>>
        tpu.enqueue_dma source(%dma_start3A_388 : memref<128xi32, #tpu.memory_space<hbm>>) target(%dma_start3A_387 : memref<128xi32, #tpu.memory_space<vmem>>) target_semaphore(%arg32 : memref<!tpu.dma_semaphore, #tpu.memory_space<semaphore_mem>>)
        %dma_start3A_389 = arith.constant 1 : i32
        %dma_start3A_390 = arith.constant 0 : i32
        %dma_start3A_391 = tpu.memref_slice %arg26[%dma_start3A_389, %dma_start3A_390] : memref<2x128xi32, #tpu.memory_space<vmem>> -> memref<1x128xi32, #tpu.memory_space<vmem>>
        %dma_start3A_392 = tpu.memref_squeeze %dma_start3A_391 : memref<1x128xi32, #tpu.memory_space<vmem>> -> memref<128xi32, #tpu.memory_space<vmem>>
        %dma_start3A_393 = tpu.memref_slice %arg2[%add3A_379] : memref<327680xi32, #tpu.memory_space<hbm>> -> memref<128xi32, #tpu.memory_space<hbm>>
        %dma_start3A_394 = arith.constant 0 : i32
        %dma_start3A_395 = tpu.memref_slice %arg26[%dma_start3A_389, %dma_start3A_394] : memref<2x128xi32, #tpu.memory_space<vmem>> -> memref<1x128xi32, #tpu.memory_space<vmem>>
        %dma_start3A_396 = tpu.memref_squeeze %dma_start3A_395 : memref<1x128xi32, #tpu.memory_space<vmem>> -> memref<128xi32, #tpu.memory_space<vmem>>
        %dma_start3A_397 = tpu.memref_slice %arg2[%add3A_379] : memref<327680xi32, #tpu.memory_space<hbm>> -> memref<128xi32, #tpu.memory_space<hbm>>
        tpu.enqueue_dma source(%dma_start3A_397 : memref<128xi32, #tpu.memory_space<hbm>>) target(%dma_start3A_396 : memref<128xi32, #tpu.memory_space<vmem>>) target_semaphore(%arg32 : memref<!tpu.dma_semaphore, #tpu.memory_space<semaphore_mem>>)
        %dma_start3A_398 = arith.constant 0 : i32
        %dma_start3A_399 = tpu.memref_slice %arg8[%add3A_375, %dma_start3A_398] : memref<10240x256xf32, #tpu.memory_space<hbm>> -> memref<8x256xf32, #tpu.memory_space<hbm>>
        %dma_start3A_400 = arith.constant 0 : i32
        %dma_start3A_401 = tpu.memref_slice %arg8[%add3A_375, %dma_start3A_400] : memref<10240x256xf32, #tpu.memory_space<hbm>> -> memref<8x256xf32, #tpu.memory_space<hbm>>
        tpu.enqueue_dma source(%dma_start3A_401 : memref<8x256xf32, #tpu.memory_space<hbm>>) target(%arg28 : memref<8x256xf32, #tpu.memory_space<vmem>>) target_semaphore(%arg32 : memref<!tpu.dma_semaphore, #tpu.memory_space<semaphore_mem>>)
        %dma_start3A_402 = arith.constant 0 : i32
        %dma_start3A_403 = tpu.memref_slice %arg3[%add3A_375, %dma_start3A_402] : memref<10240x16xf32, #tpu.memory_space<hbm>> -> memref<8x16xf32, #tpu.memory_space<hbm>>
        %dma_start3A_404 = arith.constant 0 : i32
        %dma_start3A_405 = tpu.memref_slice %arg3[%add3A_375, %dma_start3A_404] : memref<10240x16xf32, #tpu.memory_space<hbm>> -> memref<8x16xf32, #tpu.memory_space<hbm>>
        tpu.enqueue_dma source(%dma_start3A_405 : memref<8x16xf32, #tpu.memory_space<hbm>>) target(%arg29 : memref<8x16xf32, #tpu.memory_space<vmem>>) target_semaphore(%arg32 : memref<!tpu.dma_semaphore, #tpu.memory_space<semaphore_mem>>)
      } else {
      }
    }
    %sub3A_239 = arith.constant 2 : i32
    %sub3A_240 = arith.subi %select_n3A, %sub3A_239 : i32
    %mul3A_241 = arith.constant 8 : i32
    %mul3A_242 = arith.muli %sub3A_240, %mul3A_241 : i32
    %add3A_243 = arith.addi %select_n3A_119, %mul3A_242 : i32
    %dma_wait3A_244 = arith.constant 0 : i32
    %dma_wait3A_245 = tpu.memref_slice %arg11[%add3A_243, %dma_wait3A_244] : memref<10240x128xf32, #tpu.memory_space<hbm>> -> memref<8x128xf32, #tpu.memory_space<hbm>>
    %dma_wait3A_246 = arith.constant 0 : i32
    %dma_wait3A_247 = tpu.memref_slice %arg11[%add3A_243, %dma_wait3A_246] : memref<10240x128xf32, #tpu.memory_space<hbm>> -> memref<8x128xf32, #tpu.memory_space<hbm>>
    tpu.wait_dma2 semaphore(%arg25 : memref<!tpu.dma_semaphore, #tpu.memory_space<semaphore_mem>>) src(%arg22 : memref<8x128xf32, #tpu.memory_space<vmem>>) dst(%dma_wait3A_247 : memref<8x128xf32, #tpu.memory_space<hbm>>)
    %sub3A_248 = arith.constant 1 : i32
    %sub3A_249 = arith.subi %select_n3A, %sub3A_248 : i32
    %mul3A_250 = arith.constant 8 : i32
    %mul3A_251 = arith.muli %sub3A_249, %mul3A_250 : i32
    %add3A_252 = arith.addi %select_n3A_119, %mul3A_251 : i32
    %dma_wait3A_253 = arith.constant 0 : i32
    %dma_wait3A_254 = tpu.memref_slice %arg11[%add3A_252, %dma_wait3A_253] : memref<10240x128xf32, #tpu.memory_space<hbm>> -> memref<8x128xf32, #tpu.memory_space<hbm>>
    %dma_wait3A_255 = arith.constant 0 : i32
    %dma_wait3A_256 = tpu.memref_slice %arg11[%add3A_252, %dma_wait3A_255] : memref<10240x128xf32, #tpu.memory_space<hbm>> -> memref<8x128xf32, #tpu.memory_space<hbm>>
    tpu.wait_dma2 semaphore(%arg34 : memref<!tpu.dma_semaphore, #tpu.memory_space<semaphore_mem>>) src(%arg31 : memref<8x128xf32, #tpu.memory_space<vmem>>) dst(%dma_wait3A_256 : memref<8x128xf32, #tpu.memory_space<hbm>>)
    return
  }
}

module attributes {stable_mosaic.version = 14 : i64} {
  func.func @body(%arg0: i32, %arg1: memref<256x128xf32, #tpu.memory_space<vmem>>, %arg2: memref<128x128xf32, #tpu.memory_space<vmem>>, %arg3: memref<1x128xf32, #tpu.memory_space<vmem>>, %arg4: memref<128x256xf32, #tpu.memory_space<vmem>>, %arg5: memref<256x256xf32, #tpu.memory_space<vmem>>) attributes {dimension_semantics = [#tpu.dimension_semantics<arbitrary>], iteration_bounds = array<i64: 40>, scalar_prefetch = 0 : i64, scratch_operands = 0 : i64, tpu.core_type = #tpu.core_type<tc>, window_params = [{transform_indices = @transform_0, window_bounds = array<i64: 256, 128>}, {pipeline_mode = #tpu.pipeline_mode<synchronous>, transform_indices = @transform_1, window_bounds = array<i64: 128, 128>}, {pipeline_mode = #tpu.pipeline_mode<synchronous>, transform_indices = @transform_2, window_bounds = array<i64: 1, 128>}, {pipeline_mode = #tpu.pipeline_mode<synchronous>, transform_indices = @transform_3, window_bounds = array<i64: 128, 256>}, {transform_indices = @transform_4, window_bounds = array<i64: 256, 256>}]} {
    %get3A = arith.constant 0 : index
    %get3A_0 = arith.constant 0 : index
    %get3A_1 = vector.load %arg1[%get3A, %get3A_0] : memref<256x128xf32, #tpu.memory_space<vmem>>, vector<256x128xf32>
    %get3A_2 = arith.constant 0 : index
    %get3A_3 = arith.constant 0 : index
    %get3A_4 = vector.load %arg2[%get3A_2, %get3A_3] : memref<128x128xf32, #tpu.memory_space<vmem>>, vector<128x128xf32>
    %dot_general3A = arith.constant dense<0.000000e+00> : vector<256x128xf32>
    %dot_general3A_5 = tpu.matmul %get3A_1, %get3A_4, %dot_general3A {dimension_numbers = #tpu.dot_dimension_numbers<[1], [0], [0], [1], [0, 0, 1, 1], [], []>, transpose_lhs_hint = false} : vector<256x128xf32>, vector<128x128xf32>, vector<256x128xf32> -> vector<256x128xf32>
    %get3A_6 = arith.constant 0 : index
    %get3A_7 = arith.constant 0 : index
    %get3A_8 = vector.load %arg3[%get3A_6, %get3A_7] : memref<1x128xf32, #tpu.memory_space<vmem>>, vector<1x128xf32>
    %add3A = vector.broadcast %get3A_8 : vector<1x128xf32> to vector<256x128xf32>
    %add3A_9 = arith.addf %dot_general3A_5, %add3A : vector<256x128xf32>
    %ge3A = arith.constant 0.000000e+00 : f32
    %ge3A_10 = vector.broadcast %ge3A : f32 to vector<256x128xf32>
    %ge3A_11 = arith.cmpf oge, %add3A_9, %ge3A_10 : vector<256x128xf32>
    %mul3A = arith.constant 1.000000e-01 : f32
    %mul3A_12 = vector.broadcast %mul3A : f32 to vector<256x128xf32>
    %mul3A_13 = arith.mulf %mul3A_12, %add3A_9 : vector<256x128xf32>
    %select_n3A = arith.select %ge3A_11, %add3A_9, %mul3A_13 : vector<256x128xi1>, vector<256x128xf32>
    %get3A_14 = arith.constant 0 : index
    %get3A_15 = arith.constant 0 : index
    %get3A_16 = vector.load %arg4[%get3A_14, %get3A_15] : memref<128x256xf32, #tpu.memory_space<vmem>>, vector<128x256xf32>
    %dot_general3A_17 = arith.constant dense<0.000000e+00> : vector<256x256xf32>
    %dot_general3A_18 = tpu.matmul %select_n3A, %get3A_16, %dot_general3A_17 {dimension_numbers = #tpu.dot_dimension_numbers<[1], [0], [0], [1], [0, 0, 1, 1], [], []>, transpose_lhs_hint = false} : vector<256x128xf32>, vector<128x256xf32>, vector<256x256xf32> -> vector<256x256xf32>
    %logistic3A = arith.negf %dot_general3A_18 : vector<256x256xf32>
    %logistic3A_19 = math.exp %logistic3A : vector<256x256xf32>
    %logistic3A_20 = arith.constant 1.000000e+00 : f32
    %logistic3A_21 = vector.broadcast %logistic3A_20 : f32 to vector<256x256xf32>
    %logistic3A_22 = arith.addf %logistic3A_21, %logistic3A_19 : vector<256x256xf32>
    %logistic3A_23 = arith.divf %logistic3A_21, %logistic3A_22 : vector<256x256xf32>
    %swap3A = arith.constant 0 : index
    %swap3A_24 = arith.constant 0 : index
    %swap3A_25 = vector.load %arg5[%swap3A, %swap3A_24] : memref<256x256xf32, #tpu.memory_space<vmem>>, vector<256x256xf32>
    tpu.vector_store %arg5[%swap3A, %swap3A_24], %logistic3A_23 {strides = array<i32>} : memref<256x256xf32, #tpu.memory_space<vmem>>, vector<256x256xf32>,
    return
  }
  func.func @transform_0(%arg0: i32) -> (i32, i32) {
    %c0_i32 = arith.constant 0 : i32
    %c0_i32_0 = arith.constant 0 : i32
    return %arg0, %c0_i32 : i32, i32
  }
  func.func @transform_1(%arg0: i32) -> (i32, i32) {
    %c0_i32 = arith.constant 0 : i32
    %c0_i32_0 = arith.constant 0 : i32
    %c0_i32_1 = arith.constant 0 : i32
    return %c0_i32, %c0_i32_0 : i32, i32
  }
  func.func @transform_2(%arg0: i32) -> (i32, i32) {
    %c0_i32 = arith.constant 0 : i32
    %c0_i32_0 = arith.constant 0 : i32
    %c0_i32_1 = arith.constant 0 : i32
    return %c0_i32, %c0_i32_0 : i32, i32
  }
  func.func @transform_3(%arg0: i32) -> (i32, i32) {
    %c0_i32 = arith.constant 0 : i32
    %c0_i32_0 = arith.constant 0 : i32
    %c0_i32_1 = arith.constant 0 : i32
    return %c0_i32, %c0_i32_0 : i32, i32
  }
  func.func @transform_4(%arg0: i32) -> (i32, i32) {
    %c0_i32 = arith.constant 0 : i32
    %c0_i32_0 = arith.constant 0 : i32
    return %arg0, %c0_i32 : i32, i32
  }
}

</mosaic_0001>

<sc_bundles>
// kernel: kernel.4.cloned.1.call-start
scs
__scs_entry_jumppad:
0x0: {  	(pc) =	sbr.rel $0x88, $3  }
0x1: {  	(tag) =	ssettag $0x0;
	lr =	simm.s32 $0x1  }
0x2: {  	[smem:$0x3F98] =	sst lr;
	_ =	strace $0xD0000000  }
0x3: {  	_ = 	snop  }
0x4: {  	_ = 	snop  }
0x5: {  	_ = 	snop  }
0x6: {  	_ = 	snop  }
0x7: {  	_ = 	snop  }
__scs_overlays_trampoline_lowered:
0x8: {  	[smem:$0x3FA7] =	sst s0  }
0x9: {  	[smem:$0x3FA8] =	sst s1  }
0xa: {  	[smem:$0x3FA9] =	sst s2  }
0xb: {  	[smem:$0x3FAA] =	sst s3  }
0xc: {  	[smem:$0x3FAB] =	sst s4  }
0xd: {  	[smem:$0x3FAC] =	sst s5  }
0xe: {  	[smem:$0x3FAD] =	sst s6  }
0xf: {  	[smem:$0x3FAE] =	sst s7  }
0x10: {  	[smem:$0x3FAF] =	sst s8  }
0x11: {  	[smem:$0x3FB0] =	sst s9;
	s0 =	simm.s32 @!p0 $0x0  }
0x12: {  	s1 =	sld [smem:$0x3F96];
	s0 =	simm.s32 @p0 $0x1  }
0x13: {  	[smem:$0x3FB1] =	sst s0;
	s0 =	simm.s32 @!p1 $0x0  }
0x14: {  	s2 =	sld [smem:$0x3F95];
	s0 =	simm.s32 @p1 $0x1  }
0x15: {  	[smem:$0x3FB2] =	sst s0;
	s0 =	simm.s32 @!p2 $0x0  }
0x16: {  	s3 =	sld [smem:$0x3FDB];
	s0 =	simm.s32 @p2 $0x1  }
0x17: {  	s4 =	simm.s32 $0x1BF5;
	[smem:$0x3FB4] =	sst s0  }
0x18: {  	s0 =	sld [smem:$0x3F97];
	_ =	swait.ge [sflag:s4], $0x0  }
0x19: {  	s7 =	sld [smem:$0x3F98]  }
0x1a: {  	s8 =	sadd.s32 $0xFFFFE003, lr  }
0x1b: {  	s9 =	sadd.s32 $0xFFFFFEF7, lr;
	s5 =	simm.s32 $0xFFFFFFFF;
	p2 =	slt.u32 s8, $0xFFFFF086  }
0x1c: {  	p1 =	slt.u32 s9, $0xF7A;
	s5 =	simm.s32 @!p2 $0x0  }
0x1d: {  	s5 =	simm.s32 @p1 $0x1;
	p0 =	seq.s32 s7, s2  }
0x1e: {  	s7 =	smul.u32 @!p0 $0xF7A, s2;
	p2 =	seq.s32 @!p0 s5, $0x0  }
0x1f: {  	s9 =	smul.u32 $0xF7A, s1;
	s8 =	simm.s32 @!p0 $0x1BF5;
	p2 =	por !p2, p0  }
0x20: {  	[sflag:s8] =	ssyncset.s32 @!p0 $0xFFFFF086;
	s6 =	sadd.s32 @!p0 s3, s7;
	s7 =	simm.s32 @!p0 $0x108  }
0x21: {  	s3 =	sadd.s32 s3, s9;
	s6 =	sadd.s32 @!p0 $0x88, s6;
	s7 =	simm.s32 @p2 $0x1082  }
0x22: {  	[simem:s7], [sflag:s8] =	dma.local @!p0 [hbm:s6], $0xF7A  }
0x23: {  	s9 =	sor.u32 $0xD0000000, s2;
	s6 =	simm.s32 $0x108;
	_ =	swait.ge @!p0 [sflag:s8], $0x0  }
0x24: {  	s3 =	sadd.s32 $0x88, s3;
	s6 =	simm.s32 @!p1 $0x1082;
	[sflag:s4] =	ssyncset.s32 $0xFFFFF086  }
0x25: {  	[simem:s6], [sflag:s4] =	dma.local [hbm:s3], $0xF7A  }
0x26: {  	[smem:$0x3F98] =	sst s1;
	(tag) =	ssettag s2;
	_ =	strace s9  }
0x27: {  	s1 =	sld [smem:$0x3FA8]  }
0x28: {  	s2 =	sld [smem:$0x3FA9]  }
0x29: {  	s4 =	sld [smem:$0x3FAB]  }
0x2a: {  	p0 =	seq.s32 s5, $0x0;
	s5 =	sld [smem:$0x3FAC]  }
0x2b: {  	s6 =	sld [smem:$0x3FAD]  }
0x2c: {  	s7 =	sld [smem:$0x3FAE]  }
0x2d: {  	s3 =	simm.s32 $0x108;
	s8 =	sld [smem:$0x3FAF]  }
0x2e: {  	s3 =	simm.s32 @!p0 $0x1082;
	s9 =	sld [smem:$0x3FB0]  }
0x2f: {  	lr =	sadd.s32 s0, s3;
	s0 =	sld [smem:$0x3FA7]  }
0x30: {  	s3 =	sld [smem:$0x3FAA]  }
0x31: {  	[smem:$0x3FB3] =	sst s10  }
0x32: {  	s10 =	sld [smem:$0x3FB1];
	_ =	sdelay $0x3  }
0x33: {  	p0 =	seq.s32 s10, $0x1;
	s10 =	sld [smem:$0x3FB3];
	_ =	sdelay $0x3  }
0x34: {  	[smem:$0x3FB3] =	sst s10  }
0x35: {  	s10 =	sld [smem:$0x3FB2];
	_ =	sdelay $0x3  }
0x36: {  	p1 =	seq.s32 s10, $0x1;
	s10 =	sld [smem:$0x3FB3];
	_ =	sdelay $0x3  }
0x37: {  	[smem:$0x3FB3] =	sst s10  }
0x38: {  	s10 =	sld [smem:$0x3FB4]  }
0x39: {  	_ = 	snop;
	(pc) =	sbr.ind lr, $3  }
0x3a: {  	_ = 	snop  }
0x3b: {  	_ = 	snop  }
0x3c: {  	p2 =	seq.s32 s10, $0x1;
	s10 =	sld [smem:$0x3FB3]  }
0x3d: {  	_ =	shalt  }
0x3e: {  	_ =	shalt  }
0x3f: {  	_ =	shalt  }
0x40: {  	_ =	shalt  }
0x41: {  	_ =	shalt  }
0x42: {  	_ =	shalt  }
0x43: {  	_ =	shalt  }
0x44: {  	_ =	shalt  }
0x45: {  	_ =	shalt  }
0x46: {  	_ =	shalt  }
0x47: {  	_ =	shalt  }
0x48: {  	_ =	shalt  }
0x49: {  	_ =	shalt  }
0x4a: {  	_ =	shalt  }
0x4b: {  	_ =	shalt  }
0x4c: {  	_ =	shalt  }
0x4d: {  	_ =	shalt  }
0x4e: {  	_ =	shalt  }
0x4f: {  	_ =	shalt  }
0x50: {  	_ =	shalt  }
0x51: {  	_ =	shalt  }
0x52: {  	_ =	shalt  }
0x53: {  	_ =	shalt  }
0x54: {  	_ =	shalt  }
0x55: {  	_ =	shalt  }
0x56: {  	_ =	shalt  }
0x57: {  	_ =	shalt  }
0x58: {  	_ =	shalt  }
0x59: {  	_ =	shalt  }
0x5a: {  	_ =	shalt  }
0x5b: {  	_ =	shalt  }
0x5c: {  	_ =	shalt  }
0x5d: {  	_ =	shalt  }
0x5e: {  	_ =	shalt  }
0x5f: {  	_ =	shalt  }
0x60: {  	_ =	shalt  }
0x61: {  	_ =	shalt  }
0x62: {  	_ =	shalt  }
0x63: {  	_ =	shalt  }
0x64: {  	_ =	shalt  }
0x65: {  	_ =	shalt  }
0x66: {  	_ =	shalt  }
0x67: {  	_ =	shalt  }
0x68: {  	_ =	shalt  }
0x69: {  	_ =	shalt  }
0x6a: {  	_ =	shalt  }
0x6b: {  	_ =	shalt  }
0x6c: {  	_ =	shalt  }
0x6d: {  	_ =	shalt  }
0x6e: {  	_ =	shalt  }
0x6f: {  	_ =	shalt  }
0x70: {  	_ =	shalt  }
0x71: {  	_ =	shalt  }
0x72: {  	_ =	shalt  }
0x73: {  	_ =	shalt  }
0x74: {  	_ =	shalt  }
0x75: {  	_ =	shalt  }
0x76: {  	_ =	shalt  }
0x77: {  	_ =	shalt  }
0x78: {  	_ =	shalt  }
0x79: {  	_ =	shalt  }
0x7a: {  	_ =	shalt  }
0x7b: {  	_ =	shalt  }
0x7c: {  	_ =	shalt  }
0x7d: {  	_ =	shalt  }
0x7e: {  	_ =	shalt  }
0x7f: {  	_ =	shalt  }
0x80: {  	_ =	shalt  }
0x81: {  	_ =	shalt  }
0x82: {  	_ =	shalt  }
0x83: {  	_ =	shalt  }
0x84: {  	_ =	shalt  }
0x85: {  	_ =	shalt  }
0x86: {  	_ =	shalt  }
0x87: {  	_ =	shalt  }
.Lfunc_end0:
.L_simem_size_0:
called_computation_lowered:
.L_overlay_start_0:
0x88: {  	s2 =	sld [smem:$0x3FD9]  }
0x89: {  	s3 =	sld [smem:$0x3FFE];
	_ =	sdelay $0x1  }
0x8a: {  	s1 =	srdreg.scid  }
0x8b: {  	s0 =	sand.u32 $0x1, s1  }
0x8c: {  	s17 =	sshll.u32 s0, $0xA;
	s2 =	sadd.s32 s3, s2  }
0x8d: {  	s2 =	sadd.s32 s2, s17  }
0x8e: {  	[smem:$0x3FBF] =	sst s2  }
0x8f: {  	_ = 	snop  }
0x90: {  	s2 =	sld [smem:$0x3FC7]  }
0x91: {  	s18 =	sld [smem:$0x3FC5]  }
0x92: {  	s4 =	sld [smem:$0x3FD0];
	(tm) =	ssettm $0x1  }
0x93: {  	s5 =	sld [smem:$0x3FFB];
	_ =	sdelay $0x3  }
0x94: {  	_ =	strace s5  }
0x95: {  	s5 =	sld [smem:$0x3FFC];
	_ =	sdelay $0x3  }
0x96: {  	_ =	strace s5  }
0x97: {  	s5 =	sld [smem:$0x3FFD];
	_ =	sdelay $0x3  }
0x98: {  	_ =	strace s5  }
0x99: {  	_ =	strace $0x8FFFFFFF  }
0x9a: {  	s19 =	sld [smem:$0x3FDB];
	_ =	sdelay $0x1  }
0x9b: {  	s6 =	simm.s32 $_scs_section_size  }
0x9c: {  	s7 =	simm.s32 $_size__tile_overlayer_lowered;
	s8 =	simm.s32 $_tile_overlayer_lowered  }
0x9d: {  	s22 =	simm.s32 $0x1BFF;
	s21 =	sshll.u32 s8, $0x1;
	s5 =	sadd.s32 s6, s19  }
0x9e: {  	s9 =	simm.s32 $0x0;
	s20 =	sshll.u32 s7, $0x1;
	s7 =	sadd.s32 s21, s5  }
0x9f: {  	[timem:s9], [sflag:s22] =	dma.local [hbm:s7], s20  }
0xa0: {  	_ =	swait.ge [sflag:s22], s20  }
0xa1: {  	s6 =	ssub.s32 $0x0, s20;
	[sflag:s22] =	ssyncset.done $0x0  }
0xa2: {  	[sflag:s22] =	ssyncadd.s32 s6;
	_ =	sdelay $0x1  }
0xa3: {  	s23 =	simm.s32 $0x1B8B  }
0xa4: {  	_ =	swait.ge [sflag:s23], $0x1  }
0xa5: {  	[sflag:s23] =	ssyncset.done $0x0  }
0xa6: {  	s25 =	simm.s32 $0x1B8E;
	s24 =	sld [smem:$0x3FFE];
	[sflag:s23] =	ssyncadd.s32 $0xFFFFFFFF  }
0xa7: {  	s26 =	simm.s32 $execute0_lowered;
	[smem:$0x3FD2] =	sst s25  }
0xa8: {  	s7 =	sshll.u32 s26, $0x1;
	_ =	strace $0x80000046;
	[dreg:$0x1] =	wrdreg $0xFFFFFFFF  }
0xa9: {  	s28 =	simm.s32 $_size_execute0_lowered;
	s5 =	sadd.s32 s5, s7;
	[dreg:$0x0] =	wrdreg $0x0  }
0xaa: {  	s7 =	sshll.u32 s28, $0x1;
	[dreg:$0x2] =	wrdreg s5  }
0xab: {  	[dreg:$0x3] =	wrdreg s7  }
0xac: {  	[dreg:$0x4] =	wrdreg $0xC0  }
0xad: {  	_ =	task [dreg:s9], $0x5FFFF  }
0xae: {  	[dreg:$0x1] =	wrdreg $0xFFFFFFFF  }
0xaf: {  	[dreg:$0x0] =	wrdreg $0x60  }
0xb0: {  	[dreg:$0x2] =	wrdreg s4  }
0xb1: {  	[dreg:$0x3] =	wrdreg s24  }
0xb2: {  	[dreg:$0x4] =	wrdreg s2  }
0xb3: {  	[dreg:$0x5] =	wrdreg s18  }
0xb4: {  	[dreg:$0x6] =	wrdreg $0x9  }
0xb5: {  	_ =	task.clear_ibuf [dreg:s9], $0x7FFFF;
	_ =	strace $0x90000046  }
0xb6: {  	s29 =	simm.s32 $0x9;
	_ =	strace $0x80000048  }
0xb7: {  	_ =	swait.ge [sflag:s29], $0x1  }
0xb8: {  	[sflag:s29] =	ssyncadd.s32 $0xFFFFFFFF  }
0xb9: {  	_ =	strace $0x90000048  }
0xba: {  	_ =	sfence  }
0xbb: {  	s30 =	sld [smem:$0x0];
	_ =	sdelay $0x2  }
0xbc: {  	s31 =	sshll.u32 s1, $0xD;
	s1 =	sshrl.u32 s1, $0x2  }
0xbd: {  	s3 =	sand.u32 $0x4000, s31;
	s1 =	sadd.s32 s1, s30  }
0xbe: {  	s0 =	sor.u32 s3, s0;
	s1 =	sshll.u32 s1, $0x11  }
0xbf: {  	s0 =	sor.u32 s1, s0  }
0xc0: {  	s0 =	sadd.s32 $0x8F2B, s0  }
0xc1: {  	[sflag:s0] =	ssyncadd.remote.s32 $0x1  }
0xc2: {  	_ =	sfence.sel $0xFFFF  }
0xc3: {  	[dreg:$0x0] =	wrdreg $0xFFFFFFFF;
	(pc) =	sbr.abs _section_cstart, $3  }
0xc4: {  	[dreg:$0x1] =	wrdreg $0xFFFFFFFF  }
0xc5: {  	_ =	task.clear_ibuf [dreg:s9], $0x2FFFF;
	_ =	strace $0x9FFFFFFF  }
0xc6: {  	(tm) =	ssettm $0x7FFFFFFF  }
0xc7: {  	_ =	shalt  }
tec
execute0_lowered:
.L_overlay_start_1:
0x0: {  	(tag) =	ssettag $0x1  }
0x1: {  	s1 =	rddreg [dreg:$0x0]  }
0x2: {  	s0 =	rddreg [dreg:$0x1]  }
0x3: {  	s2 =	rddreg [dreg:$0x2]  }
0x4: {  	s4 =	simm.s32 $0x0;
	s17 =	srdreg.scid;
	s6 =	stileid.u32  }
0x5: {  	s29 =	simm.s32 $0x7;
	s30 =	simm.s32 $0x2780;
	s31 =	simm.s32 $0x4F00  }
0x6: {  	s8 =	simm.s32 $0x10D80;
	s11 =	simm.s32 $0x1A000;
	[smem:$0x7FF] =	sst s4  }
0x7: {  	s5 =	sadd.s32 $0x1400, s0;
	s3 =	sadd.s32 $0xE00, s0;
	s14 =	sadd.s32 $0x800, s0  }
0x8: {  	s15 =	sadd.s32 $0x200, s0;
	_ =	strace $0x80000047;
	[dreg:$0x5] =	wrdreg s3  }
0x9: {  	s10 =	sadd.s32 $0x29600, s0;
	s16 =	sadd.s32 $0x29400, s0;
	[dreg:$0x6] =	wrdreg s14  }
0xa: {  	s12 =	sadd.s32 $0x79600, s0;
	s0 =	sand.u32 $0x1, s17;
	[dreg:$0x7] =	wrdreg s15  }
0xb: {  	s17 =	sadd.s32 $0x10, s1;
	[dreg:$0x8] =	wrdreg s16;
	s3 =	smul.u32 $0x270, s6  }
0xc: {  	s6 =	sshll.u32 s6, $0x4;
	s7 =	ssub.s32 $0x2, s0;
	p0 =	seq.s32 s0, $0x0  }
0xd: {  	s14 =	simm.s32 $0x4E;
	s13 =	sor.u32 $0x2700, s6;
	s18 =	sshrl.u32 s7, $0x1  }
0xe: {  	s14 =	simm.s32 @!p0 $0x2;
	s13 =	smov.u32 @p0 s3;
	s0 =	ssub.s32 s7, s18  }
0xf: {  	s6 =	simm.s32 $0x0;
	s3 =	sshll.u32 s13, $0x2;
	s0 =	smax.u32 s0, $0x1  }
0x10: {  	s20 =	sshll.u32 s13, $0x5;
	s19 =	sadd.s32 s1, s3;
	[dreg:$0x11] =	wrdreg s0  }
0x11: {  	s21 =	sor.u32 $0x8, s13;
	s3 =	sadd.s32 s3, s17;
	[dreg:$0x9] =	wrdreg s19  }
0x12: {  	s23 =	sshll.u32 s21, $0x2;
	[dreg:$0xa] =	wrdreg s3;
	s3 =	sadd.s32 s10, s20  }
0x13: {  	s15 =	sshrl.u32 s14, $0x1;
	s24 =	sadd.s32 s1, s23;
	[dreg:$0xb] =	wrdreg s3  }
0x14: {  	s22 =	sshll.u32 s13, $0x4;
	s7 =	sadd.s32 s23, s17;
	[dreg:$0xd] =	wrdreg s24  }
0x15: {  	s25 =	sshll.u32 s21, $0x5;
	s3 =	sadd.s32 s5, s22;
	[dreg:$0xe] =	wrdreg s7  }
0x16: {  	s26 =	sshll.u32 s21, $0x4;
	[dreg:$0xc] =	wrdreg s3;
	s3 =	sadd.s32 s10, s25  }
0x17: {  	s28 =	sshrl.u32 s13, $0x3;
	[dreg:$0xf] =	wrdreg s3;
	s3 =	sadd.s32 s5, s26  }
0x18: {  	v4 =	vimm.s32 $0x0;
	s7 =	simm.s32 $0x2;
	s26 =	sshll.u32 s13, $0x7;
	[dreg:$0x10] =	wrdreg s3  }
.LBB2_1:
0x19: {  	[dreg:$0x12] =	wrdreg s6  }
0x1a: {  	s0 =	rddreg [dreg:$0x5]  }
0x1b: {  	[tilespmem:s4], [sflag:$0x7] =	stream.linear.gather [hbm4b:s0+s4], $0x2780, $0x38;
	[tilespmem:$0x1A400] =	vst v63  }
0x1c: {  	_ =	swait.ge [sflag:s29], $0x2780  }
0x1d: {  	[sflag:s29] =	ssyncset.done $0x0  }
0x1e: {  	s3 =	rddreg [dreg:$0x6];
	[sflag:s29] =	ssyncadd.s32 $0xFFFFD880  }
0x1f: {  	[tilespmem:s30], [sflag:$0x7] =	stream.linear.gather [hbm4b:s3+s4], $0x2780, $0x38;
	[tilespmem:$0x1A400] =	vst v63  }
0x20: {  	_ =	swait.ge [sflag:s29], $0x2780  }
0x21: {  	[sflag:s29] =	ssyncset.done $0x0  }
0x22: {  	s6 =	rddreg [dreg:$0x7];
	[sflag:s29] =	ssyncadd.s32 $0xFFFFD880  }
0x23: {  	[tilespmem:s31], [sflag:$0x7] =	stream.linear.gather [hbm4b:s6+s4], $0x2780, $0x38;
	[tilespmem:$0x1A400] =	vst v63  }
0x24: {  	_ =	swait.ge [sflag:s29], $0x2780  }
0x25: {  	[sflag:s29] =	ssyncset.done $0x0  }
0x26: {  	[sflag:s29] =	ssyncadd.s32 $0xFFFFD880  }
0x27: {  	s3 =	simm.s32 $0x7680;
	s9 =	rddreg [dreg:$0x3]  }
0x28: {  	[tilespmem:s3], [sflag:$0x7] =	stream.linear.gather [hbm4b:s9+s4], $0x780, $0x38;
	[tilespmem:$0x1A400] =	vst v63  }
0x29: {  	_ =	swait.ge [sflag:s29], $0x780  }
0x2a: {  	[sflag:s29] =	ssyncset.done $0x0  }
0x2b: {  	s18 =	simm.s32 $0x7E80;
	s16 =	rddreg [dreg:$0x8];
	[sflag:s29] =	ssyncadd.s32 $0xFFFFF880  }
0x2c: {  	[tilespmem:s18], [sflag:$0x7] =	stream.linear.gather [hbm4b:s16+s4], $0x80, $0x38;
	[tilespmem:$0x1A400] =	vst v63  }
0x2d: {  	_ =	swait.ge [sflag:s29], $0x80  }
0x2e: {  	[sflag:s29] =	ssyncset.done $0x0  }
0x2f: {  	[sflag:s29] =	ssyncadd.s32 $0xFFFFFF80  }
0x30: {  	v0 =	vld [tilespmem:$0x7E80]  }
0x31: {  	s3 =	simm.s32 $0x7F00;
	s19 =	rddreg [dreg:$0x9];
	v1 =	vld [tilespmem:$0x7E90]  }
0x32: {  	v2 =	vld [tilespmem:$0x7EA0];
	[tilespmem:s3], [sflag:$0x1] =	stream.linear.gather [hbm4b:s19+s4], $0x80, $0x38  }
0x33: {  	s6 =	simm.s32 $0x7F80;
	s20 =	rddreg [dreg:$0xa]  }
0x34: {  	[tilespmem:s6], [sflag:$0x1] =	stream.linear.gather [hbm4b:s20+s4], $0x80, $0x38;
	[tilespmem:$0x1A400] =	vst v63  }
0x35: {  	s9 =	simm.s32 $0x10000;
	s21 =	rddreg [dreg:$0xb]  }
0x36: {  	[tilespmem:s9], [sflag:$0x1] =	stream.linear.gather [hbm4b:s21+s4], $0x800, $0x38;
	[tilespmem:$0x1A400] =	vst v63  }
0x37: {  	s23 =	simm.s32 $0x10800;
	s22 =	rddreg [dreg:$0xc]  }
0x38: {  	[tilespmem:s23], [sflag:$0x1] =	stream.linear.gather [hbm4b:s22+s4], $0x400, $0x38;
	[tilespmem:$0x1A400] =	vst v63  }
0x39: {  	s25 =	simm.s32 $0x11180;
	s24 =	rddreg [dreg:$0xd]  }
0x3a: {  	[tilespmem:s25], [sflag:$0x4] =	stream.linear.gather [hbm4b:s24+s4], $0x80, $0x38;
	[tilespmem:$0x1A400] =	vst v63  }
0x3b: {  	s16 =	simm.s32 $0x11200;
	s9 =	rddreg [dreg:$0xe]  }
0x3c: {  	[tilespmem:s16], [sflag:$0x4] =	stream.linear.gather [hbm4b:s9+s4], $0x80, $0x38;
	[tilespmem:$0x1A400] =	vst v63  }
0x3d: {  	s18 =	rddreg [dreg:$0xf];
	s19 =	simm.s32 $0x19280  }
0x3e: {  	[tilespmem:s19], [sflag:$0x4] =	stream.linear.gather [hbm4b:s18+s4], $0x800, $0x38;
	[tilespmem:$0x1A400] =	vst v63  }
0x3f: {  	s20 =	rddreg [dreg:$0x10];
	s21 =	simm.s32 $0x19A80;
	s22 =	simm.s32 $0x1  }
0x40: {  	[tilespmem:s21], [sflag:$0x4] =	stream.linear.gather [hbm4b:s20+s4], $0x400, $0x38;
	[tilespmem:$0x1A400] =	vst v63  }
0x41: {  	_ =	swait.ge [sflag:s22], $0x80  }
0x42: {  	[sflag:s22] =	ssyncset.done $0x0  }
0x43: {  	[sflag:s22] =	ssyncadd.s32 $0xFFFFFF80  }
0x44: {  	_ =	swait.ge [sflag:s22], $0x80  }
0x45: {  	[sflag:s22] =	ssyncset.done $0x0  }
0x46: {  	[sflag:s22] =	ssyncadd.s32 $0xFFFFFF80  }
0x47: {  	_ =	swait.ge [sflag:s22], $0x800  }
0x48: {  	[sflag:s22] =	ssyncset.done $0x0  }
0x49: {  	v17 =	vbroadcast v2, $0x9;
	[sflag:s22] =	ssyncadd.s32 $0xFFFFF800  }
0x4a: {  	v5 =	vbroadcast v0, $0xA;
	_ =	swait.ge [sflag:s22], $0x400  }
0x4b: {  	v18 =	vbroadcast v1, $0xA;
	[tilespmem:$0x1FD40] =	vst v17  }
0x4c: {  	v19 =	vbroadcast v2, $0xA;
	[tilespmem:$0x1FD50] =	vst v5  }
0x4d: {  	v20 =	vbroadcast v0, $0xB;
	[tilespmem:$0x1FD60] =	vst v18  }
0x4e: {  	v21 =	vbroadcast v1, $0xB;
	[tilespmem:$0x1FD70] =	vst v19  }
0x4f: {  	v22 =	vbroadcast v2, $0xB;
	[tilespmem:$0x1FD80] =	vst v20  }
0x50: {  	v27 =	vbroadcast v2, $0xC;
	[tilespmem:$0x1FD90] =	vst v21  }
0x51: {  	v29 =	vbroadcast v0, $0xD;
	[tilespmem:$0x1FDA0] =	vst v22  }
0x52: {  	v31 =	vbroadcast v1, $0xD;
	[tilespmem:$0x1FDB0] =	vst v27  }
0x53: {  	v33 =	vbroadcast v2, $0xD;
	[tilespmem:$0x1FDC0] =	vst v29  }
0x54: {  	v35 =	vbroadcast v0, $0xE;
	[tilespmem:$0x1FDD0] =	vst v31  }
0x55: {  	v37 =	vbroadcast v1, $0xE;
	[tilespmem:$0x1FDE0] =	vst v33  }
0x56: {  	v41 =	vbroadcast v0, $0x0;
	[tilespmem:$0x1FDF0] =	vst v35  }
0x57: {  	v43 =	vbroadcast v1, $0x0;
	[tilespmem:$0x1FE00] =	vst v37  }
0x58: {  	v45 =	vbroadcast v2, $0x0;
	[tilespmem:$0x1FE10] =	vst v41  }
0x59: {  	v11 =	vbroadcast v0, $0x1;
	[tilespmem:$0x1FE20] =	vst v43  }
0x5a: {  	v28 =	vbroadcast v1, $0x1;
	[tilespmem:$0x1FE30] =	vst v45  }
0x5b: {  	v9 =	vbroadcast v2, $0x1;
	[tilespmem:$0x1FE40] =	vst v11  }
0x5c: {  	v34 =	vbroadcast v0, $0x2;
	[tilespmem:$0x1FE50] =	vst v28  }
0x5d: {  	v38 =	vbroadcast v2, $0x2;
	[tilespmem:$0x1FE60] =	vst v9  }
0x5e: {  	v40 =	vbroadcast v0, $0x4;
	[tilespmem:$0x1FE70] =	vst v34  }
0x5f: {  	v12 =	vbroadcast v1, $0x3;
	[tilespmem:$0x1FE80] =	vst v38  }
0x60: {  	v13 =	vbroadcast v2, $0x5;
	[tilespmem:$0x1FE90] =	vst v40  }
0x61: {  	v44 =	vbroadcast v2, $0x4;
	[tilespmem:$0x1FEA0] =	vst v12  }
0x62: {  	v24 =	vbroadcast v1, $0x5;
	[tilespmem:$0x1FEB0] =	vst v13  }
0x63: {  	v6 =	vbroadcast v0, $0xC;
	[tilespmem:$0x1FEC0] =	vst v44  }
0x64: {  	v39 =	vbroadcast v0, $0x7;
	[tilespmem:$0x1FED0] =	vst v24  }
0x65: {  	v8 =	vbroadcast v2, $0xE;
	[tilespmem:$0x1FEE0] =	vst v6  }
0x66: {  	v25 =	vbroadcast v0, $0x6;
	[tilespmem:$0x1FEF0] =	vst v39  }
0x67: {  	v7 =	vbroadcast v1, $0xC;
	[tilespmem:$0x1FF00] =	vst v8  }
0x68: {  	v23 =	vbroadcast v2, $0x7;
	[tilespmem:$0x1FF10] =	vst v25  }
0x69: {  	v14 =	vbroadcast v2, $0x6;
	[tilespmem:$0x1FF20] =	vst v7  }
0x6a: {  	v59 =	vbroadcast v1, $0x8;
	[tilespmem:$0x1FF30] =	vst v23  }
0x6b: {  	v15 =	vbroadcast v1, $0x7;
	[tilespmem:$0x1FF40] =	vst v14  }
0x6c: {  	v26 =	vbroadcast v0, $0x9;
	[tilespmem:$0x1FF50] =	vst v59  }
0x6d: {  	v16 =	vbroadcast v0, $0x8;
	[tilespmem:$0x1FF60] =	vst v15  }
0x6e: {  	v32 =	vbroadcast v2, $0x8;
	[tilespmem:$0x1FF70] =	vst v26  }
0x6f: {  	v30 =	vbroadcast v1, $0x9;
	[tilespmem:$0x1FF80] =	vst v16  }
0x70: {  	v36 =	vbroadcast v1, $0x2;
	[tilespmem:$0x1FF90] =	vst v32  }
0x71: {  	v42 =	vbroadcast v0, $0x3;
	[tilespmem:$0x1FFA0] =	vst v30  }
0x72: {  	v56 =	vbroadcast v1, $0x4;
	[tilespmem:$0x1FFB0] =	vst v36  }
0x73: {  	v57 =	vbroadcast v0, $0x5;
	[tilespmem:$0x1FFC0] =	vst v42  }
0x74: {  	[sflag:s22] =	ssyncset.done $0x0;
	[tilespmem:$0x1FFD0] =	vst v56  }
0x75: {  	v55 =	vbroadcast v1, $0x6;
	s23 =	simm.s32 $0x80;
	s24 =	simm.s32 $0x8000;
	[tilespmem:$0x1FFE0] =	vst v57;
	[sflag:s22] =	ssyncadd.s32 $0xFFFFFC00  }
0x76: {  	[tilespmem:s24], [sflag:$0x2] =	stream.indirect.gather [hbm4b:s2+s23], $0x80, s3, s23, $0xb8;
	[tilespmem:$0x1A400] =	vst v63  }
0x77: {  	s25 =	simm.s32 $0xC000;
	s18 =	simm.s32 $0x0;
	[tilespmem:$0x1FFF0] =	vst v55  }
0x78: {  	v10 =	vbroadcast v2, $0x3;
	[tilespmem:s25], [sflag:$0x2] =	stream.indirect.gather [hbm4b:s2+s23], $0x80, s6, s23, $0xb8;
	[tilespmem:$0x1A400] =	vst v63  }
.LBB2_2:
0x79: {  	_ =	swait.ge [sflag:s7], $0x4000  }
0x7a: {  	[sflag:s7] =	ssyncset.done $0x0  }
0x7b: {  	[sflag:s7] =	ssyncadd.s32 $0xFFFFC000  }
0x7c: {  	s6 =	sshllo.u32 s18, $0x1;
	_ =	swait.ge [sflag:s7], $0x4000  }
0x7d: {  	p0 =	sge.u32 s6, s14;
	[sflag:s7] =	ssyncset.done $0x0  }
0x7e: {  	s0 =	simm.s32 @!p0 $0x4;
	[sflag:s7] =	ssyncadd.s32 $0xFFFFC000  }
0x7f: {  	_ =	swait.ge @!p0 [sflag:s0], $0x80  }
0x80: {  	[sflag:s0] =	ssyncset.done @!p0 $0x0  }
0x81: {  	[sflag:s0] =	ssyncadd.s32 @!p0 $0xFFFFFF80  }
0x82: {  	_ =	swait.ge @!p0 [sflag:s0], $0x80  }
0x83: {  	[sflag:s0] =	ssyncset.done @!p0 $0x0  }
0x84: {  	[sflag:s0] =	ssyncadd.s32 @!p0 $0xFFFFFF80  }
0x85: {  	_ =	swait.ge @!p0 [sflag:s0], $0x800  }
0x86: {  	[sflag:s0] =	ssyncset.done @!p0 $0x0  }
0x87: {  	[sflag:s0] =	ssyncadd.s32 @!p0 $0xFFFFF800  }
0x88: {  	_ =	swait.ge @!p0 [sflag:s0], $0x400  }
0x89: {  	s3 =	simm.s32 @!p0 $0x11180;
	[sflag:s0] =	ssyncset.done @!p0 $0x0  }
0x8a: {  	s19 =	simm.s32 @!p0 $0x11280;
	[sflag:s0] =	ssyncadd.s32 @!p0 $0xFFFFFC00;
	s0 =	simm.s32 @!p0 $0x80  }
0x8b: {  	[tilespmem:s19], [sflag:$0x5] =	stream.indirect.gather @!p0 [hbm4b:s2+s0], $0x80, s3, s0, $0xb8;
	[tilespmem:$0x1A400] =	vst v63  }
0x8c: {  	s3 =	simm.s32 @!p0 $0x11200;
	s19 =	simm.s32 @!p0 $0x15280  }
0x8d: {  	[tilespmem:s19], [sflag:$0x5] =	stream.indirect.gather @!p0 [hbm4b:s2+s0], $0x80, s3, s0, $0xb8;
	[tilespmem:$0x1A400] =	vst v63  }
0x8e: {  	p0 =	seq.s32 s18, $0x0  }
0x8f: {  	s0 =	simm.s32 @!p0 $0x3  }
0x90: {  	_ =	swait.ge @!p0 [sflag:s0], $0x400  }
0x91: {  	s20 =	simm.s32 $0x0;
	[sflag:s0] =	ssyncset.done @!p0 $0x0  }
0x92: {  	s24 =	sand.u32 $0xF0, s20;
	[sflag:s0] =	ssyncadd.s32 @!p0 $0xFFFFFC00  }
0x93: {  	v0 =	vld [tilespmem:s24+$0x7F00];
	_ =	sdelay $0x5  }
0x94: {  	s25 =	sand.u32 $0x380, s20  }
0x95: {  	v1 =	vld [tilespmem:s25+$0x10800]  }
0x96: {  	v2 =	vld.idx.msk [tilespmem:v0+s31+$0x0], $0xffff  }
0x97: {  	v3 =	vld.idx.msk [tilespmem:v0+s20+$0x0], $0xffff  }
0x98: {  	v0 =	vld.idx.msk [tilespmem:v0+s30+$0x0], $0xffff;
	_ =	sdelay $0x1  }
0x99: {  	v46 =	vbroadcast v1, $0x2  }
0x9a: {  	v47 =	vbroadcast v1, $0x0;
	v1 =	vbroadcast v1, $0x1  }
0x9b: {  	v46 =	vsub.f32 v2, v46  }
0x9c: {  	v47 =	vsub.f32 v3, v47;
	v48 =	vsub.f32 v0, v1  }
0x9d: {  	v0 =	vsub.f32 v46, v45  }
0x9e: {  	v1 =	vsub.f32 v47, v16;
	v2 =	vsub.f32 v48, v43  }
0x9f: {  	v3 =	vsub.f32 v46, v38;
	v49 =	vsub.f32 v47, v41  }
0xa0: {  	v50 =	vsub.f32 v48, v36;
	v51 =	vsub.f32 v48, v12  }
0xa1: {  	v52 =	vsub.f32 v47, v11;
	v53 =	vsub.f32 v47, v34  }
0xa2: {  	v54 =	vsub.f32 v47, v42;
	v42 =	vsub.f32 v48, v28  }
0xa3: {  	v55 =	vsub.f32 v48, v55;
	v58 =	vsub.f32 v46, v9  }
0xa4: {  	v60 =	vsub.f32 v46, v10;
	v61 =	vsub.f32 v47, v40;
	v2 =	vmul.f32 v2, v2  }
0xa5: {  	v62 =	vsub.f32 v48, v56;
	v49 =	vmul.f32 v49, v49;
	v50 =	vmul.f32 v50, v50  }
0xa6: {  	v63 =	vsub.f32 v48, v24;
	v51 =	vmul.f32 v51, v51;
	v53 =	vmul.f32 v53, v53  }
0xa7: {  	v36 =	vsub.f32 v46, v44;
	v52 =	vmul.f32 v52, v52;
	v54 =	vmul.f32 v54, v54  }
0xa8: {  	v0 =	vmul.f32 v0, v0;
	v3 =	vmul.f32 v3, v3;
	v2 =	vadd.f32 v2, v49  }
0xa9: {  	v50 =	vadd.f32 v50, v53;
	v49 =	vmul.f32 v42, v42;
	v51 =	vadd.f32 v51, v54  }
0xaa: {  	v53 =	vmul.f32 v58, v58;
	v42 =	vsub.f32 v47, v57;
	v57 =	vsub.f32 v47, v25  }
0xab: {  	v54 =	vmul.f32 v60, v60;
	v58 =	vsub.f32 v46, v14;
	v60 =	vsub.f32 v47, v39  }
0xac: {  	v55 =	vmul.f32 v55, v55;
	v49 =	vadd.f32 v49, v52;
	v0 =	vadd.f32 v2, v0  }
0xad: {  	v1 =	vmul.f32 v1, v1;
	v2 =	vsub.f32 v46, v13;
	v3 =	vadd.f32 v50, v3  }
0xae: {  	v52 =	vmul.f32 v61, v61;
	v51 =	vadd.f32 v51, v54;
	v50 =	vmul.f32 v63, v63  }
0xaf: {  	v54 =	vmul.f32 v36, v36;
	v61 =	vsub.f32 v48, v59;
	v63 =	vsub.f32 v46, v32  }
0xb0: {  	v49 =	vadd.f32 v49, v53;
	v53 =	vmul.f32 v62, v62;
	vm0 =	vlt.f32 v0, $1.000000020e+30  }
0xb1: {  	v36 =	vsub.f32 v48, v30;
	v2 =	vmul.f32 v2, v2;
	v0 =	vnsel vm0, $0x7149F2CA, v0  }
0xb2: {  	v62 =	vsub.f32 v46, v23;
	v52 =	vadd.f32 v53, v52;
	vm0 =	vlt.f32 v49, v0  }
0xb3: {  	v53 =	vmul.f32 v42, v42;
	v42 =	vsub.f32 v47, v26;
	v0 =	vsel vm0, v49, v0  }
0xb4: {  	v49 =	vmul.f32 v57, v57;
	v57 =	vmul.f32 v36, v36;
	v52 =	vadd.f32 v52, v54  }
0xb5: {  	v50 =	vadd.f32 v50, v53;
	vm1 =	vlt.f32 v3, v0;
	v54 =	vmul.f32 v58, v58  }
0xb6: {  	v53 =	vmul.f32 v60, v60;
	v58 =	vsub.f32 v48, v18;
	v60 =	vsub.f32 v47, v5  }
0xb7: {  	v0 =	vsel vm1, v3, v0;
	v3 =	vsub.f32 v48, v15;
	v49 =	vadd.f32 v55, v49  }
0xb8: {  	v55 =	vmul.f32 v62, v62;
	v62 =	vsub.f32 v47, v20;
	v2 =	vadd.f32 v50, v2  }
0xb9: {  	vm2 =	vlt.f32 v51, v0;
	v50 =	vmul.f32 v61, v61;
	v61 =	vsub.f32 v46, v17  }
0xba: {  	v3 =	vmul.f32 v3, v3;
	v0 =	vsel vm2, v51, v0;
	v49 =	vadd.f32 v49, v54  }
0xbb: {  	v51 =	vmul.f32 v63, v63;
	v54 =	vmul.f32 v58, v58;
	v63 =	vsub.f32 v46, v19  }
0xbc: {  	v58 =	vsub.f32 v47, v29;
	vm3 =	vlt.f32 v52, v0;
	v1 =	vadd.f32 v50, v1  }
0xbd: {  	v50 =	vmul.f32 v60, v60;
	v60 =	vsub.f32 v46, v27;
	v3 =	vadd.f32 v3, v53  }
0xbe: {  	v0 =	vsel vm3, v52, v0;
	v53 =	vmul.f32 v42, v42;
	v42 =	vsub.f32 v48, v21  }
0xbf: {  	v56 =	vmul.f32 v63, v63;
	vm4 =	vlt.f32 v2, v0;
	v1 =	vadd.f32 v1, v51  }
0xc0: {  	v50 =	vadd.f32 v54, v50;
	v51 =	vmul.f32 v62, v62;
	v62 =	vsub.f32 v46, v33  }
0xc1: {  	v3 =	vadd.f32 v3, v55;
	v52 =	vadd.f32 v57, v53;
	v0 =	vsel vm4, v2, v0  }
0xc2: {  	v2 =	vsub.f32 v48, v7;
	v53 =	vmul.f32 v61, v61;
	v57 =	vsub.f32 v47, v6  }
0xc3: {  	v61 =	vmul.f32 v60, v60;
	v47 =	vsub.f32 v47, v35;
	vm5 =	vlt.f32 v49, v0  }
0xc4: {  	v50 =	vadd.f32 v50, v56;
	v63 =	vmul.f32 v62, v62;
	v0 =	vsel vm5, v49, v0  }
0xc5: {  	v36 =	vadd.f32 v52, v53;
	v52 =	vmul.f32 v42, v42;
	vm6 =	vlt.f32 v3, v0  }
0xc6: {  	v2 =	vmul.f32 v2, v2;
	v53 =	vmul.f32 v57, v57;
	v0 =	vsel vm6, v3, v0  }
0xc7: {  	v47 =	vmul.f32 v47, v47;
	v3 =	vsub.f32 v46, v22;
	vm7 =	vlt.f32 v1, v0  }
0xc8: {  	v51 =	vadd.f32 v52, v51;
	v52 =	vmul.f32 v58, v58;
	v0 =	vsel vm7, v1, v0  }
0xc9: {  	v3 =	vmul.f32 v3, v3;
	v1 =	vsub.f32 v48, v31;
	vm8 =	vlt.f32 v36, v0  }
0xca: {  	v2 =	vadd.f32 v2, v53;
	v48 =	vsub.f32 v48, v37;
	v0 =	vsel vm8, v36, v0  }
0xcb: {  	v3 =	vadd.f32 v51, v3;
	v1 =	vmul.f32 v1, v1;
	vm9 =	vlt.f32 v50, v0  }
0xcc: {  	v46 =	vsub.f32 v46, v8;
	v2 =	vadd.f32 v2, v61;
	v0 =	vsel vm9, v50, v0  }
0xcd: {  	v48 =	vmul.f32 v48, v48;
	v1 =	vadd.f32 v1, v52;
	vm10 =	vlt.f32 v3, v0  }
0xce: {  	v46 =	vmul.f32 v46, v46;
	v0 =	vsel vm10, v3, v0  }
0xcf: {  	v1 =	vadd.f32 v1, v63;
	v3 =	vadd.f32 v48, v47;
	vm11 =	vlt.f32 v2, v0  }
0xd0: {  	v0 =	vsel vm11, v2, v0  }
0xd1: {  	v2 =	vadd.f32 v3, v46;
	vm12 =	vlt.f32 v1, v0  }
0xd2: {  	v0 =	vsel vm12, v1, v0  }
0xd3: {  	vm13 =	vlt.f32 v2, v0  }
0xd4: {  	v0 =	vsel vm13, v2, v0  }
0xd5: {  	v46 =	vmax.f32 v0, $9.999999680e-21  }
0xd6: {  	v1 =	vshra.s32 v46, $0x1;
	v0 =	vmul.f32 $5.000000000e-01, v46  }
0xd7: {  	v1 =	vsub.s32 $0x5F3759DF, v1  }
0xd8: {  	v2 =	vmul.f32 v1, v0;
	_ =	sdelay $0x1  }
0xd9: {  	v2 =	vmul.f32 v1, v2;
	_ =	sdelay $0x1  }
0xda: {  	v2 =	vsub.f32 $1.500000000e+00, v2;
	_ =	sdelay $0x1  }
0xdb: {  	v1 =	vmul.f32 v1, v2;
	_ =	sdelay $0x1  }
0xdc: {  	v2 =	vmul.f32 v1, v0  }
0xdd: {  	s22 =	simm.s32 $0x10;
	v18 =	vmov v59;
	v17 =	vmov v14;
	v19 =	vmov v15  }
0xde: {  	s23 =	simm.s32 $0x0;
	s21 =	simm.s32 $0x0;
	s19 =	sshll.u32 s18, $0x1;
	v27 =	vmovc v30;
	v30 =	vmovc v13;
	v21 =	vmov v16;
	v36 =	vmov v28;
	v2 =	vmul.f32 v2, v1  }
.LBB2_3:
0xdf: {  	_ = 	snop  }
0xe0: {  	v2 =	vsub.f32 $1.500000000e+00, v2;
	_ =	sdelay $0x1  }
0xe1: {  	v1 =	vmul.f32 v2, v1;
	_ =	sdelay $0x1  }
0xe2: {  	v0 =	vmul.f32 v1, v0;
	_ =	sdelay $0x1  }
0xe3: {  	v2 =	vsel vm0, $0x1, v4;
	v0 =	vmul.f32 v0, v1  }
0xe4: {  	v2 =	vsel vm1, $0x2, v2  }
0xe5: {  	v2 =	vsel vm2, $0x3, v2;
	v0 =	vsub.f32 $1.500000000e+00, v0  }
0xe6: {  	v2 =	vsel vm3, $0x4, v2  }
0xe7: {  	v2 =	vsel vm4, $0x5, v2;
	v0 =	vmul.f32 v0, v1  }
0xe8: {  	v1 =	vsel vm5, $0x6, v2  }
0xe9: {  	v1 =	vsel vm6, $0x7, v1;
	v0 =	vmul.f32 v0, v46  }
0xea: {  	v1 =	vsel vm7, $0x8, v1  }
0xeb: {  	v1 =	vsel vm8, $0x9, v1;
	v0 =	vmul.f32 $5.000000000e-01, v0  }
0xec: {  	v1 =	vsel vm9, $0xA, v1  }
0xed: {  	v1 =	vsel vm10, $0xB, v1;
	v0 =	vsub.f32 $1.000000000e+00, v0  }
0xee: {  	v1 =	vsel vm11, $0xC, v1  }
0xef: {  	v1 =	vsel vm12, $0xD, v1;
	v0 =	vmax.f32 v0, $0.0e+00  }
0xf0: {  	v1 =	vsel vm13, $0xE, v1;
	v0 =	vand.u32 $0xFFFFFFF0, v0  }
0xf1: {  	s0 =	smov.u32 s22;
	s3 =	sshra.s32 s21, $0x2;
	v0 =	vor.u32 v1, v0  }
0xf2: {  	s0 =	sand.u32 $0xF0, s0;
	[tilespmem:s3+$0x10C00] =	vst v0  }
0xf3: {  	v0 =	vld [tilespmem:s0+$0x7F00];
	_ =	sdelay $0x3  }
0xf4: {  	s23 =	sadd.s32 $0x40, s23  }
0xf5: {  	s25 =	sand.u32 $0x380, s23  }
0xf6: {  	v1 =	vld [tilespmem:s25+$0x10800];
	_ =	sdelay $0x1  }
0xf7: {  	v2 =	vld.idx.msk [tilespmem:v0+s31+$0x0], $0xffff  }
0xf8: {  	v3 =	vld.idx.msk [tilespmem:v0+s20+$0x0], $0xffff  }
0xf9: {  	v0 =	vld.idx.msk [tilespmem:v0+s30+$0x0], $0xffff  }
0xfa: {  	v61 =	vbroadcast v1, $0x0  }
0xfb: {  	v48 =	vbroadcast v1, $0x1;
	v1 =	vbroadcast v1, $0x2  }
0xfc: {  	v4 =	vld [tilespmem:$0x1FFF0]  }
0xfd: {  	v47 =	vsub.f32 v3, v61;
	v50 =	vsub.f32 v2, v1  }
0xfe: {  	v48 =	vsub.f32 v0, v48  }
0xff: {  	v0 =	vsub.f32 v50, v45;
	v1 =	vsub.f32 v47, v21  }
0x100: {  	v2 =	vsub.f32 v48, v43;
	v46 =	vsub.f32 v50, v8  }
0x101: {  	v3 =	vsub.f32 v50, v38;
	v52 =	vsub.f32 v48, v4  }
0x102: {  	v51 =	vsub.f32 v47, v41;
	v53 =	vsub.f32 v50, v10  }
0x103: {  	v49 =	vsub.f32 v47, v6;
	v55 =	vsub.f32 v47, v11  }
0x104: {  	v56 =	vsub.f32 v48, v12;
	v57 =	vsub.f32 v47, v34  }
0x105: {  	v58 =	vsub.f32 v48, v7;
	v59 =	vsub.f32 v47, v40  }
0x106: {  	v60 =	vsub.f32 v50, v30;
	v61 =	vsub.f32 v47, v25  }
0x107: {  	v62 =	vsub.f32 v48, v24;
	v63 =	vsub.f32 v50, v32  }
0x108: {  	v14 =	vld [tilespmem:$0x1FD60];
	v5 =	vsub.f32 v50, v9;
	v7 =	vsub.f32 v47, v39  }
0x109: {  	v22 =	vmovc v9;
	v28 =	vmov v10;
	v15 =	vld [tilespmem:$0x1FD50];
	v8 =	vsub.f32 v48, v19;
	v9 =	vsub.f32 v50, v44  }
0x10a: {  	v20 =	vmovc v11;
	v16 =	vld [tilespmem:$0x1FD90];
	v10 =	vsub.f32 v48, v18;
	v11 =	vsub.f32 v48, v36;
	v0 =	vmul.f32 v0, v0  }
0x10b: {  	v42 =	vmovc v12;
	v4 =	vld [tilespmem:$0x1FFB0];
	v12 =	vsub.f32 v50, v23;
	v2 =	vmul.f32 v2, v2;
	v3 =	vmul.f32 v3, v3  }
0x10c: {  	v13 =	vsub.f32 v47, v26;
	v53 =	vmul.f32 v53, v53;
	v51 =	vmul.f32 v51, v51  }
0x10d: {  	v6 =	vld [tilespmem:$0x1FFC0];
	v14 =	vsub.f32 v48, v14;
	v56 =	vmul.f32 v56, v56;
	v57 =	vmul.f32 v57, v57  }
0x10e: {  	v15 =	vsub.f32 v47, v15;
	v55 =	vmul.f32 v55, v55;
	v60 =	vmul.f32 v60, v60  }
0x10f: {  	v16 =	vsub.f32 v48, v16;
	v59 =	vmul.f32 v59, v59;
	v52 =	vmul.f32 v52, v52  }
0x110: {  	v8 =	vmul.f32 v8, v8;
	v11 =	vmul.f32 v11, v11;
	v54 =	vsub.f32 v48, v4;
	v4 =	vld [tilespmem:$0x1FFE0]  }
0x111: {  	v10 =	vmul.f32 v10, v10;
	v12 =	vmul.f32 v12, v12;
	v2 =	vadd.f32 v2, v51  }
0x112: {  	v5 =	vmul.f32 v5, v5;
	v11 =	vadd.f32 v11, v55;
	v6 =	vsub.f32 v47, v6  }
0x113: {  	v63 =	vmul.f32 v63, v63;
	v0 =	vadd.f32 v2, v0;
	v54 =	vmul.f32 v54, v54  }
0x114: {  	v9 =	vmul.f32 v9, v9;
	v5 =	vadd.f32 v11, v5;
	v6 =	vmul.f32 v6, v6  }
0x115: {  	vm0 =	vlt.f32 v0, $1.000000020e+30;
	v54 =	vadd.f32 v54, v57;
	v57 =	vsub.f32 v47, v4;
	v4 =	vld [tilespmem:$0x1FFD0]  }
0x116: {  	v14 =	vmul.f32 v14, v14;
	v15 =	vmul.f32 v15, v15;
	v0 =	vnsel vm0, $0x7149F2CA, v0  }
0x117: {  	v6 =	vadd.f32 v56, v6;
	vm0 =	vlt.f32 v5, v0;
	v3 =	vadd.f32 v54, v3  }
0x118: {  	v7 =	vmul.f32 v7, v7;
	v1 =	vmul.f32 v1, v1;
	v55 =	vld [tilespmem:$0x1FD80];
	v0 =	vsel vm0, v5, v0  }
0x119: {  	v51 =	vmul.f32 v58, v58;
	v6 =	vadd.f32 v6, v53;
	vm1 =	vlt.f32 v3, v0  }
0x11a: {  	v58 =	vmul.f32 v62, v62;
	v0 =	vsel vm1, v3, v0;
	v62 =	vsub.f32 v48, v4  }
0x11b: {  	v13 =	vmul.f32 v13, v13;
	v1 =	vadd.f32 v10, v1;
	v2 =	vld [tilespmem:$0x1FD40];
	vm2 =	vlt.f32 v6, v0  }
0x11c: {  	v0 =	vsel vm2, v6, v0;
	v6 =	vadd.f32 v8, v7;
	v8 =	vld [tilespmem:$0x1FDB0];
	v62 =	vmul.f32 v62, v62  }
0x11d: {  	v10 =	vmul.f32 v16, v16;
	v56 =	vsub.f32 v48, v27;
	v55 =	vsub.f32 v47, v55  }
0x11e: {  	v1 =	vadd.f32 v1, v63;
	v54 =	vmul.f32 v57, v57;
	v53 =	vadd.f32 v62, v59;
	v62 =	vld [tilespmem:$0x1FD70]  }
0x11f: {  	v56 =	vmul.f32 v56, v56;
	v11 =	vmul.f32 v55, v55;
	v4 =	vsub.f32 v50, v17  }
0x120: {  	v55 =	vmul.f32 v61, v61;
	v5 =	vadd.f32 v53, v9;
	v9 =	vadd.f32 v58, v54  }
0x121: {  	v2 =	vsub.f32 v50, v2;
	v4 =	vmul.f32 v4, v4;
	v8 =	vsub.f32 v50, v8  }
0x122: {  	v3 =	vadd.f32 v9, v60;
	v9 =	vadd.f32 v52, v55;
	vm3 =	vlt.f32 v5, v0  }
0x123: {  	v2 =	vmul.f32 v2, v2;
	v57 =	vsub.f32 v50, v62;
	v62 =	vld [tilespmem:$0x1FDA0];
	v0 =	vsel vm3, v5, v0  }
0x124: {  	v8 =	vmul.f32 v8, v8;
	v4 =	vadd.f32 v9, v4;
	vm4 =	vlt.f32 v3, v0  }
0x125: {  	v5 =	vadd.f32 v6, v12;
	v6 =	vadd.f32 v56, v13;
	v0 =	vsel vm4, v3, v0  }
0x126: {  	v13 =	vsub.f32 v47, v35;
	v9 =	vadd.f32 v14, v15;
	vm5 =	vlt.f32 v4, v0  }
0x127: {  	v14 =	vsub.f32 v48, v37;
	v61 =	vmul.f32 v57, v57;
	v0 =	vsel vm5, v4, v0  }
0x128: {  	v3 =	vsub.f32 v50, v33;
	v52 =	vsub.f32 v50, v62;
	vm6 =	vlt.f32 v5, v0  }
0x129: {  	v2 =	vadd.f32 v6, v2;
	v0 =	vsel vm6, v5, v0;
	v5 =	vadd.f32 v9, v61  }
0x12a: {  	v9 =	vadd.f32 v10, v11;
	v7 =	vmul.f32 v52, v52;
	vm7 =	vlt.f32 v1, v0  }
0x12b: {  	v6 =	vsub.f32 v48, v31;
	v4 =	vsub.f32 v47, v29;
	v0 =	vsel vm7, v1, v0  }
0x12c: {  	v1 =	vadd.f32 v9, v7;
	v7 =	vmul.f32 v49, v49;
	vm8 =	vlt.f32 v2, v0  }
0x12d: {  	v6 =	vmul.f32 v6, v6;
	v4 =	vmul.f32 v4, v4;
	v0 =	vsel vm8, v2, v0  }
0x12e: {  	v3 =	vmul.f32 v3, v3;
	v2 =	vadd.f32 v51, v7;
	vm9 =	vlt.f32 v5, v0  }
0x12f: {  	v4 =	vadd.f32 v6, v4;
	v6 =	vmul.f32 v13, v13;
	v0 =	vsel vm9, v5, v0  }
0x130: {  	v7 =	vmul.f32 v14, v14;
	v2 =	vadd.f32 v2, v8;
	vm10 =	vlt.f32 v1, v0  }
0x131: {  	v3 =	vadd.f32 v4, v3;
	v0 =	vsel vm10, v1, v0  }
0x132: {  	v4 =	vadd.f32 v7, v6;
	v1 =	vmul.f32 v46, v46;
	vm11 =	vlt.f32 v2, v0  }
0x133: {  	v0 =	vsel vm11, v2, v0  }
0x134: {  	v1 =	vadd.f32 v4, v1;
	vm12 =	vlt.f32 v3, v0  }
0x135: {  	v0 =	vsel vm12, v3, v0  }
0x136: {  	vm13 =	vlt.f32 v1, v0  }
0x137: {  	v0 =	vsel vm13, v1, v0  }
0x138: {  	v46 =	vmax.f32 v0, $9.999999680e-21  }
0x139: {  	v1 =	vshra.s32 v46, $0x1;
	v0 =	vmul.f32 $5.000000000e-01, v46  }
0x13a: {  	v1 =	vsub.s32 $0x5F3759DF, v1  }
0x13b: {  	v2 =	vmul.f32 v1, v0;
	_ =	sdelay $0x1  }
0x13c: {  	v2 =	vmul.f32 v1, v2;
	_ =	sdelay $0x1  }
0x13d: {  	v2 =	vsub.f32 $1.500000000e+00, v2  }
0x13e: {  	p1 =	sne.s32 s22, $0xF0  }
.Ltmp0:
0x13f: {  	v1 =	vmul.f32 v1, v2;
	(pc) =	sbr.rel @p1 .LBB2_3-.Ltmp0, $4  }
0x140: {  	_ = 	snop  }
0x141: {  	v8 =	vld [tilespmem:$0x1FF00];
	v2 =	vmul.f32 v1, v0  }
0x142: {  	v12 =	vmov v42;
	v7 =	vld [tilespmem:$0x1FF20]  }
0x143: {  	s22 =	sadd.s32 $0x10, s22;
	s21 =	smov.u32 s23;
	v11 =	vmovc v20;
	v10 =	vmovc v28;
	v9 =	vmov v22;
	v6 =	vld [tilespmem:$0x1FEE0];
	v4 =	vimm.s32 $0x0;
	v2 =	vmul.f32 v2, v1  }
0x144: {  	_ = 	snop  }
0x145: {  	v2 =	vsub.f32 $1.500000000e+00, v2;
	_ =	sdelay $0x1  }
0x146: {  	v1 =	vmul.f32 v2, v1;
	_ =	sdelay $0x1  }
0x147: {  	v0 =	vmul.f32 v1, v0;
	_ =	sdelay $0x1  }
0x148: {  	v62 =	vsel vm0, $0x1, v4;
	v0 =	vmul.f32 v0, v1  }
0x149: {  	v2 =	vsel vm1, $0x2, v62  }
0x14a: {  	v2 =	vsel vm2, $0x3, v2;
	v0 =	vsub.f32 $1.500000000e+00, v0  }
0x14b: {  	v2 =	vsel vm3, $0x4, v2  }
0x14c: {  	v2 =	vsel vm4, $0x5, v2;
	v0 =	vmul.f32 v0, v1  }
0x14d: {  	v63 =	vsel vm5, $0x6, v2  }
0x14e: {  	v1 =	vsel vm6, $0x7, v63;
	v0 =	vmul.f32 v0, v46  }
0x14f: {  	v1 =	vsel vm7, $0x8, v1  }
0x150: {  	v1 =	vsel vm8, $0x9, v1;
	v0 =	vmul.f32 $5.000000000e-01, v0  }
0x151: {  	v1 =	vsel vm9, $0xA, v1  }
0x152: {  	v1 =	vsel vm10, $0xB, v1;
	v0 =	vsub.f32 $1.000000000e+00, v0  }
0x153: {  	v45 =	vld [tilespmem:$0x1FFB0];
	v1 =	vsel vm11, $0xC, v1  }
0x154: {  	v26 =	vld [tilespmem:$0x1FFC0];
	v1 =	vsel vm12, $0xD, v1;
	v0 =	vmax.f32 v0, $0.0e+00  }
0x155: {  	v30 =	vld [tilespmem:$0x1FFD0];
	v1 =	vsel vm13, $0xE, v1;
	v0 =	vand.u32 $0xFFFFFFF0, v0  }
0x156: {  	s0 =	sshra.s32 s21, $0x2;
	v32 =	vld [tilespmem:$0x1FFE0];
	v0 =	vor.u32 v1, v0  }
0x157: {  	s21 =	simm.s32 $0x10C00;
	s25 =	simm.s32 $0x8040;
	v36 =	vld [tilespmem:$0x1FFF0];
	[tilespmem:s0+$0x10C00] =	vst v0  }
.LBB2_5:
0x158: {  	v55 =	vmov s21;
	_ =	sdelay $0x3  }
0x159: {  	s0 =	simm.s32 $0x0  }
0x15a: {  	v0 =	vld.idx.msk [tilespmem:v55+s0+$0x0 ss:$0x1], $0xffff;
	_ =	sdelay $0x4  }
0x15b: {  	(v2sf) =	vpush v0, $0x0;
	_ =	sdelay $0xe  }
0x15c: {  	s3 =	spop (v2sf)  }
0x15d: {  	s22 =	sand.u32 $0xF, s3  }
0x15e: {  	s0 =	sshll.u32 s22, $0x7;
	s22 =	simm.s32 $0x1  }
0x15f: {  	v50 =	vld.idx.msk [tilespmem:v55+s22+$0x0 ss:$0x1], $0xffff;
	_ =	sdelay $0x1  }
0x160: {  	s16 =	sshll.u32 s20, $0x9  }
0x161: {  	s23 =	sshrl.u32 s16, $0x2  }
0x162: {  	s24 =	sadd.s32 $0x10000, s23;
	s3 =	sshll.u32 s3, $0x4;
	s9 =	sand.u32 $0x400, s0  }
0x163: {  	s3 =	sand.u32 $0x70, s3;
	v2 =	vld [tilespmem:s0+$0x7680];
	s9 =	sadd.s32 s9, s24;
	(v2sf) =	vpush v50, $0x0  }
0x164: {  	v4 =	vld [tilespmem:s0+$0x7690];
	s3 =	sadd.s32 s3, s9  }
0x165: {  	v1 =	vld [tilespmem:s3+$0x0]  }
0x166: {  	v3 =	vld [tilespmem:s0+$0x76F0]  }
0x167: {  	v0 =	vand.u32 $0xFFFFFFF0, v0;
	v5 =	vld [tilespmem:s0+$0x76A0]  }
0x168: {  	v0 =	vbroadcast v0, $0x0;
	v57 =	vld [tilespmem:s0+$0x76B0]  }
0x169: {  	v59 =	vld [tilespmem:s0+$0x76C0]  }
0x16a: {  	v58 =	vmul.f32 v0, v1;
	v1 =	vld [tilespmem:s25+$0x30]  }
0x16b: {  	v52 =	vimm.f32 $0.0e+00;
	v54 =	vimm.f32 $0.0e+00;
	v53 =	vimm.f32 $0.0e+00;
	v63 =	vld [tilespmem:s0+$0x76D0]  }
0x16c: {  	v51 =	vimm.f32 $0.0e+00;
	v48 =	vimm.f32 $0.0e+00;
	v49 =	vimm.f32 $0.0e+00;
	v62 =	vld [tilespmem:s0+$0x76E0]  }
0x16d: {  	v47 =	vimm.f32 $0.0e+00;
	v0 =	vld [tilespmem:s25+$0xFFFFFFC0];
	v60 =	vmul.f32 v58, v2;
	v3 =	vmul.f32 v3, v58  }
0x16e: {  	v46 =	vimm.f32 $0.0e+00;
	s0 =	simm.s32 $0x2;
	s22 =	smov.u32 s25;
	s3 =	simm.s32 $0xC;
	v61 =	vmul.f32 v4, v58;
	v56 =	vmul.f32 v5, v58;
	v2 =	vld [tilespmem:s25+$0xFFFFFFD0]  }
.LBB2_6:
0x16f: {  	p1 =	sne.s32 s3, $0x7C;
	v4 =	vld.idx.msk [tilespmem:v55+s0+$0x0 ss:$0x1], $0xffff;
	v5 =	vmul.f32 v57, v58;
	v1 =	vmul.f32 v3, v1  }
0x170: {  	v6 =	vmul.f32 v59, v58;
	v3 =	vld [tilespmem:s22+$0xFFFFFFE0];
	v7 =	vmul.f32 v63, v58  }
0x171: {  	v8 =	vld [tilespmem:s22+$0xFFFFFFF0];
	v9 =	vmul.f32 v62, v58;
	v52 =	vadd.f32 v1, v52  }
0x172: {  	s0 =	spop (v2sf);
	v0 =	vmul.f32 v60, v0;
	v1 =	vld [tilespmem:s22+$0x0]  }
0x173: {  	s9 =	sand.u32 $0xF, s0;
	v2 =	vmul.f32 v61, v2;
	v10 =	vld [tilespmem:s22+$0x10]  }
0x174: {  	s9 =	sshll.u32 s9, $0x7;
	v54 =	vadd.f32 v0, v54;
	v0 =	vld [tilespmem:s22+$0x20]  }
0x175: {  	s0 =	sshll.u32 s0, $0x4;
	(v2sf) =	vpush v4, $0x0;
	s16 =	sand.u32 $0x400, s9;
	v11 =	vld [tilespmem:s9+$0x7680];
	v53 =	vadd.f32 v2, v53;
	v2 =	vmul.f32 v56, v3  }
0x176: {  	s0 =	sand.u32 $0x70, s0;
	s16 =	sadd.s32 s16, s24;
	v12 =	vld [tilespmem:s9+$0x7690];
	v3 =	vmul.f32 v5, v8  }
0x177: {  	s0 =	sadd.s32 s0, s16;
	v5 =	vld [tilespmem:s9+$0x76A0];
	v51 =	vadd.f32 v2, v51;
	v1 =	vmul.f32 v6, v1  }
0x178: {  	v2 =	vld [tilespmem:s0+$0x0];
	v48 =	vadd.f32 v3, v48;
	v3 =	vmul.f32 v7, v10  }
0x179: {  	v57 =	vld [tilespmem:s9+$0x76B0];
	v49 =	vadd.f32 v1, v49;
	v0 =	vmul.f32 v9, v0  }
0x17a: {  	v1 =	vand.u32 $0xFFFFFFF0, v50;
	v50 =	vmov v4;
	v6 =	vld [tilespmem:s9+$0x76F0];
	v47 =	vadd.f32 v3, v47  }
0x17b: {  	s22 =	sadd.s32 $0x80, s22;
	v3 =	vbroadcast v1, $0x0;
	v59 =	vld [tilespmem:s9+$0x76C0];
	v46 =	vadd.f32 v0, v46  }
.Ltmp1:
0x17c: {  	v1 =	vld [tilespmem:s22+$0x30];
	(pc) =	sbr.rel @p1 .LBB2_6-.Ltmp1, $4  }
0x17d: {  	v58 =	vmul.f32 v3, v2;
	v63 =	vld [tilespmem:s9+$0x76D0]  }
0x17e: {  	v62 =	vld [tilespmem:s9+$0x76E0]  }
0x17f: {  	v0 =	vld [tilespmem:s22+$0xFFFFFFC0];
	v60 =	vmul.f32 v58, v11;
	v3 =	vmul.f32 v6, v58  }
0x180: {  	s0 =	sshra.s32 s3, $0x2;
	s3 =	sadd.s32 $0x4, s3;
	v61 =	vmul.f32 v12, v58;
	v56 =	vmul.f32 v5, v58;
	v2 =	vld [tilespmem:s22+$0xFFFFFFD0]  }
0x181: {  	_ =	sdelay $0x3  }
0x182: {  	v4 =	vld.idx.msk [tilespmem:v55+s0+$0x0 ss:$0x1], $0xffff  }
0x183: {  	v5 =	vld [tilespmem:s22+$0xFFFFFFE0]  }
0x184: {  	v6 =	vld [tilespmem:s22+$0xFFFFFFF0]  }
0x185: {  	v7 =	vld [tilespmem:s22+$0x0];
	s9 =	spop (v2sf)  }
0x186: {  	v24 =	vld [tilespmem:s22+$0x10];
	s3 =	sand.u32 $0xF, s9  }
0x187: {  	v9 =	vld [tilespmem:s22+$0x20];
	s3 =	sshll.u32 s3, $0x7  }
0x188: {  	v10 =	vld [tilespmem:s3+$0x7680]  }
0x189: {  	(v2sf) =	vpush v4, $0x0;
	v11 =	vld [tilespmem:s3+$0x7690]  }
0x18a: {  	v12 =	vld [tilespmem:s3+$0x76A0]  }
0x18b: {  	v14 =	vld [tilespmem:s3+$0x76B0]  }
0x18c: {  	v15 =	vld [tilespmem:s3+$0x76F0]  }
0x18d: {  	s0 =	sshll.u32 s9, $0x4;
	s9 =	sand.u32 $0x400, s3;
	v16 =	vld [tilespmem:s3+$0x76C0]  }
0x18e: {  	s0 =	sand.u32 $0x70, s0;
	v8 =	vld [tilespmem:s3+$0x76D0];
	s9 =	sadd.s32 s9, s24  }
0x18f: {  	v21 =	vld [tilespmem:s3+$0x76E0];
	s0 =	sadd.s32 s0, s9  }
0x190: {  	v13 =	vld [tilespmem:s0+$0x0];
	s0 =	sadd.s32 $0x80, s22  }
0x191: {  	v44 =	vld [tilespmem:s0+$0x30]  }
0x192: {  	v25 =	vld [tilespmem:s0+$0xFFFFFFC0]  }
0x193: {  	v23 =	vld [tilespmem:s0+$0xFFFFFFD0]  }
0x194: {  	v18 =	vld [tilespmem:s0+$0xFFFFFFE0]  }
0x195: {  	v57 =	vmul.f32 v57, v58;
	v1 =	vmul.f32 v3, v1;
	v50 =	vand.u32 $0xFFFFFFF0, v50;
	v17 =	vld [tilespmem:s0+$0xFFFFFFF0]  }
0x196: {  	v59 =	vmul.f32 v59, v58;
	v50 =	vbroadcast v50, $0x0;
	v19 =	vld [tilespmem:s0+$0x0]  }
0x197: {  	v63 =	vmul.f32 v63, v58;
	v34 =	vmul.f32 v62, v58;
	v33 =	vld [tilespmem:s0+$0x10]  }
0x198: {  	v0 =	vmul.f32 v60, v0;
	v35 =	vld [tilespmem:s0+$0x20];
	s0 =	sadd.s32 $0x80, s0;
	v13 =	vmul.f32 v50, v13;
	s16 =	spop (v2sf)  }
0x199: {  	v2 =	vmul.f32 v61, v2;
	v5 =	vmul.f32 v56, v5;
	v56 =	vld [tilespmem:s0+$0xFFFFFFC0];
	s22 =	sand.u32 $0xF, s16  }
0x19a: {  	v6 =	vmul.f32 v57, v6;
	v58 =	vld [tilespmem:s0+$0xFFFFFFD0];
	v8 =	vmul.f32 v8, v13;
	s9 =	sshll.u32 s22, $0x7  }
0x19b: {  	v7 =	vmul.f32 v59, v7;
	v40 =	vmul.f32 v63, v24;
	v63 =	vld [tilespmem:s0+$0xFFFFFFE0];
	s3 =	sshll.u32 s16, $0x4;
	s16 =	sand.u32 $0x400, s9  }
0x19c: {  	v9 =	vmul.f32 v34, v9;
	v4 =	vand.u32 $0xFFFFFFF0, v4;
	v3 =	vmul.f32 v8, v33;
	v33 =	vld [tilespmem:s0+$0xFFFFFFF0];
	s3 =	sand.u32 $0x70, s3;
	s16 =	sadd.s32 s16, s24  }
0x19d: {  	v1 =	vadd.f32 v1, v52;
	v4 =	vbroadcast v4, $0x0;
	v10 =	vmul.f32 v13, v10;
	v37 =	vld [tilespmem:s9+$0x7680];
	s3 =	sadd.s32 s3, s16  }
0x19e: {  	v0 =	vadd.f32 v0, v54;
	v15 =	vmul.f32 v15, v13;
	v11 =	vmul.f32 v11, v13;
	v41 =	vld [tilespmem:s3+$0x0]  }
0x19f: {  	v2 =	vadd.f32 v2, v53;
	v12 =	vmul.f32 v12, v13;
	v14 =	vmul.f32 v14, v13;
	v38 =	vld [tilespmem:s9+$0x7690]  }
0x1a0: {  	v5 =	vadd.f32 v5, v51;
	v16 =	vmul.f32 v16, v13;
	v13 =	vmul.f32 v21, v13;
	v39 =	vld [tilespmem:s9+$0x76A0]  }
0x1a1: {  	v6 =	vadd.f32 v6, v48;
	v15 =	vmul.f32 v15, v44;
	v10 =	vmul.f32 v10, v25;
	v43 =	vld [tilespmem:s9+$0x76B0]  }
0x1a2: {  	v7 =	vadd.f32 v7, v49;
	v11 =	vmul.f32 v11, v23;
	v57 =	vmul.f32 v12, v18;
	v48 =	vld [tilespmem:s9+$0x76F0]  }
0x1a3: {  	v47 =	vadd.f32 v40, v47;
	v59 =	vmul.f32 v14, v17;
	v49 =	vld [tilespmem:s9+$0x76C0];
	v4 =	vmul.f32 v4, v41  }
0x1a4: {  	v9 =	vadd.f32 v9, v46;
	v62 =	vmul.f32 v16, v19;
	v34 =	vmul.f32 v13, v35;
	v53 =	vld [tilespmem:s9+$0x76E0]  }
0x1a5: {  	v0 =	vadd.f32 v10, v0;
	v2 =	vadd.f32 v11, v2;
	v55 =	vld [tilespmem:s9+$0x76D0];
	v17 =	vmul.f32 v4, v37  }
0x1a6: {  	v5 =	vadd.f32 v57, v5;
	v6 =	vadd.f32 v59, v6;
	v41 =	vld [tilespmem:s0+$0x20];
	v35 =	vmul.f32 v38, v4  }
0x1a7: {  	v7 =	vadd.f32 v62, v7;
	v37 =	vld [tilespmem:s0+$0x0];
	v38 =	vmul.f32 v39, v4;
	v8 =	vmul.f32 v17, v56  }
0x1a8: {  	v62 =	vadd.f32 v34, v9;
	v39 =	vld [tilespmem:s0+$0x10];
	v40 =	vmul.f32 v43, v4;
	v12 =	vmul.f32 v35, v58  }
0x1a9: {  	v44 =	vld [tilespmem:s0+$0x30];
	v57 =	vmul.f32 v53, v4;
	v43 =	vmul.f32 v38, v63;
	v0 =	vadd.f32 v8, v0  }
0x1aa: {  	v54 =	vmul.f32 v49, v4;
	v10 =	vmul.f32 v40, v33;
	v2 =	vadd.f32 v12, v2  }
0x1ab: {  	v56 =	vmul.f32 v55, v4;
	v63 =	vmul.f32 v57, v41;
	v5 =	vadd.f32 v43, v5;
	[tilespmem:s23+$0x10D80] =	vst v0  }
0x1ac: {  	s20 =	sadd.s32 $0x1, s20;
	v59 =	vmul.f32 v48, v4;
	v60 =	vadd.f32 v10, v6;
	v58 =	vmul.f32 v54, v37;
	[tilespmem:s23+$0x10D90] =	vst v2  }
0x1ad: {  	p1 =	sne.s32 s20, $0x8;
	v3 =	vadd.f32 v3, v47;
	v61 =	vmul.f32 v56, v39;
	[tilespmem:s23+$0x10DA0] =	vst v5;
	v2 =	vadd.f32 v63, v62  }
.Ltmp2:
0x1ae: {  	v1 =	vadd.f32 v15, v1;
	v0 =	vmul.f32 v59, v44;
	[tilespmem:s23+$0x10DB0] =	vst v60;
	v7 =	vadd.f32 v58, v7;
	(pc) =	sbr.rel @p1 .LBB2_5-.Ltmp2, $4  }
0x1af: {  	v3 =	vadd.f32 v61, v3;
	[tilespmem:s23+$0x10DE0] =	vst v2  }
0x1b0: {  	v0 =	vadd.f32 v0, v1;
	[tilespmem:s23+$0x10DC0] =	vst v7  }
0x1b1: {  	[tilespmem:s23+$0x10DD0] =	vst v3  }
0x1b2: {  	s21 =	sadd.s32 $0x20, s21;
	s25 =	sadd.s32 $0x1000, s25;
	[tilespmem:s23+$0x10DF0] =	vst v0  }
0x1b3: {  	s0 =	sshll.u32 s18, $0xB  }
0x1b4: {  	s0 =	sadd.s32 s26, s0  }
0x1b5: {  	s0 =	sshrl.u32 s0, $0x3  }
0x1b6: {  	s0 =	sadd.s32 s12, s0  }
0x1b7: {  	[hbm4b:s0+s4] =	stream.linear.scatter [tilespmem:s8], [sflag:$0x3], $0x400, $0x38;
	[tilespmem:$0x1A400] =	vst v63  }
0x1b8: {  	s0 =	sadd.s32 $0x2, s19  }
0x1b9: {  	p1 =	sge.u32 s0, s14  }
0x1ba: {  	s3 =	simm.s32 @p1 $0x5  }
0x1bb: {  	_ =	swait.ge @p1 [sflag:s3], $0x4000  }
0x1bc: {  	[sflag:s3] =	ssyncset.done @p1 $0x0  }
0x1bd: {  	[sflag:s3] =	ssyncadd.s32 @p1 $0xFFFFC000  }
0x1be: {  	s0 =	sshll.u32 @!p1 s0, $0x3;
	_ =	swait.ge @p1 [sflag:s3], $0x4000  }
0x1bf: {  	s0 =	sadd.s32 @!p1 s13, s0;
	[sflag:s3] =	ssyncset.done @p1 $0x0  }
0x1c0: {  	[sflag:s3] =	ssyncadd.s32 @p1 $0xFFFFC000;
	s3 =	sshll.u32 @!p1 s0, $0x2  }
0x1c1: {  	s16 =	simm.s32 @!p1 $0x0;
	s20 =	simm.s32 @!p1 $0x7F00;
	s9 =	sadd.s32 @!p1 s1, s3  }
0x1c2: {  	[tilespmem:s20], [sflag:$0x1] =	stream.linear.gather @!p1 [hbm4b:s9+s16], $0x80, $0x38;
	[tilespmem:$0x1A400] =	vst v63  }
0x1c3: {  	s21 =	simm.s32 @!p1 $0x7F80;
	s3 =	sadd.s32 @!p1 s3, s17;
	s9 =	sshll.u32 @!p1 s0, $0x5  }
0x1c4: {  	[tilespmem:s21], [sflag:$0x1] =	stream.linear.gather @!p1 [hbm4b:s3+s16], $0x80, $0x38;
	[tilespmem:$0x1A400] =	vst v63  }
0x1c5: {  	s0 =	sshll.u32 @!p1 s0, $0x4;
	s3 =	sadd.s32 @!p1 s10, s9;
	s9 =	simm.s32 @!p1 $0x10000  }
0x1c6: {  	[tilespmem:s9], [sflag:$0x1] =	stream.linear.gather @!p1 [hbm4b:s3+s16], $0x800, $0x38;
	[tilespmem:$0x1A400] =	vst v63  }
0x1c7: {  	s0 =	sadd.s32 @!p1 s5, s0;
	s3 =	simm.s32 @!p1 $0x10800  }
0x1c8: {  	[tilespmem:s3], [sflag:$0x1] =	stream.linear.gather @!p1 [hbm4b:s0+s16], $0x400, $0x38;
	[tilespmem:$0x1A400] =	vst v63  }
0x1c9: {  	s0 =	simm.s32 @!p1 $0x5  }
0x1ca: {  	_ =	swait.ge @!p1 [sflag:s0], $0x4000  }
0x1cb: {  	[sflag:s0] =	ssyncset.done @!p1 $0x0  }
0x1cc: {  	[sflag:s0] =	ssyncadd.s32 @!p1 $0xFFFFC000  }
0x1cd: {  	_ =	swait.ge @!p1 [sflag:s0], $0x4000  }
0x1ce: {  	[sflag:s0] =	ssyncset.done @!p1 $0x0  }
0x1cf: {  	[sflag:s0] =	ssyncadd.s32 @!p1 $0xFFFFC000;
	s0 =	simm.s32 @!p1 $0x1  }
0x1d0: {  	_ =	swait.ge @!p1 [sflag:s0], $0x80  }
0x1d1: {  	[sflag:s0] =	ssyncset.done @!p1 $0x0  }
0x1d2: {  	[sflag:s0] =	ssyncadd.s32 @!p1 $0xFFFFFF80  }
0x1d3: {  	_ =	swait.ge @!p1 [sflag:s0], $0x80  }
0x1d4: {  	[sflag:s0] =	ssyncset.done @!p1 $0x0  }
0x1d5: {  	[sflag:s0] =	ssyncadd.s32 @!p1 $0xFFFFFF80  }
0x1d6: {  	_ =	swait.ge @!p1 [sflag:s0], $0x800  }
0x1d7: {  	[sflag:s0] =	ssyncset.done @!p1 $0x0  }
0x1d8: {  	[sflag:s0] =	ssyncadd.s32 @!p1 $0xFFFFF800  }
0x1d9: {  	_ =	swait.ge @!p1 [sflag:s0], $0x400  }
0x1da: {  	[sflag:s0] =	ssyncset.done @!p1 $0x0  }
0x1db: {  	s3 =	simm.s32 @!p1 $0x8000;
	[sflag:s0] =	ssyncadd.s32 @!p1 $0xFFFFFC00;
	s0 =	simm.s32 @!p1 $0x80  }
0x1dc: {  	[tilespmem:s3], [sflag:$0x2] =	stream.indirect.gather @!p1 [hbm4b:s2+s0], $0x80, s20, s0, $0xb8;
	[tilespmem:$0x1A400] =	vst v63  }
0x1dd: {  	s3 =	simm.s32 @!p1 $0xC000  }
0x1de: {  	[tilespmem:s3], [sflag:$0x2] =	stream.indirect.gather @!p1 [hbm4b:s2+s0], $0x80, s21, s0, $0xb8;
	[tilespmem:$0x1A400] =	vst v63  }
0x1df: {  	s0 =	simm.s32 @!p0 $0x6  }
0x1e0: {  	_ =	swait.ge @!p0 [sflag:s0], $0x400  }
0x1e1: {  	s20 =	simm.s32 $0x0;
	[sflag:s0] =	ssyncset.done @!p0 $0x0  }
0x1e2: {  	s24 =	sand.u32 $0xF0, s20;
	[sflag:s0] =	ssyncadd.s32 @!p0 $0xFFFFFC00  }
0x1e3: {  	v0 =	vld [tilespmem:s24+$0x11180];
	_ =	sdelay $0x5  }
0x1e4: {  	s25 =	sand.u32 $0x380, s20;
	v19 =	vld [tilespmem:$0x1FE30]  }
0x1e5: {  	v1 =	vld [tilespmem:s25+$0x19A80]  }
0x1e6: {  	v2 =	vld.idx.msk [tilespmem:v0+s31+$0x0], $0xffff  }
0x1e7: {  	v3 =	vld.idx.msk [tilespmem:v0+s20+$0x0], $0xffff  }
0x1e8: {  	v0 =	vld.idx.msk [tilespmem:v0+s30+$0x0], $0xffff  }
0x1e9: {  	v18 =	vld [tilespmem:$0x1FE20]  }
0x1ea: {  	v44 =	vld [tilespmem:$0x1FE10];
	v4 =	vbroadcast v1, $0x2  }
0x1eb: {  	v23 =	vld [tilespmem:$0x1FE70];
	v5 =	vbroadcast v1, $0x0;
	v1 =	vbroadcast v1, $0x1  }
0x1ec: {  	v21 =	vld [tilespmem:$0x1FE50];
	v46 =	vsub.f32 v2, v4  }
0x1ed: {  	v27 =	vld [tilespmem:$0x1FE90];
	v47 =	vsub.f32 v3, v5;
	v48 =	vsub.f32 v0, v1  }
0x1ee: {  	v31 =	vld [tilespmem:$0x1FED0];
	v0 =	vsub.f32 v46, v19  }
0x1ef: {  	v29 =	vld [tilespmem:$0x1FEC0];
	v2 =	vsub.f32 v48, v18;
	v4 =	vsub.f32 v47, v44  }
0x1f0: {  	v33 =	vld [tilespmem:$0x1FF10];
	v49 =	vsub.f32 v48, v45;
	v6 =	vsub.f32 v48, v42  }
0x1f1: {  	v35 =	vld [tilespmem:$0x1FF40];
	v7 =	vsub.f32 v47, v20;
	v8 =	vsub.f32 v47, v23  }
0x1f2: {  	v38 =	vld [tilespmem:$0x1FEF0];
	v9 =	vsub.f32 v47, v26;
	v50 =	vsub.f32 v48, v21  }
0x1f3: {  	v40 =	vld [tilespmem:$0x1FF30];
	v10 =	vsub.f32 v48, v36;
	v51 =	vsub.f32 v46, v22  }
0x1f4: {  	v41 =	vld [tilespmem:$0x1FF90];
	v52 =	vsub.f32 v46, v28;
	v53 =	vsub.f32 v47, v27  }
0x1f5: {  	v43 =	vld [tilespmem:$0x1FFA0];
	v54 =	vsub.f32 v48, v30;
	v55 =	vsub.f32 v48, v31  }
0x1f6: {  	v1 =	vld [tilespmem:$0x1FF80];
	v56 =	vsub.f32 v46, v29;
	v57 =	vsub.f32 v47, v32  }
0x1f7: {  	v3 =	vld [tilespmem:$0x1FE80];
	v58 =	vsub.f32 v47, v33;
	v59 =	vsub.f32 v46, v35  }
0x1f8: {  	v60 =	vsub.f32 v47, v38;
	v2 =	vmul.f32 v2, v2;
	v4 =	vmul.f32 v4, v4  }
0x1f9: {  	v62 =	vsub.f32 v46, v40;
	v5 =	vmul.f32 v49, v49;
	v6 =	vmul.f32 v6, v6  }
0x1fa: {  	v42 =	vld [tilespmem:$0x1FF50];
	v63 =	vsub.f32 v46, v41;
	v8 =	vmul.f32 v8, v8;
	v7 =	vmul.f32 v7, v7  }
0x1fb: {  	v12 =	vsub.f32 v48, v43;
	v44 =	vld [tilespmem:$0x1FF70];
	v9 =	vmul.f32 v9, v9;
	v0 =	vmul.f32 v0, v0  }
0x1fc: {  	v34 =	vld [tilespmem:$0x1FEB0];
	v10 =	vmul.f32 v10, v10;
	v1 =	vsub.f32 v47, v1;
	v3 =	vsub.f32 v46, v3  }
0x1fd: {  	v14 =	vmul.f32 v12, v12;
	v2 =	vadd.f32 v2, v4;
	v5 =	vadd.f32 v5, v8  }
0x1fe: {  	v4 =	vmul.f32 v50, v50;
	v6 =	vadd.f32 v6, v9;
	v8 =	vmul.f32 v51, v51  }
0x1ff: {  	v9 =	vmul.f32 v52, v52;
	v3 =	vmul.f32 v3, v3;
	v61 =	vsub.f32 v48, v42  }
0x200: {  	v13 =	vsub.f32 v47, v44;
	v1 =	vmul.f32 v1, v1;
	v4 =	vadd.f32 v4, v7  }
0x201: {  	v0 =	vadd.f32 v2, v0;
	v2 =	vsub.f32 v46, v34;
	v7 =	vmul.f32 v53, v53  }
0x202: {  	v6 =	vadd.f32 v6, v9;
	v4 =	vadd.f32 v4, v8;
	v8 =	vmul.f32 v54, v54  }
0x203: {  	v37 =	vld [tilespmem:$0x1FF60];
	v9 =	vmul.f32 v56, v56;
	v3 =	vadd.f32 v5, v3;
	vm0 =	vlt.f32 v0, $1.000000020e+30  }
0x204: {  	v5 =	vmul.f32 v55, v55;
	v0 =	vnsel vm0, $0x7149F2CA, v0;
	v7 =	vadd.f32 v8, v7  }
0x205: {  	v2 =	vmul.f32 v2, v2;
	vm0 =	vlt.f32 v4, v0;
	v8 =	vmul.f32 v57, v57  }
0x206: {  	v0 =	vsel vm0, v4, v0;
	v4 =	vmul.f32 v58, v58;
	v7 =	vadd.f32 v7, v9  }
0x207: {  	v39 =	vld [tilespmem:$0x1FD60];
	v5 =	vadd.f32 v5, v8;
	vm1 =	vlt.f32 v3, v0;
	v9 =	vmul.f32 v59, v59  }
0x208: {  	v8 =	vmul.f32 v60, v60;
	v0 =	vsel vm1, v3, v0;
	v3 =	vsub.f32 v48, v37  }
0x209: {  	v49 =	vld [tilespmem:$0x1FD50];
	v4 =	vadd.f32 v10, v4;
	v10 =	vmul.f32 v62, v62;
	vm2 =	vlt.f32 v6, v0  }
0x20a: {  	v2 =	vadd.f32 v5, v2;
	v5 =	vmul.f32 v61, v61;
	v0 =	vsel vm2, v6, v0  }
0x20b: {  	v50 =	vld [tilespmem:$0x1FD40];
	v3 =	vmul.f32 v3, v3;
	v4 =	vadd.f32 v4, v9;
	vm3 =	vlt.f32 v7, v0  }
0x20c: {  	v6 =	vmul.f32 v63, v63;
	v9 =	vsub.f32 v48, v39;
	v0 =	vsel vm3, v7, v0  }
0x20d: {  	v51 =	vld [tilespmem:$0x1FD80];
	v1 =	vadd.f32 v5, v1;
	v3 =	vadd.f32 v3, v8;
	vm4 =	vlt.f32 v2, v0  }
0x20e: {  	v52 =	vld [tilespmem:$0x1FD70];
	v5 =	vsub.f32 v47, v49;
	v8 =	vmul.f32 v13, v13;
	v0 =	vsel vm4, v2, v0  }
0x20f: {  	v54 =	vld [tilespmem:$0x1FD90];
	v9 =	vmul.f32 v9, v9;
	v3 =	vadd.f32 v3, v10;
	vm5 =	vlt.f32 v4, v0  }
0x210: {  	v56 =	vld [tilespmem:$0x1FEE0];
	v7 =	vadd.f32 v14, v8;
	v8 =	vsub.f32 v46, v50;
	v0 =	vsel vm5, v4, v0  }
0x211: {  	v5 =	vmul.f32 v5, v5;
	v1 =	vadd.f32 v1, v6;
	v2 =	vld [tilespmem:$0x1FF20];
	vm6 =	vlt.f32 v3, v0  }
0x212: {  	v57 =	vld [tilespmem:$0x1FDC0];
	v8 =	vmul.f32 v8, v8;
	v0 =	vsel vm6, v3, v0  }
0x213: {  	v6 =	vsub.f32 v47, v51;
	v5 =	vadd.f32 v9, v5;
	v3 =	vld [tilespmem:$0x1FDA0];
	vm7 =	vlt.f32 v1, v0  }
0x214: {  	v53 =	vadd.f32 v7, v8;
	v7 =	vsub.f32 v48, v54;
	v0 =	vsel vm7, v1, v0;
	v1 =	vld [tilespmem:$0x1FDD0]  }
0x215: {  	v9 =	vsub.f32 v46, v52;
	v8 =	vsub.f32 v47, v56  }
0x216: {  	v58 =	vld [tilespmem:$0x1FDB0];
	v6 =	vmul.f32 v6, v6;
	v2 =	vsub.f32 v48, v2;
	v7 =	vmul.f32 v7, v7  }
0x217: {  	v60 =	vld [tilespmem:$0x1FDE0];
	v55 =	vmul.f32 v9, v9;
	v8 =	vmul.f32 v8, v8  }
0x218: {  	v61 =	vld [tilespmem:$0x1FDF0];
	v2 =	vmul.f32 v2, v2;
	v6 =	vadd.f32 v7, v6;
	v3 =	vsub.f32 v46, v3  }
0x219: {  	v62 =	vld [tilespmem:$0x1FE00];
	vm8 =	vlt.f32 v53, v0;
	v7 =	vsub.f32 v47, v57;
	v1 =	vsub.f32 v48, v1  }
0x21a: {  	v17 =	vld [tilespmem:$0x1FF00];
	v5 =	vadd.f32 v5, v55;
	v0 =	vsel vm8, v53, v0;
	v3 =	vmul.f32 v3, v3  }
0x21b: {  	v2 =	vadd.f32 v2, v8;
	v7 =	vmul.f32 v7, v7;
	v1 =	vmul.f32 v1, v1  }
0x21c: {  	vm9 =	vlt.f32 v5, v0;
	v3 =	vadd.f32 v6, v3;
	v6 =	vsub.f32 v46, v58  }
0x21d: {  	v0 =	vsel vm9, v5, v0;
	v5 =	vsub.f32 v47, v61;
	v1 =	vadd.f32 v1, v7  }
0x21e: {  	v59 =	vmul.f32 v6, v6;
	v6 =	vsub.f32 v46, v60;
	v7 =	vsub.f32 v48, v62  }
0x21f: {  	v63 =	vsub.f32 v46, v17;
	v5 =	vmul.f32 v5, v5;
	vm10 =	vlt.f32 v3, v0  }
0x220: {  	v2 =	vadd.f32 v2, v59;
	v6 =	vmul.f32 v6, v6;
	v7 =	vmul.f32 v7, v7  }
0x221: {  	v4 =	vmul.f32 v63, v63;
	v0 =	vsel vm10, v3, v0  }
0x222: {  	v1 =	vadd.f32 v1, v6;
	v3 =	vadd.f32 v7, v5;
	vm11 =	vlt.f32 v2, v0  }
0x223: {  	v0 =	vsel vm11, v2, v0  }
0x224: {  	v2 =	vadd.f32 v3, v4;
	vm12 =	vlt.f32 v1, v0  }
0x225: {  	v0 =	vsel vm12, v1, v0  }
0x226: {  	vm13 =	vlt.f32 v2, v0  }
0x227: {  	v0 =	vsel vm13, v2, v0  }
0x228: {  	v46 =	vmax.f32 v0, $9.999999680e-21  }
0x229: {  	v1 =	vshra.s32 v46, $0x1;
	v0 =	vmul.f32 $5.000000000e-01, v46  }
0x22a: {  	v1 =	vsub.s32 $0x5F3759DF, v1  }
0x22b: {  	v2 =	vmul.f32 v1, v0;
	_ =	sdelay $0x1  }
0x22c: {  	v2 =	vmul.f32 v1, v2;
	_ =	sdelay $0x1  }
0x22d: {  	v2 =	vsub.f32 $1.500000000e+00, v2;
	_ =	sdelay $0x1  }
0x22e: {  	v1 =	vmul.f32 v1, v2;
	_ =	sdelay $0x1  }
0x22f: {  	v2 =	vmul.f32 v1, v0;
	_ =	sdelay $0x1  }
0x230: {  	s22 =	simm.s32 $0x10;
	s23 =	simm.s32 $0x0;
	s21 =	simm.s32 $0x0;
	v24 =	vmovc v60;
	v39 =	vmov v62;
	v25 =	vmov v61;
	v2 =	vmul.f32 v2, v1  }
.LBB2_9:
0x231: {  	_ = 	snop  }
0x232: {  	v2 =	vsub.f32 $1.500000000e+00, v2;
	_ =	sdelay $0x1  }
0x233: {  	v1 =	vmul.f32 v2, v1;
	_ =	sdelay $0x1  }
0x234: {  	v0 =	vmul.f32 v1, v0  }
0x235: {  	v2 =	vimm.s32 $0x0  }
0x236: {  	v2 =	vsel vm0, $0x1, v2;
	v0 =	vmul.f32 v0, v1  }
0x237: {  	v2 =	vsel vm1, $0x2, v2  }
0x238: {  	v2 =	vsel vm2, $0x3, v2;
	v0 =	vsub.f32 $1.500000000e+00, v0  }
0x239: {  	v2 =	vsel vm3, $0x4, v2  }
0x23a: {  	v2 =	vsel vm4, $0x5, v2;
	v0 =	vmul.f32 v0, v1  }
0x23b: {  	v1 =	vsel vm5, $0x6, v2  }
0x23c: {  	v1 =	vsel vm6, $0x7, v1;
	v0 =	vmul.f32 v0, v46  }
0x23d: {  	v1 =	vsel vm7, $0x8, v1  }
0x23e: {  	v1 =	vsel vm8, $0x9, v1;
	v0 =	vmul.f32 $5.000000000e-01, v0  }
0x23f: {  	v1 =	vsel vm9, $0xA, v1  }
0x240: {  	v1 =	vsel vm10, $0xB, v1;
	v0 =	vsub.f32 $1.000000000e+00, v0  }
0x241: {  	v1 =	vsel vm11, $0xC, v1  }
0x242: {  	v1 =	vsel vm12, $0xD, v1;
	v0 =	vmax.f32 v0, $0.0e+00  }
0x243: {  	v1 =	vsel vm13, $0xE, v1;
	v0 =	vand.u32 $0xFFFFFFF0, v0  }
0x244: {  	s0 =	smov.u32 s22;
	s3 =	sshra.s32 s21, $0x2;
	v0 =	vor.u32 v1, v0  }
0x245: {  	s0 =	sand.u32 $0xF0, s0;
	[tilespmem:s3+$0x19E80] =	vst v0  }
0x246: {  	v0 =	vld [tilespmem:s0+$0x11180];
	_ =	sdelay $0x3  }
0x247: {  	s23 =	sadd.s32 $0x40, s23  }
0x248: {  	s25 =	sand.u32 $0x380, s23  }
0x249: {  	v1 =	vld [tilespmem:s25+$0x19A80];
	_ =	sdelay $0x1  }
0x24a: {  	v2 =	vld.idx.msk [tilespmem:v0+s31+$0x0], $0xffff  }
0x24b: {  	v3 =	vld.idx.msk [tilespmem:v0+s20+$0x0], $0xffff  }
0x24c: {  	v0 =	vld.idx.msk [tilespmem:v0+s30+$0x0], $0xffff  }
0x24d: {  	v4 =	vbroadcast v1, $0x0  }
0x24e: {  	v5 =	vbroadcast v1, $0x1;
	v1 =	vbroadcast v1, $0x2  }
0x24f: {  	v49 =	vld [tilespmem:$0x1FE10]  }
0x250: {  	v50 =	vsub.f32 v2, v1  }
0x251: {  	v8 =	vld [tilespmem:$0x1FEE0];
	v48 =	vsub.f32 v0, v5  }
0x252: {  	v9 =	vld [tilespmem:$0x1FEA0];
	v47 =	vsub.f32 v3, v4;
	v0 =	vsub.f32 v50, v19  }
0x253: {  	v11 =	vld [tilespmem:$0x1FF20];
	v2 =	vsub.f32 v48, v18;
	v46 =	vsub.f32 v50, v17  }
0x254: {  	v63 =	vsub.f32 v48, v36;
	v5 =	vsub.f32 v47, v49  }
0x255: {  	v6 =	vsub.f32 v50, v28;
	v7 =	vsub.f32 v48, v45  }
0x256: {  	v49 =	vsub.f32 v47, v8;
	v51 =	vsub.f32 v47, v20  }
0x257: {  	v9 =	vsub.f32 v48, v9;
	v10 =	vsub.f32 v47, v23  }
0x258: {  	v11 =	vsub.f32 v48, v11;
	v12 =	vsub.f32 v47, v27  }
0x259: {  	v13 =	vsub.f32 v50, v34;
	v14 =	vsub.f32 v47, v33  }
0x25a: {  	v15 =	vsub.f32 v48, v31;
	v16 =	vsub.f32 v50, v41  }
0x25b: {  	v52 =	vsub.f32 v50, v22;
	v53 =	vsub.f32 v47, v26  }
0x25c: {  	v54 =	vsub.f32 v47, v38;
	v55 =	vsub.f32 v48, v37;
	v0 =	vmul.f32 v0, v0  }
0x25d: {  	v61 =	vld [tilespmem:$0x1FD60];
	v56 =	vsub.f32 v50, v29;
	v2 =	vmul.f32 v2, v2;
	v6 =	vmul.f32 v6, v6  }
0x25e: {  	v62 =	vld [tilespmem:$0x1FD50];
	v57 =	vsub.f32 v48, v42;
	v7 =	vmul.f32 v7, v7;
	v5 =	vmul.f32 v5, v5  }
0x25f: {  	v58 =	vsub.f32 v48, v21;
	v9 =	vmul.f32 v9, v9;
	v10 =	vmul.f32 v10, v10  }
0x260: {  	v1 =	vld [tilespmem:$0x1FF80];
	v59 =	vsub.f32 v50, v40;
	v8 =	vmul.f32 v51, v51;
	v51 =	vmul.f32 v11, v11  }
0x261: {  	v3 =	vld [tilespmem:$0x1FE80];
	v60 =	vsub.f32 v47, v44;
	v11 =	vmul.f32 v13, v13;
	v12 =	vmul.f32 v12, v12  }
0x262: {  	v61 =	vsub.f32 v48, v61;
	v4 =	vmul.f32 v63, v63;
	v53 =	vmul.f32 v53, v53  }
0x263: {  	v62 =	vsub.f32 v47, v62;
	v55 =	vmul.f32 v55, v55;
	v58 =	vmul.f32 v58, v58  }
0x264: {  	v13 =	vsub.f32 v48, v30;
	v59 =	vmul.f32 v59, v59;
	v16 =	vmul.f32 v16, v16  }
0x265: {  	v52 =	vmul.f32 v52, v52;
	v56 =	vmul.f32 v56, v56;
	v1 =	vsub.f32 v47, v1  }
0x266: {  	v61 =	vmul.f32 v61, v61;
	v3 =	vsub.f32 v50, v3;
	v2 =	vadd.f32 v2, v5  }
0x267: {  	v60 =	vmul.f32 v60, v60;
	v5 =	vadd.f32 v7, v10;
	v7 =	vsub.f32 v47, v32  }
0x268: {  	v10 =	vmul.f32 v15, v15;
	v15 =	vsub.f32 v50, v35;
	v9 =	vadd.f32 v9, v53  }
0x269: {  	v53 =	vmul.f32 v57, v57;
	v8 =	vadd.f32 v58, v8;
	v58 =	vmul.f32 v62, v62;
	v62 =	vld [tilespmem:$0x1FD80]  }
0x26a: {  	v63 =	vld [tilespmem:$0x1FD90];
	v57 =	vsub.f32 v48, v43;
	v13 =	vmul.f32 v13, v13;
	v3 =	vmul.f32 v3, v3  }
0x26b: {  	v1 =	vmul.f32 v1, v1;
	v15 =	vmul.f32 v15, v15;
	v0 =	vadd.f32 v2, v0  }
0x26c: {  	v57 =	vmul.f32 v57, v57;
	v8 =	vadd.f32 v8, v52;
	v7 =	vmul.f32 v7, v7  }
0x26d: {  	v6 =	vadd.f32 v9, v6;
	v52 =	vadd.f32 v13, v12;
	vm0 =	vlt.f32 v0, $1.000000020e+30  }
0x26e: {  	v12 =	vmul.f32 v14, v14;
	v62 =	vsub.f32 v47, v62;
	v0 =	vnsel vm0, $0x7149F2CA, v0  }
0x26f: {  	v63 =	vsub.f32 v48, v63;
	v3 =	vadd.f32 v5, v3;
	vm0 =	vlt.f32 v8, v0  }
0x270: {  	v1 =	vadd.f32 v53, v1;
	v5 =	vmul.f32 v62, v62;
	v62 =	vld [tilespmem:$0x1FD70];
	v0 =	vsel vm0, v8, v0  }
0x271: {  	v2 =	vld [tilespmem:$0x1FD40];
	v53 =	vadd.f32 v61, v58;
	v58 =	vmul.f32 v49, v49;
	vm1 =	vlt.f32 v3, v0  }
0x272: {  	v52 =	vadd.f32 v52, v56;
	v7 =	vadd.f32 v10, v7;
	v0 =	vsel vm1, v3, v0  }
0x273: {  	v14 =	vld [tilespmem:$0x1FDB0];
	v56 =	vmul.f32 v54, v54;
	v4 =	vadd.f32 v4, v12;
	vm2 =	vlt.f32 v6, v0  }
0x274: {  	v12 =	vld [tilespmem:$0x1FDA0];
	v1 =	vadd.f32 v1, v16;
	v54 =	vmul.f32 v63, v63;
	v0 =	vsel vm2, v6, v0  }
0x275: {  	v3 =	vadd.f32 v7, v11;
	v13 =	vsub.f32 v50, v62;
	vm3 =	vlt.f32 v52, v0  }
0x276: {  	v4 =	vadd.f32 v4, v15;
	v2 =	vsub.f32 v50, v2;
	v0 =	vsel vm3, v52, v0  }
0x277: {  	v62 =	vmul.f32 v13, v13;
	v13 =	vadd.f32 v55, v56;
	vm4 =	vlt.f32 v3, v0  }
0x278: {  	v9 =	vsub.f32 v50, v14;
	v2 =	vmul.f32 v2, v2;
	v55 =	vld [tilespmem:$0x1FDC0];
	v0 =	vsel vm4, v3, v0  }
0x279: {  	v7 =	vsub.f32 v50, v12;
	v56 =	vld [tilespmem:$0x1FDD0];
	v6 =	vadd.f32 v13, v59;
	vm5 =	vlt.f32 v4, v0  }
0x27a: {  	v9 =	vmul.f32 v9, v9;
	v5 =	vadd.f32 v54, v5;
	v0 =	vsel vm5, v4, v0  }
0x27b: {  	v7 =	vmul.f32 v7, v7;
	v52 =	vadd.f32 v57, v60;
	vm6 =	vlt.f32 v6, v0  }
0x27c: {  	v60 =	vsub.f32 v48, v39;
	v3 =	vsub.f32 v50, v24;
	v0 =	vsel vm6, v6, v0  }
0x27d: {  	v2 =	vadd.f32 v52, v2;
	v57 =	vadd.f32 v53, v62;
	vm7 =	vlt.f32 v1, v0  }
0x27e: {  	v4 =	vsub.f32 v47, v55;
	v8 =	vsub.f32 v48, v56;
	v0 =	vsel vm7, v1, v0  }
0x27f: {  	v59 =	vsub.f32 v47, v25;
	v62 =	vmul.f32 v60, v60;
	vm8 =	vlt.f32 v2, v0  }
0x280: {  	v4 =	vmul.f32 v4, v4;
	v8 =	vmul.f32 v8, v8;
	v0 =	vsel vm8, v2, v0  }
0x281: {  	v1 =	vadd.f32 v5, v7;
	v2 =	vadd.f32 v51, v58;
	vm9 =	vlt.f32 v57, v0  }
0x282: {  	v3 =	vmul.f32 v3, v3;
	v61 =	vmul.f32 v59, v59;
	v0 =	vsel vm9, v57, v0  }
0x283: {  	v4 =	vadd.f32 v8, v4;
	v2 =	vadd.f32 v2, v9;
	vm10 =	vlt.f32 v1, v0  }
0x284: {  	v63 =	vadd.f32 v62, v61;
	v0 =	vsel vm10, v1, v0  }
0x285: {  	v3 =	vadd.f32 v4, v3;
	v1 =	vmul.f32 v46, v46;
	vm11 =	vlt.f32 v2, v0  }
0x286: {  	v0 =	vsel vm11, v2, v0  }
0x287: {  	v1 =	vadd.f32 v63, v1;
	vm12 =	vlt.f32 v3, v0  }
0x288: {  	v0 =	vsel vm12, v3, v0  }
0x289: {  	vm13 =	vlt.f32 v1, v0  }
0x28a: {  	v0 =	vsel vm13, v1, v0  }
0x28b: {  	v46 =	vmax.f32 v0, $9.999999680e-21  }
0x28c: {  	v1 =	vshra.s32 v46, $0x1;
	v0 =	vmul.f32 $5.000000000e-01, v46  }
0x28d: {  	v1 =	vsub.s32 $0x5F3759DF, v1  }
0x28e: {  	v2 =	vmul.f32 v1, v0;
	_ =	sdelay $0x1  }
0x28f: {  	v2 =	vmul.f32 v1, v2;
	_ =	sdelay $0x1  }
0x290: {  	v2 =	vsub.f32 $1.500000000e+00, v2  }
0x291: {  	p0 =	sne.s32 s22, $0xF0  }
.Ltmp3:
0x292: {  	v1 =	vmul.f32 v1, v2;
	(pc) =	sbr.rel @p0 .LBB2_9-.Ltmp3, $3  }
0x293: {  	_ = 	snop  }
0x294: {  	v2 =	vmul.f32 v1, v0;
	_ =	sdelay $0x1  }
0x295: {  	s22 =	sadd.s32 $0x10, s22;
	s21 =	smov.u32 s23;
	v2 =	vmul.f32 v2, v1  }
0x296: {  	_ = 	snop  }
0x297: {  	v2 =	vsub.f32 $1.500000000e+00, v2;
	_ =	sdelay $0x1  }
0x298: {  	v1 =	vmul.f32 v2, v1;
	_ =	sdelay $0x1  }
0x299: {  	v0 =	vmul.f32 v1, v0  }
0x29a: {  	v62 =	vimm.s32 $0x0  }
0x29b: {  	v2 =	vsel vm0, $0x1, v62;
	v0 =	vmul.f32 v0, v1  }
0x29c: {  	v2 =	vsel vm1, $0x2, v2  }
0x29d: {  	v2 =	vsel vm2, $0x3, v2;
	v0 =	vsub.f32 $1.500000000e+00, v0  }
0x29e: {  	v2 =	vsel vm3, $0x4, v2  }
0x29f: {  	v2 =	vsel vm4, $0x5, v2;
	v0 =	vmul.f32 v0, v1  }
0x2a0: {  	v63 =	vsel vm5, $0x6, v2  }
0x2a1: {  	v1 =	vsel vm6, $0x7, v63;
	v0 =	vmul.f32 v0, v46  }
0x2a2: {  	v1 =	vsel vm7, $0x8, v1  }
0x2a3: {  	v1 =	vsel vm8, $0x9, v1;
	v0 =	vmul.f32 $5.000000000e-01, v0  }
0x2a4: {  	v1 =	vsel vm9, $0xA, v1  }
0x2a5: {  	v1 =	vsel vm10, $0xB, v1;
	v0 =	vsub.f32 $1.000000000e+00, v0  }
0x2a6: {  	v1 =	vsel vm11, $0xC, v1  }
0x2a7: {  	v1 =	vsel vm12, $0xD, v1;
	v0 =	vmax.f32 v0, $0.0e+00  }
0x2a8: {  	v1 =	vsel vm13, $0xE, v1;
	v0 =	vand.u32 $0xFFFFFFF0, v0  }
0x2a9: {  	s0 =	sshra.s32 s21, $0x2;
	v39 =	vmovc v28;
	v24 =	vmovc v31;
	v23 =	vmov v34;
	v25 =	vmov v33;
	v0 =	vor.u32 v1, v0  }
0x2aa: {  	s21 =	simm.s32 $0x19E80;
	s22 =	simm.s32 $0x112C0;
	v30 =	vmovc v38;
	v32 =	vmovc v40;
	v42 =	vmov v41;
	v26 =	vmov v44;
	v36 =	vmov v43;
	[tilespmem:s0+$0x19E80] =	vst v0  }
.LBB2_11:
0x2ab: {  	v55 =	vmov s21;
	_ =	sdelay $0x3  }
0x2ac: {  	s0 =	simm.s32 $0x0  }
0x2ad: {  	v0 =	vld.idx.msk [tilespmem:v55+s0+$0x0 ss:$0x1], $0xffff;
	_ =	sdelay $0x4  }
0x2ae: {  	(v2sf) =	vpush v0, $0x0;
	_ =	sdelay $0xb  }
0x2af: {  	s9 =	sshll.u32 s20, $0x9  }
0x2b0: {  	s23 =	sshrl.u32 s9, $0x2;
	s9 =	simm.s32 $0x1  }
0x2b1: {  	v50 =	vld.idx.msk [tilespmem:v55+s9+$0x0 ss:$0x1], $0xffff  }
0x2b2: {  	s3 =	spop (v2sf)  }
0x2b3: {  	s16 =	sand.u32 $0xF, s3  }
0x2b4: {  	s0 =	sshll.u32 s16, $0x7  }
0x2b5: {  	s24 =	sadd.s32 $0x19280, s23;
	s3 =	sshll.u32 s3, $0x4;
	s16 =	sand.u32 $0x400, s0  }
0x2b6: {  	(v2sf) =	vpush v50, $0x0;
	s3 =	sand.u32 $0x70, s3;
	v2 =	vld [tilespmem:s0+$0x7680];
	s25 =	sadd.s32 s16, s24  }
0x2b7: {  	v4 =	vld [tilespmem:s0+$0x7690];
	s3 =	sadd.s32 s3, s25  }
0x2b8: {  	v1 =	vld [tilespmem:s3+$0x0]  }
0x2b9: {  	v3 =	vld [tilespmem:s0+$0x76F0]  }
0x2ba: {  	v0 =	vand.u32 $0xFFFFFFF0, v0;
	v5 =	vld [tilespmem:s0+$0x76A0]  }
0x2bb: {  	v0 =	vbroadcast v0, $0x0;
	v57 =	vld [tilespmem:s0+$0x76B0]  }
0x2bc: {  	v59 =	vld [tilespmem:s0+$0x76C0]  }
0x2bd: {  	v58 =	vmul.f32 v0, v1;
	v1 =	vld [tilespmem:s22+$0x30]  }
0x2be: {  	v52 =	vimm.f32 $0.0e+00;
	v54 =	vimm.f32 $0.0e+00;
	v53 =	vimm.f32 $0.0e+00;
	v0 =	vld [tilespmem:s0+$0x76D0]  }
0x2bf: {  	v51 =	vimm.f32 $0.0e+00;
	v48 =	vimm.f32 $0.0e+00;
	v49 =	vimm.f32 $0.0e+00;
	v62 =	vld [tilespmem:s0+$0x76E0]  }
0x2c0: {  	v63 =	vld [tilespmem:s22+$0xFFFFFFC0];
	v47 =	vimm.f32 $0.0e+00;
	v60 =	vmul.f32 v58, v2;
	v3 =	vmul.f32 v3, v58  }
0x2c1: {  	v46 =	vimm.f32 $0.0e+00;
	s25 =	smov.u32 s22;
	s3 =	simm.s32 $0xC;
	s0 =	simm.s32 $0x2;
	v61 =	vmul.f32 v4, v58;
	v56 =	vmul.f32 v5, v58;
	v2 =	vld [tilespmem:s22+$0xFFFFFFD0]  }
.LBB2_12:
0x2c2: {  	p0 =	sne.s32 s3, $0x7C;
	v4 =	vld.idx.msk [tilespmem:v55+s0+$0x0 ss:$0x1], $0xffff;
	v5 =	vmul.f32 v57, v58;
	v1 =	vmul.f32 v3, v1  }
0x2c3: {  	v6 =	vmul.f32 v59, v58;
	v3 =	vld [tilespmem:s25+$0xFFFFFFE0];
	v0 =	vmul.f32 v0, v58  }
0x2c4: {  	v7 =	vld [tilespmem:s25+$0xFFFFFFF0];
	v8 =	vmul.f32 v62, v58;
	v52 =	vadd.f32 v1, v52  }
0x2c5: {  	s0 =	spop (v2sf);
	v1 =	vmul.f32 v60, v63;
	v9 =	vld [tilespmem:s25+$0x0]  }
0x2c6: {  	s9 =	sand.u32 $0xF, s0;
	v2 =	vmul.f32 v61, v2;
	v10 =	vld [tilespmem:s25+$0x10]  }
0x2c7: {  	s9 =	sshll.u32 s9, $0x7;
	v54 =	vadd.f32 v1, v54;
	v1 =	vld [tilespmem:s25+$0x20]  }
0x2c8: {  	s0 =	sshll.u32 s0, $0x4;
	(v2sf) =	vpush v4, $0x0;
	s16 =	sand.u32 $0x400, s9;
	v11 =	vld [tilespmem:s9+$0x7680];
	v53 =	vadd.f32 v2, v53;
	v2 =	vmul.f32 v56, v3  }
0x2c9: {  	s0 =	sand.u32 $0x70, s0;
	s16 =	sadd.s32 s16, s24;
	v12 =	vld [tilespmem:s9+$0x7690];
	v3 =	vmul.f32 v5, v7  }
0x2ca: {  	s0 =	sadd.s32 s0, s16;
	v5 =	vld [tilespmem:s9+$0x76A0];
	v51 =	vadd.f32 v2, v51;
	v2 =	vmul.f32 v6, v9  }
0x2cb: {  	v6 =	vld [tilespmem:s0+$0x0];
	v48 =	vadd.f32 v3, v48;
	v0 =	vmul.f32 v0, v10  }
0x2cc: {  	v57 =	vld [tilespmem:s9+$0x76B0];
	v49 =	vadd.f32 v2, v49;
	v1 =	vmul.f32 v8, v1  }
0x2cd: {  	v2 =	vand.u32 $0xFFFFFFF0, v50;
	v50 =	vmov v4;
	v3 =	vld [tilespmem:s9+$0x76F0];
	v47 =	vadd.f32 v0, v47  }
0x2ce: {  	s25 =	sadd.s32 $0x80, s25;
	v0 =	vbroadcast v2, $0x0;
	v59 =	vld [tilespmem:s9+$0x76C0];
	v46 =	vadd.f32 v1, v46  }
.Ltmp4:
0x2cf: {  	v1 =	vld [tilespmem:s25+$0x30];
	(pc) =	sbr.rel @p0 .LBB2_12-.Ltmp4, $4  }
0x2d0: {  	v58 =	vmul.f32 v0, v6;
	v0 =	vld [tilespmem:s9+$0x76D0]  }
0x2d1: {  	v62 =	vld [tilespmem:s9+$0x76E0]  }
0x2d2: {  	v63 =	vld [tilespmem:s25+$0xFFFFFFC0];
	v60 =	vmul.f32 v58, v11;
	v3 =	vmul.f32 v3, v58  }
0x2d3: {  	s0 =	sshra.s32 s3, $0x2;
	s3 =	sadd.s32 $0x4, s3;
	v61 =	vmul.f32 v12, v58;
	v56 =	vmul.f32 v5, v58;
	v2 =	vld [tilespmem:s25+$0xFFFFFFD0]  }
0x2d4: {  	_ =	sdelay $0x3  }
0x2d5: {  	v4 =	vld.idx.msk [tilespmem:v55+s0+$0x0 ss:$0x1], $0xffff  }
0x2d6: {  	v5 =	vld [tilespmem:s25+$0xFFFFFFE0]  }
0x2d7: {  	v6 =	vld [tilespmem:s25+$0xFFFFFFF0]  }
0x2d8: {  	v7 =	vld [tilespmem:s25+$0x0];
	s9 =	spop (v2sf)  }
0x2d9: {  	v22 =	vld [tilespmem:s25+$0x10];
	s3 =	sand.u32 $0xF, s9  }
0x2da: {  	v9 =	vld [tilespmem:s25+$0x20];
	s3 =	sshll.u32 s3, $0x7  }
0x2db: {  	v10 =	vld [tilespmem:s3+$0x7680]  }
0x2dc: {  	(v2sf) =	vpush v4, $0x0;
	v11 =	vld [tilespmem:s3+$0x7690]  }
0x2dd: {  	v12 =	vld [tilespmem:s3+$0x76A0]  }
0x2de: {  	v14 =	vld [tilespmem:s3+$0x76B0]  }
0x2df: {  	v15 =	vld [tilespmem:s3+$0x76F0]  }
0x2e0: {  	s0 =	sshll.u32 s9, $0x4;
	s9 =	sand.u32 $0x400, s3;
	v16 =	vld [tilespmem:s3+$0x76C0]  }
0x2e1: {  	s0 =	sand.u32 $0x70, s0;
	v8 =	vld [tilespmem:s3+$0x76D0];
	s9 =	sadd.s32 s9, s24  }
0x2e2: {  	v20 =	vld [tilespmem:s3+$0x76E0];
	s0 =	sadd.s32 s0, s9  }
0x2e3: {  	v13 =	vld [tilespmem:s0+$0x0];
	s0 =	sadd.s32 $0x80, s25  }
0x2e4: {  	v33 =	vld [tilespmem:s0+$0x30]  }
0x2e5: {  	v27 =	vld [tilespmem:s0+$0xFFFFFFC0]  }
0x2e6: {  	v21 =	vld [tilespmem:s0+$0xFFFFFFD0]  }
0x2e7: {  	v18 =	vld [tilespmem:s0+$0xFFFFFFE0]  }
0x2e8: {  	v57 =	vmul.f32 v57, v58;
	v1 =	vmul.f32 v3, v1;
	v50 =	vand.u32 $0xFFFFFFF0, v50;
	v17 =	vld [tilespmem:s0+$0xFFFFFFF0]  }
0x2e9: {  	v59 =	vmul.f32 v59, v58;
	v50 =	vbroadcast v50, $0x0;
	v19 =	vld [tilespmem:s0+$0x0]  }
0x2ea: {  	v0 =	vmul.f32 v0, v58;
	v35 =	vmul.f32 v62, v58;
	v34 =	vld [tilespmem:s0+$0x10]  }
0x2eb: {  	v60 =	vmul.f32 v60, v63;
	v37 =	vld [tilespmem:s0+$0x20];
	s0 =	sadd.s32 $0x80, s0;
	v13 =	vmul.f32 v50, v13;
	s16 =	spop (v2sf)  }
0x2ec: {  	v2 =	vmul.f32 v61, v2;
	v5 =	vmul.f32 v56, v5;
	v58 =	vld [tilespmem:s0+$0xFFFFFFC0];
	s25 =	sand.u32 $0xF, s16  }
0x2ed: {  	v7 =	vmul.f32 v59, v7;
	v59 =	vld [tilespmem:s0+$0xFFFFFFD0];
	v15 =	vmul.f32 v15, v13;
	s9 =	sshll.u32 s25, $0x7  }
0x2ee: {  	v1 =	vadd.f32 v1, v52;
	v6 =	vmul.f32 v57, v6;
	v9 =	vmul.f32 v35, v9;
	v35 =	vld [tilespmem:s0+$0xFFFFFFF0];
	s3 =	sshll.u32 s16, $0x4;
	s16 =	sand.u32 $0x400, s9  }
0x2ef: {  	v0 =	vmul.f32 v0, v22;
	v4 =	vand.u32 $0xFFFFFFF0, v4;
	v15 =	vmul.f32 v15, v33;
	v33 =	vld [tilespmem:s0+$0xFFFFFFE0];
	s3 =	sand.u32 $0x70, s3;
	s16 =	sadd.s32 s16, s24  }
0x2f0: {  	v54 =	vadd.f32 v60, v54;
	v4 =	vbroadcast v4, $0x0;
	v10 =	vmul.f32 v13, v10;
	v38 =	vld [tilespmem:s9+$0x7680];
	s3 =	sadd.s32 s3, s16  }
0x2f1: {  	v2 =	vadd.f32 v2, v53;
	v11 =	vmul.f32 v11, v13;
	v12 =	vmul.f32 v12, v13;
	v43 =	vld [tilespmem:s3+$0x0]  }
0x2f2: {  	v5 =	vadd.f32 v5, v51;
	v14 =	vmul.f32 v14, v13;
	v16 =	vmul.f32 v16, v13;
	v40 =	vld [tilespmem:s9+$0x7690]  }
0x2f3: {  	v6 =	vadd.f32 v6, v48;
	v8 =	vmul.f32 v8, v13;
	v13 =	vmul.f32 v20, v13;
	v41 =	vld [tilespmem:s9+$0x76A0]  }
0x2f4: {  	v7 =	vadd.f32 v7, v49;
	v10 =	vmul.f32 v10, v27;
	v11 =	vmul.f32 v11, v21;
	v51 =	vld [tilespmem:s9+$0x76B0]  }
0x2f5: {  	v0 =	vadd.f32 v0, v47;
	v12 =	vmul.f32 v12, v18;
	v60 =	vmul.f32 v14, v17;
	v48 =	vld [tilespmem:s9+$0x76F0]  }
0x2f6: {  	v9 =	vadd.f32 v9, v46;
	v63 =	vmul.f32 v16, v19;
	v57 =	vld [tilespmem:s9+$0x76C0];
	v4 =	vmul.f32 v4, v43  }
0x2f7: {  	v3 =	vmul.f32 v8, v34;
	v37 =	vmul.f32 v13, v37;
	v10 =	vadd.f32 v10, v54;
	v55 =	vld [tilespmem:s9+$0x76D0]  }
0x2f8: {  	v2 =	vadd.f32 v11, v2;
	v5 =	vadd.f32 v12, v5;
	v47 =	vld [tilespmem:s9+$0x76E0];
	v34 =	vmul.f32 v4, v38  }
0x2f9: {  	v6 =	vadd.f32 v60, v6;
	v43 =	vld [tilespmem:s0+$0x10];
	v38 =	vmul.f32 v40, v4;
	v41 =	vmul.f32 v41, v4  }
0x2fa: {  	v53 =	vld [tilespmem:s0+$0x20];
	v7 =	vadd.f32 v63, v7;
	v45 =	vmul.f32 v51, v4;
	v8 =	vmul.f32 v34, v58  }
0x2fb: {  	v56 =	vld [tilespmem:s0+$0x30];
	v0 =	vadd.f32 v3, v0;
	v57 =	vmul.f32 v57, v4;
	v13 =	vmul.f32 v38, v59  }
0x2fc: {  	v40 =	vld [tilespmem:s0+$0x0];
	v54 =	vmul.f32 v41, v33;
	v58 =	vmul.f32 v55, v4;
	v8 =	vadd.f32 v8, v10  }
0x2fd: {  	v3 =	vmul.f32 v45, v35;
	v59 =	vmul.f32 v47, v4;
	v2 =	vadd.f32 v13, v2  }
0x2fe: {  	v4 =	vmul.f32 v48, v4;
	v5 =	vadd.f32 v54, v5;
	v61 =	vmul.f32 v58, v43;
	[tilespmem:s23+$0x1A000] =	vst v8  }
0x2ff: {  	s20 =	sadd.s32 $0x1, s20;
	v62 =	vadd.f32 v37, v9;
	v3 =	vadd.f32 v3, v6;
	v63 =	vmul.f32 v59, v53;
	[tilespmem:s23+$0x1A010] =	vst v2  }
0x300: {  	p0 =	sne.s32 s20, $0x8;
	v1 =	vadd.f32 v15, v1;
	v4 =	vmul.f32 v4, v56;
	[tilespmem:s23+$0x1A020] =	vst v5;
	v0 =	vadd.f32 v61, v0  }
.Ltmp5:
0x301: {  	v60 =	vmul.f32 v57, v40;
	[tilespmem:s23+$0x1A030] =	vst v3;
	v2 =	vadd.f32 v63, v62;
	(pc) =	sbr.rel @p0 .LBB2_11-.Ltmp5, $4  }
0x302: {  	v1 =	vadd.f32 v4, v1;
	[tilespmem:s23+$0x1A050] =	vst v0  }
0x303: {  	v7 =	vadd.f32 v60, v7;
	[tilespmem:s23+$0x1A060] =	vst v2  }
0x304: {  	[tilespmem:s23+$0x1A070] =	vst v1  }
0x305: {  	s21 =	sadd.s32 $0x20, s21;
	s22 =	sadd.s32 $0x1000, s22;
	[tilespmem:s23+$0x1A040] =	vst v7  }
0x306: {  	v17 =	vld [tilespmem:$0x1FD40]  }
0x307: {  	v5 =	vld [tilespmem:$0x1FD50]  }
0x308: {  	v18 =	vld [tilespmem:$0x1FD60]  }
0x309: {  	v19 =	vld [tilespmem:$0x1FD70]  }
0x30a: {  	v20 =	vld [tilespmem:$0x1FD80]  }
0x30b: {  	v21 =	vld [tilespmem:$0x1FD90]  }
0x30c: {  	v22 =	vld [tilespmem:$0x1FDA0]  }
0x30d: {  	v6 =	vld [tilespmem:$0x1FEE0]  }
0x30e: {  	v7 =	vld [tilespmem:$0x1FF20]  }
0x30f: {  	v27 =	vld [tilespmem:$0x1FDB0]  }
0x310: {  	v29 =	vld [tilespmem:$0x1FDC0]  }
0x311: {  	v31 =	vld [tilespmem:$0x1FDD0]  }
0x312: {  	v33 =	vld [tilespmem:$0x1FDE0]  }
0x313: {  	s0 =	sadd.s32 s28, s6;
	v35 =	vld [tilespmem:$0x1FDF0]  }
0x314: {  	v37 =	vld [tilespmem:$0x1FE00];
	s0 =	sshll.u32 s0, $0x7  }
0x315: {  	v8 =	vld [tilespmem:$0x1FF00];
	s0 =	sadd.s32 s12, s0  }
0x316: {  	v41 =	vld [tilespmem:$0x1FE10];
	[hbm4b:s0+s4] =	stream.linear.scatter [tilespmem:s11], [sflag:$0x6], $0x400, $0x38  }
0x317: {  	v43 =	vld [tilespmem:$0x1FE20];
	s0 =	sadd.s32 $0x3, s19  }
0x318: {  	v45 =	vld [tilespmem:$0x1FE30];
	p0 =	sge.u32 s0, s14  }
0x319: {  	v11 =	vld [tilespmem:$0x1FE40];
	s0 =	sshll.u32 @!p0 s0, $0x3  }
0x31a: {  	v28 =	vld [tilespmem:$0x1FE50];
	s0 =	sadd.s32 @!p0 s13, s0  }
0x31b: {  	v9 =	vld [tilespmem:$0x1FE60];
	s3 =	sshll.u32 @!p0 s0, $0x2  }
0x31c: {  	v34 =	vld [tilespmem:$0x1FE70];
	s9 =	simm.s32 @!p0 $0x0;
	s16 =	simm.s32 @!p0 $0x11180;
	s6 =	sadd.s32 @!p0 s1, s3  }
0x31d: {  	v38 =	vld [tilespmem:$0x1FE80];
	[tilespmem:s16], [sflag:$0x4] =	stream.linear.gather @!p0 [hbm4b:s6+s9], $0x80, $0x38  }
0x31e: {  	v12 =	vld [tilespmem:$0x1FEA0];
	s3 =	sadd.s32 @!p0 s3, s17;
	s6 =	sshll.u32 @!p0 s0, $0x5;
	s16 =	simm.s32 @!p0 $0x11200  }
0x31f: {  	v40 =	vld [tilespmem:$0x1FE90];
	[tilespmem:s16], [sflag:$0x4] =	stream.linear.gather @!p0 [hbm4b:s3+s9], $0x80, $0x38  }
0x320: {  	v44 =	vld [tilespmem:$0x1FEC0];
	s0 =	sshll.u32 @!p0 s0, $0x4;
	s3 =	sadd.s32 @!p0 s10, s6;
	s6 =	simm.s32 @!p0 $0x19280  }
0x321: {  	v14 =	vld [tilespmem:$0x1FF40];
	[tilespmem:s6], [sflag:$0x4] =	stream.linear.gather @!p0 [hbm4b:s3+s9], $0x800, $0x38  }
0x322: {  	s18 =	sadd.s32 $0x1, s18;
	v15 =	vld [tilespmem:$0x1FF60];
	s0 =	sadd.s32 @!p0 s5, s0;
	s3 =	simm.s32 @!p0 $0x19A80  }
0x323: {  	v16 =	vld [tilespmem:$0x1FF80];
	[tilespmem:s3], [sflag:$0x4] =	stream.linear.gather @!p0 [hbm4b:s0+s9], $0x400, $0x38  }
0x324: {  	v10 =	vmov v39;
	v39 =	vmov v30;
	v30 =	vmov v36;
	v36 =	vld [tilespmem:$0x1FFB0];
	p0 =	sne.s32 s18, s15  }
.Ltmp6:
0x325: {  	v13 =	vmov v23;
	v23 =	vmov v32;
	v32 =	vmov v42;
	v42 =	vld [tilespmem:$0x1FFC0];
	(pc) =	sbr.rel @p0 .LBB2_2-.Ltmp6, $4  }
0x326: {  	v56 =	vld [tilespmem:$0x1FFD0]  }
0x327: {  	v57 =	vld [tilespmem:$0x1FFE0]  }
0x328: {  	v55 =	vld [tilespmem:$0x1FFF0]  }
0x329: {  	v4 =	vimm.s32 $0x0;
	v59 =	vld [tilespmem:$0x1FF50]  }
0x32a: {  	s0 =	simm.s32 $0x3  }
0x32b: {  	_ =	swait.ge [sflag:s0], $0x400  }
0x32c: {  	[sflag:s0] =	ssyncset.done $0x0  }
0x32d: {  	s3 =	simm.s32 $0x6;
	[sflag:s0] =	ssyncadd.s32 $0xFFFFFC00  }
0x32e: {  	_ =	swait.ge [sflag:s3], $0x400  }
0x32f: {  	s6 =	rddreg [dreg:$0x12]  }
0x330: {  	s25 =	rddreg [dreg:$0x11];
	s6 =	sadd.s32 $0x1, s6  }
0x331: {  	p0 =	sne.s32 s6, s25  }
.Ltmp7:
0x332: {  	_ = 	snop;
	(pc) =	sbr.rel @p0 .LBB2_1-.Ltmp7, $3  }
0x333: {  	_ =	sdelay $0x1  }
0x334: {  	[sflag:s3] =	ssyncset.done $0x0  }
0x335: {  	[sflag:s3] =	ssyncadd.s32 $0xFFFFFC00  }
0x336: {  	_ =	sfence.sel $0x180000  }
0x337: {  	[bflag:$0x0] =	sbarrier.arrive $0xFFFF  }
0x338: {  	_ =	strace $0x90000047  }
0x339: {  	s0 =	stileid.u32;
	[bflag:$0x2] =	sbarrier.arrive $0xFFFF  }
0x33a: {  	p0 =	sne.s32 s0, $0x0;
	s0 =	rddreg [dreg:$0x4]  }
0x33b: {  	s0 =	sadd.s32 @!p0 $0x100000, s0  }
0x33c: {  	[sflag:s0] =	ssyncadd.tile.s32 @!p0 $0x1;
	_ =	shalt  }
.Lfunc_end2:
_tile_overlayer_lowered:
.L_overlay_start_2:
0x33d: {  	(tag) =	ssettag $0x2  }
0x33e: {  	s0 =	rddreg [dreg:$0x0];
	s2 =	stileid.u32  }
0x33f: {  	s1 =	rddreg [dreg:$0x1];
	p0 =	sne.s32 s2, $0x0  }
0x340: {  	s3 =	rddreg [dreg:$0x2];
	[bflag:$0x3] =	sbarrier.arrive $0xFFFF;
	s2 =	simm.s32 @!p0 $0x1C07  }
0x341: {  	[timem:s3], [sflag:s2] =	dma.local @!p0 [hbm:s0], s1  }
0x342: {  	s0 =	simm.s32 @!p0 $0x7  }
0x343: {  	_ =	swait.ge @!p0 [sflag:s0], s1  }
0x344: {  	s1 =	ssub.s32 @!p0 $0x0, s1;
	[sflag:s0] =	ssyncset.done @!p0 $0x0  }
0x345: {  	[sflag:s0] =	ssyncadd.s32 @!p0 s1  }
0x346: {  	[bflag:$0x3] =	sbarrier.arrive $0xFFFF  }
0x347: {  	_ =	shalt  }

</sc_bundles>
